<compile_context>
chip_gen: v7x
topology: tpu7x:2x2x1
jax: 0.10.2.dev20260603
libtpu: 0.0.44.dev20260713+nightly
codegen_flags: <defaults>
</compile_context>

<pallas_src>
import functools

import jax
import jax.numpy as jnp
from jax import lax
from jax.experimental import pallas as pl
from jax.experimental.pallas import tpu as pltpu
from jax.experimental.pallas import tpu_sc as plsc

NC = 2
NS = 16
CH = 120


def _cdiv(a, b):
    return (a + b - 1) // b


def _deg_body(nb, ci, dst_hbm, out_hbm, dst_v, hist_v, sem):
    c = lax.axis_index("c")
    s = lax.axis_index("s")
    pltpu.async_copy(dst_hbm.at[c, s], dst_v, sem).wait()

    def zero(i, _):
        hist_v[pl.ds(i * 16, 16)] = jnp.zeros((16,), jnp.float32)
        return _

    lax.fori_loop(0, nb // 16, zero, None)
    ones = jnp.ones((16,), jnp.float32)

    def acc(i, _):
        plsc.addupdate_scatter(hist_v, [dst_v[i]], ones)
        return _

    lax.fori_loop(0, ci, acc, None)
    pltpu.sync_copy(hist_v, out_hbm.at[c, s])


def _degree_hist(dst, n, nb):
    e = dst.shape[0]
    ci = _cdiv(e, NC * NS * 16)
    e_pad = NC * NS * 16 * ci
    if e_pad != e:
        dst = jnp.concatenate(
            [dst, jnp.full((e_pad - e,), n, jnp.int32)])
    dst_r = dst.reshape(NC, NS, ci, 16)
    k = functools.partial(
        pl.kernel,
        out_type=jax.ShapeDtypeStruct((NC, NS, nb), jnp.float32),
        mesh=plsc.VectorSubcoreMesh(core_axis_name="c", subcore_axis_name="s",
                                    num_cores=NC, num_subcores=NS),
        scratch_types=[
            pltpu.VMEM((ci, 16), jnp.int32),
            pltpu.VMEM((nb,), jnp.float32),
            pltpu.SemaphoreType.DMA,
        ],
        compiler_params=pltpu.CompilerParams(needs_layout_passes=False),
    )(functools.partial(_deg_body, nb, ci))
    return k(dst_r).reshape(NC * NS, nb)


_K = 3


def _agg_body(cc0, cc1, n_out, ht_hbm, srcf_hbm, dstf_hbm,
              zeros_hbm, out_hbm,
              s0, s1, s2, d0, d1, d2, r0, r1, r2, acc_sh,
              issem, idsem, gsem, ssem):
    sidx = (s0, s1, s2)
    didx = (d0, d1, d2)
    rows = (r0, r1, r2)
    c = lax.axis_index("c")
    s = lax.axis_index("s")
    base = jnp.where(c == 0, s * cc0, NS * cc0 + s * cc1)
    nck = jnp.where(c == 0, cc0, cc1)

    def ld_s(j, b):
        return pltpu.make_async_copy(
            srcf_hbm.at[pl.ds((base + j) * CH, CH)], sidx[b], issem.at[b])

    def ld_d(j, b):
        return pltpu.make_async_copy(
            dstf_hbm.at[pl.ds((base + j) * CH, CH)], didx[b], idsem.at[b])

    def gather(b):
        return pltpu.make_async_copy(
            ht_hbm.at[sidx[b]], rows[b], gsem.at[b])

    def scatter(b):
        return pltpu.make_async_copy(
            rows[b], acc_sh.at[didx[b]], ssem.at[b])

    rpt = n_out // NS
    pltpu.sync_copy(zeros_hbm.at[pl.ds(s * rpt, rpt)],
                    acc_sh.at[pl.ds(s * rpt, rpt)])
    plsc.subcore_barrier()

    for b in range(_K):
        ld_s(b, b).start()
        ld_d(b, b).start()
    for b in range(_K):
        ld_s(b, b).wait()
        gather(b).start()

    def group(g, _):
        j0 = g * _K
        for b in range(_K):
            j = j0 + b
            jn = j + _K
            gather(b).wait()

            @pl.when(jn < nck)
            def _():
                ld_s(jn, b).start()
            ld_d(j, b).wait()
            scatter(b).start(add=True)
            scatter(b).wait()

            @pl.when(jn < nck)
            def _():
                ld_d(jn, b).start()
                ld_s(jn, b).wait()
                gather(b).start()
        return _

    lax.fori_loop(0, nck // _K, group, None)
    plsc.subcore_barrier()
    pltpu.sync_copy(acc_sh.at[pl.ds(s * rpt, rpt)],
                    out_hbm.at[c, pl.ds(s * rpt, rpt)])


def _aggregate(ht, src_flat, dst_flat, zeros_nd, cc0, cc1):
    n, d = ht.shape
    n1 = zeros_nd.shape[0]
    idx_t = pltpu.VMEM((CH,), jnp.int32)
    row_t = pltpu.VMEM((CH, d), jnp.float32)
    k = functools.partial(
        pl.kernel,
        out_type=jax.ShapeDtypeStruct((NC, n1, d), jnp.float32),
        mesh=plsc.VectorSubcoreMesh(core_axis_name="c", subcore_axis_name="s",
                                    num_cores=NC, num_subcores=NS),
        scratch_types=[
            idx_t, idx_t, idx_t, idx_t, idx_t, idx_t,
            row_t, row_t, row_t,
            pltpu.VMEM_SHARED((n1, d), jnp.float32),
            pltpu.SemaphoreType.DMA((_K,)),
            pltpu.SemaphoreType.DMA((_K,)),
            pltpu.SemaphoreType.DMA((_K,)),
            pltpu.SemaphoreType.DMA((_K,)),
        ],
    )(functools.partial(_agg_body, cc0, cc1, n1))
    return k(ht, src_flat, dst_flat, zeros_nd)


def _dinv_kernel(hist_ref, out_ref):
    deg = jnp.sum(hist_ref[...], axis=0) + 1.0
    out_ref[...] = lax.rsqrt(deg)


def _compute_dinv(hist_parts, nb):
    rows = nb // 128
    h3 = hist_parts.reshape(NC * NS, rows, 128)
    out = pl.pallas_call(
        _dinv_kernel,
        out_shape=jax.ShapeDtypeStruct((rows, 128), jnp.float32),
    )(h3)
    return out.reshape(nb)


def _mm1_kernel(x_ref, w_ref, dinv_ref, out_ref):
    out_ref[...] = jnp.dot(x_ref[...], w_ref[...],
                           preferred_element_type=jnp.float32) * dinv_ref[...]


def _fused_kernel(p0_ref, p1_ref, htp_ref, dinv_ref, b_ref, w_ref, out_ref):
    h = (p0_ref[...] + p1_ref[...] + htp_ref[...]) * dinv_ref[...] + b_ref[...]
    h = jnp.maximum(h, 0.0)
    out_ref[...] = jnp.dot(h, w_ref[...],
                           preferred_element_type=jnp.float32) * dinv_ref[...]


def _final_kernel(dout, p0_ref, p1_ref, htp_ref, dinv_ref, b_ref, out_ref):
    s = (p0_ref[...] + p1_ref[...] + htp_ref[...])[:, :dout]
    out_ref[...] = s * dinv_ref[...] + b_ref[...]


_BN = 1000


def _row_spec(d):
    return pl.BlockSpec((_BN, d), lambda i: (i, 0))


def _full_spec(shape):
    return pl.BlockSpec(shape, lambda i: (0,) * len(shape))


def _mm1(x, w, dinv_col):
    n, din = x.shape
    dout = w.shape[1]
    return pl.pallas_call(
        _mm1_kernel,
        grid=(n // _BN,),
        in_specs=[_row_spec(din), _full_spec(w.shape),
                  pl.BlockSpec((_BN, 1), lambda i: (i, 0))],
        out_specs=_row_spec(dout),
        out_shape=jax.ShapeDtypeStruct((n, dout), jnp.float32),
    )(x, w, dinv_col)


def _fused(parts, htp, dinv_col, b, w):
    n, din = htp.shape
    dout = w.shape[1]
    return pl.pallas_call(
        _fused_kernel,
        grid=(n // _BN,),
        in_specs=[_row_spec(din), _row_spec(din), _row_spec(din),
                  pl.BlockSpec((_BN, 1), lambda i: (i, 0)),
                  _full_spec((1, din)), _full_spec(w.shape)],
        out_specs=_row_spec(dout),
        out_shape=jax.ShapeDtypeStruct((n, dout), jnp.float32),
    )(parts[0], parts[1], htp, dinv_col, b.reshape(1, din), w)


def _final(parts, htp, dinv_col, b):
    n, d = htp.shape
    dout = b.shape[0]
    return pl.pallas_call(
        functools.partial(_final_kernel, dout),
        grid=(n // _BN,),
        in_specs=[_row_spec(d), _row_spec(d), _row_spec(d),
                  pl.BlockSpec((_BN, 1), lambda i: (i, 0)),
                  _full_spec((1, dout))],
        out_specs=_row_spec(dout),
        out_shape=jax.ShapeDtypeStruct((n, dout), jnp.float32),
    )(parts[0], parts[1], htp, dinv_col, b.reshape(1, dout))


def kernel(x, edge_index, W1, b1, W2, b2, W3, b3):
    n, d_in = x.shape
    e = edge_index.shape[1]
    src = edge_index[0]
    dst = edge_index[1]

    nb = _cdiv(n + 1, 128) * 128
    n1 = _cdiv(n + 1, NS * 8) * NS * 8

    cc_tot = NC * _cdiv(e, NC * NS * CH * _K) * _K
    cc0 = (cc_tot // (2 * _K)) * _K + 69
    cc1 = cc_tot - cc0
    e_pad = NS * cc_tot * CH
    src_r = jnp.concatenate([src, jnp.zeros((e_pad - e,), jnp.int32)])
    pad_dst = n + jnp.arange(e_pad - e, dtype=jnp.int32) % (n1 - n)
    dst_r = jnp.concatenate([dst, pad_dst])

    zeros_wide = jnp.zeros((n1, d_in), jnp.float32)

    hist_parts = _degree_hist(dst, n, nb)
    dinv = _compute_dinv(hist_parts, nb)
    dinv_col = dinv[:n].reshape(n, 1)

    ht1 = _mm1(x, W1, dinv_col)
    p1 = _aggregate(ht1, src_r, dst_r, zeros_wide, cc0, cc1)
    ht2 = _fused(p1, ht1, dinv_col, b1, W2)
    p2 = _aggregate(ht2, src_r, dst_r, zeros_wide, cc0, cc1)
    w3_pad = jnp.concatenate(
        [W3, jnp.zeros((W3.shape[0], 128 - W3.shape[1]), jnp.float32)], axis=1)
    ht3 = _fused(p2, ht2, dinv_col, b2, w3_pad)
    p3 = _aggregate(ht3, src_r, dst_r, zeros_wide, cc0, cc1)
    mu = _final(p3, ht3, dinv_col, b3)
    return (mu, mu)

# --- scband reference (transcript-rebuilt; emitter-appended) ---
"""Pipeline reference for scband-vgaeencoder-62852551410248 (READ-ONLY COPY).

The authoritative reference and input builder live on the scoring server;
editing this copy changes nothing except your own understanding.
"""

import jax, jax.numpy as jnp
import numpy as np

N = 10000
E = 320000
D_IN = 128
D_HID = 128
D_LAT = 64


def setup_inputs(seed: int = 0) -> dict:
    key = jax.random.key(seed)
    ks = jax.random.split(key, 8)
    x = jax.random.normal(ks[0], (N, D_IN), dtype=jnp.float32)
    edge_index = jax.random.randint(ks[1], (2, E), 0, N, dtype=jnp.int32)
    # Glorot-ish initialized GCN layer weights (linear weight + bias per layer)
    W1 = jax.random.normal(ks[2], (D_IN, D_HID), dtype=jnp.float32) * (1.0 / np.sqrt(D_IN))
    b1 = jnp.zeros((D_HID,), dtype=jnp.float32)
    W2 = jax.random.normal(ks[3], (D_HID, D_HID), dtype=jnp.float32) * (1.0 / np.sqrt(D_HID))
    b2 = jnp.zeros((D_HID,), dtype=jnp.float32)
    W3 = jax.random.normal(ks[4], (D_HID, D_LAT), dtype=jnp.float32) * (1.0 / np.sqrt(D_HID))
    b3 = jnp.zeros((D_LAT,), dtype=jnp.float32)
    return {"x": x, "edge_index": edge_index, "W1": W1, "b1": b1, "W2": W2, "b2": b2, "W3": W3, "b3": b3}


def reference(x, edge_index, W1, b1, W2, b2, W3, b3):
    # VGAEEncoder (encoder_type='gcn', layers=3) in eval mode (dropout inactive).
    # Each GCNConv: add self-loops, symmetric normalization D^-1/2 (A+I) D^-1/2,
    # linear transform first, then normalized scatter-add aggregation, then bias.
    n = x.shape[0]
    src = edge_index[0]
    dst = edge_index[1]
    loop = jnp.arange(n, dtype=src.dtype)
    src_f = jnp.concatenate([src, loop])
    dst_f = jnp.concatenate([dst, loop])
    deg = jnp.zeros((n,), jnp.float32).at[dst_f].add(1.0)
    dinv = jnp.where(deg > 0, jax.lax.rsqrt(deg), 0.0)
    norm = (dinv[src_f] * dinv[dst_f])[:, None]

    def gcn_conv(h, W, b):
        h = h @ W
        msg = h[src_f] * norm  # gather
        out = jnp.zeros((n, W.shape[1]), h.dtype).at[dst_f].add(msg)  # scatter-add
        return out + b

    h = jax.nn.relu(gcn_conv(x, W1, b1))
    h = jax.nn.relu(gcn_conv(h, W2, b2))
    mu = gcn_conv(h, W3, b3)
    logstd = mu  # module aliases logstd = mu
    return (mu, logstd)

if __name__ == "__main__":
    import jax
    _d = setup_inputs()
    print(jax.jit(kernel)(*tuple(_d.values())))

</pallas_src>

<mosaic_0001>
#map = affine_map<(d0, d1) -> (0, 0)>
#map1 = affine_map<(d0, d1) -> (0)>
#map2 = affine_map<(d0, d1) -> (0, 0, 0)>
module attributes {stable_mosaic.version = 14 : i64} {
  func.func @_agg_body(%arg0: i32, %arg1: i32, %arg2: memref<10000x128xf32, #tpu.memory_space<hbm>>, %arg3: memref<322560xi32, #tpu.memory_space<hbm>>, %arg4: memref<322560xi32, #tpu.memory_space<hbm>>, %arg5: memref<10112x128xf32, #tpu.memory_space<hbm>>, %arg6: memref<2x10112x128xf32, #tpu.memory_space<hbm>>, %arg7: memref<120xi32, #tpu.memory_space<vmem>>, %arg8: memref<120xi32, #tpu.memory_space<vmem>>, %arg9: memref<120xi32, #tpu.memory_space<vmem>>, %arg10: memref<120xi32, #tpu.memory_space<vmem>>, %arg11: memref<120xi32, #tpu.memory_space<vmem>>, %arg12: memref<120xi32, #tpu.memory_space<vmem>>, %arg13: memref<120x128xf32, #tpu.memory_space<vmem>>, %arg14: memref<120x128xf32, #tpu.memory_space<vmem>>, %arg15: memref<120x128xf32, #tpu.memory_space<vmem>>, %arg16: memref<10112x128xf32, #tpu.memory_space<vmem_shared>>, %arg17: memref<3x!tpu.dma_semaphore, #tpu.memory_space<semaphore_mem>>, %arg18: memref<3x!tpu.dma_semaphore, #tpu.memory_space<semaphore_mem>>, %arg19: memref<3x!tpu.dma_semaphore, #tpu.memory_space<semaphore_mem>>, %arg20: memref<3x!tpu.dma_semaphore, #tpu.memory_space<semaphore_mem>>) attributes {dimension_semantics = [#tpu.dimension_semantics<core_parallel>, #tpu.dimension_semantics<subcore_parallel>], iteration_bounds = array<i64: 2, 16>, scalar_prefetch = 0 : i64, scratch_operands = 14 : i64, tpu.core_type = #tpu.core_type<sc_vector_subcore>, window_params = [{transform_indices = #map}, {transform_indices = #map1}, {transform_indices = #map1}, {transform_indices = #map}, {transform_indices = #map2}]} {
    %eq3A = arith.constant 0 : i32
    %eq3A_0 = arith.cmpi eq, %arg0, %eq3A : i32
    %mul3A = arith.constant 153 : i32
    %mul3A_1 = arith.muli %arg1, %mul3A : i32
    %mul3A_2 = arith.constant 15 : i32
    %mul3A_3 = arith.muli %arg1, %mul3A_2 : i32
    %add3A = arith.constant 2448 : i32
    %add3A_4 = arith.addi %add3A, %mul3A_3 : i32
    %select_n3A = arith.select %eq3A_0, %mul3A_1, %add3A_4 : i32
    %eq3A_5 = arith.constant 0 : i32
    %eq3A_6 = arith.cmpi eq, %arg0, %eq3A_5 : i32
    %jit3A = arith.constant 153 : i32
    %jit3A_7 = arith.constant 15 : i32
    %select_n3A_8 = arith.select %eq3A_6, %jit3A, %jit3A_7 : i32
    %mul3A_9 = arith.constant 632 : i32
    %mul3A_10 = arith.muli %arg1, %mul3A_9 : i32
    %mul3A_11 = arith.constant 632 : i32
    %mul3A_12 = arith.muli %arg1, %mul3A_11 : i32
    "tpu.region"() ({
      %run_scoped3A = tpu.sem_alloc : memref<!tpu.dma_semaphore, #tpu.memory_space<semaphore_mem>>
      %dma_start3A_141 = arith.constant 0 : i32
      %dma_start3A_142 = tpu.memref_slice %arg16[%mul3A_12, %dma_start3A_141] : memref<10112x128xf32, #tpu.memory_space<vmem_shared>> -> memref<632x128xf32, #tpu.memory_space<vmem_shared>>
      %dma_start3A_143 = arith.constant 0 : i32
      %dma_start3A_144 = tpu.memref_slice %arg5[%mul3A_10, %dma_start3A_143] : memref<10112x128xf32, #tpu.memory_space<hbm>> -> memref<632x128xf32, #tpu.memory_space<hbm>>
      tpu.enqueue_dma source(%dma_start3A_144 : memref<632x128xf32, #tpu.memory_space<hbm>>) target(%dma_start3A_142 : memref<632x128xf32, #tpu.memory_space<vmem_shared>>) target_semaphore(%run_scoped3A : memref<!tpu.dma_semaphore, #tpu.memory_space<semaphore_mem>>)
      %dma_wait3A_145 = arith.constant 0 : i32
      %dma_wait3A_146 = tpu.memref_slice %arg16[%mul3A_12, %dma_wait3A_145] : memref<10112x128xf32, #tpu.memory_space<vmem_shared>> -> memref<632x128xf32, #tpu.memory_space<vmem_shared>>
      %dma_wait3A_147 = arith.constant 0 : i32
      %dma_wait3A_148 = tpu.memref_slice %arg5[%mul3A_10, %dma_wait3A_147] : memref<10112x128xf32, #tpu.memory_space<hbm>> -> memref<632x128xf32, #tpu.memory_space<hbm>>
      tpu.wait_dma2 semaphore(%run_scoped3A : memref<!tpu.dma_semaphore, #tpu.memory_space<semaphore_mem>>) src(%dma_wait3A_148 : memref<632x128xf32, #tpu.memory_space<hbm>>) dst(%dma_wait3A_146 : memref<632x128xf32, #tpu.memory_space<vmem_shared>>)
      tpu.yield
    }) : () -> ()
    %barrier3A = arith.constant 0 : index
    tpu.barrier barrier_id(%barrier3A)
    %add3A_13 = arith.constant 0 : i32
    %add3A_14 = arith.addi %select_n3A, %add3A_13 : i32
    %mul3A_15 = arith.constant 120 : i32
    %mul3A_16 = arith.muli %add3A_14, %mul3A_15 : i32
    %dma_start3A = arith.constant 0 : i32
    %dma_start3A_17 = tpu.memref_slice %arg3[%mul3A_16] : memref<322560xi32, #tpu.memory_space<hbm>> -> memref<120xi32, #tpu.memory_space<hbm>>
    %dma_start3A_18 = tpu.memref_slice %arg17[%dma_start3A] : memref<3x!tpu.dma_semaphore, #tpu.memory_space<semaphore_mem>> -> memref<1x!tpu.dma_semaphore, #tpu.memory_space<semaphore_mem>>
    %dma_start3A_19 = tpu.memref_squeeze %dma_start3A_18 : memref<1x!tpu.dma_semaphore, #tpu.memory_space<semaphore_mem>> -> memref<!tpu.dma_semaphore, #tpu.memory_space<semaphore_mem>>
    %dma_start3A_20 = tpu.memref_slice %arg3[%mul3A_16] : memref<322560xi32, #tpu.memory_space<hbm>> -> memref<120xi32, #tpu.memory_space<hbm>>
    tpu.enqueue_dma source(%dma_start3A_20 : memref<120xi32, #tpu.memory_space<hbm>>) target(%arg7 : memref<120xi32, #tpu.memory_space<vmem>>) target_semaphore(%dma_start3A_19 : memref<!tpu.dma_semaphore, #tpu.memory_space<semaphore_mem>>)
    %add3A_21 = arith.constant 0 : i32
    %add3A_22 = arith.addi %select_n3A, %add3A_21 : i32
    %mul3A_23 = arith.constant 120 : i32
    %mul3A_24 = arith.muli %add3A_22, %mul3A_23 : i32
    %dma_start3A_25 = arith.constant 0 : i32
    %dma_start3A_26 = tpu.memref_slice %arg4[%mul3A_24] : memref<322560xi32, #tpu.memory_space<hbm>> -> memref<120xi32, #tpu.memory_space<hbm>>
    %dma_start3A_27 = tpu.memref_slice %arg18[%dma_start3A_25] : memref<3x!tpu.dma_semaphore, #tpu.memory_space<semaphore_mem>> -> memref<1x!tpu.dma_semaphore, #tpu.memory_space<semaphore_mem>>
    %dma_start3A_28 = tpu.memref_squeeze %dma_start3A_27 : memref<1x!tpu.dma_semaphore, #tpu.memory_space<semaphore_mem>> -> memref<!tpu.dma_semaphore, #tpu.memory_space<semaphore_mem>>
    %dma_start3A_29 = tpu.memref_slice %arg4[%mul3A_24] : memref<322560xi32, #tpu.memory_space<hbm>> -> memref<120xi32, #tpu.memory_space<hbm>>
    tpu.enqueue_dma source(%dma_start3A_29 : memref<120xi32, #tpu.memory_space<hbm>>) target(%arg10 : memref<120xi32, #tpu.memory_space<vmem>>) target_semaphore(%dma_start3A_28 : memref<!tpu.dma_semaphore, #tpu.memory_space<semaphore_mem>>)
    %add3A_30 = arith.constant 1 : i32
    %add3A_31 = arith.addi %select_n3A, %add3A_30 : i32
    %mul3A_32 = arith.constant 120 : i32
    %mul3A_33 = arith.muli %add3A_31, %mul3A_32 : i32
    %dma_start3A_34 = arith.constant 1 : i32
    %dma_start3A_35 = tpu.memref_slice %arg3[%mul3A_33] : memref<322560xi32, #tpu.memory_space<hbm>> -> memref<120xi32, #tpu.memory_space<hbm>>
    %dma_start3A_36 = tpu.memref_slice %arg17[%dma_start3A_34] : memref<3x!tpu.dma_semaphore, #tpu.memory_space<semaphore_mem>> -> memref<1x!tpu.dma_semaphore, #tpu.memory_space<semaphore_mem>>
    %dma_start3A_37 = tpu.memref_squeeze %dma_start3A_36 : memref<1x!tpu.dma_semaphore, #tpu.memory_space<semaphore_mem>> -> memref<!tpu.dma_semaphore, #tpu.memory_space<semaphore_mem>>
    %dma_start3A_38 = tpu.memref_slice %arg3[%mul3A_33] : memref<322560xi32, #tpu.memory_space<hbm>> -> memref<120xi32, #tpu.memory_space<hbm>>
    tpu.enqueue_dma source(%dma_start3A_38 : memref<120xi32, #tpu.memory_space<hbm>>) target(%arg8 : memref<120xi32, #tpu.memory_space<vmem>>) target_semaphore(%dma_start3A_37 : memref<!tpu.dma_semaphore, #tpu.memory_space<semaphore_mem>>)
    %add3A_39 = arith.constant 1 : i32
    %add3A_40 = arith.addi %select_n3A, %add3A_39 : i32
    %mul3A_41 = arith.constant 120 : i32
    %mul3A_42 = arith.muli %add3A_40, %mul3A_41 : i32
    %dma_start3A_43 = arith.constant 1 : i32
    %dma_start3A_44 = tpu.memref_slice %arg4[%mul3A_42] : memref<322560xi32, #tpu.memory_space<hbm>> -> memref<120xi32, #tpu.memory_space<hbm>>
    %dma_start3A_45 = tpu.memref_slice %arg18[%dma_start3A_43] : memref<3x!tpu.dma_semaphore, #tpu.memory_space<semaphore_mem>> -> memref<1x!tpu.dma_semaphore, #tpu.memory_space<semaphore_mem>>
    %dma_start3A_46 = tpu.memref_squeeze %dma_start3A_45 : memref<1x!tpu.dma_semaphore, #tpu.memory_space<semaphore_mem>> -> memref<!tpu.dma_semaphore, #tpu.memory_space<semaphore_mem>>
    %dma_start3A_47 = tpu.memref_slice %arg4[%mul3A_42] : memref<322560xi32, #tpu.memory_space<hbm>> -> memref<120xi32, #tpu.memory_space<hbm>>
    tpu.enqueue_dma source(%dma_start3A_47 : memref<120xi32, #tpu.memory_space<hbm>>) target(%arg11 : memref<120xi32, #tpu.memory_space<vmem>>) target_semaphore(%dma_start3A_46 : memref<!tpu.dma_semaphore, #tpu.memory_space<semaphore_mem>>)
    %add3A_48 = arith.constant 2 : i32
    %add3A_49 = arith.addi %select_n3A, %add3A_48 : i32
    %mul3A_50 = arith.constant 120 : i32
    %mul3A_51 = arith.muli %add3A_49, %mul3A_50 : i32
    %dma_start3A_52 = arith.constant 2 : i32
    %dma_start3A_53 = tpu.memref_slice %arg3[%mul3A_51] : memref<322560xi32, #tpu.memory_space<hbm>> -> memref<120xi32, #tpu.memory_space<hbm>>
    %dma_start3A_54 = tpu.memref_slice %arg17[%dma_start3A_52] : memref<3x!tpu.dma_semaphore, #tpu.memory_space<semaphore_mem>> -> memref<1x!tpu.dma_semaphore, #tpu.memory_space<semaphore_mem>>
    %dma_start3A_55 = tpu.memref_squeeze %dma_start3A_54 : memref<1x!tpu.dma_semaphore, #tpu.memory_space<semaphore_mem>> -> memref<!tpu.dma_semaphore, #tpu.memory_space<semaphore_mem>>
    %dma_start3A_56 = tpu.memref_slice %arg3[%mul3A_51] : memref<322560xi32, #tpu.memory_space<hbm>> -> memref<120xi32, #tpu.memory_space<hbm>>
    tpu.enqueue_dma source(%dma_start3A_56 : memref<120xi32, #tpu.memory_space<hbm>>) target(%arg9 : memref<120xi32, #tpu.memory_space<vmem>>) target_semaphore(%dma_start3A_55 : memref<!tpu.dma_semaphore, #tpu.memory_space<semaphore_mem>>)
    %add3A_57 = arith.constant 2 : i32
    %add3A_58 = arith.addi %select_n3A, %add3A_57 : i32
    %mul3A_59 = arith.constant 120 : i32
    %mul3A_60 = arith.muli %add3A_58, %mul3A_59 : i32
    %dma_start3A_61 = arith.constant 2 : i32
    %dma_start3A_62 = tpu.memref_slice %arg4[%mul3A_60] : memref<322560xi32, #tpu.memory_space<hbm>> -> memref<120xi32, #tpu.memory_space<hbm>>
    %dma_start3A_63 = tpu.memref_slice %arg18[%dma_start3A_61] : memref<3x!tpu.dma_semaphore, #tpu.memory_space<semaphore_mem>> -> memref<1x!tpu.dma_semaphore, #tpu.memory_space<semaphore_mem>>
    %dma_start3A_64 = tpu.memref_squeeze %dma_start3A_63 : memref<1x!tpu.dma_semaphore, #tpu.memory_space<semaphore_mem>> -> memref<!tpu.dma_semaphore, #tpu.memory_space<semaphore_mem>>
    %dma_start3A_65 = tpu.memref_slice %arg4[%mul3A_60] : memref<322560xi32, #tpu.memory_space<hbm>> -> memref<120xi32, #tpu.memory_space<hbm>>
    tpu.enqueue_dma source(%dma_start3A_65 : memref<120xi32, #tpu.memory_space<hbm>>) target(%arg12 : memref<120xi32, #tpu.memory_space<vmem>>) target_semaphore(%dma_start3A_64 : memref<!tpu.dma_semaphore, #tpu.memory_space<semaphore_mem>>)
    %add3A_66 = arith.constant 0 : i32
    %add3A_67 = arith.addi %select_n3A, %add3A_66 : i32
    %mul3A_68 = arith.constant 120 : i32
    %mul3A_69 = arith.muli %add3A_67, %mul3A_68 : i32
    %dma_wait3A = arith.constant 0 : i32
    %dma_wait3A_70 = tpu.memref_slice %arg3[%mul3A_69] : memref<322560xi32, #tpu.memory_space<hbm>> -> memref<120xi32, #tpu.memory_space<hbm>>
    %dma_wait3A_71 = tpu.memref_slice %arg17[%dma_wait3A] : memref<3x!tpu.dma_semaphore, #tpu.memory_space<semaphore_mem>> -> memref<1x!tpu.dma_semaphore, #tpu.memory_space<semaphore_mem>>
    %dma_wait3A_72 = tpu.memref_squeeze %dma_wait3A_71 : memref<1x!tpu.dma_semaphore, #tpu.memory_space<semaphore_mem>> -> memref<!tpu.dma_semaphore, #tpu.memory_space<semaphore_mem>>
    %dma_wait3A_73 = tpu.memref_slice %arg3[%mul3A_69] : memref<322560xi32, #tpu.memory_space<hbm>> -> memref<120xi32, #tpu.memory_space<hbm>>
    tpu.wait_dma2 semaphore(%dma_wait3A_72 : memref<!tpu.dma_semaphore, #tpu.memory_space<semaphore_mem>>) src(%dma_wait3A_73 : memref<120xi32, #tpu.memory_space<hbm>>) dst(%arg7 : memref<120xi32, #tpu.memory_space<vmem>>)
    %dma_start3A_74 = arith.constant 0 : i32
    %dma_start3A_75 = arith.constant 0 : i32
    %dma_start3A_76 = arith.constant 0 : i32
    %dma_start3A_77 = tpu.memref_slice %arg2[%dma_start3A_75, %dma_start3A_76] : memref<10000x128xf32, #tpu.memory_space<hbm>> -> memref<10000x128xf32, #tpu.memory_space<hbm>>
    %dma_start3A_78 = tpu.memref_slice %arg19[%dma_start3A_74] : memref<3x!tpu.dma_semaphore, #tpu.memory_space<semaphore_mem>> -> memref<1x!tpu.dma_semaphore, #tpu.memory_space<semaphore_mem>>
    %dma_start3A_79 = tpu.memref_squeeze %dma_start3A_78 : memref<1x!tpu.dma_semaphore, #tpu.memory_space<semaphore_mem>> -> memref<!tpu.dma_semaphore, #tpu.memory_space<semaphore_mem>>
    tpu.enqueue_indirect_dma source(%dma_start3A_77 : memref<10000x128xf32, #tpu.memory_space<hbm>>) target(%arg13 : memref<120x128xf32, #tpu.memory_space<vmem>>) offsets(%arg7 : memref<120xi32, #tpu.memory_space<vmem>>) semaphore(%dma_start3A_79 : memref<!tpu.dma_semaphore, #tpu.memory_space<semaphore_mem>>)
    %add3A_80 = arith.constant 1 : i32
    %add3A_81 = arith.addi %select_n3A, %add3A_80 : i32
    %mul3A_82 = arith.constant 120 : i32
    %mul3A_83 = arith.muli %add3A_81, %mul3A_82 : i32
    %dma_wait3A_84 = arith.constant 1 : i32
    %dma_wait3A_85 = tpu.memref_slice %arg3[%mul3A_83] : memref<322560xi32, #tpu.memory_space<hbm>> -> memref<120xi32, #tpu.memory_space<hbm>>
    %dma_wait3A_86 = tpu.memref_slice %arg17[%dma_wait3A_84] : memref<3x!tpu.dma_semaphore, #tpu.memory_space<semaphore_mem>> -> memref<1x!tpu.dma_semaphore, #tpu.memory_space<semaphore_mem>>
    %dma_wait3A_87 = tpu.memref_squeeze %dma_wait3A_86 : memref<1x!tpu.dma_semaphore, #tpu.memory_space<semaphore_mem>> -> memref<!tpu.dma_semaphore, #tpu.memory_space<semaphore_mem>>
    %dma_wait3A_88 = tpu.memref_slice %arg3[%mul3A_83] : memref<322560xi32, #tpu.memory_space<hbm>> -> memref<120xi32, #tpu.memory_space<hbm>>
    tpu.wait_dma2 semaphore(%dma_wait3A_87 : memref<!tpu.dma_semaphore, #tpu.memory_space<semaphore_mem>>) src(%dma_wait3A_88 : memref<120xi32, #tpu.memory_space<hbm>>) dst(%arg8 : memref<120xi32, #tpu.memory_space<vmem>>)
    %dma_start3A_89 = arith.constant 1 : i32
    %dma_start3A_90 = arith.constant 0 : i32
    %dma_start3A_91 = arith.constant 0 : i32
    %dma_start3A_92 = tpu.memref_slice %arg2[%dma_start3A_90, %dma_start3A_91] : memref<10000x128xf32, #tpu.memory_space<hbm>> -> memref<10000x128xf32, #tpu.memory_space<hbm>>
    %dma_start3A_93 = tpu.memref_slice %arg19[%dma_start3A_89] : memref<3x!tpu.dma_semaphore, #tpu.memory_space<semaphore_mem>> -> memref<1x!tpu.dma_semaphore, #tpu.memory_space<semaphore_mem>>
    %dma_start3A_94 = tpu.memref_squeeze %dma_start3A_93 : memref<1x!tpu.dma_semaphore, #tpu.memory_space<semaphore_mem>> -> memref<!tpu.dma_semaphore, #tpu.memory_space<semaphore_mem>>
    tpu.enqueue_indirect_dma source(%dma_start3A_92 : memref<10000x128xf32, #tpu.memory_space<hbm>>) target(%arg14 : memref<120x128xf32, #tpu.memory_space<vmem>>) offsets(%arg8 : memref<120xi32, #tpu.memory_space<vmem>>) semaphore(%dma_start3A_94 : memref<!tpu.dma_semaphore, #tpu.memory_space<semaphore_mem>>)
    %add3A_95 = arith.constant 2 : i32
    %add3A_96 = arith.addi %select_n3A, %add3A_95 : i32
    %mul3A_97 = arith.constant 120 : i32
    %mul3A_98 = arith.muli %add3A_96, %mul3A_97 : i32
    %dma_wait3A_99 = arith.constant 2 : i32
    %dma_wait3A_100 = tpu.memref_slice %arg3[%mul3A_98] : memref<322560xi32, #tpu.memory_space<hbm>> -> memref<120xi32, #tpu.memory_space<hbm>>
    %dma_wait3A_101 = tpu.memref_slice %arg17[%dma_wait3A_99] : memref<3x!tpu.dma_semaphore, #tpu.memory_space<semaphore_mem>> -> memref<1x!tpu.dma_semaphore, #tpu.memory_space<semaphore_mem>>
    %dma_wait3A_102 = tpu.memref_squeeze %dma_wait3A_101 : memref<1x!tpu.dma_semaphore, #tpu.memory_space<semaphore_mem>> -> memref<!tpu.dma_semaphore, #tpu.memory_space<semaphore_mem>>
    %dma_wait3A_103 = tpu.memref_slice %arg3[%mul3A_98] : memref<322560xi32, #tpu.memory_space<hbm>> -> memref<120xi32, #tpu.memory_space<hbm>>
    tpu.wait_dma2 semaphore(%dma_wait3A_102 : memref<!tpu.dma_semaphore, #tpu.memory_space<semaphore_mem>>) src(%dma_wait3A_103 : memref<120xi32, #tpu.memory_space<hbm>>) dst(%arg9 : memref<120xi32, #tpu.memory_space<vmem>>)
    %dma_start3A_104 = arith.constant 2 : i32
    %dma_start3A_105 = arith.constant 0 : i32
    %dma_start3A_106 = arith.constant 0 : i32
    %dma_start3A_107 = tpu.memref_slice %arg2[%dma_start3A_105, %dma_start3A_106] : memref<10000x128xf32, #tpu.memory_space<hbm>> -> memref<10000x128xf32, #tpu.memory_space<hbm>>
    %dma_start3A_108 = tpu.memref_slice %arg19[%dma_start3A_104] : memref<3x!tpu.dma_semaphore, #tpu.memory_space<semaphore_mem>> -> memref<1x!tpu.dma_semaphore, #tpu.memory_space<semaphore_mem>>
    %dma_start3A_109 = tpu.memref_squeeze %dma_start3A_108 : memref<1x!tpu.dma_semaphore, #tpu.memory_space<semaphore_mem>> -> memref<!tpu.dma_semaphore, #tpu.memory_space<semaphore_mem>>
    tpu.enqueue_indirect_dma source(%dma_start3A_107 : memref<10000x128xf32, #tpu.memory_space<hbm>>) target(%arg15 : memref<120x128xf32, #tpu.memory_space<vmem>>) offsets(%arg9 : memref<120xi32, #tpu.memory_space<vmem>>) semaphore(%dma_start3A_109 : memref<!tpu.dma_semaphore, #tpu.memory_space<semaphore_mem>>)
    %jit3A_110 = arith.constant 3 : i32
    %div3A = arith.divsi %select_n3A_8, %jit3A_110 : i32
    %sign3A = arith.constant 0 : i32
    %sign3A_111 = arith.cmpi sgt, %select_n3A_8, %sign3A : i32
    %sign3A_112 = arith.extui %sign3A_111 : i1 to i32
    %sign3A_113 = arith.constant 0 : i32
    %sign3A_114 = arith.cmpi slt, %select_n3A_8, %sign3A_113 : i32
    %sign3A_115 = arith.extui %sign3A_114 : i1 to i32
    %sign3A_116 = arith.subi %sign3A_112, %sign3A_115 : i32
    %sign3A_117 = arith.constant 0 : i32
    %sign3A_118 = arith.cmpi sgt, %jit3A_110, %sign3A_117 : i32
    %sign3A_119 = arith.extui %sign3A_118 : i1 to i32
    %sign3A_120 = arith.constant 0 : i32
    %sign3A_121 = arith.cmpi slt, %jit3A_110, %sign3A_120 : i32
    %sign3A_122 = arith.extui %sign3A_121 : i1 to i32
    %sign3A_123 = arith.subi %sign3A_119, %sign3A_122 : i32
    %ne3A = arith.cmpi ne, %sign3A_116, %sign3A_123 : i32
    %rem3A = arith.remsi %select_n3A_8, %jit3A_110 : i32
    %ne3A_124 = arith.constant 0 : i32
    %ne3A_125 = arith.cmpi ne, %rem3A, %ne3A_124 : i32
    %and3A = arith.andi %ne3A, %ne3A_125 : i1
    %sub3A = arith.constant 1 : i32
    %sub3A_126 = arith.subi %div3A, %sub3A : i32
    %select_n3A_127 = arith.select %and3A, %sub3A_126, %div3A : i32
    %while3A = arith.constant 0 : i32
    %while3A_128 = arith.subi %select_n3A_127, %while3A : i32
    %while3A_129 = arith.addi %while3A, %while3A_128 : i32
    %while3A_130 = arith.constant 1 : i32
    %while3A_131 = arith.divsi %while3A_128, %while3A_130 : i32
    %while3A_132 = arith.muli %while3A_131, %while3A_130 : i32
    %while3A_133 = arith.addi %while3A, %while3A_132 : i32
    %while3A_134 = arith.constant 1 : i32
    scf.for %while3A_141 = %while3A to %while3A_133 step %while3A_134  : i32 {
      %mul3A_142 = arith.constant 3 : i32
      %mul3A_143 = arith.muli %while3A_141, %mul3A_142 : i32
      %add3A_144 = arith.constant 0 : i32
      %add3A_145 = arith.addi %mul3A_143, %add3A_144 : i32
      %add3A_146 = arith.constant 3 : i32
      %add3A_147 = arith.addi %add3A_145, %add3A_146 : i32
      %dma_wait3A_148 = arith.constant 0 : i32
      %dma_wait3A_149 = arith.constant 0 : i32
      %dma_wait3A_150 = arith.constant 0 : i32
      %dma_wait3A_151 = tpu.memref_slice %arg2[%dma_wait3A_149, %dma_wait3A_150] : memref<10000x128xf32, #tpu.memory_space<hbm>> -> memref<10000x128xf32, #tpu.memory_space<hbm>>
      %dma_wait3A_152 = tpu.memref_slice %arg19[%dma_wait3A_148] : memref<3x!tpu.dma_semaphore, #tpu.memory_space<semaphore_mem>> -> memref<1x!tpu.dma_semaphore, #tpu.memory_space<semaphore_mem>>
      %dma_wait3A_153 = tpu.memref_squeeze %dma_wait3A_152 : memref<1x!tpu.dma_semaphore, #tpu.memory_space<semaphore_mem>> -> memref<!tpu.dma_semaphore, #tpu.memory_space<semaphore_mem>>
      tpu.wait_indirect_dma semaphore(%dma_wait3A_153 : memref<!tpu.dma_semaphore, #tpu.memory_space<semaphore_mem>>) src(%dma_wait3A_151 : memref<10000x128xf32, #tpu.memory_space<hbm>>) dst(%arg13 : memref<120x128xf32, #tpu.memory_space<vmem>>)
      %lt3A = arith.cmpi slt, %add3A_147, %select_n3A_8 : i32
      %convert_element_type3A = arith.extui %lt3A : i1 to i32
      %cond3A = arith.constant 0 : i32
      %cond3A_154 = arith.cmpi ne, %convert_element_type3A, %cond3A : i32
      scf.if %cond3A_154 {
        %add3A_255 = arith.addi %select_n3A, %add3A_147 : i32
        %mul3A_256 = arith.constant 120 : i32
        %mul3A_257 = arith.muli %add3A_255, %mul3A_256 : i32
        %dma_start3A_258 = arith.constant 0 : i32
        %dma_start3A_259 = tpu.memref_slice %arg3[%mul3A_257] : memref<322560xi32, #tpu.memory_space<hbm>> -> memref<120xi32, #tpu.memory_space<hbm>>
        %dma_start3A_260 = tpu.memref_slice %arg17[%dma_start3A_258] : memref<3x!tpu.dma_semaphore, #tpu.memory_space<semaphore_mem>> -> memref<1x!tpu.dma_semaphore, #tpu.memory_space<semaphore_mem>>
        %dma_start3A_261 = tpu.memref_squeeze %dma_start3A_260 : memref<1x!tpu.dma_semaphore, #tpu.memory_space<semaphore_mem>> -> memref<!tpu.dma_semaphore, #tpu.memory_space<semaphore_mem>>
        %dma_start3A_262 = tpu.memref_slice %arg3[%mul3A_257] : memref<322560xi32, #tpu.memory_space<hbm>> -> memref<120xi32, #tpu.memory_space<hbm>>
        tpu.enqueue_dma source(%dma_start3A_262 : memref<120xi32, #tpu.memory_space<hbm>>) target(%arg7 : memref<120xi32, #tpu.memory_space<vmem>>) target_semaphore(%dma_start3A_261 : memref<!tpu.dma_semaphore, #tpu.memory_space<semaphore_mem>>)
      } else {
      }
      %add3A_155 = arith.addi %select_n3A, %add3A_145 : i32
      %mul3A_156 = arith.constant 120 : i32
      %mul3A_157 = arith.muli %add3A_155, %mul3A_156 : i32
      %dma_wait3A_158 = arith.constant 0 : i32
      %dma_wait3A_159 = tpu.memref_slice %arg4[%mul3A_157] : memref<322560xi32, #tpu.memory_space<hbm>> -> memref<120xi32, #tpu.memory_space<hbm>>
      %dma_wait3A_160 = tpu.memref_slice %arg18[%dma_wait3A_158] : memref<3x!tpu.dma_semaphore, #tpu.memory_space<semaphore_mem>> -> memref<1x!tpu.dma_semaphore, #tpu.memory_space<semaphore_mem>>
      %dma_wait3A_161 = tpu.memref_squeeze %dma_wait3A_160 : memref<1x!tpu.dma_semaphore, #tpu.memory_space<semaphore_mem>> -> memref<!tpu.dma_semaphore, #tpu.memory_space<semaphore_mem>>
      %dma_wait3A_162 = tpu.memref_slice %arg4[%mul3A_157] : memref<322560xi32, #tpu.memory_space<hbm>> -> memref<120xi32, #tpu.memory_space<hbm>>
      tpu.wait_dma2 semaphore(%dma_wait3A_161 : memref<!tpu.dma_semaphore, #tpu.memory_space<semaphore_mem>>) src(%dma_wait3A_162 : memref<120xi32, #tpu.memory_space<hbm>>) dst(%arg10 : memref<120xi32, #tpu.memory_space<vmem>>)
      %dma_start3A_163 = arith.constant 0 : i32
      %dma_start3A_164 = arith.constant 0 : i32
      %dma_start3A_165 = arith.constant 0 : i32
      %dma_start3A_166 = tpu.memref_slice %arg16[%dma_start3A_164, %dma_start3A_165] : memref<10112x128xf32, #tpu.memory_space<vmem_shared>> -> memref<10112x128xf32, #tpu.memory_space<vmem_shared>>
      %dma_start3A_167 = tpu.memref_slice %arg20[%dma_start3A_163] : memref<3x!tpu.dma_semaphore, #tpu.memory_space<semaphore_mem>> -> memref<1x!tpu.dma_semaphore, #tpu.memory_space<semaphore_mem>>
      %dma_start3A_168 = tpu.memref_squeeze %dma_start3A_167 : memref<1x!tpu.dma_semaphore, #tpu.memory_space<semaphore_mem>> -> memref<!tpu.dma_semaphore, #tpu.memory_space<semaphore_mem>>
      tpu.enqueue_indirect_dma source(%arg13 : memref<120x128xf32, #tpu.memory_space<vmem>>) target(%dma_start3A_166 : memref<10112x128xf32, #tpu.memory_space<vmem_shared>>) offsets(%arg10 : memref<120xi32, #tpu.memory_space<vmem>>) semaphore(%dma_start3A_168 : memref<!tpu.dma_semaphore, #tpu.memory_space<semaphore_mem>>) {add = true}
      %dma_wait3A_169 = arith.constant 0 : i32
      %dma_wait3A_170 = arith.constant 0 : i32
      %dma_wait3A_171 = arith.constant 0 : i32
      %dma_wait3A_172 = tpu.memref_slice %arg16[%dma_wait3A_170, %dma_wait3A_171] : memref<10112x128xf32, #tpu.memory_space<vmem_shared>> -> memref<10112x128xf32, #tpu.memory_space<vmem_shared>>
      %dma_wait3A_173 = tpu.memref_slice %arg20[%dma_wait3A_169] : memref<3x!tpu.dma_semaphore, #tpu.memory_space<semaphore_mem>> -> memref<1x!tpu.dma_semaphore, #tpu.memory_space<semaphore_mem>>
      %dma_wait3A_174 = tpu.memref_squeeze %dma_wait3A_173 : memref<1x!tpu.dma_semaphore, #tpu.memory_space<semaphore_mem>> -> memref<!tpu.dma_semaphore, #tpu.memory_space<semaphore_mem>>
      tpu.wait_indirect_dma semaphore(%dma_wait3A_174 : memref<!tpu.dma_semaphore, #tpu.memory_space<semaphore_mem>>) src(%arg13 : memref<120x128xf32, #tpu.memory_space<vmem>>) dst(%dma_wait3A_172 : memref<10112x128xf32, #tpu.memory_space<vmem_shared>>)
      %lt3A_175 = arith.cmpi slt, %add3A_147, %select_n3A_8 : i32
      %convert_element_type3A_176 = arith.extui %lt3A_175 : i1 to i32
      %cond3A_177 = arith.constant 0 : i32
      %cond3A_178 = arith.cmpi ne, %convert_element_type3A_176, %cond3A_177 : i32
      scf.if %cond3A_178 {
        %add3A_255 = arith.addi %select_n3A, %add3A_147 : i32
        %mul3A_256 = arith.constant 120 : i32
        %mul3A_257 = arith.muli %add3A_255, %mul3A_256 : i32
        %dma_start3A_258 = arith.constant 0 : i32
        %dma_start3A_259 = tpu.memref_slice %arg4[%mul3A_257] : memref<322560xi32, #tpu.memory_space<hbm>> -> memref<120xi32, #tpu.memory_space<hbm>>
        %dma_start3A_260 = tpu.memref_slice %arg18[%dma_start3A_258] : memref<3x!tpu.dma_semaphore, #tpu.memory_space<semaphore_mem>> -> memref<1x!tpu.dma_semaphore, #tpu.memory_space<semaphore_mem>>
        %dma_start3A_261 = tpu.memref_squeeze %dma_start3A_260 : memref<1x!tpu.dma_semaphore, #tpu.memory_space<semaphore_mem>> -> memref<!tpu.dma_semaphore, #tpu.memory_space<semaphore_mem>>
        %dma_start3A_262 = tpu.memref_slice %arg4[%mul3A_257] : memref<322560xi32, #tpu.memory_space<hbm>> -> memref<120xi32, #tpu.memory_space<hbm>>
        tpu.enqueue_dma source(%dma_start3A_262 : memref<120xi32, #tpu.memory_space<hbm>>) target(%arg10 : memref<120xi32, #tpu.memory_space<vmem>>) target_semaphore(%dma_start3A_261 : memref<!tpu.dma_semaphore, #tpu.memory_space<semaphore_mem>>)
        %add3A_263 = arith.addi %select_n3A, %add3A_147 : i32
        %mul3A_264 = arith.constant 120 : i32
        %mul3A_265 = arith.muli %add3A_263, %mul3A_264 : i32
        %dma_wait3A_266 = arith.constant 0 : i32
        %dma_wait3A_267 = tpu.memref_slice %arg3[%mul3A_265] : memref<322560xi32, #tpu.memory_space<hbm>> -> memref<120xi32, #tpu.memory_space<hbm>>
        %dma_wait3A_268 = tpu.memref_slice %arg17[%dma_wait3A_266] : memref<3x!tpu.dma_semaphore, #tpu.memory_space<semaphore_mem>> -> memref<1x!tpu.dma_semaphore, #tpu.memory_space<semaphore_mem>>
        %dma_wait3A_269 = tpu.memref_squeeze %dma_wait3A_268 : memref<1x!tpu.dma_semaphore, #tpu.memory_space<semaphore_mem>> -> memref<!tpu.dma_semaphore, #tpu.memory_space<semaphore_mem>>
        %dma_wait3A_270 = tpu.memref_slice %arg3[%mul3A_265] : memref<322560xi32, #tpu.memory_space<hbm>> -> memref<120xi32, #tpu.memory_space<hbm>>
        tpu.wait_dma2 semaphore(%dma_wait3A_269 : memref<!tpu.dma_semaphore, #tpu.memory_space<semaphore_mem>>) src(%dma_wait3A_270 : memref<120xi32, #tpu.memory_space<hbm>>) dst(%arg7 : memref<120xi32, #tpu.memory_space<vmem>>)
        %dma_start3A_271 = arith.constant 0 : i32
        %dma_start3A_272 = arith.constant 0 : i32
        %dma_start3A_273 = arith.constant 0 : i32
        %dma_start3A_274 = tpu.memref_slice %arg2[%dma_start3A_272, %dma_start3A_273] : memref<10000x128xf32, #tpu.memory_space<hbm>> -> memref<10000x128xf32, #tpu.memory_space<hbm>>
        %dma_start3A_275 = tpu.memref_slice %arg19[%dma_start3A_271] : memref<3x!tpu.dma_semaphore, #tpu.memory_space<semaphore_mem>> -> memref<1x!tpu.dma_semaphore, #tpu.memory_space<semaphore_mem>>
        %dma_start3A_276 = tpu.memref_squeeze %dma_start3A_275 : memref<1x!tpu.dma_semaphore, #tpu.memory_space<semaphore_mem>> -> memref<!tpu.dma_semaphore, #tpu.memory_space<semaphore_mem>>
        tpu.enqueue_indirect_dma source(%dma_start3A_274 : memref<10000x128xf32, #tpu.memory_space<hbm>>) target(%arg13 : memref<120x128xf32, #tpu.memory_space<vmem>>) offsets(%arg7 : memref<120xi32, #tpu.memory_space<vmem>>) semaphore(%dma_start3A_276 : memref<!tpu.dma_semaphore, #tpu.memory_space<semaphore_mem>>)
      } else {
      }
      %add3A_179 = arith.constant 1 : i32
      %add3A_180 = arith.addi %mul3A_143, %add3A_179 : i32
      %add3A_181 = arith.constant 3 : i32
      %add3A_182 = arith.addi %add3A_180, %add3A_181 : i32
      %dma_wait3A_183 = arith.constant 1 : i32
      %dma_wait3A_184 = arith.constant 0 : i32
      %dma_wait3A_185 = arith.constant 0 : i32
      %dma_wait3A_186 = tpu.memref_slice %arg2[%dma_wait3A_184, %dma_wait3A_185] : memref<10000x128xf32, #tpu.memory_space<hbm>> -> memref<10000x128xf32, #tpu.memory_space<hbm>>
      %dma_wait3A_187 = tpu.memref_slice %arg19[%dma_wait3A_183] : memref<3x!tpu.dma_semaphore, #tpu.memory_space<semaphore_mem>> -> memref<1x!tpu.dma_semaphore, #tpu.memory_space<semaphore_mem>>
      %dma_wait3A_188 = tpu.memref_squeeze %dma_wait3A_187 : memref<1x!tpu.dma_semaphore, #tpu.memory_space<semaphore_mem>> -> memref<!tpu.dma_semaphore, #tpu.memory_space<semaphore_mem>>
      tpu.wait_indirect_dma semaphore(%dma_wait3A_188 : memref<!tpu.dma_semaphore, #tpu.memory_space<semaphore_mem>>) src(%dma_wait3A_186 : memref<10000x128xf32, #tpu.memory_space<hbm>>) dst(%arg14 : memref<120x128xf32, #tpu.memory_space<vmem>>)
      %lt3A_189 = arith.cmpi slt, %add3A_182, %select_n3A_8 : i32
      %convert_element_type3A_190 = arith.extui %lt3A_189 : i1 to i32
      %cond3A_191 = arith.constant 0 : i32
      %cond3A_192 = arith.cmpi ne, %convert_element_type3A_190, %cond3A_191 : i32
      scf.if %cond3A_192 {
        %add3A_255 = arith.addi %select_n3A, %add3A_182 : i32
        %mul3A_256 = arith.constant 120 : i32
        %mul3A_257 = arith.muli %add3A_255, %mul3A_256 : i32
        %dma_start3A_258 = arith.constant 1 : i32
        %dma_start3A_259 = tpu.memref_slice %arg3[%mul3A_257] : memref<322560xi32, #tpu.memory_space<hbm>> -> memref<120xi32, #tpu.memory_space<hbm>>
        %dma_start3A_260 = tpu.memref_slice %arg17[%dma_start3A_258] : memref<3x!tpu.dma_semaphore, #tpu.memory_space<semaphore_mem>> -> memref<1x!tpu.dma_semaphore, #tpu.memory_space<semaphore_mem>>
        %dma_start3A_261 = tpu.memref_squeeze %dma_start3A_260 : memref<1x!tpu.dma_semaphore, #tpu.memory_space<semaphore_mem>> -> memref<!tpu.dma_semaphore, #tpu.memory_space<semaphore_mem>>
        %dma_start3A_262 = tpu.memref_slice %arg3[%mul3A_257] : memref<322560xi32, #tpu.memory_space<hbm>> -> memref<120xi32, #tpu.memory_space<hbm>>
        tpu.enqueue_dma source(%dma_start3A_262 : memref<120xi32, #tpu.memory_space<hbm>>) target(%arg8 : memref<120xi32, #tpu.memory_space<vmem>>) target_semaphore(%dma_start3A_261 : memref<!tpu.dma_semaphore, #tpu.memory_space<semaphore_mem>>)
      } else {
      }
      %add3A_193 = arith.addi %select_n3A, %add3A_180 : i32
      %mul3A_194 = arith.constant 120 : i32
      %mul3A_195 = arith.muli %add3A_193, %mul3A_194 : i32
      %dma_wait3A_196 = arith.constant 1 : i32
      %dma_wait3A_197 = tpu.memref_slice %arg4[%mul3A_195] : memref<322560xi32, #tpu.memory_space<hbm>> -> memref<120xi32, #tpu.memory_space<hbm>>
      %dma_wait3A_198 = tpu.memref_slice %arg18[%dma_wait3A_196] : memref<3x!tpu.dma_semaphore, #tpu.memory_space<semaphore_mem>> -> memref<1x!tpu.dma_semaphore, #tpu.memory_space<semaphore_mem>>
      %dma_wait3A_199 = tpu.memref_squeeze %dma_wait3A_198 : memref<1x!tpu.dma_semaphore, #tpu.memory_space<semaphore_mem>> -> memref<!tpu.dma_semaphore, #tpu.memory_space<semaphore_mem>>
      %dma_wait3A_200 = tpu.memref_slice %arg4[%mul3A_195] : memref<322560xi32, #tpu.memory_space<hbm>> -> memref<120xi32, #tpu.memory_space<hbm>>
      tpu.wait_dma2 semaphore(%dma_wait3A_199 : memref<!tpu.dma_semaphore, #tpu.memory_space<semaphore_mem>>) src(%dma_wait3A_200 : memref<120xi32, #tpu.memory_space<hbm>>) dst(%arg11 : memref<120xi32, #tpu.memory_space<vmem>>)
      %dma_start3A_201 = arith.constant 1 : i32
      %dma_start3A_202 = arith.constant 0 : i32
      %dma_start3A_203 = arith.constant 0 : i32
      %dma_start3A_204 = tpu.memref_slice %arg16[%dma_start3A_202, %dma_start3A_203] : memref<10112x128xf32, #tpu.memory_space<vmem_shared>> -> memref<10112x128xf32, #tpu.memory_space<vmem_shared>>
      %dma_start3A_205 = tpu.memref_slice %arg20[%dma_start3A_201] : memref<3x!tpu.dma_semaphore, #tpu.memory_space<semaphore_mem>> -> memref<1x!tpu.dma_semaphore, #tpu.memory_space<semaphore_mem>>
      %dma_start3A_206 = tpu.memref_squeeze %dma_start3A_205 : memref<1x!tpu.dma_semaphore, #tpu.memory_space<semaphore_mem>> -> memref<!tpu.dma_semaphore, #tpu.memory_space<semaphore_mem>>
      tpu.enqueue_indirect_dma source(%arg14 : memref<120x128xf32, #tpu.memory_space<vmem>>) target(%dma_start3A_204 : memref<10112x128xf32, #tpu.memory_space<vmem_shared>>) offsets(%arg11 : memref<120xi32, #tpu.memory_space<vmem>>) semaphore(%dma_start3A_206 : memref<!tpu.dma_semaphore, #tpu.memory_space<semaphore_mem>>) {add = true}
      %dma_wait3A_207 = arith.constant 1 : i32
      %dma_wait3A_208 = arith.constant 0 : i32
      %dma_wait3A_209 = arith.constant 0 : i32
      %dma_wait3A_210 = tpu.memref_slice %arg16[%dma_wait3A_208, %dma_wait3A_209] : memref<10112x128xf32, #tpu.memory_space<vmem_shared>> -> memref<10112x128xf32, #tpu.memory_space<vmem_shared>>
      %dma_wait3A_211 = tpu.memref_slice %arg20[%dma_wait3A_207] : memref<3x!tpu.dma_semaphore, #tpu.memory_space<semaphore_mem>> -> memref<1x!tpu.dma_semaphore, #tpu.memory_space<semaphore_mem>>
      %dma_wait3A_212 = tpu.memref_squeeze %dma_wait3A_211 : memref<1x!tpu.dma_semaphore, #tpu.memory_space<semaphore_mem>> -> memref<!tpu.dma_semaphore, #tpu.memory_space<semaphore_mem>>
      tpu.wait_indirect_dma semaphore(%dma_wait3A_212 : memref<!tpu.dma_semaphore, #tpu.memory_space<semaphore_mem>>) src(%arg14 : memref<120x128xf32, #tpu.memory_space<vmem>>) dst(%dma_wait3A_210 : memref<10112x128xf32, #tpu.memory_space<vmem_shared>>)
      %lt3A_213 = arith.cmpi slt, %add3A_182, %select_n3A_8 : i32
      %convert_element_type3A_214 = arith.extui %lt3A_213 : i1 to i32
      %cond3A_215 = arith.constant 0 : i32
      %cond3A_216 = arith.cmpi ne, %convert_element_type3A_214, %cond3A_215 : i32
      scf.if %cond3A_216 {
        %add3A_255 = arith.addi %select_n3A, %add3A_182 : i32
        %mul3A_256 = arith.constant 120 : i32
        %mul3A_257 = arith.muli %add3A_255, %mul3A_256 : i32
        %dma_start3A_258 = arith.constant 1 : i32
        %dma_start3A_259 = tpu.memref_slice %arg4[%mul3A_257] : memref<322560xi32, #tpu.memory_space<hbm>> -> memref<120xi32, #tpu.memory_space<hbm>>
        %dma_start3A_260 = tpu.memref_slice %arg18[%dma_start3A_258] : memref<3x!tpu.dma_semaphore, #tpu.memory_space<semaphore_mem>> -> memref<1x!tpu.dma_semaphore, #tpu.memory_space<semaphore_mem>>
        %dma_start3A_261 = tpu.memref_squeeze %dma_start3A_260 : memref<1x!tpu.dma_semaphore, #tpu.memory_space<semaphore_mem>> -> memref<!tpu.dma_semaphore, #tpu.memory_space<semaphore_mem>>
        %dma_start3A_262 = tpu.memref_slice %arg4[%mul3A_257] : memref<322560xi32, #tpu.memory_space<hbm>> -> memref<120xi32, #tpu.memory_space<hbm>>
        tpu.enqueue_dma source(%dma_start3A_262 : memref<120xi32, #tpu.memory_space<hbm>>) target(%arg11 : memref<120xi32, #tpu.memory_space<vmem>>) target_semaphore(%dma_start3A_261 : memref<!tpu.dma_semaphore, #tpu.memory_space<semaphore_mem>>)
        %add3A_263 = arith.addi %select_n3A, %add3A_182 : i32
        %mul3A_264 = arith.constant 120 : i32
        %mul3A_265 = arith.muli %add3A_263, %mul3A_264 : i32
        %dma_wait3A_266 = arith.constant 1 : i32
        %dma_wait3A_267 = tpu.memref_slice %arg3[%mul3A_265] : memref<322560xi32, #tpu.memory_space<hbm>> -> memref<120xi32, #tpu.memory_space<hbm>>
        %dma_wait3A_268 = tpu.memref_slice %arg17[%dma_wait3A_266] : memref<3x!tpu.dma_semaphore, #tpu.memory_space<semaphore_mem>> -> memref<1x!tpu.dma_semaphore, #tpu.memory_space<semaphore_mem>>
        %dma_wait3A_269 = tpu.memref_squeeze %dma_wait3A_268 : memref<1x!tpu.dma_semaphore, #tpu.memory_space<semaphore_mem>> -> memref<!tpu.dma_semaphore, #tpu.memory_space<semaphore_mem>>
        %dma_wait3A_270 = tpu.memref_slice %arg3[%mul3A_265] : memref<322560xi32, #tpu.memory_space<hbm>> -> memref<120xi32, #tpu.memory_space<hbm>>
        tpu.wait_dma2 semaphore(%dma_wait3A_269 : memref<!tpu.dma_semaphore, #tpu.memory_space<semaphore_mem>>) src(%dma_wait3A_270 : memref<120xi32, #tpu.memory_space<hbm>>) dst(%arg8 : memref<120xi32, #tpu.memory_space<vmem>>)
        %dma_start3A_271 = arith.constant 1 : i32
        %dma_start3A_272 = arith.constant 0 : i32
        %dma_start3A_273 = arith.constant 0 : i32
        %dma_start3A_274 = tpu.memref_slice %arg2[%dma_start3A_272, %dma_start3A_273] : memref<10000x128xf32, #tpu.memory_space<hbm>> -> memref<10000x128xf32, #tpu.memory_space<hbm>>
        %dma_start3A_275 = tpu.memref_slice %arg19[%dma_start3A_271] : memref<3x!tpu.dma_semaphore, #tpu.memory_space<semaphore_mem>> -> memref<1x!tpu.dma_semaphore, #tpu.memory_space<semaphore_mem>>
        %dma_start3A_276 = tpu.memref_squeeze %dma_start3A_275 : memref<1x!tpu.dma_semaphore, #tpu.memory_space<semaphore_mem>> -> memref<!tpu.dma_semaphore, #tpu.memory_space<semaphore_mem>>
        tpu.enqueue_indirect_dma source(%dma_start3A_274 : memref<10000x128xf32, #tpu.memory_space<hbm>>) target(%arg14 : memref<120x128xf32, #tpu.memory_space<vmem>>) offsets(%arg8 : memref<120xi32, #tpu.memory_space<vmem>>) semaphore(%dma_start3A_276 : memref<!tpu.dma_semaphore, #tpu.memory_space<semaphore_mem>>)
      } else {
      }
      %add3A_217 = arith.constant 2 : i32
      %add3A_218 = arith.addi %mul3A_143, %add3A_217 : i32
      %add3A_219 = arith.constant 3 : i32
      %add3A_220 = arith.addi %add3A_218, %add3A_219 : i32
      %dma_wait3A_221 = arith.constant 2 : i32
      %dma_wait3A_222 = arith.constant 0 : i32
      %dma_wait3A_223 = arith.constant 0 : i32
      %dma_wait3A_224 = tpu.memref_slice %arg2[%dma_wait3A_222, %dma_wait3A_223] : memref<10000x128xf32, #tpu.memory_space<hbm>> -> memref<10000x128xf32, #tpu.memory_space<hbm>>
      %dma_wait3A_225 = tpu.memref_slice %arg19[%dma_wait3A_221] : memref<3x!tpu.dma_semaphore, #tpu.memory_space<semaphore_mem>> -> memref<1x!tpu.dma_semaphore, #tpu.memory_space<semaphore_mem>>
      %dma_wait3A_226 = tpu.memref_squeeze %dma_wait3A_225 : memref<1x!tpu.dma_semaphore, #tpu.memory_space<semaphore_mem>> -> memref<!tpu.dma_semaphore, #tpu.memory_space<semaphore_mem>>
      tpu.wait_indirect_dma semaphore(%dma_wait3A_226 : memref<!tpu.dma_semaphore, #tpu.memory_space<semaphore_mem>>) src(%dma_wait3A_224 : memref<10000x128xf32, #tpu.memory_space<hbm>>) dst(%arg15 : memref<120x128xf32, #tpu.memory_space<vmem>>)
      %lt3A_227 = arith.cmpi slt, %add3A_220, %select_n3A_8 : i32
      %convert_element_type3A_228 = arith.extui %lt3A_227 : i1 to i32
      %cond3A_229 = arith.constant 0 : i32
      %cond3A_230 = arith.cmpi ne, %convert_element_type3A_228, %cond3A_229 : i32
      scf.if %cond3A_230 {
        %add3A_255 = arith.addi %select_n3A, %add3A_220 : i32
        %mul3A_256 = arith.constant 120 : i32
        %mul3A_257 = arith.muli %add3A_255, %mul3A_256 : i32
        %dma_start3A_258 = arith.constant 2 : i32
        %dma_start3A_259 = tpu.memref_slice %arg3[%mul3A_257] : memref<322560xi32, #tpu.memory_space<hbm>> -> memref<120xi32, #tpu.memory_space<hbm>>
        %dma_start3A_260 = tpu.memref_slice %arg17[%dma_start3A_258] : memref<3x!tpu.dma_semaphore, #tpu.memory_space<semaphore_mem>> -> memref<1x!tpu.dma_semaphore, #tpu.memory_space<semaphore_mem>>
        %dma_start3A_261 = tpu.memref_squeeze %dma_start3A_260 : memref<1x!tpu.dma_semaphore, #tpu.memory_space<semaphore_mem>> -> memref<!tpu.dma_semaphore, #tpu.memory_space<semaphore_mem>>
        %dma_start3A_262 = tpu.memref_slice %arg3[%mul3A_257] : memref<322560xi32, #tpu.memory_space<hbm>> -> memref<120xi32, #tpu.memory_space<hbm>>
        tpu.enqueue_dma source(%dma_start3A_262 : memref<120xi32, #tpu.memory_space<hbm>>) target(%arg9 : memref<120xi32, #tpu.memory_space<vmem>>) target_semaphore(%dma_start3A_261 : memref<!tpu.dma_semaphore, #tpu.memory_space<semaphore_mem>>)
      } else {
      }
      %add3A_231 = arith.addi %select_n3A, %add3A_218 : i32
      %mul3A_232 = arith.constant 120 : i32
      %mul3A_233 = arith.muli %add3A_231, %mul3A_232 : i32
      %dma_wait3A_234 = arith.constant 2 : i32
      %dma_wait3A_235 = tpu.memref_slice %arg4[%mul3A_233] : memref<322560xi32, #tpu.memory_space<hbm>> -> memref<120xi32, #tpu.memory_space<hbm>>
      %dma_wait3A_236 = tpu.memref_slice %arg18[%dma_wait3A_234] : memref<3x!tpu.dma_semaphore, #tpu.memory_space<semaphore_mem>> -> memref<1x!tpu.dma_semaphore, #tpu.memory_space<semaphore_mem>>
      %dma_wait3A_237 = tpu.memref_squeeze %dma_wait3A_236 : memref<1x!tpu.dma_semaphore, #tpu.memory_space<semaphore_mem>> -> memref<!tpu.dma_semaphore, #tpu.memory_space<semaphore_mem>>
      %dma_wait3A_238 = tpu.memref_slice %arg4[%mul3A_233] : memref<322560xi32, #tpu.memory_space<hbm>> -> memref<120xi32, #tpu.memory_space<hbm>>
      tpu.wait_dma2 semaphore(%dma_wait3A_237 : memref<!tpu.dma_semaphore, #tpu.memory_space<semaphore_mem>>) src(%dma_wait3A_238 : memref<120xi32, #tpu.memory_space<hbm>>) dst(%arg12 : memref<120xi32, #tpu.memory_space<vmem>>)
      %dma_start3A_239 = arith.constant 2 : i32
      %dma_start3A_240 = arith.constant 0 : i32
      %dma_start3A_241 = arith.constant 0 : i32
      %dma_start3A_242 = tpu.memref_slice %arg16[%dma_start3A_240, %dma_start3A_241] : memref<10112x128xf32, #tpu.memory_space<vmem_shared>> -> memref<10112x128xf32, #tpu.memory_space<vmem_shared>>
      %dma_start3A_243 = tpu.memref_slice %arg20[%dma_start3A_239] : memref<3x!tpu.dma_semaphore, #tpu.memory_space<semaphore_mem>> -> memref<1x!tpu.dma_semaphore, #tpu.memory_space<semaphore_mem>>
      %dma_start3A_244 = tpu.memref_squeeze %dma_start3A_243 : memref<1x!tpu.dma_semaphore, #tpu.memory_space<semaphore_mem>> -> memref<!tpu.dma_semaphore, #tpu.memory_space<semaphore_mem>>
      tpu.enqueue_indirect_dma source(%arg15 : memref<120x128xf32, #tpu.memory_space<vmem>>) target(%dma_start3A_242 : memref<10112x128xf32, #tpu.memory_space<vmem_shared>>) offsets(%arg12 : memref<120xi32, #tpu.memory_space<vmem>>) semaphore(%dma_start3A_244 : memref<!tpu.dma_semaphore, #tpu.memory_space<semaphore_mem>>) {add = true}
      %dma_wait3A_245 = arith.constant 2 : i32
      %dma_wait3A_246 = arith.constant 0 : i32
      %dma_wait3A_247 = arith.constant 0 : i32
      %dma_wait3A_248 = tpu.memref_slice %arg16[%dma_wait3A_246, %dma_wait3A_247] : memref<10112x128xf32, #tpu.memory_space<vmem_shared>> -> memref<10112x128xf32, #tpu.memory_space<vmem_shared>>
      %dma_wait3A_249 = tpu.memref_slice %arg20[%dma_wait3A_245] : memref<3x!tpu.dma_semaphore, #tpu.memory_space<semaphore_mem>> -> memref<1x!tpu.dma_semaphore, #tpu.memory_space<semaphore_mem>>
      %dma_wait3A_250 = tpu.memref_squeeze %dma_wait3A_249 : memref<1x!tpu.dma_semaphore, #tpu.memory_space<semaphore_mem>> -> memref<!tpu.dma_semaphore, #tpu.memory_space<semaphore_mem>>
      tpu.wait_indirect_dma semaphore(%dma_wait3A_250 : memref<!tpu.dma_semaphore, #tpu.memory_space<semaphore_mem>>) src(%arg15 : memref<120x128xf32, #tpu.memory_space<vmem>>) dst(%dma_wait3A_248 : memref<10112x128xf32, #tpu.memory_space<vmem_shared>>)
      %lt3A_251 = arith.cmpi slt, %add3A_220, %select_n3A_8 : i32
      %convert_element_type3A_252 = arith.extui %lt3A_251 : i1 to i32
      %cond3A_253 = arith.constant 0 : i32
      %cond3A_254 = arith.cmpi ne, %convert_element_type3A_252, %cond3A_253 : i32
      scf.if %cond3A_254 {
        %add3A_255 = arith.addi %select_n3A, %add3A_220 : i32
        %mul3A_256 = arith.constant 120 : i32
        %mul3A_257 = arith.muli %add3A_255, %mul3A_256 : i32
        %dma_start3A_258 = arith.constant 2 : i32
        %dma_start3A_259 = tpu.memref_slice %arg4[%mul3A_257] : memref<322560xi32, #tpu.memory_space<hbm>> -> memref<120xi32, #tpu.memory_space<hbm>>
        %dma_start3A_260 = tpu.memref_slice %arg18[%dma_start3A_258] : memref<3x!tpu.dma_semaphore, #tpu.memory_space<semaphore_mem>> -> memref<1x!tpu.dma_semaphore, #tpu.memory_space<semaphore_mem>>
        %dma_start3A_261 = tpu.memref_squeeze %dma_start3A_260 : memref<1x!tpu.dma_semaphore, #tpu.memory_space<semaphore_mem>> -> memref<!tpu.dma_semaphore, #tpu.memory_space<semaphore_mem>>
        %dma_start3A_262 = tpu.memref_slice %arg4[%mul3A_257] : memref<322560xi32, #tpu.memory_space<hbm>> -> memref<120xi32, #tpu.memory_space<hbm>>
        tpu.enqueue_dma source(%dma_start3A_262 : memref<120xi32, #tpu.memory_space<hbm>>) target(%arg12 : memref<120xi32, #tpu.memory_space<vmem>>) target_semaphore(%dma_start3A_261 : memref<!tpu.dma_semaphore, #tpu.memory_space<semaphore_mem>>)
        %add3A_263 = arith.addi %select_n3A, %add3A_220 : i32
        %mul3A_264 = arith.constant 120 : i32
        %mul3A_265 = arith.muli %add3A_263, %mul3A_264 : i32
        %dma_wait3A_266 = arith.constant 2 : i32
        %dma_wait3A_267 = tpu.memref_slice %arg3[%mul3A_265] : memref<322560xi32, #tpu.memory_space<hbm>> -> memref<120xi32, #tpu.memory_space<hbm>>
        %dma_wait3A_268 = tpu.memref_slice %arg17[%dma_wait3A_266] : memref<3x!tpu.dma_semaphore, #tpu.memory_space<semaphore_mem>> -> memref<1x!tpu.dma_semaphore, #tpu.memory_space<semaphore_mem>>
        %dma_wait3A_269 = tpu.memref_squeeze %dma_wait3A_268 : memref<1x!tpu.dma_semaphore, #tpu.memory_space<semaphore_mem>> -> memref<!tpu.dma_semaphore, #tpu.memory_space<semaphore_mem>>
        %dma_wait3A_270 = tpu.memref_slice %arg3[%mul3A_265] : memref<322560xi32, #tpu.memory_space<hbm>> -> memref<120xi32, #tpu.memory_space<hbm>>
        tpu.wait_dma2 semaphore(%dma_wait3A_269 : memref<!tpu.dma_semaphore, #tpu.memory_space<semaphore_mem>>) src(%dma_wait3A_270 : memref<120xi32, #tpu.memory_space<hbm>>) dst(%arg9 : memref<120xi32, #tpu.memory_space<vmem>>)
        %dma_start3A_271 = arith.constant 2 : i32
        %dma_start3A_272 = arith.constant 0 : i32
        %dma_start3A_273 = arith.constant 0 : i32
        %dma_start3A_274 = tpu.memref_slice %arg2[%dma_start3A_272, %dma_start3A_273] : memref<10000x128xf32, #tpu.memory_space<hbm>> -> memref<10000x128xf32, #tpu.memory_space<hbm>>
        %dma_start3A_275 = tpu.memref_slice %arg19[%dma_start3A_271] : memref<3x!tpu.dma_semaphore, #tpu.memory_space<semaphore_mem>> -> memref<1x!tpu.dma_semaphore, #tpu.memory_space<semaphore_mem>>
        %dma_start3A_276 = tpu.memref_squeeze %dma_start3A_275 : memref<1x!tpu.dma_semaphore, #tpu.memory_space<semaphore_mem>> -> memref<!tpu.dma_semaphore, #tpu.memory_space<semaphore_mem>>
        tpu.enqueue_indirect_dma source(%dma_start3A_274 : memref<10000x128xf32, #tpu.memory_space<hbm>>) target(%arg15 : memref<120x128xf32, #tpu.memory_space<vmem>>) offsets(%arg9 : memref<120xi32, #tpu.memory_space<vmem>>) semaphore(%dma_start3A_276 : memref<!tpu.dma_semaphore, #tpu.memory_space<semaphore_mem>>)
      } else {
      }
    }
    %while3A_135 = arith.constant 1 : i32
    scf.for %while3A_141 = %while3A_133 to %while3A_129 step %while3A_135  : i32 {
      %mul3A_142 = arith.constant 3 : i32
      %mul3A_143 = arith.muli %while3A_141, %mul3A_142 : i32
      %add3A_144 = arith.constant 0 : i32
      %add3A_145 = arith.addi %mul3A_143, %add3A_144 : i32
      %add3A_146 = arith.constant 3 : i32
      %add3A_147 = arith.addi %add3A_145, %add3A_146 : i32
      %dma_wait3A_148 = arith.constant 0 : i32
      %dma_wait3A_149 = arith.constant 0 : i32
      %dma_wait3A_150 = arith.constant 0 : i32
      %dma_wait3A_151 = tpu.memref_slice %arg2[%dma_wait3A_149, %dma_wait3A_150] : memref<10000x128xf32, #tpu.memory_space<hbm>> -> memref<10000x128xf32, #tpu.memory_space<hbm>>
      %dma_wait3A_152 = tpu.memref_slice %arg19[%dma_wait3A_148] : memref<3x!tpu.dma_semaphore, #tpu.memory_space<semaphore_mem>> -> memref<1x!tpu.dma_semaphore, #tpu.memory_space<semaphore_mem>>
      %dma_wait3A_153 = tpu.memref_squeeze %dma_wait3A_152 : memref<1x!tpu.dma_semaphore, #tpu.memory_space<semaphore_mem>> -> memref<!tpu.dma_semaphore, #tpu.memory_space<semaphore_mem>>
      tpu.wait_indirect_dma semaphore(%dma_wait3A_153 : memref<!tpu.dma_semaphore, #tpu.memory_space<semaphore_mem>>) src(%dma_wait3A_151 : memref<10000x128xf32, #tpu.memory_space<hbm>>) dst(%arg13 : memref<120x128xf32, #tpu.memory_space<vmem>>)
      %lt3A = arith.cmpi slt, %add3A_147, %select_n3A_8 : i32
      %convert_element_type3A = arith.extui %lt3A : i1 to i32
      %cond3A = arith.constant 0 : i32
      %cond3A_154 = arith.cmpi ne, %convert_element_type3A, %cond3A : i32
      scf.if %cond3A_154 {
        %add3A_255 = arith.addi %select_n3A, %add3A_147 : i32
        %mul3A_256 = arith.constant 120 : i32
        %mul3A_257 = arith.muli %add3A_255, %mul3A_256 : i32
        %dma_start3A_258 = arith.constant 0 : i32
        %dma_start3A_259 = tpu.memref_slice %arg3[%mul3A_257] : memref<322560xi32, #tpu.memory_space<hbm>> -> memref<120xi32, #tpu.memory_space<hbm>>
        %dma_start3A_260 = tpu.memref_slice %arg17[%dma_start3A_258] : memref<3x!tpu.dma_semaphore, #tpu.memory_space<semaphore_mem>> -> memref<1x!tpu.dma_semaphore, #tpu.memory_space<semaphore_mem>>
        %dma_start3A_261 = tpu.memref_squeeze %dma_start3A_260 : memref<1x!tpu.dma_semaphore, #tpu.memory_space<semaphore_mem>> -> memref<!tpu.dma_semaphore, #tpu.memory_space<semaphore_mem>>
        %dma_start3A_262 = tpu.memref_slice %arg3[%mul3A_257] : memref<322560xi32, #tpu.memory_space<hbm>> -> memref<120xi32, #tpu.memory_space<hbm>>
        tpu.enqueue_dma source(%dma_start3A_262 : memref<120xi32, #tpu.memory_space<hbm>>) target(%arg7 : memref<120xi32, #tpu.memory_space<vmem>>) target_semaphore(%dma_start3A_261 : memref<!tpu.dma_semaphore, #tpu.memory_space<semaphore_mem>>)
      } else {
      }
      %add3A_155 = arith.addi %select_n3A, %add3A_145 : i32
      %mul3A_156 = arith.constant 120 : i32
      %mul3A_157 = arith.muli %add3A_155, %mul3A_156 : i32
      %dma_wait3A_158 = arith.constant 0 : i32
      %dma_wait3A_159 = tpu.memref_slice %arg4[%mul3A_157] : memref<322560xi32, #tpu.memory_space<hbm>> -> memref<120xi32, #tpu.memory_space<hbm>>
      %dma_wait3A_160 = tpu.memref_slice %arg18[%dma_wait3A_158] : memref<3x!tpu.dma_semaphore, #tpu.memory_space<semaphore_mem>> -> memref<1x!tpu.dma_semaphore, #tpu.memory_space<semaphore_mem>>
      %dma_wait3A_161 = tpu.memref_squeeze %dma_wait3A_160 : memref<1x!tpu.dma_semaphore, #tpu.memory_space<semaphore_mem>> -> memref<!tpu.dma_semaphore, #tpu.memory_space<semaphore_mem>>
      %dma_wait3A_162 = tpu.memref_slice %arg4[%mul3A_157] : memref<322560xi32, #tpu.memory_space<hbm>> -> memref<120xi32, #tpu.memory_space<hbm>>
      tpu.wait_dma2 semaphore(%dma_wait3A_161 : memref<!tpu.dma_semaphore, #tpu.memory_space<semaphore_mem>>) src(%dma_wait3A_162 : memref<120xi32, #tpu.memory_space<hbm>>) dst(%arg10 : memref<120xi32, #tpu.memory_space<vmem>>)
      %dma_start3A_163 = arith.constant 0 : i32
      %dma_start3A_164 = arith.constant 0 : i32
      %dma_start3A_165 = arith.constant 0 : i32
      %dma_start3A_166 = tpu.memref_slice %arg16[%dma_start3A_164, %dma_start3A_165] : memref<10112x128xf32, #tpu.memory_space<vmem_shared>> -> memref<10112x128xf32, #tpu.memory_space<vmem_shared>>
      %dma_start3A_167 = tpu.memref_slice %arg20[%dma_start3A_163] : memref<3x!tpu.dma_semaphore, #tpu.memory_space<semaphore_mem>> -> memref<1x!tpu.dma_semaphore, #tpu.memory_space<semaphore_mem>>
      %dma_start3A_168 = tpu.memref_squeeze %dma_start3A_167 : memref<1x!tpu.dma_semaphore, #tpu.memory_space<semaphore_mem>> -> memref<!tpu.dma_semaphore, #tpu.memory_space<semaphore_mem>>
      tpu.enqueue_indirect_dma source(%arg13 : memref<120x128xf32, #tpu.memory_space<vmem>>) target(%dma_start3A_166 : memref<10112x128xf32, #tpu.memory_space<vmem_shared>>) offsets(%arg10 : memref<120xi32, #tpu.memory_space<vmem>>) semaphore(%dma_start3A_168 : memref<!tpu.dma_semaphore, #tpu.memory_space<semaphore_mem>>) {add = true}
      %dma_wait3A_169 = arith.constant 0 : i32
      %dma_wait3A_170 = arith.constant 0 : i32
      %dma_wait3A_171 = arith.constant 0 : i32
      %dma_wait3A_172 = tpu.memref_slice %arg16[%dma_wait3A_170, %dma_wait3A_171] : memref<10112x128xf32, #tpu.memory_space<vmem_shared>> -> memref<10112x128xf32, #tpu.memory_space<vmem_shared>>
      %dma_wait3A_173 = tpu.memref_slice %arg20[%dma_wait3A_169] : memref<3x!tpu.dma_semaphore, #tpu.memory_space<semaphore_mem>> -> memref<1x!tpu.dma_semaphore, #tpu.memory_space<semaphore_mem>>
      %dma_wait3A_174 = tpu.memref_squeeze %dma_wait3A_173 : memref<1x!tpu.dma_semaphore, #tpu.memory_space<semaphore_mem>> -> memref<!tpu.dma_semaphore, #tpu.memory_space<semaphore_mem>>
      tpu.wait_indirect_dma semaphore(%dma_wait3A_174 : memref<!tpu.dma_semaphore, #tpu.memory_space<semaphore_mem>>) src(%arg13 : memref<120x128xf32, #tpu.memory_space<vmem>>) dst(%dma_wait3A_172 : memref<10112x128xf32, #tpu.memory_space<vmem_shared>>)
      %lt3A_175 = arith.cmpi slt, %add3A_147, %select_n3A_8 : i32
      %convert_element_type3A_176 = arith.extui %lt3A_175 : i1 to i32
      %cond3A_177 = arith.constant 0 : i32
      %cond3A_178 = arith.cmpi ne, %convert_element_type3A_176, %cond3A_177 : i32
      scf.if %cond3A_178 {
        %add3A_255 = arith.addi %select_n3A, %add3A_147 : i32
        %mul3A_256 = arith.constant 120 : i32
        %mul3A_257 = arith.muli %add3A_255, %mul3A_256 : i32
        %dma_start3A_258 = arith.constant 0 : i32
        %dma_start3A_259 = tpu.memref_slice %arg4[%mul3A_257] : memref<322560xi32, #tpu.memory_space<hbm>> -> memref<120xi32, #tpu.memory_space<hbm>>
        %dma_start3A_260 = tpu.memref_slice %arg18[%dma_start3A_258] : memref<3x!tpu.dma_semaphore, #tpu.memory_space<semaphore_mem>> -> memref<1x!tpu.dma_semaphore, #tpu.memory_space<semaphore_mem>>
        %dma_start3A_261 = tpu.memref_squeeze %dma_start3A_260 : memref<1x!tpu.dma_semaphore, #tpu.memory_space<semaphore_mem>> -> memref<!tpu.dma_semaphore, #tpu.memory_space<semaphore_mem>>
        %dma_start3A_262 = tpu.memref_slice %arg4[%mul3A_257] : memref<322560xi32, #tpu.memory_space<hbm>> -> memref<120xi32, #tpu.memory_space<hbm>>
        tpu.enqueue_dma source(%dma_start3A_262 : memref<120xi32, #tpu.memory_space<hbm>>) target(%arg10 : memref<120xi32, #tpu.memory_space<vmem>>) target_semaphore(%dma_start3A_261 : memref<!tpu.dma_semaphore, #tpu.memory_space<semaphore_mem>>)
        %add3A_263 = arith.addi %select_n3A, %add3A_147 : i32
        %mul3A_264 = arith.constant 120 : i32
        %mul3A_265 = arith.muli %add3A_263, %mul3A_264 : i32
        %dma_wait3A_266 = arith.constant 0 : i32
        %dma_wait3A_267 = tpu.memref_slice %arg3[%mul3A_265] : memref<322560xi32, #tpu.memory_space<hbm>> -> memref<120xi32, #tpu.memory_space<hbm>>
        %dma_wait3A_268 = tpu.memref_slice %arg17[%dma_wait3A_266] : memref<3x!tpu.dma_semaphore, #tpu.memory_space<semaphore_mem>> -> memref<1x!tpu.dma_semaphore, #tpu.memory_space<semaphore_mem>>
        %dma_wait3A_269 = tpu.memref_squeeze %dma_wait3A_268 : memref<1x!tpu.dma_semaphore, #tpu.memory_space<semaphore_mem>> -> memref<!tpu.dma_semaphore, #tpu.memory_space<semaphore_mem>>
        %dma_wait3A_270 = tpu.memref_slice %arg3[%mul3A_265] : memref<322560xi32, #tpu.memory_space<hbm>> -> memref<120xi32, #tpu.memory_space<hbm>>
        tpu.wait_dma2 semaphore(%dma_wait3A_269 : memref<!tpu.dma_semaphore, #tpu.memory_space<semaphore_mem>>) src(%dma_wait3A_270 : memref<120xi32, #tpu.memory_space<hbm>>) dst(%arg7 : memref<120xi32, #tpu.memory_space<vmem>>)
        %dma_start3A_271 = arith.constant 0 : i32
        %dma_start3A_272 = arith.constant 0 : i32
        %dma_start3A_273 = arith.constant 0 : i32
        %dma_start3A_274 = tpu.memref_slice %arg2[%dma_start3A_272, %dma_start3A_273] : memref<10000x128xf32, #tpu.memory_space<hbm>> -> memref<10000x128xf32, #tpu.memory_space<hbm>>
        %dma_start3A_275 = tpu.memref_slice %arg19[%dma_start3A_271] : memref<3x!tpu.dma_semaphore, #tpu.memory_space<semaphore_mem>> -> memref<1x!tpu.dma_semaphore, #tpu.memory_space<semaphore_mem>>
        %dma_start3A_276 = tpu.memref_squeeze %dma_start3A_275 : memref<1x!tpu.dma_semaphore, #tpu.memory_space<semaphore_mem>> -> memref<!tpu.dma_semaphore, #tpu.memory_space<semaphore_mem>>
        tpu.enqueue_indirect_dma source(%dma_start3A_274 : memref<10000x128xf32, #tpu.memory_space<hbm>>) target(%arg13 : memref<120x128xf32, #tpu.memory_space<vmem>>) offsets(%arg7 : memref<120xi32, #tpu.memory_space<vmem>>) semaphore(%dma_start3A_276 : memref<!tpu.dma_semaphore, #tpu.memory_space<semaphore_mem>>)
      } else {
      }
      %add3A_179 = arith.constant 1 : i32
      %add3A_180 = arith.addi %mul3A_143, %add3A_179 : i32
      %add3A_181 = arith.constant 3 : i32
      %add3A_182 = arith.addi %add3A_180, %add3A_181 : i32
      %dma_wait3A_183 = arith.constant 1 : i32
      %dma_wait3A_184 = arith.constant 0 : i32
      %dma_wait3A_185 = arith.constant 0 : i32
      %dma_wait3A_186 = tpu.memref_slice %arg2[%dma_wait3A_184, %dma_wait3A_185] : memref<10000x128xf32, #tpu.memory_space<hbm>> -> memref<10000x128xf32, #tpu.memory_space<hbm>>
      %dma_wait3A_187 = tpu.memref_slice %arg19[%dma_wait3A_183] : memref<3x!tpu.dma_semaphore, #tpu.memory_space<semaphore_mem>> -> memref<1x!tpu.dma_semaphore, #tpu.memory_space<semaphore_mem>>
      %dma_wait3A_188 = tpu.memref_squeeze %dma_wait3A_187 : memref<1x!tpu.dma_semaphore, #tpu.memory_space<semaphore_mem>> -> memref<!tpu.dma_semaphore, #tpu.memory_space<semaphore_mem>>
      tpu.wait_indirect_dma semaphore(%dma_wait3A_188 : memref<!tpu.dma_semaphore, #tpu.memory_space<semaphore_mem>>) src(%dma_wait3A_186 : memref<10000x128xf32, #tpu.memory_space<hbm>>) dst(%arg14 : memref<120x128xf32, #tpu.memory_space<vmem>>)
      %lt3A_189 = arith.cmpi slt, %add3A_182, %select_n3A_8 : i32
      %convert_element_type3A_190 = arith.extui %lt3A_189 : i1 to i32
      %cond3A_191 = arith.constant 0 : i32
      %cond3A_192 = arith.cmpi ne, %convert_element_type3A_190, %cond3A_191 : i32
      scf.if %cond3A_192 {
        %add3A_255 = arith.addi %select_n3A, %add3A_182 : i32
        %mul3A_256 = arith.constant 120 : i32
        %mul3A_257 = arith.muli %add3A_255, %mul3A_256 : i32
        %dma_start3A_258 = arith.constant 1 : i32
        %dma_start3A_259 = tpu.memref_slice %arg3[%mul3A_257] : memref<322560xi32, #tpu.memory_space<hbm>> -> memref<120xi32, #tpu.memory_space<hbm>>
        %dma_start3A_260 = tpu.memref_slice %arg17[%dma_start3A_258] : memref<3x!tpu.dma_semaphore, #tpu.memory_space<semaphore_mem>> -> memref<1x!tpu.dma_semaphore, #tpu.memory_space<semaphore_mem>>
        %dma_start3A_261 = tpu.memref_squeeze %dma_start3A_260 : memref<1x!tpu.dma_semaphore, #tpu.memory_space<semaphore_mem>> -> memref<!tpu.dma_semaphore, #tpu.memory_space<semaphore_mem>>
        %dma_start3A_262 = tpu.memref_slice %arg3[%mul3A_257] : memref<322560xi32, #tpu.memory_space<hbm>> -> memref<120xi32, #tpu.memory_space<hbm>>
        tpu.enqueue_dma source(%dma_start3A_262 : memref<120xi32, #tpu.memory_space<hbm>>) target(%arg8 : memref<120xi32, #tpu.memory_space<vmem>>) target_semaphore(%dma_start3A_261 : memref<!tpu.dma_semaphore, #tpu.memory_space<semaphore_mem>>)
      } else {
      }
      %add3A_193 = arith.addi %select_n3A, %add3A_180 : i32
      %mul3A_194 = arith.constant 120 : i32
      %mul3A_195 = arith.muli %add3A_193, %mul3A_194 : i32
      %dma_wait3A_196 = arith.constant 1 : i32
      %dma_wait3A_197 = tpu.memref_slice %arg4[%mul3A_195] : memref<322560xi32, #tpu.memory_space<hbm>> -> memref<120xi32, #tpu.memory_space<hbm>>
      %dma_wait3A_198 = tpu.memref_slice %arg18[%dma_wait3A_196] : memref<3x!tpu.dma_semaphore, #tpu.memory_space<semaphore_mem>> -> memref<1x!tpu.dma_semaphore, #tpu.memory_space<semaphore_mem>>
      %dma_wait3A_199 = tpu.memref_squeeze %dma_wait3A_198 : memref<1x!tpu.dma_semaphore, #tpu.memory_space<semaphore_mem>> -> memref<!tpu.dma_semaphore, #tpu.memory_space<semaphore_mem>>
      %dma_wait3A_200 = tpu.memref_slice %arg4[%mul3A_195] : memref<322560xi32, #tpu.memory_space<hbm>> -> memref<120xi32, #tpu.memory_space<hbm>>
      tpu.wait_dma2 semaphore(%dma_wait3A_199 : memref<!tpu.dma_semaphore, #tpu.memory_space<semaphore_mem>>) src(%dma_wait3A_200 : memref<120xi32, #tpu.memory_space<hbm>>) dst(%arg11 : memref<120xi32, #tpu.memory_space<vmem>>)
      %dma_start3A_201 = arith.constant 1 : i32
      %dma_start3A_202 = arith.constant 0 : i32
      %dma_start3A_203 = arith.constant 0 : i32
      %dma_start3A_204 = tpu.memref_slice %arg16[%dma_start3A_202, %dma_start3A_203] : memref<10112x128xf32, #tpu.memory_space<vmem_shared>> -> memref<10112x128xf32, #tpu.memory_space<vmem_shared>>
      %dma_start3A_205 = tpu.memref_slice %arg20[%dma_start3A_201] : memref<3x!tpu.dma_semaphore, #tpu.memory_space<semaphore_mem>> -> memref<1x!tpu.dma_semaphore, #tpu.memory_space<semaphore_mem>>
      %dma_start3A_206 = tpu.memref_squeeze %dma_start3A_205 : memref<1x!tpu.dma_semaphore, #tpu.memory_space<semaphore_mem>> -> memref<!tpu.dma_semaphore, #tpu.memory_space<semaphore_mem>>
      tpu.enqueue_indirect_dma source(%arg14 : memref<120x128xf32, #tpu.memory_space<vmem>>) target(%dma_start3A_204 : memref<10112x128xf32, #tpu.memory_space<vmem_shared>>) offsets(%arg11 : memref<120xi32, #tpu.memory_space<vmem>>) semaphore(%dma_start3A_206 : memref<!tpu.dma_semaphore, #tpu.memory_space<semaphore_mem>>) {add = true}
      %dma_wait3A_207 = arith.constant 1 : i32
      %dma_wait3A_208 = arith.constant 0 : i32
      %dma_wait3A_209 = arith.constant 0 : i32
      %dma_wait3A_210 = tpu.memref_slice %arg16[%dma_wait3A_208, %dma_wait3A_209] : memref<10112x128xf32, #tpu.memory_space<vmem_shared>> -> memref<10112x128xf32, #tpu.memory_space<vmem_shared>>
      %dma_wait3A_211 = tpu.memref_slice %arg20[%dma_wait3A_207] : memref<3x!tpu.dma_semaphore, #tpu.memory_space<semaphore_mem>> -> memref<1x!tpu.dma_semaphore, #tpu.memory_space<semaphore_mem>>
      %dma_wait3A_212 = tpu.memref_squeeze %dma_wait3A_211 : memref<1x!tpu.dma_semaphore, #tpu.memory_space<semaphore_mem>> -> memref<!tpu.dma_semaphore, #tpu.memory_space<semaphore_mem>>
      tpu.wait_indirect_dma semaphore(%dma_wait3A_212 : memref<!tpu.dma_semaphore, #tpu.memory_space<semaphore_mem>>) src(%arg14 : memref<120x128xf32, #tpu.memory_space<vmem>>) dst(%dma_wait3A_210 : memref<10112x128xf32, #tpu.memory_space<vmem_shared>>)
      %lt3A_213 = arith.cmpi slt, %add3A_182, %select_n3A_8 : i32
      %convert_element_type3A_214 = arith.extui %lt3A_213 : i1 to i32
      %cond3A_215 = arith.constant 0 : i32
      %cond3A_216 = arith.cmpi ne, %convert_element_type3A_214, %cond3A_215 : i32
      scf.if %cond3A_216 {
        %add3A_255 = arith.addi %select_n3A, %add3A_182 : i32
        %mul3A_256 = arith.constant 120 : i32
        %mul3A_257 = arith.muli %add3A_255, %mul3A_256 : i32
        %dma_start3A_258 = arith.constant 1 : i32
        %dma_start3A_259 = tpu.memref_slice %arg4[%mul3A_257] : memref<322560xi32, #tpu.memory_space<hbm>> -> memref<120xi32, #tpu.memory_space<hbm>>
        %dma_start3A_260 = tpu.memref_slice %arg18[%dma_start3A_258] : memref<3x!tpu.dma_semaphore, #tpu.memory_space<semaphore_mem>> -> memref<1x!tpu.dma_semaphore, #tpu.memory_space<semaphore_mem>>
        %dma_start3A_261 = tpu.memref_squeeze %dma_start3A_260 : memref<1x!tpu.dma_semaphore, #tpu.memory_space<semaphore_mem>> -> memref<!tpu.dma_semaphore, #tpu.memory_space<semaphore_mem>>
        %dma_start3A_262 = tpu.memref_slice %arg4[%mul3A_257] : memref<322560xi32, #tpu.memory_space<hbm>> -> memref<120xi32, #tpu.memory_space<hbm>>
        tpu.enqueue_dma source(%dma_start3A_262 : memref<120xi32, #tpu.memory_space<hbm>>) target(%arg11 : memref<120xi32, #tpu.memory_space<vmem>>) target_semaphore(%dma_start3A_261 : memref<!tpu.dma_semaphore, #tpu.memory_space<semaphore_mem>>)
        %add3A_263 = arith.addi %select_n3A, %add3A_182 : i32
        %mul3A_264 = arith.constant 120 : i32
        %mul3A_265 = arith.muli %add3A_263, %mul3A_264 : i32
        %dma_wait3A_266 = arith.constant 1 : i32
        %dma_wait3A_267 = tpu.memref_slice %arg3[%mul3A_265] : memref<322560xi32, #tpu.memory_space<hbm>> -> memref<120xi32, #tpu.memory_space<hbm>>
        %dma_wait3A_268 = tpu.memref_slice %arg17[%dma_wait3A_266] : memref<3x!tpu.dma_semaphore, #tpu.memory_space<semaphore_mem>> -> memref<1x!tpu.dma_semaphore, #tpu.memory_space<semaphore_mem>>
        %dma_wait3A_269 = tpu.memref_squeeze %dma_wait3A_268 : memref<1x!tpu.dma_semaphore, #tpu.memory_space<semaphore_mem>> -> memref<!tpu.dma_semaphore, #tpu.memory_space<semaphore_mem>>
        %dma_wait3A_270 = tpu.memref_slice %arg3[%mul3A_265] : memref<322560xi32, #tpu.memory_space<hbm>> -> memref<120xi32, #tpu.memory_space<hbm>>
        tpu.wait_dma2 semaphore(%dma_wait3A_269 : memref<!tpu.dma_semaphore, #tpu.memory_space<semaphore_mem>>) src(%dma_wait3A_270 : memref<120xi32, #tpu.memory_space<hbm>>) dst(%arg8 : memref<120xi32, #tpu.memory_space<vmem>>)
        %dma_start3A_271 = arith.constant 1 : i32
        %dma_start3A_272 = arith.constant 0 : i32
        %dma_start3A_273 = arith.constant 0 : i32
        %dma_start3A_274 = tpu.memref_slice %arg2[%dma_start3A_272, %dma_start3A_273] : memref<10000x128xf32, #tpu.memory_space<hbm>> -> memref<10000x128xf32, #tpu.memory_space<hbm>>
        %dma_start3A_275 = tpu.memref_slice %arg19[%dma_start3A_271] : memref<3x!tpu.dma_semaphore, #tpu.memory_space<semaphore_mem>> -> memref<1x!tpu.dma_semaphore, #tpu.memory_space<semaphore_mem>>
        %dma_start3A_276 = tpu.memref_squeeze %dma_start3A_275 : memref<1x!tpu.dma_semaphore, #tpu.memory_space<semaphore_mem>> -> memref<!tpu.dma_semaphore, #tpu.memory_space<semaphore_mem>>
        tpu.enqueue_indirect_dma source(%dma_start3A_274 : memref<10000x128xf32, #tpu.memory_space<hbm>>) target(%arg14 : memref<120x128xf32, #tpu.memory_space<vmem>>) offsets(%arg8 : memref<120xi32, #tpu.memory_space<vmem>>) semaphore(%dma_start3A_276 : memref<!tpu.dma_semaphore, #tpu.memory_space<semaphore_mem>>)
      } else {
      }
      %add3A_217 = arith.constant 2 : i32
      %add3A_218 = arith.addi %mul3A_143, %add3A_217 : i32
      %add3A_219 = arith.constant 3 : i32
      %add3A_220 = arith.addi %add3A_218, %add3A_219 : i32
      %dma_wait3A_221 = arith.constant 2 : i32
      %dma_wait3A_222 = arith.constant 0 : i32
      %dma_wait3A_223 = arith.constant 0 : i32
      %dma_wait3A_224 = tpu.memref_slice %arg2[%dma_wait3A_222, %dma_wait3A_223] : memref<10000x128xf32, #tpu.memory_space<hbm>> -> memref<10000x128xf32, #tpu.memory_space<hbm>>
      %dma_wait3A_225 = tpu.memref_slice %arg19[%dma_wait3A_221] : memref<3x!tpu.dma_semaphore, #tpu.memory_space<semaphore_mem>> -> memref<1x!tpu.dma_semaphore, #tpu.memory_space<semaphore_mem>>
      %dma_wait3A_226 = tpu.memref_squeeze %dma_wait3A_225 : memref<1x!tpu.dma_semaphore, #tpu.memory_space<semaphore_mem>> -> memref<!tpu.dma_semaphore, #tpu.memory_space<semaphore_mem>>
      tpu.wait_indirect_dma semaphore(%dma_wait3A_226 : memref<!tpu.dma_semaphore, #tpu.memory_space<semaphore_mem>>) src(%dma_wait3A_224 : memref<10000x128xf32, #tpu.memory_space<hbm>>) dst(%arg15 : memref<120x128xf32, #tpu.memory_space<vmem>>)
      %lt3A_227 = arith.cmpi slt, %add3A_220, %select_n3A_8 : i32
      %convert_element_type3A_228 = arith.extui %lt3A_227 : i1 to i32
      %cond3A_229 = arith.constant 0 : i32
      %cond3A_230 = arith.cmpi ne, %convert_element_type3A_228, %cond3A_229 : i32
      scf.if %cond3A_230 {
        %add3A_255 = arith.addi %select_n3A, %add3A_220 : i32
        %mul3A_256 = arith.constant 120 : i32
        %mul3A_257 = arith.muli %add3A_255, %mul3A_256 : i32
        %dma_start3A_258 = arith.constant 2 : i32
        %dma_start3A_259 = tpu.memref_slice %arg3[%mul3A_257] : memref<322560xi32, #tpu.memory_space<hbm>> -> memref<120xi32, #tpu.memory_space<hbm>>
        %dma_start3A_260 = tpu.memref_slice %arg17[%dma_start3A_258] : memref<3x!tpu.dma_semaphore, #tpu.memory_space<semaphore_mem>> -> memref<1x!tpu.dma_semaphore, #tpu.memory_space<semaphore_mem>>
        %dma_start3A_261 = tpu.memref_squeeze %dma_start3A_260 : memref<1x!tpu.dma_semaphore, #tpu.memory_space<semaphore_mem>> -> memref<!tpu.dma_semaphore, #tpu.memory_space<semaphore_mem>>
        %dma_start3A_262 = tpu.memref_slice %arg3[%mul3A_257] : memref<322560xi32, #tpu.memory_space<hbm>> -> memref<120xi32, #tpu.memory_space<hbm>>
        tpu.enqueue_dma source(%dma_start3A_262 : memref<120xi32, #tpu.memory_space<hbm>>) target(%arg9 : memref<120xi32, #tpu.memory_space<vmem>>) target_semaphore(%dma_start3A_261 : memref<!tpu.dma_semaphore, #tpu.memory_space<semaphore_mem>>)
      } else {
      }
      %add3A_231 = arith.addi %select_n3A, %add3A_218 : i32
      %mul3A_232 = arith.constant 120 : i32
      %mul3A_233 = arith.muli %add3A_231, %mul3A_232 : i32
      %dma_wait3A_234 = arith.constant 2 : i32
      %dma_wait3A_235 = tpu.memref_slice %arg4[%mul3A_233] : memref<322560xi32, #tpu.memory_space<hbm>> -> memref<120xi32, #tpu.memory_space<hbm>>
      %dma_wait3A_236 = tpu.memref_slice %arg18[%dma_wait3A_234] : memref<3x!tpu.dma_semaphore, #tpu.memory_space<semaphore_mem>> -> memref<1x!tpu.dma_semaphore, #tpu.memory_space<semaphore_mem>>
      %dma_wait3A_237 = tpu.memref_squeeze %dma_wait3A_236 : memref<1x!tpu.dma_semaphore, #tpu.memory_space<semaphore_mem>> -> memref<!tpu.dma_semaphore, #tpu.memory_space<semaphore_mem>>
      %dma_wait3A_238 = tpu.memref_slice %arg4[%mul3A_233] : memref<322560xi32, #tpu.memory_space<hbm>> -> memref<120xi32, #tpu.memory_space<hbm>>
      tpu.wait_dma2 semaphore(%dma_wait3A_237 : memref<!tpu.dma_semaphore, #tpu.memory_space<semaphore_mem>>) src(%dma_wait3A_238 : memref<120xi32, #tpu.memory_space<hbm>>) dst(%arg12 : memref<120xi32, #tpu.memory_space<vmem>>)
      %dma_start3A_239 = arith.constant 2 : i32
      %dma_start3A_240 = arith.constant 0 : i32
      %dma_start3A_241 = arith.constant 0 : i32
      %dma_start3A_242 = tpu.memref_slice %arg16[%dma_start3A_240, %dma_start3A_241] : memref<10112x128xf32, #tpu.memory_space<vmem_shared>> -> memref<10112x128xf32, #tpu.memory_space<vmem_shared>>
      %dma_start3A_243 = tpu.memref_slice %arg20[%dma_start3A_239] : memref<3x!tpu.dma_semaphore, #tpu.memory_space<semaphore_mem>> -> memref<1x!tpu.dma_semaphore, #tpu.memory_space<semaphore_mem>>
      %dma_start3A_244 = tpu.memref_squeeze %dma_start3A_243 : memref<1x!tpu.dma_semaphore, #tpu.memory_space<semaphore_mem>> -> memref<!tpu.dma_semaphore, #tpu.memory_space<semaphore_mem>>
      tpu.enqueue_indirect_dma source(%arg15 : memref<120x128xf32, #tpu.memory_space<vmem>>) target(%dma_start3A_242 : memref<10112x128xf32, #tpu.memory_space<vmem_shared>>) offsets(%arg12 : memref<120xi32, #tpu.memory_space<vmem>>) semaphore(%dma_start3A_244 : memref<!tpu.dma_semaphore, #tpu.memory_space<semaphore_mem>>) {add = true}
      %dma_wait3A_245 = arith.constant 2 : i32
      %dma_wait3A_246 = arith.constant 0 : i32
      %dma_wait3A_247 = arith.constant 0 : i32
      %dma_wait3A_248 = tpu.memref_slice %arg16[%dma_wait3A_246, %dma_wait3A_247] : memref<10112x128xf32, #tpu.memory_space<vmem_shared>> -> memref<10112x128xf32, #tpu.memory_space<vmem_shared>>
      %dma_wait3A_249 = tpu.memref_slice %arg20[%dma_wait3A_245] : memref<3x!tpu.dma_semaphore, #tpu.memory_space<semaphore_mem>> -> memref<1x!tpu.dma_semaphore, #tpu.memory_space<semaphore_mem>>
      %dma_wait3A_250 = tpu.memref_squeeze %dma_wait3A_249 : memref<1x!tpu.dma_semaphore, #tpu.memory_space<semaphore_mem>> -> memref<!tpu.dma_semaphore, #tpu.memory_space<semaphore_mem>>
      tpu.wait_indirect_dma semaphore(%dma_wait3A_250 : memref<!tpu.dma_semaphore, #tpu.memory_space<semaphore_mem>>) src(%arg15 : memref<120x128xf32, #tpu.memory_space<vmem>>) dst(%dma_wait3A_248 : memref<10112x128xf32, #tpu.memory_space<vmem_shared>>)
      %lt3A_251 = arith.cmpi slt, %add3A_220, %select_n3A_8 : i32
      %convert_element_type3A_252 = arith.extui %lt3A_251 : i1 to i32
      %cond3A_253 = arith.constant 0 : i32
      %cond3A_254 = arith.cmpi ne, %convert_element_type3A_252, %cond3A_253 : i32
      scf.if %cond3A_254 {
        %add3A_255 = arith.addi %select_n3A, %add3A_220 : i32
        %mul3A_256 = arith.constant 120 : i32
        %mul3A_257 = arith.muli %add3A_255, %mul3A_256 : i32
        %dma_start3A_258 = arith.constant 2 : i32
        %dma_start3A_259 = tpu.memref_slice %arg4[%mul3A_257] : memref<322560xi32, #tpu.memory_space<hbm>> -> memref<120xi32, #tpu.memory_space<hbm>>
        %dma_start3A_260 = tpu.memref_slice %arg18[%dma_start3A_258] : memref<3x!tpu.dma_semaphore, #tpu.memory_space<semaphore_mem>> -> memref<1x!tpu.dma_semaphore, #tpu.memory_space<semaphore_mem>>
        %dma_start3A_261 = tpu.memref_squeeze %dma_start3A_260 : memref<1x!tpu.dma_semaphore, #tpu.memory_space<semaphore_mem>> -> memref<!tpu.dma_semaphore, #tpu.memory_space<semaphore_mem>>
        %dma_start3A_262 = tpu.memref_slice %arg4[%mul3A_257] : memref<322560xi32, #tpu.memory_space<hbm>> -> memref<120xi32, #tpu.memory_space<hbm>>
        tpu.enqueue_dma source(%dma_start3A_262 : memref<120xi32, #tpu.memory_space<hbm>>) target(%arg12 : memref<120xi32, #tpu.memory_space<vmem>>) target_semaphore(%dma_start3A_261 : memref<!tpu.dma_semaphore, #tpu.memory_space<semaphore_mem>>)
        %add3A_263 = arith.addi %select_n3A, %add3A_220 : i32
        %mul3A_264 = arith.constant 120 : i32
        %mul3A_265 = arith.muli %add3A_263, %mul3A_264 : i32
        %dma_wait3A_266 = arith.constant 2 : i32
        %dma_wait3A_267 = tpu.memref_slice %arg3[%mul3A_265] : memref<322560xi32, #tpu.memory_space<hbm>> -> memref<120xi32, #tpu.memory_space<hbm>>
        %dma_wait3A_268 = tpu.memref_slice %arg17[%dma_wait3A_266] : memref<3x!tpu.dma_semaphore, #tpu.memory_space<semaphore_mem>> -> memref<1x!tpu.dma_semaphore, #tpu.memory_space<semaphore_mem>>
        %dma_wait3A_269 = tpu.memref_squeeze %dma_wait3A_268 : memref<1x!tpu.dma_semaphore, #tpu.memory_space<semaphore_mem>> -> memref<!tpu.dma_semaphore, #tpu.memory_space<semaphore_mem>>
        %dma_wait3A_270 = tpu.memref_slice %arg3[%mul3A_265] : memref<322560xi32, #tpu.memory_space<hbm>> -> memref<120xi32, #tpu.memory_space<hbm>>
        tpu.wait_dma2 semaphore(%dma_wait3A_269 : memref<!tpu.dma_semaphore, #tpu.memory_space<semaphore_mem>>) src(%dma_wait3A_270 : memref<120xi32, #tpu.memory_space<hbm>>) dst(%arg9 : memref<120xi32, #tpu.memory_space<vmem>>)
        %dma_start3A_271 = arith.constant 2 : i32
        %dma_start3A_272 = arith.constant 0 : i32
        %dma_start3A_273 = arith.constant 0 : i32
        %dma_start3A_274 = tpu.memref_slice %arg2[%dma_start3A_272, %dma_start3A_273] : memref<10000x128xf32, #tpu.memory_space<hbm>> -> memref<10000x128xf32, #tpu.memory_space<hbm>>
        %dma_start3A_275 = tpu.memref_slice %arg19[%dma_start3A_271] : memref<3x!tpu.dma_semaphore, #tpu.memory_space<semaphore_mem>> -> memref<1x!tpu.dma_semaphore, #tpu.memory_space<semaphore_mem>>
        %dma_start3A_276 = tpu.memref_squeeze %dma_start3A_275 : memref<1x!tpu.dma_semaphore, #tpu.memory_space<semaphore_mem>> -> memref<!tpu.dma_semaphore, #tpu.memory_space<semaphore_mem>>
        tpu.enqueue_indirect_dma source(%dma_start3A_274 : memref<10000x128xf32, #tpu.memory_space<hbm>>) target(%arg15 : memref<120x128xf32, #tpu.memory_space<vmem>>) offsets(%arg9 : memref<120xi32, #tpu.memory_space<vmem>>) semaphore(%dma_start3A_276 : memref<!tpu.dma_semaphore, #tpu.memory_space<semaphore_mem>>)
      } else {
      }
    }
    %barrier3A_136 = arith.constant 0 : index
    tpu.barrier barrier_id(%barrier3A_136)
    %mul3A_137 = arith.constant 632 : i32
    %mul3A_138 = arith.muli %arg1, %mul3A_137 : i32
    %mul3A_139 = arith.constant 632 : i32
    %mul3A_140 = arith.muli %arg1, %mul3A_139 : i32
    "tpu.region"() ({
      %run_scoped3A = tpu.sem_alloc : memref<!tpu.dma_semaphore, #tpu.memory_space<semaphore_mem>>
      %dma_start3A_141 = arith.constant 0 : i32
      %dma_start3A_142 = tpu.memref_slice %arg6[%arg0, %mul3A_140, %dma_start3A_141] : memref<2x10112x128xf32, #tpu.memory_space<hbm>> -> memref<1x632x128xf32, #tpu.memory_space<hbm>>
      %dma_start3A_143 = tpu.memref_squeeze %dma_start3A_142 : memref<1x632x128xf32, #tpu.memory_space<hbm>> -> memref<632x128xf32, #tpu.memory_space<hbm>>
      %dma_start3A_144 = arith.constant 0 : i32
      %dma_start3A_145 = tpu.memref_slice %arg16[%mul3A_138, %dma_start3A_144] : memref<10112x128xf32, #tpu.memory_space<vmem_shared>> -> memref<632x128xf32, #tpu.memory_space<vmem_shared>>
      tpu.enqueue_dma source(%dma_start3A_145 : memref<632x128xf32, #tpu.memory_space<vmem_shared>>) target(%dma_start3A_143 : memref<632x128xf32, #tpu.memory_space<hbm>>) target_semaphore(%run_scoped3A : memref<!tpu.dma_semaphore, #tpu.memory_space<semaphore_mem>>)
      %dma_wait3A_146 = arith.constant 0 : i32
      %dma_wait3A_147 = tpu.memref_slice %arg6[%arg0, %mul3A_140, %dma_wait3A_146] : memref<2x10112x128xf32, #tpu.memory_space<hbm>> -> memref<1x632x128xf32, #tpu.memory_space<hbm>>
      %dma_wait3A_148 = tpu.memref_squeeze %dma_wait3A_147 : memref<1x632x128xf32, #tpu.memory_space<hbm>> -> memref<632x128xf32, #tpu.memory_space<hbm>>
      %dma_wait3A_149 = arith.constant 0 : i32
      %dma_wait3A_150 = tpu.memref_slice %arg16[%mul3A_138, %dma_wait3A_149] : memref<10112x128xf32, #tpu.memory_space<vmem_shared>> -> memref<632x128xf32, #tpu.memory_space<vmem_shared>>
      tpu.wait_dma2 semaphore(%run_scoped3A : memref<!tpu.dma_semaphore, #tpu.memory_space<semaphore_mem>>) src(%dma_wait3A_150 : memref<632x128xf32, #tpu.memory_space<vmem_shared>>) dst(%dma_wait3A_148 : memref<632x128xf32, #tpu.memory_space<hbm>>)
      tpu.yield
    }) : () -> ()
    return
  }
}

#map = affine_map<(d0, d1) -> (0, 0, 0, 0)>
#map1 = affine_map<(d0, d1) -> (0, 0, 0)>
module attributes {stable_mosaic.version = 14 : i64} {
  func.func @_deg_body(%arg0: i32, %arg1: i32, %arg2: memref<2x16x625x16xi32, #tpu.memory_space<hbm>>, %arg3: memref<2x16x10112xf32, #tpu.memory_space<hbm>>, %arg4: memref<625x16xi32, #tpu.memory_space<vmem>>, %arg5: memref<10112xf32, #tpu.memory_space<vmem>>, %arg6: memref<!tpu.dma_semaphore, #tpu.memory_space<semaphore_mem>>) attributes {dimension_semantics = [#tpu.dimension_semantics<core_parallel>, #tpu.dimension_semantics<subcore_parallel>], iteration_bounds = array<i64: 2, 16>, scalar_prefetch = 0 : i64, scratch_operands = 3 : i64, tpu.core_type = #tpu.core_type<sc_vector_subcore>, window_params = [{transform_indices = #map}, {transform_indices = #map1}]} {
    %dma_start3A = arith.constant 0 : i32
    %dma_start3A_0 = arith.constant 0 : i32
    %dma_start3A_1 = tpu.memref_slice %arg2[%arg0, %arg1, %dma_start3A, %dma_start3A_0] : memref<2x16x625x16xi32, #tpu.memory_space<hbm>> -> memref<1x1x625x16xi32, #tpu.memory_space<hbm>>
    %dma_start3A_2 = tpu.memref_squeeze %dma_start3A_1 : memref<1x1x625x16xi32, #tpu.memory_space<hbm>> -> memref<625x16xi32, #tpu.memory_space<hbm>>
    %dma_start3A_3 = arith.constant 0 : i32
    %dma_start3A_4 = arith.constant 0 : i32
    %dma_start3A_5 = tpu.memref_slice %arg2[%arg0, %arg1, %dma_start3A_3, %dma_start3A_4] : memref<2x16x625x16xi32, #tpu.memory_space<hbm>> -> memref<1x1x625x16xi32, #tpu.memory_space<hbm>>
    %dma_start3A_6 = tpu.memref_squeeze %dma_start3A_5 : memref<1x1x625x16xi32, #tpu.memory_space<hbm>> -> memref<625x16xi32, #tpu.memory_space<hbm>>
    tpu.enqueue_dma source(%dma_start3A_6 : memref<625x16xi32, #tpu.memory_space<hbm>>) target(%arg4 : memref<625x16xi32, #tpu.memory_space<vmem>>) target_semaphore(%arg6 : memref<!tpu.dma_semaphore, #tpu.memory_space<semaphore_mem>>)
    %dma_wait3A = arith.constant 0 : i32
    %dma_wait3A_7 = arith.constant 0 : i32
    %dma_wait3A_8 = tpu.memref_slice %arg2[%arg0, %arg1, %dma_wait3A, %dma_wait3A_7] : memref<2x16x625x16xi32, #tpu.memory_space<hbm>> -> memref<1x1x625x16xi32, #tpu.memory_space<hbm>>
    %dma_wait3A_9 = tpu.memref_squeeze %dma_wait3A_8 : memref<1x1x625x16xi32, #tpu.memory_space<hbm>> -> memref<625x16xi32, #tpu.memory_space<hbm>>
    %dma_wait3A_10 = arith.constant 0 : i32
    %dma_wait3A_11 = arith.constant 0 : i32
    %dma_wait3A_12 = tpu.memref_slice %arg2[%arg0, %arg1, %dma_wait3A_10, %dma_wait3A_11] : memref<2x16x625x16xi32, #tpu.memory_space<hbm>> -> memref<1x1x625x16xi32, #tpu.memory_space<hbm>>
    %dma_wait3A_13 = tpu.memref_squeeze %dma_wait3A_12 : memref<1x1x625x16xi32, #tpu.memory_space<hbm>> -> memref<625x16xi32, #tpu.memory_space<hbm>>
    tpu.wait_dma2 semaphore(%arg6 : memref<!tpu.dma_semaphore, #tpu.memory_space<semaphore_mem>>) src(%dma_wait3A_13 : memref<625x16xi32, #tpu.memory_space<hbm>>) dst(%arg4 : memref<625x16xi32, #tpu.memory_space<vmem>>)
    %scan3A = arith.constant 0 : i32
    %scan3A_14 = arith.constant 632 : i32
    %scan3A_15 = arith.addi %scan3A, %scan3A_14 : i32
    %scan3A_16 = arith.constant 1 : i32
    scf.for %scan3A_24 = %scan3A to %scan3A_15 step %scan3A_16  : i32 {
      %broadcast_in_dim3A_25 = arith.constant 0.000000e+00 : f32
      %broadcast_in_dim3A_26 = vector.broadcast %broadcast_in_dim3A_25 : f32 to vector<16xf32>
      %mul3A = arith.constant 16 : i32
      %mul3A_27 = arith.muli %scan3A_24, %mul3A : i32
      %swap3A = arith.index_cast %mul3A_27 : i32 to index
      %swap3A_28 = tpu.vector_load %arg5[%swap3A] {strides = array<i32>} : memref<10112xf32, #tpu.memory_space<vmem>>, vector<16xf32>,
      tpu.vector_store %arg5[%swap3A], %broadcast_in_dim3A_26 {strides = array<i32>} : memref<10112xf32, #tpu.memory_space<vmem>>, vector<16xf32>,
    }
    %scan3A_17 = arith.constant 632 : i32
    %broadcast_in_dim3A = arith.constant 1.000000e+00 : f32
    %broadcast_in_dim3A_18 = vector.broadcast %broadcast_in_dim3A : f32 to vector<16xf32>
    %scan3A_19 = arith.constant 0 : i32
    %scan3A_20 = arith.constant 625 : i32
    %scan3A_21 = arith.addi %scan3A_19, %scan3A_20 : i32
    %scan3A_22 = arith.constant 1 : i32
    scf.for %scan3A_24 = %scan3A_19 to %scan3A_21 step %scan3A_22  : i32 {
      %get3A = arith.index_cast %scan3A_24 : i32 to index
      %get3A_25 = arith.constant 0 : index
      %get3A_26 = tpu.vector_load %arg4[%get3A, %get3A_25] {strides = array<i32>} : memref<625x16xi32, #tpu.memory_space<vmem>>, vector<16xi32>,
      tpu.vector_store_idx %arg5[%get3A_26], %broadcast_in_dim3A_18 {add = true} : memref<10112xf32, #tpu.memory_space<vmem>>[vector<16xi32>], vector<16xf32>,
    }
    %scan3A_23 = arith.constant 625 : i32
    "tpu.region"() ({
      %run_scoped3A = tpu.sem_alloc : memref<!tpu.dma_semaphore, #tpu.memory_space<semaphore_mem>>
      %dma_start3A_24 = arith.constant 0 : i32
      %dma_start3A_25 = tpu.memref_slice %arg3[%arg0, %arg1, %dma_start3A_24] : memref<2x16x10112xf32, #tpu.memory_space<hbm>> -> memref<1x1x10112xf32, #tpu.memory_space<hbm>>
      %dma_start3A_26 = tpu.memref_squeeze %dma_start3A_25 : memref<1x1x10112xf32, #tpu.memory_space<hbm>> -> memref<10112xf32, #tpu.memory_space<hbm>>
      %dma_start3A_27 = arith.constant 0 : i32
      %dma_start3A_28 = tpu.memref_slice %arg3[%arg0, %arg1, %dma_start3A_27] : memref<2x16x10112xf32, #tpu.memory_space<hbm>> -> memref<1x1x10112xf32, #tpu.memory_space<hbm>>
      %dma_start3A_29 = tpu.memref_squeeze %dma_start3A_28 : memref<1x1x10112xf32, #tpu.memory_space<hbm>> -> memref<10112xf32, #tpu.memory_space<hbm>>
      tpu.enqueue_dma source(%arg5 : memref<10112xf32, #tpu.memory_space<vmem>>) target(%dma_start3A_29 : memref<10112xf32, #tpu.memory_space<hbm>>) target_semaphore(%run_scoped3A : memref<!tpu.dma_semaphore, #tpu.memory_space<semaphore_mem>>)
      %dma_wait3A_30 = arith.constant 0 : i32
      %dma_wait3A_31 = tpu.memref_slice %arg3[%arg0, %arg1, %dma_wait3A_30] : memref<2x16x10112xf32, #tpu.memory_space<hbm>> -> memref<1x1x10112xf32, #tpu.memory_space<hbm>>
      %dma_wait3A_32 = tpu.memref_squeeze %dma_wait3A_31 : memref<1x1x10112xf32, #tpu.memory_space<hbm>> -> memref<10112xf32, #tpu.memory_space<hbm>>
      %dma_wait3A_33 = arith.constant 0 : i32
      %dma_wait3A_34 = tpu.memref_slice %arg3[%arg0, %arg1, %dma_wait3A_33] : memref<2x16x10112xf32, #tpu.memory_space<hbm>> -> memref<1x1x10112xf32, #tpu.memory_space<hbm>>
      %dma_wait3A_35 = tpu.memref_squeeze %dma_wait3A_34 : memref<1x1x10112xf32, #tpu.memory_space<hbm>> -> memref<10112xf32, #tpu.memory_space<hbm>>
      tpu.wait_dma2 semaphore(%run_scoped3A : memref<!tpu.dma_semaphore, #tpu.memory_space<semaphore_mem>>) src(%arg5 : memref<10112xf32, #tpu.memory_space<vmem>>) dst(%dma_wait3A_35 : memref<10112xf32, #tpu.memory_space<hbm>>)
      tpu.yield
    }) : () -> ()
    return
  }
}

#map = affine_map<(d0, d1) -> (0, 0)>
#map1 = affine_map<(d0, d1) -> (0)>
#map2 = affine_map<(d0, d1) -> (0, 0, 0)>
module attributes {stable_mosaic.version = 14 : i64} {
  func.func @_agg_body(%arg0: i32, %arg1: i32, %arg2: memref<10000x128xf32, #tpu.memory_space<hbm>>, %arg3: memref<322560xi32, #tpu.memory_space<hbm>>, %arg4: memref<322560xi32, #tpu.memory_space<hbm>>, %arg5: memref<10112x128xf32, #tpu.memory_space<hbm>>, %arg6: memref<2x10112x128xf32, #tpu.memory_space<hbm>>, %arg7: memref<120xi32, #tpu.memory_space<vmem>>, %arg8: memref<120xi32, #tpu.memory_space<vmem>>, %arg9: memref<120xi32, #tpu.memory_space<vmem>>, %arg10: memref<120xi32, #tpu.memory_space<vmem>>, %arg11: memref<120xi32, #tpu.memory_space<vmem>>, %arg12: memref<120xi32, #tpu.memory_space<vmem>>, %arg13: memref<120x128xf32, #tpu.memory_space<vmem>>, %arg14: memref<120x128xf32, #tpu.memory_space<vmem>>, %arg15: memref<120x128xf32, #tpu.memory_space<vmem>>, %arg16: memref<10112x128xf32, #tpu.memory_space<vmem_shared>>, %arg17: memref<3x!tpu.dma_semaphore, #tpu.memory_space<semaphore_mem>>, %arg18: memref<3x!tpu.dma_semaphore, #tpu.memory_space<semaphore_mem>>, %arg19: memref<3x!tpu.dma_semaphore, #tpu.memory_space<semaphore_mem>>, %arg20: memref<3x!tpu.dma_semaphore, #tpu.memory_space<semaphore_mem>>) attributes {dimension_semantics = [#tpu.dimension_semantics<core_parallel>, #tpu.dimension_semantics<subcore_parallel>], iteration_bounds = array<i64: 2, 16>, scalar_prefetch = 0 : i64, scratch_operands = 14 : i64, tpu.core_type = #tpu.core_type<sc_vector_subcore>, window_params = [{transform_indices = #map}, {transform_indices = #map1}, {transform_indices = #map1}, {transform_indices = #map}, {transform_indices = #map2}]} {
    %eq3A = arith.constant 0 : i32
    %eq3A_0 = arith.cmpi eq, %arg0, %eq3A : i32
    %mul3A = arith.constant 153 : i32
    %mul3A_1 = arith.muli %arg1, %mul3A : i32
    %mul3A_2 = arith.constant 15 : i32
    %mul3A_3 = arith.muli %arg1, %mul3A_2 : i32
    %add3A = arith.constant 2448 : i32
    %add3A_4 = arith.addi %add3A, %mul3A_3 : i32
    %select_n3A = arith.select %eq3A_0, %mul3A_1, %add3A_4 : i32
    %eq3A_5 = arith.constant 0 : i32
    %eq3A_6 = arith.cmpi eq, %arg0, %eq3A_5 : i32
    %jit3A = arith.constant 153 : i32
    %jit3A_7 = arith.constant 15 : i32
    %select_n3A_8 = arith.select %eq3A_6, %jit3A, %jit3A_7 : i32
    %mul3A_9 = arith.constant 632 : i32
    %mul3A_10 = arith.muli %arg1, %mul3A_9 : i32
    %mul3A_11 = arith.constant 632 : i32
    %mul3A_12 = arith.muli %arg1, %mul3A_11 : i32
    "tpu.region"() ({
      %run_scoped3A = tpu.sem_alloc : memref<!tpu.dma_semaphore, #tpu.memory_space<semaphore_mem>>
      %dma_start3A_141 = arith.constant 0 : i32
      %dma_start3A_142 = tpu.memref_slice %arg16[%mul3A_12, %dma_start3A_141] : memref<10112x128xf32, #tpu.memory_space<vmem_shared>> -> memref<632x128xf32, #tpu.memory_space<vmem_shared>>
      %dma_start3A_143 = arith.constant 0 : i32
      %dma_start3A_144 = tpu.memref_slice %arg5[%mul3A_10, %dma_start3A_143] : memref<10112x128xf32, #tpu.memory_space<hbm>> -> memref<632x128xf32, #tpu.memory_space<hbm>>
      tpu.enqueue_dma source(%dma_start3A_144 : memref<632x128xf32, #tpu.memory_space<hbm>>) target(%dma_start3A_142 : memref<632x128xf32, #tpu.memory_space<vmem_shared>>) target_semaphore(%run_scoped3A : memref<!tpu.dma_semaphore, #tpu.memory_space<semaphore_mem>>)
      %dma_wait3A_145 = arith.constant 0 : i32
      %dma_wait3A_146 = tpu.memref_slice %arg16[%mul3A_12, %dma_wait3A_145] : memref<10112x128xf32, #tpu.memory_space<vmem_shared>> -> memref<632x128xf32, #tpu.memory_space<vmem_shared>>
      %dma_wait3A_147 = arith.constant 0 : i32
      %dma_wait3A_148 = tpu.memref_slice %arg5[%mul3A_10, %dma_wait3A_147] : memref<10112x128xf32, #tpu.memory_space<hbm>> -> memref<632x128xf32, #tpu.memory_space<hbm>>
      tpu.wait_dma2 semaphore(%run_scoped3A : memref<!tpu.dma_semaphore, #tpu.memory_space<semaphore_mem>>) src(%dma_wait3A_148 : memref<632x128xf32, #tpu.memory_space<hbm>>) dst(%dma_wait3A_146 : memref<632x128xf32, #tpu.memory_space<vmem_shared>>)
      tpu.yield
    }) : () -> ()
    %barrier3A = arith.constant 0 : index
    tpu.barrier barrier_id(%barrier3A)
    %add3A_13 = arith.constant 0 : i32
    %add3A_14 = arith.addi %select_n3A, %add3A_13 : i32
    %mul3A_15 = arith.constant 120 : i32
    %mul3A_16 = arith.muli %add3A_14, %mul3A_15 : i32
    %dma_start3A = arith.constant 0 : i32
    %dma_start3A_17 = tpu.memref_slice %arg3[%mul3A_16] : memref<322560xi32, #tpu.memory_space<hbm>> -> memref<120xi32, #tpu.memory_space<hbm>>
    %dma_start3A_18 = tpu.memref_slice %arg17[%dma_start3A] : memref<3x!tpu.dma_semaphore, #tpu.memory_space<semaphore_mem>> -> memref<1x!tpu.dma_semaphore, #tpu.memory_space<semaphore_mem>>
    %dma_start3A_19 = tpu.memref_squeeze %dma_start3A_18 : memref<1x!tpu.dma_semaphore, #tpu.memory_space<semaphore_mem>> -> memref<!tpu.dma_semaphore, #tpu.memory_space<semaphore_mem>>
    %dma_start3A_20 = tpu.memref_slice %arg3[%mul3A_16] : memref<322560xi32, #tpu.memory_space<hbm>> -> memref<120xi32, #tpu.memory_space<hbm>>
    tpu.enqueue_dma source(%dma_start3A_20 : memref<120xi32, #tpu.memory_space<hbm>>) target(%arg7 : memref<120xi32, #tpu.memory_space<vmem>>) target_semaphore(%dma_start3A_19 : memref<!tpu.dma_semaphore, #tpu.memory_space<semaphore_mem>>)
    %add3A_21 = arith.constant 0 : i32
    %add3A_22 = arith.addi %select_n3A, %add3A_21 : i32
    %mul3A_23 = arith.constant 120 : i32
    %mul3A_24 = arith.muli %add3A_22, %mul3A_23 : i32
    %dma_start3A_25 = arith.constant 0 : i32
    %dma_start3A_26 = tpu.memref_slice %arg4[%mul3A_24] : memref<322560xi32, #tpu.memory_space<hbm>> -> memref<120xi32, #tpu.memory_space<hbm>>
    %dma_start3A_27 = tpu.memref_slice %arg18[%dma_start3A_25] : memref<3x!tpu.dma_semaphore, #tpu.memory_space<semaphore_mem>> -> memref<1x!tpu.dma_semaphore, #tpu.memory_space<semaphore_mem>>
    %dma_start3A_28 = tpu.memref_squeeze %dma_start3A_27 : memref<1x!tpu.dma_semaphore, #tpu.memory_space<semaphore_mem>> -> memref<!tpu.dma_semaphore, #tpu.memory_space<semaphore_mem>>
    %dma_start3A_29 = tpu.memref_slice %arg4[%mul3A_24] : memref<322560xi32, #tpu.memory_space<hbm>> -> memref<120xi32, #tpu.memory_space<hbm>>
    tpu.enqueue_dma source(%dma_start3A_29 : memref<120xi32, #tpu.memory_space<hbm>>) target(%arg10 : memref<120xi32, #tpu.memory_space<vmem>>) target_semaphore(%dma_start3A_28 : memref<!tpu.dma_semaphore, #tpu.memory_space<semaphore_mem>>)
    %add3A_30 = arith.constant 1 : i32
    %add3A_31 = arith.addi %select_n3A, %add3A_30 : i32
    %mul3A_32 = arith.constant 120 : i32
    %mul3A_33 = arith.muli %add3A_31, %mul3A_32 : i32
    %dma_start3A_34 = arith.constant 1 : i32
    %dma_start3A_35 = tpu.memref_slice %arg3[%mul3A_33] : memref<322560xi32, #tpu.memory_space<hbm>> -> memref<120xi32, #tpu.memory_space<hbm>>
    %dma_start3A_36 = tpu.memref_slice %arg17[%dma_start3A_34] : memref<3x!tpu.dma_semaphore, #tpu.memory_space<semaphore_mem>> -> memref<1x!tpu.dma_semaphore, #tpu.memory_space<semaphore_mem>>
    %dma_start3A_37 = tpu.memref_squeeze %dma_start3A_36 : memref<1x!tpu.dma_semaphore, #tpu.memory_space<semaphore_mem>> -> memref<!tpu.dma_semaphore, #tpu.memory_space<semaphore_mem>>
    %dma_start3A_38 = tpu.memref_slice %arg3[%mul3A_33] : memref<322560xi32, #tpu.memory_space<hbm>> -> memref<120xi32, #tpu.memory_space<hbm>>
    tpu.enqueue_dma source(%dma_start3A_38 : memref<120xi32, #tpu.memory_space<hbm>>) target(%arg8 : memref<120xi32, #tpu.memory_space<vmem>>) target_semaphore(%dma_start3A_37 : memref<!tpu.dma_semaphore, #tpu.memory_space<semaphore_mem>>)
    %add3A_39 = arith.constant 1 : i32
    %add3A_40 = arith.addi %select_n3A, %add3A_39 : i32
    %mul3A_41 = arith.constant 120 : i32
    %mul3A_42 = arith.muli %add3A_40, %mul3A_41 : i32
    %dma_start3A_43 = arith.constant 1 : i32
    %dma_start3A_44 = tpu.memref_slice %arg4[%mul3A_42] : memref<322560xi32, #tpu.memory_space<hbm>> -> memref<120xi32, #tpu.memory_space<hbm>>
    %dma_start3A_45 = tpu.memref_slice %arg18[%dma_start3A_43] : memref<3x!tpu.dma_semaphore, #tpu.memory_space<semaphore_mem>> -> memref<1x!tpu.dma_semaphore, #tpu.memory_space<semaphore_mem>>
    %dma_start3A_46 = tpu.memref_squeeze %dma_start3A_45 : memref<1x!tpu.dma_semaphore, #tpu.memory_space<semaphore_mem>> -> memref<!tpu.dma_semaphore, #tpu.memory_space<semaphore_mem>>
    %dma_start3A_47 = tpu.memref_slice %arg4[%mul3A_42] : memref<322560xi32, #tpu.memory_space<hbm>> -> memref<120xi32, #tpu.memory_space<hbm>>
    tpu.enqueue_dma source(%dma_start3A_47 : memref<120xi32, #tpu.memory_space<hbm>>) target(%arg11 : memref<120xi32, #tpu.memory_space<vmem>>) target_semaphore(%dma_start3A_46 : memref<!tpu.dma_semaphore, #tpu.memory_space<semaphore_mem>>)
    %add3A_48 = arith.constant 2 : i32
    %add3A_49 = arith.addi %select_n3A, %add3A_48 : i32
    %mul3A_50 = arith.constant 120 : i32
    %mul3A_51 = arith.muli %add3A_49, %mul3A_50 : i32
    %dma_start3A_52 = arith.constant 2 : i32
    %dma_start3A_53 = tpu.memref_slice %arg3[%mul3A_51] : memref<322560xi32, #tpu.memory_space<hbm>> -> memref<120xi32, #tpu.memory_space<hbm>>
    %dma_start3A_54 = tpu.memref_slice %arg17[%dma_start3A_52] : memref<3x!tpu.dma_semaphore, #tpu.memory_space<semaphore_mem>> -> memref<1x!tpu.dma_semaphore, #tpu.memory_space<semaphore_mem>>
    %dma_start3A_55 = tpu.memref_squeeze %dma_start3A_54 : memref<1x!tpu.dma_semaphore, #tpu.memory_space<semaphore_mem>> -> memref<!tpu.dma_semaphore, #tpu.memory_space<semaphore_mem>>
    %dma_start3A_56 = tpu.memref_slice %arg3[%mul3A_51] : memref<322560xi32, #tpu.memory_space<hbm>> -> memref<120xi32, #tpu.memory_space<hbm>>
    tpu.enqueue_dma source(%dma_start3A_56 : memref<120xi32, #tpu.memory_space<hbm>>) target(%arg9 : memref<120xi32, #tpu.memory_space<vmem>>) target_semaphore(%dma_start3A_55 : memref<!tpu.dma_semaphore, #tpu.memory_space<semaphore_mem>>)
    %add3A_57 = arith.constant 2 : i32
    %add3A_58 = arith.addi %select_n3A, %add3A_57 : i32
    %mul3A_59 = arith.constant 120 : i32
    %mul3A_60 = arith.muli %add3A_58, %mul3A_59 : i32
    %dma_start3A_61 = arith.constant 2 : i32
    %dma_start3A_62 = tpu.memref_slice %arg4[%mul3A_60] : memref<322560xi32, #tpu.memory_space<hbm>> -> memref<120xi32, #tpu.memory_space<hbm>>
    %dma_start3A_63 = tpu.memref_slice %arg18[%dma_start3A_61] : memref<3x!tpu.dma_semaphore, #tpu.memory_space<semaphore_mem>> -> memref<1x!tpu.dma_semaphore, #tpu.memory_space<semaphore_mem>>
    %dma_start3A_64 = tpu.memref_squeeze %dma_start3A_63 : memref<1x!tpu.dma_semaphore, #tpu.memory_space<semaphore_mem>> -> memref<!tpu.dma_semaphore, #tpu.memory_space<semaphore_mem>>
    %dma_start3A_65 = tpu.memref_slice %arg4[%mul3A_60] : memref<322560xi32, #tpu.memory_space<hbm>> -> memref<120xi32, #tpu.memory_space<hbm>>
    tpu.enqueue_dma source(%dma_start3A_65 : memref<120xi32, #tpu.memory_space<hbm>>) target(%arg12 : memref<120xi32, #tpu.memory_space<vmem>>) target_semaphore(%dma_start3A_64 : memref<!tpu.dma_semaphore, #tpu.memory_space<semaphore_mem>>)
    %add3A_66 = arith.constant 0 : i32
    %add3A_67 = arith.addi %select_n3A, %add3A_66 : i32
    %mul3A_68 = arith.constant 120 : i32
    %mul3A_69 = arith.muli %add3A_67, %mul3A_68 : i32
    %dma_wait3A = arith.constant 0 : i32
    %dma_wait3A_70 = tpu.memref_slice %arg3[%mul3A_69] : memref<322560xi32, #tpu.memory_space<hbm>> -> memref<120xi32, #tpu.memory_space<hbm>>
    %dma_wait3A_71 = tpu.memref_slice %arg17[%dma_wait3A] : memref<3x!tpu.dma_semaphore, #tpu.memory_space<semaphore_mem>> -> memref<1x!tpu.dma_semaphore, #tpu.memory_space<semaphore_mem>>
    %dma_wait3A_72 = tpu.memref_squeeze %dma_wait3A_71 : memref<1x!tpu.dma_semaphore, #tpu.memory_space<semaphore_mem>> -> memref<!tpu.dma_semaphore, #tpu.memory_space<semaphore_mem>>
    %dma_wait3A_73 = tpu.memref_slice %arg3[%mul3A_69] : memref<322560xi32, #tpu.memory_space<hbm>> -> memref<120xi32, #tpu.memory_space<hbm>>
    tpu.wait_dma2 semaphore(%dma_wait3A_72 : memref<!tpu.dma_semaphore, #tpu.memory_space<semaphore_mem>>) src(%dma_wait3A_73 : memref<120xi32, #tpu.memory_space<hbm>>) dst(%arg7 : memref<120xi32, #tpu.memory_space<vmem>>)
    %dma_start3A_74 = arith.constant 0 : i32
    %dma_start3A_75 = arith.constant 0 : i32
    %dma_start3A_76 = arith.constant 0 : i32
    %dma_start3A_77 = tpu.memref_slice %arg2[%dma_start3A_75, %dma_start3A_76] : memref<10000x128xf32, #tpu.memory_space<hbm>> -> memref<10000x128xf32, #tpu.memory_space<hbm>>
    %dma_start3A_78 = tpu.memref_slice %arg19[%dma_start3A_74] : memref<3x!tpu.dma_semaphore, #tpu.memory_space<semaphore_mem>> -> memref<1x!tpu.dma_semaphore, #tpu.memory_space<semaphore_mem>>
    %dma_start3A_79 = tpu.memref_squeeze %dma_start3A_78 : memref<1x!tpu.dma_semaphore, #tpu.memory_space<semaphore_mem>> -> memref<!tpu.dma_semaphore, #tpu.memory_space<semaphore_mem>>
    tpu.enqueue_indirect_dma source(%dma_start3A_77 : memref<10000x128xf32, #tpu.memory_space<hbm>>) target(%arg13 : memref<120x128xf32, #tpu.memory_space<vmem>>) offsets(%arg7 : memref<120xi32, #tpu.memory_space<vmem>>) semaphore(%dma_start3A_79 : memref<!tpu.dma_semaphore, #tpu.memory_space<semaphore_mem>>)
    %add3A_80 = arith.constant 1 : i32
    %add3A_81 = arith.addi %select_n3A, %add3A_80 : i32
    %mul3A_82 = arith.constant 120 : i32
    %mul3A_83 = arith.muli %add3A_81, %mul3A_82 : i32
    %dma_wait3A_84 = arith.constant 1 : i32
    %dma_wait3A_85 = tpu.memref_slice %arg3[%mul3A_83] : memref<322560xi32, #tpu.memory_space<hbm>> -> memref<120xi32, #tpu.memory_space<hbm>>
    %dma_wait3A_86 = tpu.memref_slice %arg17[%dma_wait3A_84] : memref<3x!tpu.dma_semaphore, #tpu.memory_space<semaphore_mem>> -> memref<1x!tpu.dma_semaphore, #tpu.memory_space<semaphore_mem>>
    %dma_wait3A_87 = tpu.memref_squeeze %dma_wait3A_86 : memref<1x!tpu.dma_semaphore, #tpu.memory_space<semaphore_mem>> -> memref<!tpu.dma_semaphore, #tpu.memory_space<semaphore_mem>>
    %dma_wait3A_88 = tpu.memref_slice %arg3[%mul3A_83] : memref<322560xi32, #tpu.memory_space<hbm>> -> memref<120xi32, #tpu.memory_space<hbm>>
    tpu.wait_dma2 semaphore(%dma_wait3A_87 : memref<!tpu.dma_semaphore, #tpu.memory_space<semaphore_mem>>) src(%dma_wait3A_88 : memref<120xi32, #tpu.memory_space<hbm>>) dst(%arg8 : memref<120xi32, #tpu.memory_space<vmem>>)
    %dma_start3A_89 = arith.constant 1 : i32
    %dma_start3A_90 = arith.constant 0 : i32
    %dma_start3A_91 = arith.constant 0 : i32
    %dma_start3A_92 = tpu.memref_slice %arg2[%dma_start3A_90, %dma_start3A_91] : memref<10000x128xf32, #tpu.memory_space<hbm>> -> memref<10000x128xf32, #tpu.memory_space<hbm>>
    %dma_start3A_93 = tpu.memref_slice %arg19[%dma_start3A_89] : memref<3x!tpu.dma_semaphore, #tpu.memory_space<semaphore_mem>> -> memref<1x!tpu.dma_semaphore, #tpu.memory_space<semaphore_mem>>
    %dma_start3A_94 = tpu.memref_squeeze %dma_start3A_93 : memref<1x!tpu.dma_semaphore, #tpu.memory_space<semaphore_mem>> -> memref<!tpu.dma_semaphore, #tpu.memory_space<semaphore_mem>>
    tpu.enqueue_indirect_dma source(%dma_start3A_92 : memref<10000x128xf32, #tpu.memory_space<hbm>>) target(%arg14 : memref<120x128xf32, #tpu.memory_space<vmem>>) offsets(%arg8 : memref<120xi32, #tpu.memory_space<vmem>>) semaphore(%dma_start3A_94 : memref<!tpu.dma_semaphore, #tpu.memory_space<semaphore_mem>>)
    %add3A_95 = arith.constant 2 : i32
    %add3A_96 = arith.addi %select_n3A, %add3A_95 : i32
    %mul3A_97 = arith.constant 120 : i32
    %mul3A_98 = arith.muli %add3A_96, %mul3A_97 : i32
    %dma_wait3A_99 = arith.constant 2 : i32
    %dma_wait3A_100 = tpu.memref_slice %arg3[%mul3A_98] : memref<322560xi32, #tpu.memory_space<hbm>> -> memref<120xi32, #tpu.memory_space<hbm>>
    %dma_wait3A_101 = tpu.memref_slice %arg17[%dma_wait3A_99] : memref<3x!tpu.dma_semaphore, #tpu.memory_space<semaphore_mem>> -> memref<1x!tpu.dma_semaphore, #tpu.memory_space<semaphore_mem>>
    %dma_wait3A_102 = tpu.memref_squeeze %dma_wait3A_101 : memref<1x!tpu.dma_semaphore, #tpu.memory_space<semaphore_mem>> -> memref<!tpu.dma_semaphore, #tpu.memory_space<semaphore_mem>>
    %dma_wait3A_103 = tpu.memref_slice %arg3[%mul3A_98] : memref<322560xi32, #tpu.memory_space<hbm>> -> memref<120xi32, #tpu.memory_space<hbm>>
    tpu.wait_dma2 semaphore(%dma_wait3A_102 : memref<!tpu.dma_semaphore, #tpu.memory_space<semaphore_mem>>) src(%dma_wait3A_103 : memref<120xi32, #tpu.memory_space<hbm>>) dst(%arg9 : memref<120xi32, #tpu.memory_space<vmem>>)
    %dma_start3A_104 = arith.constant 2 : i32
    %dma_start3A_105 = arith.constant 0 : i32
    %dma_start3A_106 = arith.constant 0 : i32
    %dma_start3A_107 = tpu.memref_slice %arg2[%dma_start3A_105, %dma_start3A_106] : memref<10000x128xf32, #tpu.memory_space<hbm>> -> memref<10000x128xf32, #tpu.memory_space<hbm>>
    %dma_start3A_108 = tpu.memref_slice %arg19[%dma_start3A_104] : memref<3x!tpu.dma_semaphore, #tpu.memory_space<semaphore_mem>> -> memref<1x!tpu.dma_semaphore, #tpu.memory_space<semaphore_mem>>
    %dma_start3A_109 = tpu.memref_squeeze %dma_start3A_108 : memref<1x!tpu.dma_semaphore, #tpu.memory_space<semaphore_mem>> -> memref<!tpu.dma_semaphore, #tpu.memory_space<semaphore_mem>>
    tpu.enqueue_indirect_dma source(%dma_start3A_107 : memref<10000x128xf32, #tpu.memory_space<hbm>>) target(%arg15 : memref<120x128xf32, #tpu.memory_space<vmem>>) offsets(%arg9 : memref<120xi32, #tpu.memory_space<vmem>>) semaphore(%dma_start3A_109 : memref<!tpu.dma_semaphore, #tpu.memory_space<semaphore_mem>>)
    %jit3A_110 = arith.constant 3 : i32
    %div3A = arith.divsi %select_n3A_8, %jit3A_110 : i32
    %sign3A = arith.constant 0 : i32
    %sign3A_111 = arith.cmpi sgt, %select_n3A_8, %sign3A : i32
    %sign3A_112 = arith.extui %sign3A_111 : i1 to i32
    %sign3A_113 = arith.constant 0 : i32
    %sign3A_114 = arith.cmpi slt, %select_n3A_8, %sign3A_113 : i32
    %sign3A_115 = arith.extui %sign3A_114 : i1 to i32
    %sign3A_116 = arith.subi %sign3A_112, %sign3A_115 : i32
    %sign3A_117 = arith.constant 0 : i32
    %sign3A_118 = arith.cmpi sgt, %jit3A_110, %sign3A_117 : i32
    %sign3A_119 = arith.extui %sign3A_118 : i1 to i32
    %sign3A_120 = arith.constant 0 : i32
    %sign3A_121 = arith.cmpi slt, %jit3A_110, %sign3A_120 : i32
    %sign3A_122 = arith.extui %sign3A_121 : i1 to i32
    %sign3A_123 = arith.subi %sign3A_119, %sign3A_122 : i32
    %ne3A = arith.cmpi ne, %sign3A_116, %sign3A_123 : i32
    %rem3A = arith.remsi %select_n3A_8, %jit3A_110 : i32
    %ne3A_124 = arith.constant 0 : i32
    %ne3A_125 = arith.cmpi ne, %rem3A, %ne3A_124 : i32
    %and3A = arith.andi %ne3A, %ne3A_125 : i1
    %sub3A = arith.constant 1 : i32
    %sub3A_126 = arith.subi %div3A, %sub3A : i32
    %select_n3A_127 = arith.select %and3A, %sub3A_126, %div3A : i32
    %while3A = arith.constant 0 : i32
    %while3A_128 = arith.subi %select_n3A_127, %while3A : i32
    %while3A_129 = arith.addi %while3A, %while3A_128 : i32
    %while3A_130 = arith.constant 1 : i32
    %while3A_131 = arith.divsi %while3A_128, %while3A_130 : i32
    %while3A_132 = arith.muli %while3A_131, %while3A_130 : i32
    %while3A_133 = arith.addi %while3A, %while3A_132 : i32
    %while3A_134 = arith.constant 1 : i32
    scf.for %while3A_141 = %while3A to %while3A_133 step %while3A_134  : i32 {
      %mul3A_142 = arith.constant 3 : i32
      %mul3A_143 = arith.muli %while3A_141, %mul3A_142 : i32
      %add3A_144 = arith.constant 0 : i32
      %add3A_145 = arith.addi %mul3A_143, %add3A_144 : i32
      %add3A_146 = arith.constant 3 : i32
      %add3A_147 = arith.addi %add3A_145, %add3A_146 : i32
      %dma_wait3A_148 = arith.constant 0 : i32
      %dma_wait3A_149 = arith.constant 0 : i32
      %dma_wait3A_150 = arith.constant 0 : i32
      %dma_wait3A_151 = tpu.memref_slice %arg2[%dma_wait3A_149, %dma_wait3A_150] : memref<10000x128xf32, #tpu.memory_space<hbm>> -> memref<10000x128xf32, #tpu.memory_space<hbm>>
      %dma_wait3A_152 = tpu.memref_slice %arg19[%dma_wait3A_148] : memref<3x!tpu.dma_semaphore, #tpu.memory_space<semaphore_mem>> -> memref<1x!tpu.dma_semaphore, #tpu.memory_space<semaphore_mem>>
      %dma_wait3A_153 = tpu.memref_squeeze %dma_wait3A_152 : memref<1x!tpu.dma_semaphore, #tpu.memory_space<semaphore_mem>> -> memref<!tpu.dma_semaphore, #tpu.memory_space<semaphore_mem>>
      tpu.wait_indirect_dma semaphore(%dma_wait3A_153 : memref<!tpu.dma_semaphore, #tpu.memory_space<semaphore_mem>>) src(%dma_wait3A_151 : memref<10000x128xf32, #tpu.memory_space<hbm>>) dst(%arg13 : memref<120x128xf32, #tpu.memory_space<vmem>>)
      %lt3A = arith.cmpi slt, %add3A_147, %select_n3A_8 : i32
      %convert_element_type3A = arith.extui %lt3A : i1 to i32
      %cond3A = arith.constant 0 : i32
      %cond3A_154 = arith.cmpi ne, %convert_element_type3A, %cond3A : i32
      scf.if %cond3A_154 {
        %add3A_255 = arith.addi %select_n3A, %add3A_147 : i32
        %mul3A_256 = arith.constant 120 : i32
        %mul3A_257 = arith.muli %add3A_255, %mul3A_256 : i32
        %dma_start3A_258 = arith.constant 0 : i32
        %dma_start3A_259 = tpu.memref_slice %arg3[%mul3A_257] : memref<322560xi32, #tpu.memory_space<hbm>> -> memref<120xi32, #tpu.memory_space<hbm>>
        %dma_start3A_260 = tpu.memref_slice %arg17[%dma_start3A_258] : memref<3x!tpu.dma_semaphore, #tpu.memory_space<semaphore_mem>> -> memref<1x!tpu.dma_semaphore, #tpu.memory_space<semaphore_mem>>
        %dma_start3A_261 = tpu.memref_squeeze %dma_start3A_260 : memref<1x!tpu.dma_semaphore, #tpu.memory_space<semaphore_mem>> -> memref<!tpu.dma_semaphore, #tpu.memory_space<semaphore_mem>>
        %dma_start3A_262 = tpu.memref_slice %arg3[%mul3A_257] : memref<322560xi32, #tpu.memory_space<hbm>> -> memref<120xi32, #tpu.memory_space<hbm>>
        tpu.enqueue_dma source(%dma_start3A_262 : memref<120xi32, #tpu.memory_space<hbm>>) target(%arg7 : memref<120xi32, #tpu.memory_space<vmem>>) target_semaphore(%dma_start3A_261 : memref<!tpu.dma_semaphore, #tpu.memory_space<semaphore_mem>>)
      } else {
      }
      %add3A_155 = arith.addi %select_n3A, %add3A_145 : i32
      %mul3A_156 = arith.constant 120 : i32
      %mul3A_157 = arith.muli %add3A_155, %mul3A_156 : i32
      %dma_wait3A_158 = arith.constant 0 : i32
      %dma_wait3A_159 = tpu.memref_slice %arg4[%mul3A_157] : memref<322560xi32, #tpu.memory_space<hbm>> -> memref<120xi32, #tpu.memory_space<hbm>>
      %dma_wait3A_160 = tpu.memref_slice %arg18[%dma_wait3A_158] : memref<3x!tpu.dma_semaphore, #tpu.memory_space<semaphore_mem>> -> memref<1x!tpu.dma_semaphore, #tpu.memory_space<semaphore_mem>>
      %dma_wait3A_161 = tpu.memref_squeeze %dma_wait3A_160 : memref<1x!tpu.dma_semaphore, #tpu.memory_space<semaphore_mem>> -> memref<!tpu.dma_semaphore, #tpu.memory_space<semaphore_mem>>
      %dma_wait3A_162 = tpu.memref_slice %arg4[%mul3A_157] : memref<322560xi32, #tpu.memory_space<hbm>> -> memref<120xi32, #tpu.memory_space<hbm>>
      tpu.wait_dma2 semaphore(%dma_wait3A_161 : memref<!tpu.dma_semaphore, #tpu.memory_space<semaphore_mem>>) src(%dma_wait3A_162 : memref<120xi32, #tpu.memory_space<hbm>>) dst(%arg10 : memref<120xi32, #tpu.memory_space<vmem>>)
      %dma_start3A_163 = arith.constant 0 : i32
      %dma_start3A_164 = arith.constant 0 : i32
      %dma_start3A_165 = arith.constant 0 : i32
      %dma_start3A_166 = tpu.memref_slice %arg16[%dma_start3A_164, %dma_start3A_165] : memref<10112x128xf32, #tpu.memory_space<vmem_shared>> -> memref<10112x128xf32, #tpu.memory_space<vmem_shared>>
      %dma_start3A_167 = tpu.memref_slice %arg20[%dma_start3A_163] : memref<3x!tpu.dma_semaphore, #tpu.memory_space<semaphore_mem>> -> memref<1x!tpu.dma_semaphore, #tpu.memory_space<semaphore_mem>>
      %dma_start3A_168 = tpu.memref_squeeze %dma_start3A_167 : memref<1x!tpu.dma_semaphore, #tpu.memory_space<semaphore_mem>> -> memref<!tpu.dma_semaphore, #tpu.memory_space<semaphore_mem>>
      tpu.enqueue_indirect_dma source(%arg13 : memref<120x128xf32, #tpu.memory_space<vmem>>) target(%dma_start3A_166 : memref<10112x128xf32, #tpu.memory_space<vmem_shared>>) offsets(%arg10 : memref<120xi32, #tpu.memory_space<vmem>>) semaphore(%dma_start3A_168 : memref<!tpu.dma_semaphore, #tpu.memory_space<semaphore_mem>>) {add = true}
      %dma_wait3A_169 = arith.constant 0 : i32
      %dma_wait3A_170 = arith.constant 0 : i32
      %dma_wait3A_171 = arith.constant 0 : i32
      %dma_wait3A_172 = tpu.memref_slice %arg16[%dma_wait3A_170, %dma_wait3A_171] : memref<10112x128xf32, #tpu.memory_space<vmem_shared>> -> memref<10112x128xf32, #tpu.memory_space<vmem_shared>>
      %dma_wait3A_173 = tpu.memref_slice %arg20[%dma_wait3A_169] : memref<3x!tpu.dma_semaphore, #tpu.memory_space<semaphore_mem>> -> memref<1x!tpu.dma_semaphore, #tpu.memory_space<semaphore_mem>>
      %dma_wait3A_174 = tpu.memref_squeeze %dma_wait3A_173 : memref<1x!tpu.dma_semaphore, #tpu.memory_space<semaphore_mem>> -> memref<!tpu.dma_semaphore, #tpu.memory_space<semaphore_mem>>
      tpu.wait_indirect_dma semaphore(%dma_wait3A_174 : memref<!tpu.dma_semaphore, #tpu.memory_space<semaphore_mem>>) src(%arg13 : memref<120x128xf32, #tpu.memory_space<vmem>>) dst(%dma_wait3A_172 : memref<10112x128xf32, #tpu.memory_space<vmem_shared>>)
      %lt3A_175 = arith.cmpi slt, %add3A_147, %select_n3A_8 : i32
      %convert_element_type3A_176 = arith.extui %lt3A_175 : i1 to i32
      %cond3A_177 = arith.constant 0 : i32
      %cond3A_178 = arith.cmpi ne, %convert_element_type3A_176, %cond3A_177 : i32
      scf.if %cond3A_178 {
        %add3A_255 = arith.addi %select_n3A, %add3A_147 : i32
        %mul3A_256 = arith.constant 120 : i32
        %mul3A_257 = arith.muli %add3A_255, %mul3A_256 : i32
        %dma_start3A_258 = arith.constant 0 : i32
        %dma_start3A_259 = tpu.memref_slice %arg4[%mul3A_257] : memref<322560xi32, #tpu.memory_space<hbm>> -> memref<120xi32, #tpu.memory_space<hbm>>
        %dma_start3A_260 = tpu.memref_slice %arg18[%dma_start3A_258] : memref<3x!tpu.dma_semaphore, #tpu.memory_space<semaphore_mem>> -> memref<1x!tpu.dma_semaphore, #tpu.memory_space<semaphore_mem>>
        %dma_start3A_261 = tpu.memref_squeeze %dma_start3A_260 : memref<1x!tpu.dma_semaphore, #tpu.memory_space<semaphore_mem>> -> memref<!tpu.dma_semaphore, #tpu.memory_space<semaphore_mem>>
        %dma_start3A_262 = tpu.memref_slice %arg4[%mul3A_257] : memref<322560xi32, #tpu.memory_space<hbm>> -> memref<120xi32, #tpu.memory_space<hbm>>
        tpu.enqueue_dma source(%dma_start3A_262 : memref<120xi32, #tpu.memory_space<hbm>>) target(%arg10 : memref<120xi32, #tpu.memory_space<vmem>>) target_semaphore(%dma_start3A_261 : memref<!tpu.dma_semaphore, #tpu.memory_space<semaphore_mem>>)
        %add3A_263 = arith.addi %select_n3A, %add3A_147 : i32
        %mul3A_264 = arith.constant 120 : i32
        %mul3A_265 = arith.muli %add3A_263, %mul3A_264 : i32
        %dma_wait3A_266 = arith.constant 0 : i32
        %dma_wait3A_267 = tpu.memref_slice %arg3[%mul3A_265] : memref<322560xi32, #tpu.memory_space<hbm>> -> memref<120xi32, #tpu.memory_space<hbm>>
        %dma_wait3A_268 = tpu.memref_slice %arg17[%dma_wait3A_266] : memref<3x!tpu.dma_semaphore, #tpu.memory_space<semaphore_mem>> -> memref<1x!tpu.dma_semaphore, #tpu.memory_space<semaphore_mem>>
        %dma_wait3A_269 = tpu.memref_squeeze %dma_wait3A_268 : memref<1x!tpu.dma_semaphore, #tpu.memory_space<semaphore_mem>> -> memref<!tpu.dma_semaphore, #tpu.memory_space<semaphore_mem>>
        %dma_wait3A_270 = tpu.memref_slice %arg3[%mul3A_265] : memref<322560xi32, #tpu.memory_space<hbm>> -> memref<120xi32, #tpu.memory_space<hbm>>
        tpu.wait_dma2 semaphore(%dma_wait3A_269 : memref<!tpu.dma_semaphore, #tpu.memory_space<semaphore_mem>>) src(%dma_wait3A_270 : memref<120xi32, #tpu.memory_space<hbm>>) dst(%arg7 : memref<120xi32, #tpu.memory_space<vmem>>)
        %dma_start3A_271 = arith.constant 0 : i32
        %dma_start3A_272 = arith.constant 0 : i32
        %dma_start3A_273 = arith.constant 0 : i32
        %dma_start3A_274 = tpu.memref_slice %arg2[%dma_start3A_272, %dma_start3A_273] : memref<10000x128xf32, #tpu.memory_space<hbm>> -> memref<10000x128xf32, #tpu.memory_space<hbm>>
        %dma_start3A_275 = tpu.memref_slice %arg19[%dma_start3A_271] : memref<3x!tpu.dma_semaphore, #tpu.memory_space<semaphore_mem>> -> memref<1x!tpu.dma_semaphore, #tpu.memory_space<semaphore_mem>>
        %dma_start3A_276 = tpu.memref_squeeze %dma_start3A_275 : memref<1x!tpu.dma_semaphore, #tpu.memory_space<semaphore_mem>> -> memref<!tpu.dma_semaphore, #tpu.memory_space<semaphore_mem>>
        tpu.enqueue_indirect_dma source(%dma_start3A_274 : memref<10000x128xf32, #tpu.memory_space<hbm>>) target(%arg13 : memref<120x128xf32, #tpu.memory_space<vmem>>) offsets(%arg7 : memref<120xi32, #tpu.memory_space<vmem>>) semaphore(%dma_start3A_276 : memref<!tpu.dma_semaphore, #tpu.memory_space<semaphore_mem>>)
      } else {
      }
      %add3A_179 = arith.constant 1 : i32
      %add3A_180 = arith.addi %mul3A_143, %add3A_179 : i32
      %add3A_181 = arith.constant 3 : i32
      %add3A_182 = arith.addi %add3A_180, %add3A_181 : i32
      %dma_wait3A_183 = arith.constant 1 : i32
      %dma_wait3A_184 = arith.constant 0 : i32
      %dma_wait3A_185 = arith.constant 0 : i32
      %dma_wait3A_186 = tpu.memref_slice %arg2[%dma_wait3A_184, %dma_wait3A_185] : memref<10000x128xf32, #tpu.memory_space<hbm>> -> memref<10000x128xf32, #tpu.memory_space<hbm>>
      %dma_wait3A_187 = tpu.memref_slice %arg19[%dma_wait3A_183] : memref<3x!tpu.dma_semaphore, #tpu.memory_space<semaphore_mem>> -> memref<1x!tpu.dma_semaphore, #tpu.memory_space<semaphore_mem>>
      %dma_wait3A_188 = tpu.memref_squeeze %dma_wait3A_187 : memref<1x!tpu.dma_semaphore, #tpu.memory_space<semaphore_mem>> -> memref<!tpu.dma_semaphore, #tpu.memory_space<semaphore_mem>>
      tpu.wait_indirect_dma semaphore(%dma_wait3A_188 : memref<!tpu.dma_semaphore, #tpu.memory_space<semaphore_mem>>) src(%dma_wait3A_186 : memref<10000x128xf32, #tpu.memory_space<hbm>>) dst(%arg14 : memref<120x128xf32, #tpu.memory_space<vmem>>)
      %lt3A_189 = arith.cmpi slt, %add3A_182, %select_n3A_8 : i32
      %convert_element_type3A_190 = arith.extui %lt3A_189 : i1 to i32
      %cond3A_191 = arith.constant 0 : i32
      %cond3A_192 = arith.cmpi ne, %convert_element_type3A_190, %cond3A_191 : i32
      scf.if %cond3A_192 {
        %add3A_255 = arith.addi %select_n3A, %add3A_182 : i32
        %mul3A_256 = arith.constant 120 : i32
        %mul3A_257 = arith.muli %add3A_255, %mul3A_256 : i32
        %dma_start3A_258 = arith.constant 1 : i32
        %dma_start3A_259 = tpu.memref_slice %arg3[%mul3A_257] : memref<322560xi32, #tpu.memory_space<hbm>> -> memref<120xi32, #tpu.memory_space<hbm>>
        %dma_start3A_260 = tpu.memref_slice %arg17[%dma_start3A_258] : memref<3x!tpu.dma_semaphore, #tpu.memory_space<semaphore_mem>> -> memref<1x!tpu.dma_semaphore, #tpu.memory_space<semaphore_mem>>
        %dma_start3A_261 = tpu.memref_squeeze %dma_start3A_260 : memref<1x!tpu.dma_semaphore, #tpu.memory_space<semaphore_mem>> -> memref<!tpu.dma_semaphore, #tpu.memory_space<semaphore_mem>>
        %dma_start3A_262 = tpu.memref_slice %arg3[%mul3A_257] : memref<322560xi32, #tpu.memory_space<hbm>> -> memref<120xi32, #tpu.memory_space<hbm>>
        tpu.enqueue_dma source(%dma_start3A_262 : memref<120xi32, #tpu.memory_space<hbm>>) target(%arg8 : memref<120xi32, #tpu.memory_space<vmem>>) target_semaphore(%dma_start3A_261 : memref<!tpu.dma_semaphore, #tpu.memory_space<semaphore_mem>>)
      } else {
      }
      %add3A_193 = arith.addi %select_n3A, %add3A_180 : i32
      %mul3A_194 = arith.constant 120 : i32
      %mul3A_195 = arith.muli %add3A_193, %mul3A_194 : i32
      %dma_wait3A_196 = arith.constant 1 : i32
      %dma_wait3A_197 = tpu.memref_slice %arg4[%mul3A_195] : memref<322560xi32, #tpu.memory_space<hbm>> -> memref<120xi32, #tpu.memory_space<hbm>>
      %dma_wait3A_198 = tpu.memref_slice %arg18[%dma_wait3A_196] : memref<3x!tpu.dma_semaphore, #tpu.memory_space<semaphore_mem>> -> memref<1x!tpu.dma_semaphore, #tpu.memory_space<semaphore_mem>>
      %dma_wait3A_199 = tpu.memref_squeeze %dma_wait3A_198 : memref<1x!tpu.dma_semaphore, #tpu.memory_space<semaphore_mem>> -> memref<!tpu.dma_semaphore, #tpu.memory_space<semaphore_mem>>
      %dma_wait3A_200 = tpu.memref_slice %arg4[%mul3A_195] : memref<322560xi32, #tpu.memory_space<hbm>> -> memref<120xi32, #tpu.memory_space<hbm>>
      tpu.wait_dma2 semaphore(%dma_wait3A_199 : memref<!tpu.dma_semaphore, #tpu.memory_space<semaphore_mem>>) src(%dma_wait3A_200 : memref<120xi32, #tpu.memory_space<hbm>>) dst(%arg11 : memref<120xi32, #tpu.memory_space<vmem>>)
      %dma_start3A_201 = arith.constant 1 : i32
      %dma_start3A_202 = arith.constant 0 : i32
      %dma_start3A_203 = arith.constant 0 : i32
      %dma_start3A_204 = tpu.memref_slice %arg16[%dma_start3A_202, %dma_start3A_203] : memref<10112x128xf32, #tpu.memory_space<vmem_shared>> -> memref<10112x128xf32, #tpu.memory_space<vmem_shared>>
      %dma_start3A_205 = tpu.memref_slice %arg20[%dma_start3A_201] : memref<3x!tpu.dma_semaphore, #tpu.memory_space<semaphore_mem>> -> memref<1x!tpu.dma_semaphore, #tpu.memory_space<semaphore_mem>>
      %dma_start3A_206 = tpu.memref_squeeze %dma_start3A_205 : memref<1x!tpu.dma_semaphore, #tpu.memory_space<semaphore_mem>> -> memref<!tpu.dma_semaphore, #tpu.memory_space<semaphore_mem>>
      tpu.enqueue_indirect_dma source(%arg14 : memref<120x128xf32, #tpu.memory_space<vmem>>) target(%dma_start3A_204 : memref<10112x128xf32, #tpu.memory_space<vmem_shared>>) offsets(%arg11 : memref<120xi32, #tpu.memory_space<vmem>>) semaphore(%dma_start3A_206 : memref<!tpu.dma_semaphore, #tpu.memory_space<semaphore_mem>>) {add = true}
      %dma_wait3A_207 = arith.constant 1 : i32
      %dma_wait3A_208 = arith.constant 0 : i32
      %dma_wait3A_209 = arith.constant 0 : i32
      %dma_wait3A_210 = tpu.memref_slice %arg16[%dma_wait3A_208, %dma_wait3A_209] : memref<10112x128xf32, #tpu.memory_space<vmem_shared>> -> memref<10112x128xf32, #tpu.memory_space<vmem_shared>>
      %dma_wait3A_211 = tpu.memref_slice %arg20[%dma_wait3A_207] : memref<3x!tpu.dma_semaphore, #tpu.memory_space<semaphore_mem>> -> memref<1x!tpu.dma_semaphore, #tpu.memory_space<semaphore_mem>>
      %dma_wait3A_212 = tpu.memref_squeeze %dma_wait3A_211 : memref<1x!tpu.dma_semaphore, #tpu.memory_space<semaphore_mem>> -> memref<!tpu.dma_semaphore, #tpu.memory_space<semaphore_mem>>
      tpu.wait_indirect_dma semaphore(%dma_wait3A_212 : memref<!tpu.dma_semaphore, #tpu.memory_space<semaphore_mem>>) src(%arg14 : memref<120x128xf32, #tpu.memory_space<vmem>>) dst(%dma_wait3A_210 : memref<10112x128xf32, #tpu.memory_space<vmem_shared>>)
      %lt3A_213 = arith.cmpi slt, %add3A_182, %select_n3A_8 : i32
      %convert_element_type3A_214 = arith.extui %lt3A_213 : i1 to i32
      %cond3A_215 = arith.constant 0 : i32
      %cond3A_216 = arith.cmpi ne, %convert_element_type3A_214, %cond3A_215 : i32
      scf.if %cond3A_216 {
        %add3A_255 = arith.addi %select_n3A, %add3A_182 : i32
        %mul3A_256 = arith.constant 120 : i32
        %mul3A_257 = arith.muli %add3A_255, %mul3A_256 : i32
        %dma_start3A_258 = arith.constant 1 : i32
        %dma_start3A_259 = tpu.memref_slice %arg4[%mul3A_257] : memref<322560xi32, #tpu.memory_space<hbm>> -> memref<120xi32, #tpu.memory_space<hbm>>
        %dma_start3A_260 = tpu.memref_slice %arg18[%dma_start3A_258] : memref<3x!tpu.dma_semaphore, #tpu.memory_space<semaphore_mem>> -> memref<1x!tpu.dma_semaphore, #tpu.memory_space<semaphore_mem>>
        %dma_start3A_261 = tpu.memref_squeeze %dma_start3A_260 : memref<1x!tpu.dma_semaphore, #tpu.memory_space<semaphore_mem>> -> memref<!tpu.dma_semaphore, #tpu.memory_space<semaphore_mem>>
        %dma_start3A_262 = tpu.memref_slice %arg4[%mul3A_257] : memref<322560xi32, #tpu.memory_space<hbm>> -> memref<120xi32, #tpu.memory_space<hbm>>
        tpu.enqueue_dma source(%dma_start3A_262 : memref<120xi32, #tpu.memory_space<hbm>>) target(%arg11 : memref<120xi32, #tpu.memory_space<vmem>>) target_semaphore(%dma_start3A_261 : memref<!tpu.dma_semaphore, #tpu.memory_space<semaphore_mem>>)
        %add3A_263 = arith.addi %select_n3A, %add3A_182 : i32
        %mul3A_264 = arith.constant 120 : i32
        %mul3A_265 = arith.muli %add3A_263, %mul3A_264 : i32
        %dma_wait3A_266 = arith.constant 1 : i32
        %dma_wait3A_267 = tpu.memref_slice %arg3[%mul3A_265] : memref<322560xi32, #tpu.memory_space<hbm>> -> memref<120xi32, #tpu.memory_space<hbm>>
        %dma_wait3A_268 = tpu.memref_slice %arg17[%dma_wait3A_266] : memref<3x!tpu.dma_semaphore, #tpu.memory_space<semaphore_mem>> -> memref<1x!tpu.dma_semaphore, #tpu.memory_space<semaphore_mem>>
        %dma_wait3A_269 = tpu.memref_squeeze %dma_wait3A_268 : memref<1x!tpu.dma_semaphore, #tpu.memory_space<semaphore_mem>> -> memref<!tpu.dma_semaphore, #tpu.memory_space<semaphore_mem>>
        %dma_wait3A_270 = tpu.memref_slice %arg3[%mul3A_265] : memref<322560xi32, #tpu.memory_space<hbm>> -> memref<120xi32, #tpu.memory_space<hbm>>
        tpu.wait_dma2 semaphore(%dma_wait3A_269 : memref<!tpu.dma_semaphore, #tpu.memory_space<semaphore_mem>>) src(%dma_wait3A_270 : memref<120xi32, #tpu.memory_space<hbm>>) dst(%arg8 : memref<120xi32, #tpu.memory_space<vmem>>)
        %dma_start3A_271 = arith.constant 1 : i32
        %dma_start3A_272 = arith.constant 0 : i32
        %dma_start3A_273 = arith.constant 0 : i32
        %dma_start3A_274 = tpu.memref_slice %arg2[%dma_start3A_272, %dma_start3A_273] : memref<10000x128xf32, #tpu.memory_space<hbm>> -> memref<10000x128xf32, #tpu.memory_space<hbm>>
        %dma_start3A_275 = tpu.memref_slice %arg19[%dma_start3A_271] : memref<3x!tpu.dma_semaphore, #tpu.memory_space<semaphore_mem>> -> memref<1x!tpu.dma_semaphore, #tpu.memory_space<semaphore_mem>>
        %dma_start3A_276 = tpu.memref_squeeze %dma_start3A_275 : memref<1x!tpu.dma_semaphore, #tpu.memory_space<semaphore_mem>> -> memref<!tpu.dma_semaphore, #tpu.memory_space<semaphore_mem>>
        tpu.enqueue_indirect_dma source(%dma_start3A_274 : memref<10000x128xf32, #tpu.memory_space<hbm>>) target(%arg14 : memref<120x128xf32, #tpu.memory_space<vmem>>) offsets(%arg8 : memref<120xi32, #tpu.memory_space<vmem>>) semaphore(%dma_start3A_276 : memref<!tpu.dma_semaphore, #tpu.memory_space<semaphore_mem>>)
      } else {
      }
      %add3A_217 = arith.constant 2 : i32
      %add3A_218 = arith.addi %mul3A_143, %add3A_217 : i32
      %add3A_219 = arith.constant 3 : i32
      %add3A_220 = arith.addi %add3A_218, %add3A_219 : i32
      %dma_wait3A_221 = arith.constant 2 : i32
      %dma_wait3A_222 = arith.constant 0 : i32
      %dma_wait3A_223 = arith.constant 0 : i32
      %dma_wait3A_224 = tpu.memref_slice %arg2[%dma_wait3A_222, %dma_wait3A_223] : memref<10000x128xf32, #tpu.memory_space<hbm>> -> memref<10000x128xf32, #tpu.memory_space<hbm>>
      %dma_wait3A_225 = tpu.memref_slice %arg19[%dma_wait3A_221] : memref<3x!tpu.dma_semaphore, #tpu.memory_space<semaphore_mem>> -> memref<1x!tpu.dma_semaphore, #tpu.memory_space<semaphore_mem>>
      %dma_wait3A_226 = tpu.memref_squeeze %dma_wait3A_225 : memref<1x!tpu.dma_semaphore, #tpu.memory_space<semaphore_mem>> -> memref<!tpu.dma_semaphore, #tpu.memory_space<semaphore_mem>>
      tpu.wait_indirect_dma semaphore(%dma_wait3A_226 : memref<!tpu.dma_semaphore, #tpu.memory_space<semaphore_mem>>) src(%dma_wait3A_224 : memref<10000x128xf32, #tpu.memory_space<hbm>>) dst(%arg15 : memref<120x128xf32, #tpu.memory_space<vmem>>)
      %lt3A_227 = arith.cmpi slt, %add3A_220, %select_n3A_8 : i32
      %convert_element_type3A_228 = arith.extui %lt3A_227 : i1 to i32
      %cond3A_229 = arith.constant 0 : i32
      %cond3A_230 = arith.cmpi ne, %convert_element_type3A_228, %cond3A_229 : i32
      scf.if %cond3A_230 {
        %add3A_255 = arith.addi %select_n3A, %add3A_220 : i32
        %mul3A_256 = arith.constant 120 : i32
        %mul3A_257 = arith.muli %add3A_255, %mul3A_256 : i32
        %dma_start3A_258 = arith.constant 2 : i32
        %dma_start3A_259 = tpu.memref_slice %arg3[%mul3A_257] : memref<322560xi32, #tpu.memory_space<hbm>> -> memref<120xi32, #tpu.memory_space<hbm>>
        %dma_start3A_260 = tpu.memref_slice %arg17[%dma_start3A_258] : memref<3x!tpu.dma_semaphore, #tpu.memory_space<semaphore_mem>> -> memref<1x!tpu.dma_semaphore, #tpu.memory_space<semaphore_mem>>
        %dma_start3A_261 = tpu.memref_squeeze %dma_start3A_260 : memref<1x!tpu.dma_semaphore, #tpu.memory_space<semaphore_mem>> -> memref<!tpu.dma_semaphore, #tpu.memory_space<semaphore_mem>>
        %dma_start3A_262 = tpu.memref_slice %arg3[%mul3A_257] : memref<322560xi32, #tpu.memory_space<hbm>> -> memref<120xi32, #tpu.memory_space<hbm>>
        tpu.enqueue_dma source(%dma_start3A_262 : memref<120xi32, #tpu.memory_space<hbm>>) target(%arg9 : memref<120xi32, #tpu.memory_space<vmem>>) target_semaphore(%dma_start3A_261 : memref<!tpu.dma_semaphore, #tpu.memory_space<semaphore_mem>>)
      } else {
      }
      %add3A_231 = arith.addi %select_n3A, %add3A_218 : i32
      %mul3A_232 = arith.constant 120 : i32
      %mul3A_233 = arith.muli %add3A_231, %mul3A_232 : i32
      %dma_wait3A_234 = arith.constant 2 : i32
      %dma_wait3A_235 = tpu.memref_slice %arg4[%mul3A_233] : memref<322560xi32, #tpu.memory_space<hbm>> -> memref<120xi32, #tpu.memory_space<hbm>>
      %dma_wait3A_236 = tpu.memref_slice %arg18[%dma_wait3A_234] : memref<3x!tpu.dma_semaphore, #tpu.memory_space<semaphore_mem>> -> memref<1x!tpu.dma_semaphore, #tpu.memory_space<semaphore_mem>>
      %dma_wait3A_237 = tpu.memref_squeeze %dma_wait3A_236 : memref<1x!tpu.dma_semaphore, #tpu.memory_space<semaphore_mem>> -> memref<!tpu.dma_semaphore, #tpu.memory_space<semaphore_mem>>
      %dma_wait3A_238 = tpu.memref_slice %arg4[%mul3A_233] : memref<322560xi32, #tpu.memory_space<hbm>> -> memref<120xi32, #tpu.memory_space<hbm>>
      tpu.wait_dma2 semaphore(%dma_wait3A_237 : memref<!tpu.dma_semaphore, #tpu.memory_space<semaphore_mem>>) src(%dma_wait3A_238 : memref<120xi32, #tpu.memory_space<hbm>>) dst(%arg12 : memref<120xi32, #tpu.memory_space<vmem>>)
      %dma_start3A_239 = arith.constant 2 : i32
      %dma_start3A_240 = arith.constant 0 : i32
      %dma_start3A_241 = arith.constant 0 : i32
      %dma_start3A_242 = tpu.memref_slice %arg16[%dma_start3A_240, %dma_start3A_241] : memref<10112x128xf32, #tpu.memory_space<vmem_shared>> -> memref<10112x128xf32, #tpu.memory_space<vmem_shared>>
      %dma_start3A_243 = tpu.memref_slice %arg20[%dma_start3A_239] : memref<3x!tpu.dma_semaphore, #tpu.memory_space<semaphore_mem>> -> memref<1x!tpu.dma_semaphore, #tpu.memory_space<semaphore_mem>>
      %dma_start3A_244 = tpu.memref_squeeze %dma_start3A_243 : memref<1x!tpu.dma_semaphore, #tpu.memory_space<semaphore_mem>> -> memref<!tpu.dma_semaphore, #tpu.memory_space<semaphore_mem>>
      tpu.enqueue_indirect_dma source(%arg15 : memref<120x128xf32, #tpu.memory_space<vmem>>) target(%dma_start3A_242 : memref<10112x128xf32, #tpu.memory_space<vmem_shared>>) offsets(%arg12 : memref<120xi32, #tpu.memory_space<vmem>>) semaphore(%dma_start3A_244 : memref<!tpu.dma_semaphore, #tpu.memory_space<semaphore_mem>>) {add = true}
      %dma_wait3A_245 = arith.constant 2 : i32
      %dma_wait3A_246 = arith.constant 0 : i32
      %dma_wait3A_247 = arith.constant 0 : i32
      %dma_wait3A_248 = tpu.memref_slice %arg16[%dma_wait3A_246, %dma_wait3A_247] : memref<10112x128xf32, #tpu.memory_space<vmem_shared>> -> memref<10112x128xf32, #tpu.memory_space<vmem_shared>>
      %dma_wait3A_249 = tpu.memref_slice %arg20[%dma_wait3A_245] : memref<3x!tpu.dma_semaphore, #tpu.memory_space<semaphore_mem>> -> memref<1x!tpu.dma_semaphore, #tpu.memory_space<semaphore_mem>>
      %dma_wait3A_250 = tpu.memref_squeeze %dma_wait3A_249 : memref<1x!tpu.dma_semaphore, #tpu.memory_space<semaphore_mem>> -> memref<!tpu.dma_semaphore, #tpu.memory_space<semaphore_mem>>
      tpu.wait_indirect_dma semaphore(%dma_wait3A_250 : memref<!tpu.dma_semaphore, #tpu.memory_space<semaphore_mem>>) src(%arg15 : memref<120x128xf32, #tpu.memory_space<vmem>>) dst(%dma_wait3A_248 : memref<10112x128xf32, #tpu.memory_space<vmem_shared>>)
      %lt3A_251 = arith.cmpi slt, %add3A_220, %select_n3A_8 : i32
      %convert_element_type3A_252 = arith.extui %lt3A_251 : i1 to i32
      %cond3A_253 = arith.constant 0 : i32
      %cond3A_254 = arith.cmpi ne, %convert_element_type3A_252, %cond3A_253 : i32
      scf.if %cond3A_254 {
        %add3A_255 = arith.addi %select_n3A, %add3A_220 : i32
        %mul3A_256 = arith.constant 120 : i32
        %mul3A_257 = arith.muli %add3A_255, %mul3A_256 : i32
        %dma_start3A_258 = arith.constant 2 : i32
        %dma_start3A_259 = tpu.memref_slice %arg4[%mul3A_257] : memref<322560xi32, #tpu.memory_space<hbm>> -> memref<120xi32, #tpu.memory_space<hbm>>
        %dma_start3A_260 = tpu.memref_slice %arg18[%dma_start3A_258] : memref<3x!tpu.dma_semaphore, #tpu.memory_space<semaphore_mem>> -> memref<1x!tpu.dma_semaphore, #tpu.memory_space<semaphore_mem>>
        %dma_start3A_261 = tpu.memref_squeeze %dma_start3A_260 : memref<1x!tpu.dma_semaphore, #tpu.memory_space<semaphore_mem>> -> memref<!tpu.dma_semaphore, #tpu.memory_space<semaphore_mem>>
        %dma_start3A_262 = tpu.memref_slice %arg4[%mul3A_257] : memref<322560xi32, #tpu.memory_space<hbm>> -> memref<120xi32, #tpu.memory_space<hbm>>
        tpu.enqueue_dma source(%dma_start3A_262 : memref<120xi32, #tpu.memory_space<hbm>>) target(%arg12 : memref<120xi32, #tpu.memory_space<vmem>>) target_semaphore(%dma_start3A_261 : memref<!tpu.dma_semaphore, #tpu.memory_space<semaphore_mem>>)
        %add3A_263 = arith.addi %select_n3A, %add3A_220 : i32
        %mul3A_264 = arith.constant 120 : i32
        %mul3A_265 = arith.muli %add3A_263, %mul3A_264 : i32
        %dma_wait3A_266 = arith.constant 2 : i32
        %dma_wait3A_267 = tpu.memref_slice %arg3[%mul3A_265] : memref<322560xi32, #tpu.memory_space<hbm>> -> memref<120xi32, #tpu.memory_space<hbm>>
        %dma_wait3A_268 = tpu.memref_slice %arg17[%dma_wait3A_266] : memref<3x!tpu.dma_semaphore, #tpu.memory_space<semaphore_mem>> -> memref<1x!tpu.dma_semaphore, #tpu.memory_space<semaphore_mem>>
        %dma_wait3A_269 = tpu.memref_squeeze %dma_wait3A_268 : memref<1x!tpu.dma_semaphore, #tpu.memory_space<semaphore_mem>> -> memref<!tpu.dma_semaphore, #tpu.memory_space<semaphore_mem>>
        %dma_wait3A_270 = tpu.memref_slice %arg3[%mul3A_265] : memref<322560xi32, #tpu.memory_space<hbm>> -> memref<120xi32, #tpu.memory_space<hbm>>
        tpu.wait_dma2 semaphore(%dma_wait3A_269 : memref<!tpu.dma_semaphore, #tpu.memory_space<semaphore_mem>>) src(%dma_wait3A_270 : memref<120xi32, #tpu.memory_space<hbm>>) dst(%arg9 : memref<120xi32, #tpu.memory_space<vmem>>)
        %dma_start3A_271 = arith.constant 2 : i32
        %dma_start3A_272 = arith.constant 0 : i32
        %dma_start3A_273 = arith.constant 0 : i32
        %dma_start3A_274 = tpu.memref_slice %arg2[%dma_start3A_272, %dma_start3A_273] : memref<10000x128xf32, #tpu.memory_space<hbm>> -> memref<10000x128xf32, #tpu.memory_space<hbm>>
        %dma_start3A_275 = tpu.memref_slice %arg19[%dma_start3A_271] : memref<3x!tpu.dma_semaphore, #tpu.memory_space<semaphore_mem>> -> memref<1x!tpu.dma_semaphore, #tpu.memory_space<semaphore_mem>>
        %dma_start3A_276 = tpu.memref_squeeze %dma_start3A_275 : memref<1x!tpu.dma_semaphore, #tpu.memory_space<semaphore_mem>> -> memref<!tpu.dma_semaphore, #tpu.memory_space<semaphore_mem>>
        tpu.enqueue_indirect_dma source(%dma_start3A_274 : memref<10000x128xf32, #tpu.memory_space<hbm>>) target(%arg15 : memref<120x128xf32, #tpu.memory_space<vmem>>) offsets(%arg9 : memref<120xi32, #tpu.memory_space<vmem>>) semaphore(%dma_start3A_276 : memref<!tpu.dma_semaphore, #tpu.memory_space<semaphore_mem>>)
      } else {
      }
    }
    %while3A_135 = arith.constant 1 : i32
    scf.for %while3A_141 = %while3A_133 to %while3A_129 step %while3A_135  : i32 {
      %mul3A_142 = arith.constant 3 : i32
      %mul3A_143 = arith.muli %while3A_141, %mul3A_142 : i32
      %add3A_144 = arith.constant 0 : i32
      %add3A_145 = arith.addi %mul3A_143, %add3A_144 : i32
      %add3A_146 = arith.constant 3 : i32
      %add3A_147 = arith.addi %add3A_145, %add3A_146 : i32
      %dma_wait3A_148 = arith.constant 0 : i32
      %dma_wait3A_149 = arith.constant 0 : i32
      %dma_wait3A_150 = arith.constant 0 : i32
      %dma_wait3A_151 = tpu.memref_slice %arg2[%dma_wait3A_149, %dma_wait3A_150] : memref<10000x128xf32, #tpu.memory_space<hbm>> -> memref<10000x128xf32, #tpu.memory_space<hbm>>
      %dma_wait3A_152 = tpu.memref_slice %arg19[%dma_wait3A_148] : memref<3x!tpu.dma_semaphore, #tpu.memory_space<semaphore_mem>> -> memref<1x!tpu.dma_semaphore, #tpu.memory_space<semaphore_mem>>
      %dma_wait3A_153 = tpu.memref_squeeze %dma_wait3A_152 : memref<1x!tpu.dma_semaphore, #tpu.memory_space<semaphore_mem>> -> memref<!tpu.dma_semaphore, #tpu.memory_space<semaphore_mem>>
      tpu.wait_indirect_dma semaphore(%dma_wait3A_153 : memref<!tpu.dma_semaphore, #tpu.memory_space<semaphore_mem>>) src(%dma_wait3A_151 : memref<10000x128xf32, #tpu.memory_space<hbm>>) dst(%arg13 : memref<120x128xf32, #tpu.memory_space<vmem>>)
      %lt3A = arith.cmpi slt, %add3A_147, %select_n3A_8 : i32
      %convert_element_type3A = arith.extui %lt3A : i1 to i32
      %cond3A = arith.constant 0 : i32
      %cond3A_154 = arith.cmpi ne, %convert_element_type3A, %cond3A : i32
      scf.if %cond3A_154 {
        %add3A_255 = arith.addi %select_n3A, %add3A_147 : i32
        %mul3A_256 = arith.constant 120 : i32
        %mul3A_257 = arith.muli %add3A_255, %mul3A_256 : i32
        %dma_start3A_258 = arith.constant 0 : i32
        %dma_start3A_259 = tpu.memref_slice %arg3[%mul3A_257] : memref<322560xi32, #tpu.memory_space<hbm>> -> memref<120xi32, #tpu.memory_space<hbm>>
        %dma_start3A_260 = tpu.memref_slice %arg17[%dma_start3A_258] : memref<3x!tpu.dma_semaphore, #tpu.memory_space<semaphore_mem>> -> memref<1x!tpu.dma_semaphore, #tpu.memory_space<semaphore_mem>>
        %dma_start3A_261 = tpu.memref_squeeze %dma_start3A_260 : memref<1x!tpu.dma_semaphore, #tpu.memory_space<semaphore_mem>> -> memref<!tpu.dma_semaphore, #tpu.memory_space<semaphore_mem>>
        %dma_start3A_262 = tpu.memref_slice %arg3[%mul3A_257] : memref<322560xi32, #tpu.memory_space<hbm>> -> memref<120xi32, #tpu.memory_space<hbm>>
        tpu.enqueue_dma source(%dma_start3A_262 : memref<120xi32, #tpu.memory_space<hbm>>) target(%arg7 : memref<120xi32, #tpu.memory_space<vmem>>) target_semaphore(%dma_start3A_261 : memref<!tpu.dma_semaphore, #tpu.memory_space<semaphore_mem>>)
      } else {
      }
      %add3A_155 = arith.addi %select_n3A, %add3A_145 : i32
      %mul3A_156 = arith.constant 120 : i32
      %mul3A_157 = arith.muli %add3A_155, %mul3A_156 : i32
      %dma_wait3A_158 = arith.constant 0 : i32
      %dma_wait3A_159 = tpu.memref_slice %arg4[%mul3A_157] : memref<322560xi32, #tpu.memory_space<hbm>> -> memref<120xi32, #tpu.memory_space<hbm>>
      %dma_wait3A_160 = tpu.memref_slice %arg18[%dma_wait3A_158] : memref<3x!tpu.dma_semaphore, #tpu.memory_space<semaphore_mem>> -> memref<1x!tpu.dma_semaphore, #tpu.memory_space<semaphore_mem>>
      %dma_wait3A_161 = tpu.memref_squeeze %dma_wait3A_160 : memref<1x!tpu.dma_semaphore, #tpu.memory_space<semaphore_mem>> -> memref<!tpu.dma_semaphore, #tpu.memory_space<semaphore_mem>>
      %dma_wait3A_162 = tpu.memref_slice %arg4[%mul3A_157] : memref<322560xi32, #tpu.memory_space<hbm>> -> memref<120xi32, #tpu.memory_space<hbm>>
      tpu.wait_dma2 semaphore(%dma_wait3A_161 : memref<!tpu.dma_semaphore, #tpu.memory_space<semaphore_mem>>) src(%dma_wait3A_162 : memref<120xi32, #tpu.memory_space<hbm>>) dst(%arg10 : memref<120xi32, #tpu.memory_space<vmem>>)
      %dma_start3A_163 = arith.constant 0 : i32
      %dma_start3A_164 = arith.constant 0 : i32
      %dma_start3A_165 = arith.constant 0 : i32
      %dma_start3A_166 = tpu.memref_slice %arg16[%dma_start3A_164, %dma_start3A_165] : memref<10112x128xf32, #tpu.memory_space<vmem_shared>> -> memref<10112x128xf32, #tpu.memory_space<vmem_shared>>
      %dma_start3A_167 = tpu.memref_slice %arg20[%dma_start3A_163] : memref<3x!tpu.dma_semaphore, #tpu.memory_space<semaphore_mem>> -> memref<1x!tpu.dma_semaphore, #tpu.memory_space<semaphore_mem>>
      %dma_start3A_168 = tpu.memref_squeeze %dma_start3A_167 : memref<1x!tpu.dma_semaphore, #tpu.memory_space<semaphore_mem>> -> memref<!tpu.dma_semaphore, #tpu.memory_space<semaphore_mem>>
      tpu.enqueue_indirect_dma source(%arg13 : memref<120x128xf32, #tpu.memory_space<vmem>>) target(%dma_start3A_166 : memref<10112x128xf32, #tpu.memory_space<vmem_shared>>) offsets(%arg10 : memref<120xi32, #tpu.memory_space<vmem>>) semaphore(%dma_start3A_168 : memref<!tpu.dma_semaphore, #tpu.memory_space<semaphore_mem>>) {add = true}
      %dma_wait3A_169 = arith.constant 0 : i32
      %dma_wait3A_170 = arith.constant 0 : i32
      %dma_wait3A_171 = arith.constant 0 : i32
      %dma_wait3A_172 = tpu.memref_slice %arg16[%dma_wait3A_170, %dma_wait3A_171] : memref<10112x128xf32, #tpu.memory_space<vmem_shared>> -> memref<10112x128xf32, #tpu.memory_space<vmem_shared>>
      %dma_wait3A_173 = tpu.memref_slice %arg20[%dma_wait3A_169] : memref<3x!tpu.dma_semaphore, #tpu.memory_space<semaphore_mem>> -> memref<1x!tpu.dma_semaphore, #tpu.memory_space<semaphore_mem>>
      %dma_wait3A_174 = tpu.memref_squeeze %dma_wait3A_173 : memref<1x!tpu.dma_semaphore, #tpu.memory_space<semaphore_mem>> -> memref<!tpu.dma_semaphore, #tpu.memory_space<semaphore_mem>>
      tpu.wait_indirect_dma semaphore(%dma_wait3A_174 : memref<!tpu.dma_semaphore, #tpu.memory_space<semaphore_mem>>) src(%arg13 : memref<120x128xf32, #tpu.memory_space<vmem>>) dst(%dma_wait3A_172 : memref<10112x128xf32, #tpu.memory_space<vmem_shared>>)
      %lt3A_175 = arith.cmpi slt, %add3A_147, %select_n3A_8 : i32
      %convert_element_type3A_176 = arith.extui %lt3A_175 : i1 to i32
      %cond3A_177 = arith.constant 0 : i32
      %cond3A_178 = arith.cmpi ne, %convert_element_type3A_176, %cond3A_177 : i32
      scf.if %cond3A_178 {
        %add3A_255 = arith.addi %select_n3A, %add3A_147 : i32
        %mul3A_256 = arith.constant 120 : i32
        %mul3A_257 = arith.muli %add3A_255, %mul3A_256 : i32
        %dma_start3A_258 = arith.constant 0 : i32
        %dma_start3A_259 = tpu.memref_slice %arg4[%mul3A_257] : memref<322560xi32, #tpu.memory_space<hbm>> -> memref<120xi32, #tpu.memory_space<hbm>>
        %dma_start3A_260 = tpu.memref_slice %arg18[%dma_start3A_258] : memref<3x!tpu.dma_semaphore, #tpu.memory_space<semaphore_mem>> -> memref<1x!tpu.dma_semaphore, #tpu.memory_space<semaphore_mem>>
        %dma_start3A_261 = tpu.memref_squeeze %dma_start3A_260 : memref<1x!tpu.dma_semaphore, #tpu.memory_space<semaphore_mem>> -> memref<!tpu.dma_semaphore, #tpu.memory_space<semaphore_mem>>
        %dma_start3A_262 = tpu.memref_slice %arg4[%mul3A_257] : memref<322560xi32, #tpu.memory_space<hbm>> -> memref<120xi32, #tpu.memory_space<hbm>>
        tpu.enqueue_dma source(%dma_start3A_262 : memref<120xi32, #tpu.memory_space<hbm>>) target(%arg10 : memref<120xi32, #tpu.memory_space<vmem>>) target_semaphore(%dma_start3A_261 : memref<!tpu.dma_semaphore, #tpu.memory_space<semaphore_mem>>)
        %add3A_263 = arith.addi %select_n3A, %add3A_147 : i32
        %mul3A_264 = arith.constant 120 : i32
        %mul3A_265 = arith.muli %add3A_263, %mul3A_264 : i32
        %dma_wait3A_266 = arith.constant 0 : i32
        %dma_wait3A_267 = tpu.memref_slice %arg3[%mul3A_265] : memref<322560xi32, #tpu.memory_space<hbm>> -> memref<120xi32, #tpu.memory_space<hbm>>
        %dma_wait3A_268 = tpu.memref_slice %arg17[%dma_wait3A_266] : memref<3x!tpu.dma_semaphore, #tpu.memory_space<semaphore_mem>> -> memref<1x!tpu.dma_semaphore, #tpu.memory_space<semaphore_mem>>
        %dma_wait3A_269 = tpu.memref_squeeze %dma_wait3A_268 : memref<1x!tpu.dma_semaphore, #tpu.memory_space<semaphore_mem>> -> memref<!tpu.dma_semaphore, #tpu.memory_space<semaphore_mem>>
        %dma_wait3A_270 = tpu.memref_slice %arg3[%mul3A_265] : memref<322560xi32, #tpu.memory_space<hbm>> -> memref<120xi32, #tpu.memory_space<hbm>>
        tpu.wait_dma2 semaphore(%dma_wait3A_269 : memref<!tpu.dma_semaphore, #tpu.memory_space<semaphore_mem>>) src(%dma_wait3A_270 : memref<120xi32, #tpu.memory_space<hbm>>) dst(%arg7 : memref<120xi32, #tpu.memory_space<vmem>>)
        %dma_start3A_271 = arith.constant 0 : i32
        %dma_start3A_272 = arith.constant 0 : i32
        %dma_start3A_273 = arith.constant 0 : i32
        %dma_start3A_274 = tpu.memref_slice %arg2[%dma_start3A_272, %dma_start3A_273] : memref<10000x128xf32, #tpu.memory_space<hbm>> -> memref<10000x128xf32, #tpu.memory_space<hbm>>
        %dma_start3A_275 = tpu.memref_slice %arg19[%dma_start3A_271] : memref<3x!tpu.dma_semaphore, #tpu.memory_space<semaphore_mem>> -> memref<1x!tpu.dma_semaphore, #tpu.memory_space<semaphore_mem>>
        %dma_start3A_276 = tpu.memref_squeeze %dma_start3A_275 : memref<1x!tpu.dma_semaphore, #tpu.memory_space<semaphore_mem>> -> memref<!tpu.dma_semaphore, #tpu.memory_space<semaphore_mem>>
        tpu.enqueue_indirect_dma source(%dma_start3A_274 : memref<10000x128xf32, #tpu.memory_space<hbm>>) target(%arg13 : memref<120x128xf32, #tpu.memory_space<vmem>>) offsets(%arg7 : memref<120xi32, #tpu.memory_space<vmem>>) semaphore(%dma_start3A_276 : memref<!tpu.dma_semaphore, #tpu.memory_space<semaphore_mem>>)
      } else {
      }
      %add3A_179 = arith.constant 1 : i32
      %add3A_180 = arith.addi %mul3A_143, %add3A_179 : i32
      %add3A_181 = arith.constant 3 : i32
      %add3A_182 = arith.addi %add3A_180, %add3A_181 : i32
      %dma_wait3A_183 = arith.constant 1 : i32
      %dma_wait3A_184 = arith.constant 0 : i32
      %dma_wait3A_185 = arith.constant 0 : i32
      %dma_wait3A_186 = tpu.memref_slice %arg2[%dma_wait3A_184, %dma_wait3A_185] : memref<10000x128xf32, #tpu.memory_space<hbm>> -> memref<10000x128xf32, #tpu.memory_space<hbm>>
      %dma_wait3A_187 = tpu.memref_slice %arg19[%dma_wait3A_183] : memref<3x!tpu.dma_semaphore, #tpu.memory_space<semaphore_mem>> -> memref<1x!tpu.dma_semaphore, #tpu.memory_space<semaphore_mem>>
      %dma_wait3A_188 = tpu.memref_squeeze %dma_wait3A_187 : memref<1x!tpu.dma_semaphore, #tpu.memory_space<semaphore_mem>> -> memref<!tpu.dma_semaphore, #tpu.memory_space<semaphore_mem>>
      tpu.wait_indirect_dma semaphore(%dma_wait3A_188 : memref<!tpu.dma_semaphore, #tpu.memory_space<semaphore_mem>>) src(%dma_wait3A_186 : memref<10000x128xf32, #tpu.memory_space<hbm>>) dst(%arg14 : memref<120x128xf32, #tpu.memory_space<vmem>>)
      %lt3A_189 = arith.cmpi slt, %add3A_182, %select_n3A_8 : i32
      %convert_element_type3A_190 = arith.extui %lt3A_189 : i1 to i32
      %cond3A_191 = arith.constant 0 : i32
      %cond3A_192 = arith.cmpi ne, %convert_element_type3A_190, %cond3A_191 : i32
      scf.if %cond3A_192 {
        %add3A_255 = arith.addi %select_n3A, %add3A_182 : i32
        %mul3A_256 = arith.constant 120 : i32
        %mul3A_257 = arith.muli %add3A_255, %mul3A_256 : i32
        %dma_start3A_258 = arith.constant 1 : i32
        %dma_start3A_259 = tpu.memref_slice %arg3[%mul3A_257] : memref<322560xi32, #tpu.memory_space<hbm>> -> memref<120xi32, #tpu.memory_space<hbm>>
        %dma_start3A_260 = tpu.memref_slice %arg17[%dma_start3A_258] : memref<3x!tpu.dma_semaphore, #tpu.memory_space<semaphore_mem>> -> memref<1x!tpu.dma_semaphore, #tpu.memory_space<semaphore_mem>>
        %dma_start3A_261 = tpu.memref_squeeze %dma_start3A_260 : memref<1x!tpu.dma_semaphore, #tpu.memory_space<semaphore_mem>> -> memref<!tpu.dma_semaphore, #tpu.memory_space<semaphore_mem>>
        %dma_start3A_262 = tpu.memref_slice %arg3[%mul3A_257] : memref<322560xi32, #tpu.memory_space<hbm>> -> memref<120xi32, #tpu.memory_space<hbm>>
        tpu.enqueue_dma source(%dma_start3A_262 : memref<120xi32, #tpu.memory_space<hbm>>) target(%arg8 : memref<120xi32, #tpu.memory_space<vmem>>) target_semaphore(%dma_start3A_261 : memref<!tpu.dma_semaphore, #tpu.memory_space<semaphore_mem>>)
      } else {
      }
      %add3A_193 = arith.addi %select_n3A, %add3A_180 : i32
      %mul3A_194 = arith.constant 120 : i32
      %mul3A_195 = arith.muli %add3A_193, %mul3A_194 : i32
      %dma_wait3A_196 = arith.constant 1 : i32
      %dma_wait3A_197 = tpu.memref_slice %arg4[%mul3A_195] : memref<322560xi32, #tpu.memory_space<hbm>> -> memref<120xi32, #tpu.memory_space<hbm>>
      %dma_wait3A_198 = tpu.memref_slice %arg18[%dma_wait3A_196] : memref<3x!tpu.dma_semaphore, #tpu.memory_space<semaphore_mem>> -> memref<1x!tpu.dma_semaphore, #tpu.memory_space<semaphore_mem>>
      %dma_wait3A_199 = tpu.memref_squeeze %dma_wait3A_198 : memref<1x!tpu.dma_semaphore, #tpu.memory_space<semaphore_mem>> -> memref<!tpu.dma_semaphore, #tpu.memory_space<semaphore_mem>>
      %dma_wait3A_200 = tpu.memref_slice %arg4[%mul3A_195] : memref<322560xi32, #tpu.memory_space<hbm>> -> memref<120xi32, #tpu.memory_space<hbm>>
      tpu.wait_dma2 semaphore(%dma_wait3A_199 : memref<!tpu.dma_semaphore, #tpu.memory_space<semaphore_mem>>) src(%dma_wait3A_200 : memref<120xi32, #tpu.memory_space<hbm>>) dst(%arg11 : memref<120xi32, #tpu.memory_space<vmem>>)
      %dma_start3A_201 = arith.constant 1 : i32
      %dma_start3A_202 = arith.constant 0 : i32
      %dma_start3A_203 = arith.constant 0 : i32
      %dma_start3A_204 = tpu.memref_slice %arg16[%dma_start3A_202, %dma_start3A_203] : memref<10112x128xf32, #tpu.memory_space<vmem_shared>> -> memref<10112x128xf32, #tpu.memory_space<vmem_shared>>
      %dma_start3A_205 = tpu.memref_slice %arg20[%dma_start3A_201] : memref<3x!tpu.dma_semaphore, #tpu.memory_space<semaphore_mem>> -> memref<1x!tpu.dma_semaphore, #tpu.memory_space<semaphore_mem>>
      %dma_start3A_206 = tpu.memref_squeeze %dma_start3A_205 : memref<1x!tpu.dma_semaphore, #tpu.memory_space<semaphore_mem>> -> memref<!tpu.dma_semaphore, #tpu.memory_space<semaphore_mem>>
      tpu.enqueue_indirect_dma source(%arg14 : memref<120x128xf32, #tpu.memory_space<vmem>>) target(%dma_start3A_204 : memref<10112x128xf32, #tpu.memory_space<vmem_shared>>) offsets(%arg11 : memref<120xi32, #tpu.memory_space<vmem>>) semaphore(%dma_start3A_206 : memref<!tpu.dma_semaphore, #tpu.memory_space<semaphore_mem>>) {add = true}
      %dma_wait3A_207 = arith.constant 1 : i32
      %dma_wait3A_208 = arith.constant 0 : i32
      %dma_wait3A_209 = arith.constant 0 : i32
      %dma_wait3A_210 = tpu.memref_slice %arg16[%dma_wait3A_208, %dma_wait3A_209] : memref<10112x128xf32, #tpu.memory_space<vmem_shared>> -> memref<10112x128xf32, #tpu.memory_space<vmem_shared>>
      %dma_wait3A_211 = tpu.memref_slice %arg20[%dma_wait3A_207] : memref<3x!tpu.dma_semaphore, #tpu.memory_space<semaphore_mem>> -> memref<1x!tpu.dma_semaphore, #tpu.memory_space<semaphore_mem>>
      %dma_wait3A_212 = tpu.memref_squeeze %dma_wait3A_211 : memref<1x!tpu.dma_semaphore, #tpu.memory_space<semaphore_mem>> -> memref<!tpu.dma_semaphore, #tpu.memory_space<semaphore_mem>>
      tpu.wait_indirect_dma semaphore(%dma_wait3A_212 : memref<!tpu.dma_semaphore, #tpu.memory_space<semaphore_mem>>) src(%arg14 : memref<120x128xf32, #tpu.memory_space<vmem>>) dst(%dma_wait3A_210 : memref<10112x128xf32, #tpu.memory_space<vmem_shared>>)
      %lt3A_213 = arith.cmpi slt, %add3A_182, %select_n3A_8 : i32
      %convert_element_type3A_214 = arith.extui %lt3A_213 : i1 to i32
      %cond3A_215 = arith.constant 0 : i32
      %cond3A_216 = arith.cmpi ne, %convert_element_type3A_214, %cond3A_215 : i32
      scf.if %cond3A_216 {
        %add3A_255 = arith.addi %select_n3A, %add3A_182 : i32
        %mul3A_256 = arith.constant 120 : i32
        %mul3A_257 = arith.muli %add3A_255, %mul3A_256 : i32
        %dma_start3A_258 = arith.constant 1 : i32
        %dma_start3A_259 = tpu.memref_slice %arg4[%mul3A_257] : memref<322560xi32, #tpu.memory_space<hbm>> -> memref<120xi32, #tpu.memory_space<hbm>>
        %dma_start3A_260 = tpu.memref_slice %arg18[%dma_start3A_258] : memref<3x!tpu.dma_semaphore, #tpu.memory_space<semaphore_mem>> -> memref<1x!tpu.dma_semaphore, #tpu.memory_space<semaphore_mem>>
        %dma_start3A_261 = tpu.memref_squeeze %dma_start3A_260 : memref<1x!tpu.dma_semaphore, #tpu.memory_space<semaphore_mem>> -> memref<!tpu.dma_semaphore, #tpu.memory_space<semaphore_mem>>
        %dma_start3A_262 = tpu.memref_slice %arg4[%mul3A_257] : memref<322560xi32, #tpu.memory_space<hbm>> -> memref<120xi32, #tpu.memory_space<hbm>>
        tpu.enqueue_dma source(%dma_start3A_262 : memref<120xi32, #tpu.memory_space<hbm>>) target(%arg11 : memref<120xi32, #tpu.memory_space<vmem>>) target_semaphore(%dma_start3A_261 : memref<!tpu.dma_semaphore, #tpu.memory_space<semaphore_mem>>)
        %add3A_263 = arith.addi %select_n3A, %add3A_182 : i32
        %mul3A_264 = arith.constant 120 : i32
        %mul3A_265 = arith.muli %add3A_263, %mul3A_264 : i32
        %dma_wait3A_266 = arith.constant 1 : i32
        %dma_wait3A_267 = tpu.memref_slice %arg3[%mul3A_265] : memref<322560xi32, #tpu.memory_space<hbm>> -> memref<120xi32, #tpu.memory_space<hbm>>
        %dma_wait3A_268 = tpu.memref_slice %arg17[%dma_wait3A_266] : memref<3x!tpu.dma_semaphore, #tpu.memory_space<semaphore_mem>> -> memref<1x!tpu.dma_semaphore, #tpu.memory_space<semaphore_mem>>
        %dma_wait3A_269 = tpu.memref_squeeze %dma_wait3A_268 : memref<1x!tpu.dma_semaphore, #tpu.memory_space<semaphore_mem>> -> memref<!tpu.dma_semaphore, #tpu.memory_space<semaphore_mem>>
        %dma_wait3A_270 = tpu.memref_slice %arg3[%mul3A_265] : memref<322560xi32, #tpu.memory_space<hbm>> -> memref<120xi32, #tpu.memory_space<hbm>>
        tpu.wait_dma2 semaphore(%dma_wait3A_269 : memref<!tpu.dma_semaphore, #tpu.memory_space<semaphore_mem>>) src(%dma_wait3A_270 : memref<120xi32, #tpu.memory_space<hbm>>) dst(%arg8 : memref<120xi32, #tpu.memory_space<vmem>>)
        %dma_start3A_271 = arith.constant 1 : i32
        %dma_start3A_272 = arith.constant 0 : i32
        %dma_start3A_273 = arith.constant 0 : i32
        %dma_start3A_274 = tpu.memref_slice %arg2[%dma_start3A_272, %dma_start3A_273] : memref<10000x128xf32, #tpu.memory_space<hbm>> -> memref<10000x128xf32, #tpu.memory_space<hbm>>
        %dma_start3A_275 = tpu.memref_slice %arg19[%dma_start3A_271] : memref<3x!tpu.dma_semaphore, #tpu.memory_space<semaphore_mem>> -> memref<1x!tpu.dma_semaphore, #tpu.memory_space<semaphore_mem>>
        %dma_start3A_276 = tpu.memref_squeeze %dma_start3A_275 : memref<1x!tpu.dma_semaphore, #tpu.memory_space<semaphore_mem>> -> memref<!tpu.dma_semaphore, #tpu.memory_space<semaphore_mem>>
        tpu.enqueue_indirect_dma source(%dma_start3A_274 : memref<10000x128xf32, #tpu.memory_space<hbm>>) target(%arg14 : memref<120x128xf32, #tpu.memory_space<vmem>>) offsets(%arg8 : memref<120xi32, #tpu.memory_space<vmem>>) semaphore(%dma_start3A_276 : memref<!tpu.dma_semaphore, #tpu.memory_space<semaphore_mem>>)
      } else {
      }
      %add3A_217 = arith.constant 2 : i32
      %add3A_218 = arith.addi %mul3A_143, %add3A_217 : i32
      %add3A_219 = arith.constant 3 : i32
      %add3A_220 = arith.addi %add3A_218, %add3A_219 : i32
      %dma_wait3A_221 = arith.constant 2 : i32
      %dma_wait3A_222 = arith.constant 0 : i32
      %dma_wait3A_223 = arith.constant 0 : i32
      %dma_wait3A_224 = tpu.memref_slice %arg2[%dma_wait3A_222, %dma_wait3A_223] : memref<10000x128xf32, #tpu.memory_space<hbm>> -> memref<10000x128xf32, #tpu.memory_space<hbm>>
      %dma_wait3A_225 = tpu.memref_slice %arg19[%dma_wait3A_221] : memref<3x!tpu.dma_semaphore, #tpu.memory_space<semaphore_mem>> -> memref<1x!tpu.dma_semaphore, #tpu.memory_space<semaphore_mem>>
      %dma_wait3A_226 = tpu.memref_squeeze %dma_wait3A_225 : memref<1x!tpu.dma_semaphore, #tpu.memory_space<semaphore_mem>> -> memref<!tpu.dma_semaphore, #tpu.memory_space<semaphore_mem>>
      tpu.wait_indirect_dma semaphore(%dma_wait3A_226 : memref<!tpu.dma_semaphore, #tpu.memory_space<semaphore_mem>>) src(%dma_wait3A_224 : memref<10000x128xf32, #tpu.memory_space<hbm>>) dst(%arg15 : memref<120x128xf32, #tpu.memory_space<vmem>>)
      %lt3A_227 = arith.cmpi slt, %add3A_220, %select_n3A_8 : i32
      %convert_element_type3A_228 = arith.extui %lt3A_227 : i1 to i32
      %cond3A_229 = arith.constant 0 : i32
      %cond3A_230 = arith.cmpi ne, %convert_element_type3A_228, %cond3A_229 : i32
      scf.if %cond3A_230 {
        %add3A_255 = arith.addi %select_n3A, %add3A_220 : i32
        %mul3A_256 = arith.constant 120 : i32
        %mul3A_257 = arith.muli %add3A_255, %mul3A_256 : i32
        %dma_start3A_258 = arith.constant 2 : i32
        %dma_start3A_259 = tpu.memref_slice %arg3[%mul3A_257] : memref<322560xi32, #tpu.memory_space<hbm>> -> memref<120xi32, #tpu.memory_space<hbm>>
        %dma_start3A_260 = tpu.memref_slice %arg17[%dma_start3A_258] : memref<3x!tpu.dma_semaphore, #tpu.memory_space<semaphore_mem>> -> memref<1x!tpu.dma_semaphore, #tpu.memory_space<semaphore_mem>>
        %dma_start3A_261 = tpu.memref_squeeze %dma_start3A_260 : memref<1x!tpu.dma_semaphore, #tpu.memory_space<semaphore_mem>> -> memref<!tpu.dma_semaphore, #tpu.memory_space<semaphore_mem>>
        %dma_start3A_262 = tpu.memref_slice %arg3[%mul3A_257] : memref<322560xi32, #tpu.memory_space<hbm>> -> memref<120xi32, #tpu.memory_space<hbm>>
        tpu.enqueue_dma source(%dma_start3A_262 : memref<120xi32, #tpu.memory_space<hbm>>) target(%arg9 : memref<120xi32, #tpu.memory_space<vmem>>) target_semaphore(%dma_start3A_261 : memref<!tpu.dma_semaphore, #tpu.memory_space<semaphore_mem>>)
      } else {
      }
      %add3A_231 = arith.addi %select_n3A, %add3A_218 : i32
      %mul3A_232 = arith.constant 120 : i32
      %mul3A_233 = arith.muli %add3A_231, %mul3A_232 : i32
      %dma_wait3A_234 = arith.constant 2 : i32
      %dma_wait3A_235 = tpu.memref_slice %arg4[%mul3A_233] : memref<322560xi32, #tpu.memory_space<hbm>> -> memref<120xi32, #tpu.memory_space<hbm>>
      %dma_wait3A_236 = tpu.memref_slice %arg18[%dma_wait3A_234] : memref<3x!tpu.dma_semaphore, #tpu.memory_space<semaphore_mem>> -> memref<1x!tpu.dma_semaphore, #tpu.memory_space<semaphore_mem>>
      %dma_wait3A_237 = tpu.memref_squeeze %dma_wait3A_236 : memref<1x!tpu.dma_semaphore, #tpu.memory_space<semaphore_mem>> -> memref<!tpu.dma_semaphore, #tpu.memory_space<semaphore_mem>>
      %dma_wait3A_238 = tpu.memref_slice %arg4[%mul3A_233] : memref<322560xi32, #tpu.memory_space<hbm>> -> memref<120xi32, #tpu.memory_space<hbm>>
      tpu.wait_dma2 semaphore(%dma_wait3A_237 : memref<!tpu.dma_semaphore, #tpu.memory_space<semaphore_mem>>) src(%dma_wait3A_238 : memref<120xi32, #tpu.memory_space<hbm>>) dst(%arg12 : memref<120xi32, #tpu.memory_space<vmem>>)
      %dma_start3A_239 = arith.constant 2 : i32
      %dma_start3A_240 = arith.constant 0 : i32
      %dma_start3A_241 = arith.constant 0 : i32
      %dma_start3A_242 = tpu.memref_slice %arg16[%dma_start3A_240, %dma_start3A_241] : memref<10112x128xf32, #tpu.memory_space<vmem_shared>> -> memref<10112x128xf32, #tpu.memory_space<vmem_shared>>
      %dma_start3A_243 = tpu.memref_slice %arg20[%dma_start3A_239] : memref<3x!tpu.dma_semaphore, #tpu.memory_space<semaphore_mem>> -> memref<1x!tpu.dma_semaphore, #tpu.memory_space<semaphore_mem>>
      %dma_start3A_244 = tpu.memref_squeeze %dma_start3A_243 : memref<1x!tpu.dma_semaphore, #tpu.memory_space<semaphore_mem>> -> memref<!tpu.dma_semaphore, #tpu.memory_space<semaphore_mem>>
      tpu.enqueue_indirect_dma source(%arg15 : memref<120x128xf32, #tpu.memory_space<vmem>>) target(%dma_start3A_242 : memref<10112x128xf32, #tpu.memory_space<vmem_shared>>) offsets(%arg12 : memref<120xi32, #tpu.memory_space<vmem>>) semaphore(%dma_start3A_244 : memref<!tpu.dma_semaphore, #tpu.memory_space<semaphore_mem>>) {add = true}
      %dma_wait3A_245 = arith.constant 2 : i32
      %dma_wait3A_246 = arith.constant 0 : i32
      %dma_wait3A_247 = arith.constant 0 : i32
      %dma_wait3A_248 = tpu.memref_slice %arg16[%dma_wait3A_246, %dma_wait3A_247] : memref<10112x128xf32, #tpu.memory_space<vmem_shared>> -> memref<10112x128xf32, #tpu.memory_space<vmem_shared>>
      %dma_wait3A_249 = tpu.memref_slice %arg20[%dma_wait3A_245] : memref<3x!tpu.dma_semaphore, #tpu.memory_space<semaphore_mem>> -> memref<1x!tpu.dma_semaphore, #tpu.memory_space<semaphore_mem>>
      %dma_wait3A_250 = tpu.memref_squeeze %dma_wait3A_249 : memref<1x!tpu.dma_semaphore, #tpu.memory_space<semaphore_mem>> -> memref<!tpu.dma_semaphore, #tpu.memory_space<semaphore_mem>>
      tpu.wait_indirect_dma semaphore(%dma_wait3A_250 : memref<!tpu.dma_semaphore, #tpu.memory_space<semaphore_mem>>) src(%arg15 : memref<120x128xf32, #tpu.memory_space<vmem>>) dst(%dma_wait3A_248 : memref<10112x128xf32, #tpu.memory_space<vmem_shared>>)
      %lt3A_251 = arith.cmpi slt, %add3A_220, %select_n3A_8 : i32
      %convert_element_type3A_252 = arith.extui %lt3A_251 : i1 to i32
      %cond3A_253 = arith.constant 0 : i32
      %cond3A_254 = arith.cmpi ne, %convert_element_type3A_252, %cond3A_253 : i32
      scf.if %cond3A_254 {
        %add3A_255 = arith.addi %select_n3A, %add3A_220 : i32
        %mul3A_256 = arith.constant 120 : i32
        %mul3A_257 = arith.muli %add3A_255, %mul3A_256 : i32
        %dma_start3A_258 = arith.constant 2 : i32
        %dma_start3A_259 = tpu.memref_slice %arg4[%mul3A_257] : memref<322560xi32, #tpu.memory_space<hbm>> -> memref<120xi32, #tpu.memory_space<hbm>>
        %dma_start3A_260 = tpu.memref_slice %arg18[%dma_start3A_258] : memref<3x!tpu.dma_semaphore, #tpu.memory_space<semaphore_mem>> -> memref<1x!tpu.dma_semaphore, #tpu.memory_space<semaphore_mem>>
        %dma_start3A_261 = tpu.memref_squeeze %dma_start3A_260 : memref<1x!tpu.dma_semaphore, #tpu.memory_space<semaphore_mem>> -> memref<!tpu.dma_semaphore, #tpu.memory_space<semaphore_mem>>
        %dma_start3A_262 = tpu.memref_slice %arg4[%mul3A_257] : memref<322560xi32, #tpu.memory_space<hbm>> -> memref<120xi32, #tpu.memory_space<hbm>>
        tpu.enqueue_dma source(%dma_start3A_262 : memref<120xi32, #tpu.memory_space<hbm>>) target(%arg12 : memref<120xi32, #tpu.memory_space<vmem>>) target_semaphore(%dma_start3A_261 : memref<!tpu.dma_semaphore, #tpu.memory_space<semaphore_mem>>)
        %add3A_263 = arith.addi %select_n3A, %add3A_220 : i32
        %mul3A_264 = arith.constant 120 : i32
        %mul3A_265 = arith.muli %add3A_263, %mul3A_264 : i32
        %dma_wait3A_266 = arith.constant 2 : i32
        %dma_wait3A_267 = tpu.memref_slice %arg3[%mul3A_265] : memref<322560xi32, #tpu.memory_space<hbm>> -> memref<120xi32, #tpu.memory_space<hbm>>
        %dma_wait3A_268 = tpu.memref_slice %arg17[%dma_wait3A_266] : memref<3x!tpu.dma_semaphore, #tpu.memory_space<semaphore_mem>> -> memref<1x!tpu.dma_semaphore, #tpu.memory_space<semaphore_mem>>
        %dma_wait3A_269 = tpu.memref_squeeze %dma_wait3A_268 : memref<1x!tpu.dma_semaphore, #tpu.memory_space<semaphore_mem>> -> memref<!tpu.dma_semaphore, #tpu.memory_space<semaphore_mem>>
        %dma_wait3A_270 = tpu.memref_slice %arg3[%mul3A_265] : memref<322560xi32, #tpu.memory_space<hbm>> -> memref<120xi32, #tpu.memory_space<hbm>>
        tpu.wait_dma2 semaphore(%dma_wait3A_269 : memref<!tpu.dma_semaphore, #tpu.memory_space<semaphore_mem>>) src(%dma_wait3A_270 : memref<120xi32, #tpu.memory_space<hbm>>) dst(%arg9 : memref<120xi32, #tpu.memory_space<vmem>>)
        %dma_start3A_271 = arith.constant 2 : i32
        %dma_start3A_272 = arith.constant 0 : i32
        %dma_start3A_273 = arith.constant 0 : i32
        %dma_start3A_274 = tpu.memref_slice %arg2[%dma_start3A_272, %dma_start3A_273] : memref<10000x128xf32, #tpu.memory_space<hbm>> -> memref<10000x128xf32, #tpu.memory_space<hbm>>
        %dma_start3A_275 = tpu.memref_slice %arg19[%dma_start3A_271] : memref<3x!tpu.dma_semaphore, #tpu.memory_space<semaphore_mem>> -> memref<1x!tpu.dma_semaphore, #tpu.memory_space<semaphore_mem>>
        %dma_start3A_276 = tpu.memref_squeeze %dma_start3A_275 : memref<1x!tpu.dma_semaphore, #tpu.memory_space<semaphore_mem>> -> memref<!tpu.dma_semaphore, #tpu.memory_space<semaphore_mem>>
        tpu.enqueue_indirect_dma source(%dma_start3A_274 : memref<10000x128xf32, #tpu.memory_space<hbm>>) target(%arg15 : memref<120x128xf32, #tpu.memory_space<vmem>>) offsets(%arg9 : memref<120xi32, #tpu.memory_space<vmem>>) semaphore(%dma_start3A_276 : memref<!tpu.dma_semaphore, #tpu.memory_space<semaphore_mem>>)
      } else {
      }
    }
    %barrier3A_136 = arith.constant 0 : index
    tpu.barrier barrier_id(%barrier3A_136)
    %mul3A_137 = arith.constant 632 : i32
    %mul3A_138 = arith.muli %arg1, %mul3A_137 : i32
    %mul3A_139 = arith.constant 632 : i32
    %mul3A_140 = arith.muli %arg1, %mul3A_139 : i32
    "tpu.region"() ({
      %run_scoped3A = tpu.sem_alloc : memref<!tpu.dma_semaphore, #tpu.memory_space<semaphore_mem>>
      %dma_start3A_141 = arith.constant 0 : i32
      %dma_start3A_142 = tpu.memref_slice %arg6[%arg0, %mul3A_140, %dma_start3A_141] : memref<2x10112x128xf32, #tpu.memory_space<hbm>> -> memref<1x632x128xf32, #tpu.memory_space<hbm>>
      %dma_start3A_143 = tpu.memref_squeeze %dma_start3A_142 : memref<1x632x128xf32, #tpu.memory_space<hbm>> -> memref<632x128xf32, #tpu.memory_space<hbm>>
      %dma_start3A_144 = arith.constant 0 : i32
      %dma_start3A_145 = tpu.memref_slice %arg16[%mul3A_138, %dma_start3A_144] : memref<10112x128xf32, #tpu.memory_space<vmem_shared>> -> memref<632x128xf32, #tpu.memory_space<vmem_shared>>
      tpu.enqueue_dma source(%dma_start3A_145 : memref<632x128xf32, #tpu.memory_space<vmem_shared>>) target(%dma_start3A_143 : memref<632x128xf32, #tpu.memory_space<hbm>>) target_semaphore(%run_scoped3A : memref<!tpu.dma_semaphore, #tpu.memory_space<semaphore_mem>>)
      %dma_wait3A_146 = arith.constant 0 : i32
      %dma_wait3A_147 = tpu.memref_slice %arg6[%arg0, %mul3A_140, %dma_wait3A_146] : memref<2x10112x128xf32, #tpu.memory_space<hbm>> -> memref<1x632x128xf32, #tpu.memory_space<hbm>>
      %dma_wait3A_148 = tpu.memref_squeeze %dma_wait3A_147 : memref<1x632x128xf32, #tpu.memory_space<hbm>> -> memref<632x128xf32, #tpu.memory_space<hbm>>
      %dma_wait3A_149 = arith.constant 0 : i32
      %dma_wait3A_150 = tpu.memref_slice %arg16[%mul3A_138, %dma_wait3A_149] : memref<10112x128xf32, #tpu.memory_space<vmem_shared>> -> memref<632x128xf32, #tpu.memory_space<vmem_shared>>
      tpu.wait_dma2 semaphore(%run_scoped3A : memref<!tpu.dma_semaphore, #tpu.memory_space<semaphore_mem>>) src(%dma_wait3A_150 : memref<632x128xf32, #tpu.memory_space<vmem_shared>>) dst(%dma_wait3A_148 : memref<632x128xf32, #tpu.memory_space<hbm>>)
      tpu.yield
    }) : () -> ()
    return
  }
}

#map = affine_map<(d0, d1) -> (0, 0)>
#map1 = affine_map<(d0, d1) -> (0)>
#map2 = affine_map<(d0, d1) -> (0, 0, 0)>
module attributes {stable_mosaic.version = 14 : i64} {
  func.func @_agg_body(%arg0: i32, %arg1: i32, %arg2: memref<10000x128xf32, #tpu.memory_space<hbm>>, %arg3: memref<322560xi32, #tpu.memory_space<hbm>>, %arg4: memref<322560xi32, #tpu.memory_space<hbm>>, %arg5: memref<10112x128xf32, #tpu.memory_space<hbm>>, %arg6: memref<2x10112x128xf32, #tpu.memory_space<hbm>>, %arg7: memref<120xi32, #tpu.memory_space<vmem>>, %arg8: memref<120xi32, #tpu.memory_space<vmem>>, %arg9: memref<120xi32, #tpu.memory_space<vmem>>, %arg10: memref<120xi32, #tpu.memory_space<vmem>>, %arg11: memref<120xi32, #tpu.memory_space<vmem>>, %arg12: memref<120xi32, #tpu.memory_space<vmem>>, %arg13: memref<120x128xf32, #tpu.memory_space<vmem>>, %arg14: memref<120x128xf32, #tpu.memory_space<vmem>>, %arg15: memref<120x128xf32, #tpu.memory_space<vmem>>, %arg16: memref<10112x128xf32, #tpu.memory_space<vmem_shared>>, %arg17: memref<3x!tpu.dma_semaphore, #tpu.memory_space<semaphore_mem>>, %arg18: memref<3x!tpu.dma_semaphore, #tpu.memory_space<semaphore_mem>>, %arg19: memref<3x!tpu.dma_semaphore, #tpu.memory_space<semaphore_mem>>, %arg20: memref<3x!tpu.dma_semaphore, #tpu.memory_space<semaphore_mem>>) attributes {dimension_semantics = [#tpu.dimension_semantics<core_parallel>, #tpu.dimension_semantics<subcore_parallel>], iteration_bounds = array<i64: 2, 16>, scalar_prefetch = 0 : i64, scratch_operands = 14 : i64, tpu.core_type = #tpu.core_type<sc_vector_subcore>, window_params = [{transform_indices = #map}, {transform_indices = #map1}, {transform_indices = #map1}, {transform_indices = #map}, {transform_indices = #map2}]} {
    %eq3A = arith.constant 0 : i32
    %eq3A_0 = arith.cmpi eq, %arg0, %eq3A : i32
    %mul3A = arith.constant 153 : i32
    %mul3A_1 = arith.muli %arg1, %mul3A : i32
    %mul3A_2 = arith.constant 15 : i32
    %mul3A_3 = arith.muli %arg1, %mul3A_2 : i32
    %add3A = arith.constant 2448 : i32
    %add3A_4 = arith.addi %add3A, %mul3A_3 : i32
    %select_n3A = arith.select %eq3A_0, %mul3A_1, %add3A_4 : i32
    %eq3A_5 = arith.constant 0 : i32
    %eq3A_6 = arith.cmpi eq, %arg0, %eq3A_5 : i32
    %jit3A = arith.constant 153 : i32
    %jit3A_7 = arith.constant 15 : i32
    %select_n3A_8 = arith.select %eq3A_6, %jit3A, %jit3A_7 : i32
    %mul3A_9 = arith.constant 632 : i32
    %mul3A_10 = arith.muli %arg1, %mul3A_9 : i32
    %mul3A_11 = arith.constant 632 : i32
    %mul3A_12 = arith.muli %arg1, %mul3A_11 : i32
    "tpu.region"() ({
      %run_scoped3A = tpu.sem_alloc : memref<!tpu.dma_semaphore, #tpu.memory_space<semaphore_mem>>
      %dma_start3A_141 = arith.constant 0 : i32
      %dma_start3A_142 = tpu.memref_slice %arg16[%mul3A_12, %dma_start3A_141] : memref<10112x128xf32, #tpu.memory_space<vmem_shared>> -> memref<632x128xf32, #tpu.memory_space<vmem_shared>>
      %dma_start3A_143 = arith.constant 0 : i32
      %dma_start3A_144 = tpu.memref_slice %arg5[%mul3A_10, %dma_start3A_143] : memref<10112x128xf32, #tpu.memory_space<hbm>> -> memref<632x128xf32, #tpu.memory_space<hbm>>
      tpu.enqueue_dma source(%dma_start3A_144 : memref<632x128xf32, #tpu.memory_space<hbm>>) target(%dma_start3A_142 : memref<632x128xf32, #tpu.memory_space<vmem_shared>>) target_semaphore(%run_scoped3A : memref<!tpu.dma_semaphore, #tpu.memory_space<semaphore_mem>>)
      %dma_wait3A_145 = arith.constant 0 : i32
      %dma_wait3A_146 = tpu.memref_slice %arg16[%mul3A_12, %dma_wait3A_145] : memref<10112x128xf32, #tpu.memory_space<vmem_shared>> -> memref<632x128xf32, #tpu.memory_space<vmem_shared>>
      %dma_wait3A_147 = arith.constant 0 : i32
      %dma_wait3A_148 = tpu.memref_slice %arg5[%mul3A_10, %dma_wait3A_147] : memref<10112x128xf32, #tpu.memory_space<hbm>> -> memref<632x128xf32, #tpu.memory_space<hbm>>
      tpu.wait_dma2 semaphore(%run_scoped3A : memref<!tpu.dma_semaphore, #tpu.memory_space<semaphore_mem>>) src(%dma_wait3A_148 : memref<632x128xf32, #tpu.memory_space<hbm>>) dst(%dma_wait3A_146 : memref<632x128xf32, #tpu.memory_space<vmem_shared>>)
      tpu.yield
    }) : () -> ()
    %barrier3A = arith.constant 0 : index
    tpu.barrier barrier_id(%barrier3A)
    %add3A_13 = arith.constant 0 : i32
    %add3A_14 = arith.addi %select_n3A, %add3A_13 : i32
    %mul3A_15 = arith.constant 120 : i32
    %mul3A_16 = arith.muli %add3A_14, %mul3A_15 : i32
    %dma_start3A = arith.constant 0 : i32
    %dma_start3A_17 = tpu.memref_slice %arg3[%mul3A_16] : memref<322560xi32, #tpu.memory_space<hbm>> -> memref<120xi32, #tpu.memory_space<hbm>>
    %dma_start3A_18 = tpu.memref_slice %arg17[%dma_start3A] : memref<3x!tpu.dma_semaphore, #tpu.memory_space<semaphore_mem>> -> memref<1x!tpu.dma_semaphore, #tpu.memory_space<semaphore_mem>>
    %dma_start3A_19 = tpu.memref_squeeze %dma_start3A_18 : memref<1x!tpu.dma_semaphore, #tpu.memory_space<semaphore_mem>> -> memref<!tpu.dma_semaphore, #tpu.memory_space<semaphore_mem>>
    %dma_start3A_20 = tpu.memref_slice %arg3[%mul3A_16] : memref<322560xi32, #tpu.memory_space<hbm>> -> memref<120xi32, #tpu.memory_space<hbm>>
    tpu.enqueue_dma source(%dma_start3A_20 : memref<120xi32, #tpu.memory_space<hbm>>) target(%arg7 : memref<120xi32, #tpu.memory_space<vmem>>) target_semaphore(%dma_start3A_19 : memref<!tpu.dma_semaphore, #tpu.memory_space<semaphore_mem>>)
    %add3A_21 = arith.constant 0 : i32
    %add3A_22 = arith.addi %select_n3A, %add3A_21 : i32
    %mul3A_23 = arith.constant 120 : i32
    %mul3A_24 = arith.muli %add3A_22, %mul3A_23 : i32
    %dma_start3A_25 = arith.constant 0 : i32
    %dma_start3A_26 = tpu.memref_slice %arg4[%mul3A_24] : memref<322560xi32, #tpu.memory_space<hbm>> -> memref<120xi32, #tpu.memory_space<hbm>>
    %dma_start3A_27 = tpu.memref_slice %arg18[%dma_start3A_25] : memref<3x!tpu.dma_semaphore, #tpu.memory_space<semaphore_mem>> -> memref<1x!tpu.dma_semaphore, #tpu.memory_space<semaphore_mem>>
    %dma_start3A_28 = tpu.memref_squeeze %dma_start3A_27 : memref<1x!tpu.dma_semaphore, #tpu.memory_space<semaphore_mem>> -> memref<!tpu.dma_semaphore, #tpu.memory_space<semaphore_mem>>
    %dma_start3A_29 = tpu.memref_slice %arg4[%mul3A_24] : memref<322560xi32, #tpu.memory_space<hbm>> -> memref<120xi32, #tpu.memory_space<hbm>>
    tpu.enqueue_dma source(%dma_start3A_29 : memref<120xi32, #tpu.memory_space<hbm>>) target(%arg10 : memref<120xi32, #tpu.memory_space<vmem>>) target_semaphore(%dma_start3A_28 : memref<!tpu.dma_semaphore, #tpu.memory_space<semaphore_mem>>)
    %add3A_30 = arith.constant 1 : i32
    %add3A_31 = arith.addi %select_n3A, %add3A_30 : i32
    %mul3A_32 = arith.constant 120 : i32
    %mul3A_33 = arith.muli %add3A_31, %mul3A_32 : i32
    %dma_start3A_34 = arith.constant 1 : i32
    %dma_start3A_35 = tpu.memref_slice %arg3[%mul3A_33] : memref<322560xi32, #tpu.memory_space<hbm>> -> memref<120xi32, #tpu.memory_space<hbm>>
    %dma_start3A_36 = tpu.memref_slice %arg17[%dma_start3A_34] : memref<3x!tpu.dma_semaphore, #tpu.memory_space<semaphore_mem>> -> memref<1x!tpu.dma_semaphore, #tpu.memory_space<semaphore_mem>>
    %dma_start3A_37 = tpu.memref_squeeze %dma_start3A_36 : memref<1x!tpu.dma_semaphore, #tpu.memory_space<semaphore_mem>> -> memref<!tpu.dma_semaphore, #tpu.memory_space<semaphore_mem>>
    %dma_start3A_38 = tpu.memref_slice %arg3[%mul3A_33] : memref<322560xi32, #tpu.memory_space<hbm>> -> memref<120xi32, #tpu.memory_space<hbm>>
    tpu.enqueue_dma source(%dma_start3A_38 : memref<120xi32, #tpu.memory_space<hbm>>) target(%arg8 : memref<120xi32, #tpu.memory_space<vmem>>) target_semaphore(%dma_start3A_37 : memref<!tpu.dma_semaphore, #tpu.memory_space<semaphore_mem>>)
    %add3A_39 = arith.constant 1 : i32
    %add3A_40 = arith.addi %select_n3A, %add3A_39 : i32
    %mul3A_41 = arith.constant 120 : i32
    %mul3A_42 = arith.muli %add3A_40, %mul3A_41 : i32
    %dma_start3A_43 = arith.constant 1 : i32
    %dma_start3A_44 = tpu.memref_slice %arg4[%mul3A_42] : memref<322560xi32, #tpu.memory_space<hbm>> -> memref<120xi32, #tpu.memory_space<hbm>>
    %dma_start3A_45 = tpu.memref_slice %arg18[%dma_start3A_43] : memref<3x!tpu.dma_semaphore, #tpu.memory_space<semaphore_mem>> -> memref<1x!tpu.dma_semaphore, #tpu.memory_space<semaphore_mem>>
    %dma_start3A_46 = tpu.memref_squeeze %dma_start3A_45 : memref<1x!tpu.dma_semaphore, #tpu.memory_space<semaphore_mem>> -> memref<!tpu.dma_semaphore, #tpu.memory_space<semaphore_mem>>
    %dma_start3A_47 = tpu.memref_slice %arg4[%mul3A_42] : memref<322560xi32, #tpu.memory_space<hbm>> -> memref<120xi32, #tpu.memory_space<hbm>>
    tpu.enqueue_dma source(%dma_start3A_47 : memref<120xi32, #tpu.memory_space<hbm>>) target(%arg11 : memref<120xi32, #tpu.memory_space<vmem>>) target_semaphore(%dma_start3A_46 : memref<!tpu.dma_semaphore, #tpu.memory_space<semaphore_mem>>)
    %add3A_48 = arith.constant 2 : i32
    %add3A_49 = arith.addi %select_n3A, %add3A_48 : i32
    %mul3A_50 = arith.constant 120 : i32
    %mul3A_51 = arith.muli %add3A_49, %mul3A_50 : i32
    %dma_start3A_52 = arith.constant 2 : i32
    %dma_start3A_53 = tpu.memref_slice %arg3[%mul3A_51] : memref<322560xi32, #tpu.memory_space<hbm>> -> memref<120xi32, #tpu.memory_space<hbm>>
    %dma_start3A_54 = tpu.memref_slice %arg17[%dma_start3A_52] : memref<3x!tpu.dma_semaphore, #tpu.memory_space<semaphore_mem>> -> memref<1x!tpu.dma_semaphore, #tpu.memory_space<semaphore_mem>>
    %dma_start3A_55 = tpu.memref_squeeze %dma_start3A_54 : memref<1x!tpu.dma_semaphore, #tpu.memory_space<semaphore_mem>> -> memref<!tpu.dma_semaphore, #tpu.memory_space<semaphore_mem>>
    %dma_start3A_56 = tpu.memref_slice %arg3[%mul3A_51] : memref<322560xi32, #tpu.memory_space<hbm>> -> memref<120xi32, #tpu.memory_space<hbm>>
    tpu.enqueue_dma source(%dma_start3A_56 : memref<120xi32, #tpu.memory_space<hbm>>) target(%arg9 : memref<120xi32, #tpu.memory_space<vmem>>) target_semaphore(%dma_start3A_55 : memref<!tpu.dma_semaphore, #tpu.memory_space<semaphore_mem>>)
    %add3A_57 = arith.constant 2 : i32
    %add3A_58 = arith.addi %select_n3A, %add3A_57 : i32
    %mul3A_59 = arith.constant 120 : i32
    %mul3A_60 = arith.muli %add3A_58, %mul3A_59 : i32
    %dma_start3A_61 = arith.constant 2 : i32
    %dma_start3A_62 = tpu.memref_slice %arg4[%mul3A_60] : memref<322560xi32, #tpu.memory_space<hbm>> -> memref<120xi32, #tpu.memory_space<hbm>>
    %dma_start3A_63 = tpu.memref_slice %arg18[%dma_start3A_61] : memref<3x!tpu.dma_semaphore, #tpu.memory_space<semaphore_mem>> -> memref<1x!tpu.dma_semaphore, #tpu.memory_space<semaphore_mem>>
    %dma_start3A_64 = tpu.memref_squeeze %dma_start3A_63 : memref<1x!tpu.dma_semaphore, #tpu.memory_space<semaphore_mem>> -> memref<!tpu.dma_semaphore, #tpu.memory_space<semaphore_mem>>
    %dma_start3A_65 = tpu.memref_slice %arg4[%mul3A_60] : memref<322560xi32, #tpu.memory_space<hbm>> -> memref<120xi32, #tpu.memory_space<hbm>>
    tpu.enqueue_dma source(%dma_start3A_65 : memref<120xi32, #tpu.memory_space<hbm>>) target(%arg12 : memref<120xi32, #tpu.memory_space<vmem>>) target_semaphore(%dma_start3A_64 : memref<!tpu.dma_semaphore, #tpu.memory_space<semaphore_mem>>)
    %add3A_66 = arith.constant 0 : i32
    %add3A_67 = arith.addi %select_n3A, %add3A_66 : i32
    %mul3A_68 = arith.constant 120 : i32
    %mul3A_69 = arith.muli %add3A_67, %mul3A_68 : i32
    %dma_wait3A = arith.constant 0 : i32
    %dma_wait3A_70 = tpu.memref_slice %arg3[%mul3A_69] : memref<322560xi32, #tpu.memory_space<hbm>> -> memref<120xi32, #tpu.memory_space<hbm>>
    %dma_wait3A_71 = tpu.memref_slice %arg17[%dma_wait3A] : memref<3x!tpu.dma_semaphore, #tpu.memory_space<semaphore_mem>> -> memref<1x!tpu.dma_semaphore, #tpu.memory_space<semaphore_mem>>
    %dma_wait3A_72 = tpu.memref_squeeze %dma_wait3A_71 : memref<1x!tpu.dma_semaphore, #tpu.memory_space<semaphore_mem>> -> memref<!tpu.dma_semaphore, #tpu.memory_space<semaphore_mem>>
    %dma_wait3A_73 = tpu.memref_slice %arg3[%mul3A_69] : memref<322560xi32, #tpu.memory_space<hbm>> -> memref<120xi32, #tpu.memory_space<hbm>>
    tpu.wait_dma2 semaphore(%dma_wait3A_72 : memref<!tpu.dma_semaphore, #tpu.memory_space<semaphore_mem>>) src(%dma_wait3A_73 : memref<120xi32, #tpu.memory_space<hbm>>) dst(%arg7 : memref<120xi32, #tpu.memory_space<vmem>>)
    %dma_start3A_74 = arith.constant 0 : i32
    %dma_start3A_75 = arith.constant 0 : i32
    %dma_start3A_76 = arith.constant 0 : i32
    %dma_start3A_77 = tpu.memref_slice %arg2[%dma_start3A_75, %dma_start3A_76] : memref<10000x128xf32, #tpu.memory_space<hbm>> -> memref<10000x128xf32, #tpu.memory_space<hbm>>
    %dma_start3A_78 = tpu.memref_slice %arg19[%dma_start3A_74] : memref<3x!tpu.dma_semaphore, #tpu.memory_space<semaphore_mem>> -> memref<1x!tpu.dma_semaphore, #tpu.memory_space<semaphore_mem>>
    %dma_start3A_79 = tpu.memref_squeeze %dma_start3A_78 : memref<1x!tpu.dma_semaphore, #tpu.memory_space<semaphore_mem>> -> memref<!tpu.dma_semaphore, #tpu.memory_space<semaphore_mem>>
    tpu.enqueue_indirect_dma source(%dma_start3A_77 : memref<10000x128xf32, #tpu.memory_space<hbm>>) target(%arg13 : memref<120x128xf32, #tpu.memory_space<vmem>>) offsets(%arg7 : memref<120xi32, #tpu.memory_space<vmem>>) semaphore(%dma_start3A_79 : memref<!tpu.dma_semaphore, #tpu.memory_space<semaphore_mem>>)
    %add3A_80 = arith.constant 1 : i32
    %add3A_81 = arith.addi %select_n3A, %add3A_80 : i32
    %mul3A_82 = arith.constant 120 : i32
    %mul3A_83 = arith.muli %add3A_81, %mul3A_82 : i32
    %dma_wait3A_84 = arith.constant 1 : i32
    %dma_wait3A_85 = tpu.memref_slice %arg3[%mul3A_83] : memref<322560xi32, #tpu.memory_space<hbm>> -> memref<120xi32, #tpu.memory_space<hbm>>
    %dma_wait3A_86 = tpu.memref_slice %arg17[%dma_wait3A_84] : memref<3x!tpu.dma_semaphore, #tpu.memory_space<semaphore_mem>> -> memref<1x!tpu.dma_semaphore, #tpu.memory_space<semaphore_mem>>
    %dma_wait3A_87 = tpu.memref_squeeze %dma_wait3A_86 : memref<1x!tpu.dma_semaphore, #tpu.memory_space<semaphore_mem>> -> memref<!tpu.dma_semaphore, #tpu.memory_space<semaphore_mem>>
    %dma_wait3A_88 = tpu.memref_slice %arg3[%mul3A_83] : memref<322560xi32, #tpu.memory_space<hbm>> -> memref<120xi32, #tpu.memory_space<hbm>>
    tpu.wait_dma2 semaphore(%dma_wait3A_87 : memref<!tpu.dma_semaphore, #tpu.memory_space<semaphore_mem>>) src(%dma_wait3A_88 : memref<120xi32, #tpu.memory_space<hbm>>) dst(%arg8 : memref<120xi32, #tpu.memory_space<vmem>>)
    %dma_start3A_89 = arith.constant 1 : i32
    %dma_start3A_90 = arith.constant 0 : i32
    %dma_start3A_91 = arith.constant 0 : i32
    %dma_start3A_92 = tpu.memref_slice %arg2[%dma_start3A_90, %dma_start3A_91] : memref<10000x128xf32, #tpu.memory_space<hbm>> -> memref<10000x128xf32, #tpu.memory_space<hbm>>
    %dma_start3A_93 = tpu.memref_slice %arg19[%dma_start3A_89] : memref<3x!tpu.dma_semaphore, #tpu.memory_space<semaphore_mem>> -> memref<1x!tpu.dma_semaphore, #tpu.memory_space<semaphore_mem>>
    %dma_start3A_94 = tpu.memref_squeeze %dma_start3A_93 : memref<1x!tpu.dma_semaphore, #tpu.memory_space<semaphore_mem>> -> memref<!tpu.dma_semaphore, #tpu.memory_space<semaphore_mem>>
    tpu.enqueue_indirect_dma source(%dma_start3A_92 : memref<10000x128xf32, #tpu.memory_space<hbm>>) target(%arg14 : memref<120x128xf32, #tpu.memory_space<vmem>>) offsets(%arg8 : memref<120xi32, #tpu.memory_space<vmem>>) semaphore(%dma_start3A_94 : memref<!tpu.dma_semaphore, #tpu.memory_space<semaphore_mem>>)
    %add3A_95 = arith.constant 2 : i32
    %add3A_96 = arith.addi %select_n3A, %add3A_95 : i32
    %mul3A_97 = arith.constant 120 : i32
    %mul3A_98 = arith.muli %add3A_96, %mul3A_97 : i32
    %dma_wait3A_99 = arith.constant 2 : i32
    %dma_wait3A_100 = tpu.memref_slice %arg3[%mul3A_98] : memref<322560xi32, #tpu.memory_space<hbm>> -> memref<120xi32, #tpu.memory_space<hbm>>
    %dma_wait3A_101 = tpu.memref_slice %arg17[%dma_wait3A_99] : memref<3x!tpu.dma_semaphore, #tpu.memory_space<semaphore_mem>> -> memref<1x!tpu.dma_semaphore, #tpu.memory_space<semaphore_mem>>
    %dma_wait3A_102 = tpu.memref_squeeze %dma_wait3A_101 : memref<1x!tpu.dma_semaphore, #tpu.memory_space<semaphore_mem>> -> memref<!tpu.dma_semaphore, #tpu.memory_space<semaphore_mem>>
    %dma_wait3A_103 = tpu.memref_slice %arg3[%mul3A_98] : memref<322560xi32, #tpu.memory_space<hbm>> -> memref<120xi32, #tpu.memory_space<hbm>>
    tpu.wait_dma2 semaphore(%dma_wait3A_102 : memref<!tpu.dma_semaphore, #tpu.memory_space<semaphore_mem>>) src(%dma_wait3A_103 : memref<120xi32, #tpu.memory_space<hbm>>) dst(%arg9 : memref<120xi32, #tpu.memory_space<vmem>>)
    %dma_start3A_104 = arith.constant 2 : i32
    %dma_start3A_105 = arith.constant 0 : i32
    %dma_start3A_106 = arith.constant 0 : i32
    %dma_start3A_107 = tpu.memref_slice %arg2[%dma_start3A_105, %dma_start3A_106] : memref<10000x128xf32, #tpu.memory_space<hbm>> -> memref<10000x128xf32, #tpu.memory_space<hbm>>
    %dma_start3A_108 = tpu.memref_slice %arg19[%dma_start3A_104] : memref<3x!tpu.dma_semaphore, #tpu.memory_space<semaphore_mem>> -> memref<1x!tpu.dma_semaphore, #tpu.memory_space<semaphore_mem>>
    %dma_start3A_109 = tpu.memref_squeeze %dma_start3A_108 : memref<1x!tpu.dma_semaphore, #tpu.memory_space<semaphore_mem>> -> memref<!tpu.dma_semaphore, #tpu.memory_space<semaphore_mem>>
    tpu.enqueue_indirect_dma source(%dma_start3A_107 : memref<10000x128xf32, #tpu.memory_space<hbm>>) target(%arg15 : memref<120x128xf32, #tpu.memory_space<vmem>>) offsets(%arg9 : memref<120xi32, #tpu.memory_space<vmem>>) semaphore(%dma_start3A_109 : memref<!tpu.dma_semaphore, #tpu.memory_space<semaphore_mem>>)
    %jit3A_110 = arith.constant 3 : i32
    %div3A = arith.divsi %select_n3A_8, %jit3A_110 : i32
    %sign3A = arith.constant 0 : i32
    %sign3A_111 = arith.cmpi sgt, %select_n3A_8, %sign3A : i32
    %sign3A_112 = arith.extui %sign3A_111 : i1 to i32
    %sign3A_113 = arith.constant 0 : i32
    %sign3A_114 = arith.cmpi slt, %select_n3A_8, %sign3A_113 : i32
    %sign3A_115 = arith.extui %sign3A_114 : i1 to i32
    %sign3A_116 = arith.subi %sign3A_112, %sign3A_115 : i32
    %sign3A_117 = arith.constant 0 : i32
    %sign3A_118 = arith.cmpi sgt, %jit3A_110, %sign3A_117 : i32
    %sign3A_119 = arith.extui %sign3A_118 : i1 to i32
    %sign3A_120 = arith.constant 0 : i32
    %sign3A_121 = arith.cmpi slt, %jit3A_110, %sign3A_120 : i32
    %sign3A_122 = arith.extui %sign3A_121 : i1 to i32
    %sign3A_123 = arith.subi %sign3A_119, %sign3A_122 : i32
    %ne3A = arith.cmpi ne, %sign3A_116, %sign3A_123 : i32
    %rem3A = arith.remsi %select_n3A_8, %jit3A_110 : i32
    %ne3A_124 = arith.constant 0 : i32
    %ne3A_125 = arith.cmpi ne, %rem3A, %ne3A_124 : i32
    %and3A = arith.andi %ne3A, %ne3A_125 : i1
    %sub3A = arith.constant 1 : i32
    %sub3A_126 = arith.subi %div3A, %sub3A : i32
    %select_n3A_127 = arith.select %and3A, %sub3A_126, %div3A : i32
    %while3A = arith.constant 0 : i32
    %while3A_128 = arith.subi %select_n3A_127, %while3A : i32
    %while3A_129 = arith.addi %while3A, %while3A_128 : i32
    %while3A_130 = arith.constant 1 : i32
    %while3A_131 = arith.divsi %while3A_128, %while3A_130 : i32
    %while3A_132 = arith.muli %while3A_131, %while3A_130 : i32
    %while3A_133 = arith.addi %while3A, %while3A_132 : i32
    %while3A_134 = arith.constant 1 : i32
    scf.for %while3A_141 = %while3A to %while3A_133 step %while3A_134  : i32 {
      %mul3A_142 = arith.constant 3 : i32
      %mul3A_143 = arith.muli %while3A_141, %mul3A_142 : i32
      %add3A_144 = arith.constant 0 : i32
      %add3A_145 = arith.addi %mul3A_143, %add3A_144 : i32
      %add3A_146 = arith.constant 3 : i32
      %add3A_147 = arith.addi %add3A_145, %add3A_146 : i32
      %dma_wait3A_148 = arith.constant 0 : i32
      %dma_wait3A_149 = arith.constant 0 : i32
      %dma_wait3A_150 = arith.constant 0 : i32
      %dma_wait3A_151 = tpu.memref_slice %arg2[%dma_wait3A_149, %dma_wait3A_150] : memref<10000x128xf32, #tpu.memory_space<hbm>> -> memref<10000x128xf32, #tpu.memory_space<hbm>>
      %dma_wait3A_152 = tpu.memref_slice %arg19[%dma_wait3A_148] : memref<3x!tpu.dma_semaphore, #tpu.memory_space<semaphore_mem>> -> memref<1x!tpu.dma_semaphore, #tpu.memory_space<semaphore_mem>>
      %dma_wait3A_153 = tpu.memref_squeeze %dma_wait3A_152 : memref<1x!tpu.dma_semaphore, #tpu.memory_space<semaphore_mem>> -> memref<!tpu.dma_semaphore, #tpu.memory_space<semaphore_mem>>
      tpu.wait_indirect_dma semaphore(%dma_wait3A_153 : memref<!tpu.dma_semaphore, #tpu.memory_space<semaphore_mem>>) src(%dma_wait3A_151 : memref<10000x128xf32, #tpu.memory_space<hbm>>) dst(%arg13 : memref<120x128xf32, #tpu.memory_space<vmem>>)
      %lt3A = arith.cmpi slt, %add3A_147, %select_n3A_8 : i32
      %convert_element_type3A = arith.extui %lt3A : i1 to i32
      %cond3A = arith.constant 0 : i32
      %cond3A_154 = arith.cmpi ne, %convert_element_type3A, %cond3A : i32
      scf.if %cond3A_154 {
        %add3A_255 = arith.addi %select_n3A, %add3A_147 : i32
        %mul3A_256 = arith.constant 120 : i32
        %mul3A_257 = arith.muli %add3A_255, %mul3A_256 : i32
        %dma_start3A_258 = arith.constant 0 : i32
        %dma_start3A_259 = tpu.memref_slice %arg3[%mul3A_257] : memref<322560xi32, #tpu.memory_space<hbm>> -> memref<120xi32, #tpu.memory_space<hbm>>
        %dma_start3A_260 = tpu.memref_slice %arg17[%dma_start3A_258] : memref<3x!tpu.dma_semaphore, #tpu.memory_space<semaphore_mem>> -> memref<1x!tpu.dma_semaphore, #tpu.memory_space<semaphore_mem>>
        %dma_start3A_261 = tpu.memref_squeeze %dma_start3A_260 : memref<1x!tpu.dma_semaphore, #tpu.memory_space<semaphore_mem>> -> memref<!tpu.dma_semaphore, #tpu.memory_space<semaphore_mem>>
        %dma_start3A_262 = tpu.memref_slice %arg3[%mul3A_257] : memref<322560xi32, #tpu.memory_space<hbm>> -> memref<120xi32, #tpu.memory_space<hbm>>
        tpu.enqueue_dma source(%dma_start3A_262 : memref<120xi32, #tpu.memory_space<hbm>>) target(%arg7 : memref<120xi32, #tpu.memory_space<vmem>>) target_semaphore(%dma_start3A_261 : memref<!tpu.dma_semaphore, #tpu.memory_space<semaphore_mem>>)
      } else {
      }
      %add3A_155 = arith.addi %select_n3A, %add3A_145 : i32
      %mul3A_156 = arith.constant 120 : i32
      %mul3A_157 = arith.muli %add3A_155, %mul3A_156 : i32
      %dma_wait3A_158 = arith.constant 0 : i32
      %dma_wait3A_159 = tpu.memref_slice %arg4[%mul3A_157] : memref<322560xi32, #tpu.memory_space<hbm>> -> memref<120xi32, #tpu.memory_space<hbm>>
      %dma_wait3A_160 = tpu.memref_slice %arg18[%dma_wait3A_158] : memref<3x!tpu.dma_semaphore, #tpu.memory_space<semaphore_mem>> -> memref<1x!tpu.dma_semaphore, #tpu.memory_space<semaphore_mem>>
      %dma_wait3A_161 = tpu.memref_squeeze %dma_wait3A_160 : memref<1x!tpu.dma_semaphore, #tpu.memory_space<semaphore_mem>> -> memref<!tpu.dma_semaphore, #tpu.memory_space<semaphore_mem>>
      %dma_wait3A_162 = tpu.memref_slice %arg4[%mul3A_157] : memref<322560xi32, #tpu.memory_space<hbm>> -> memref<120xi32, #tpu.memory_space<hbm>>
      tpu.wait_dma2 semaphore(%dma_wait3A_161 : memref<!tpu.dma_semaphore, #tpu.memory_space<semaphore_mem>>) src(%dma_wait3A_162 : memref<120xi32, #tpu.memory_space<hbm>>) dst(%arg10 : memref<120xi32, #tpu.memory_space<vmem>>)
      %dma_start3A_163 = arith.constant 0 : i32
      %dma_start3A_164 = arith.constant 0 : i32
      %dma_start3A_165 = arith.constant 0 : i32
      %dma_start3A_166 = tpu.memref_slice %arg16[%dma_start3A_164, %dma_start3A_165] : memref<10112x128xf32, #tpu.memory_space<vmem_shared>> -> memref<10112x128xf32, #tpu.memory_space<vmem_shared>>
      %dma_start3A_167 = tpu.memref_slice %arg20[%dma_start3A_163] : memref<3x!tpu.dma_semaphore, #tpu.memory_space<semaphore_mem>> -> memref<1x!tpu.dma_semaphore, #tpu.memory_space<semaphore_mem>>
      %dma_start3A_168 = tpu.memref_squeeze %dma_start3A_167 : memref<1x!tpu.dma_semaphore, #tpu.memory_space<semaphore_mem>> -> memref<!tpu.dma_semaphore, #tpu.memory_space<semaphore_mem>>
      tpu.enqueue_indirect_dma source(%arg13 : memref<120x128xf32, #tpu.memory_space<vmem>>) target(%dma_start3A_166 : memref<10112x128xf32, #tpu.memory_space<vmem_shared>>) offsets(%arg10 : memref<120xi32, #tpu.memory_space<vmem>>) semaphore(%dma_start3A_168 : memref<!tpu.dma_semaphore, #tpu.memory_space<semaphore_mem>>) {add = true}
      %dma_wait3A_169 = arith.constant 0 : i32
      %dma_wait3A_170 = arith.constant 0 : i32
      %dma_wait3A_171 = arith.constant 0 : i32
      %dma_wait3A_172 = tpu.memref_slice %arg16[%dma_wait3A_170, %dma_wait3A_171] : memref<10112x128xf32, #tpu.memory_space<vmem_shared>> -> memref<10112x128xf32, #tpu.memory_space<vmem_shared>>
      %dma_wait3A_173 = tpu.memref_slice %arg20[%dma_wait3A_169] : memref<3x!tpu.dma_semaphore, #tpu.memory_space<semaphore_mem>> -> memref<1x!tpu.dma_semaphore, #tpu.memory_space<semaphore_mem>>
      %dma_wait3A_174 = tpu.memref_squeeze %dma_wait3A_173 : memref<1x!tpu.dma_semaphore, #tpu.memory_space<semaphore_mem>> -> memref<!tpu.dma_semaphore, #tpu.memory_space<semaphore_mem>>
      tpu.wait_indirect_dma semaphore(%dma_wait3A_174 : memref<!tpu.dma_semaphore, #tpu.memory_space<semaphore_mem>>) src(%arg13 : memref<120x128xf32, #tpu.memory_space<vmem>>) dst(%dma_wait3A_172 : memref<10112x128xf32, #tpu.memory_space<vmem_shared>>)
      %lt3A_175 = arith.cmpi slt, %add3A_147, %select_n3A_8 : i32
      %convert_element_type3A_176 = arith.extui %lt3A_175 : i1 to i32
      %cond3A_177 = arith.constant 0 : i32
      %cond3A_178 = arith.cmpi ne, %convert_element_type3A_176, %cond3A_177 : i32
      scf.if %cond3A_178 {
        %add3A_255 = arith.addi %select_n3A, %add3A_147 : i32
        %mul3A_256 = arith.constant 120 : i32
        %mul3A_257 = arith.muli %add3A_255, %mul3A_256 : i32
        %dma_start3A_258 = arith.constant 0 : i32
        %dma_start3A_259 = tpu.memref_slice %arg4[%mul3A_257] : memref<322560xi32, #tpu.memory_space<hbm>> -> memref<120xi32, #tpu.memory_space<hbm>>
        %dma_start3A_260 = tpu.memref_slice %arg18[%dma_start3A_258] : memref<3x!tpu.dma_semaphore, #tpu.memory_space<semaphore_mem>> -> memref<1x!tpu.dma_semaphore, #tpu.memory_space<semaphore_mem>>
        %dma_start3A_261 = tpu.memref_squeeze %dma_start3A_260 : memref<1x!tpu.dma_semaphore, #tpu.memory_space<semaphore_mem>> -> memref<!tpu.dma_semaphore, #tpu.memory_space<semaphore_mem>>
        %dma_start3A_262 = tpu.memref_slice %arg4[%mul3A_257] : memref<322560xi32, #tpu.memory_space<hbm>> -> memref<120xi32, #tpu.memory_space<hbm>>
        tpu.enqueue_dma source(%dma_start3A_262 : memref<120xi32, #tpu.memory_space<hbm>>) target(%arg10 : memref<120xi32, #tpu.memory_space<vmem>>) target_semaphore(%dma_start3A_261 : memref<!tpu.dma_semaphore, #tpu.memory_space<semaphore_mem>>)
        %add3A_263 = arith.addi %select_n3A, %add3A_147 : i32
        %mul3A_264 = arith.constant 120 : i32
        %mul3A_265 = arith.muli %add3A_263, %mul3A_264 : i32
        %dma_wait3A_266 = arith.constant 0 : i32
        %dma_wait3A_267 = tpu.memref_slice %arg3[%mul3A_265] : memref<322560xi32, #tpu.memory_space<hbm>> -> memref<120xi32, #tpu.memory_space<hbm>>
        %dma_wait3A_268 = tpu.memref_slice %arg17[%dma_wait3A_266] : memref<3x!tpu.dma_semaphore, #tpu.memory_space<semaphore_mem>> -> memref<1x!tpu.dma_semaphore, #tpu.memory_space<semaphore_mem>>
        %dma_wait3A_269 = tpu.memref_squeeze %dma_wait3A_268 : memref<1x!tpu.dma_semaphore, #tpu.memory_space<semaphore_mem>> -> memref<!tpu.dma_semaphore, #tpu.memory_space<semaphore_mem>>
        %dma_wait3A_270 = tpu.memref_slice %arg3[%mul3A_265] : memref<322560xi32, #tpu.memory_space<hbm>> -> memref<120xi32, #tpu.memory_space<hbm>>
        tpu.wait_dma2 semaphore(%dma_wait3A_269 : memref<!tpu.dma_semaphore, #tpu.memory_space<semaphore_mem>>) src(%dma_wait3A_270 : memref<120xi32, #tpu.memory_space<hbm>>) dst(%arg7 : memref<120xi32, #tpu.memory_space<vmem>>)
        %dma_start3A_271 = arith.constant 0 : i32
        %dma_start3A_272 = arith.constant 0 : i32
        %dma_start3A_273 = arith.constant 0 : i32
        %dma_start3A_274 = tpu.memref_slice %arg2[%dma_start3A_272, %dma_start3A_273] : memref<10000x128xf32, #tpu.memory_space<hbm>> -> memref<10000x128xf32, #tpu.memory_space<hbm>>
        %dma_start3A_275 = tpu.memref_slice %arg19[%dma_start3A_271] : memref<3x!tpu.dma_semaphore, #tpu.memory_space<semaphore_mem>> -> memref<1x!tpu.dma_semaphore, #tpu.memory_space<semaphore_mem>>
        %dma_start3A_276 = tpu.memref_squeeze %dma_start3A_275 : memref<1x!tpu.dma_semaphore, #tpu.memory_space<semaphore_mem>> -> memref<!tpu.dma_semaphore, #tpu.memory_space<semaphore_mem>>
        tpu.enqueue_indirect_dma source(%dma_start3A_274 : memref<10000x128xf32, #tpu.memory_space<hbm>>) target(%arg13 : memref<120x128xf32, #tpu.memory_space<vmem>>) offsets(%arg7 : memref<120xi32, #tpu.memory_space<vmem>>) semaphore(%dma_start3A_276 : memref<!tpu.dma_semaphore, #tpu.memory_space<semaphore_mem>>)
      } else {
      }
      %add3A_179 = arith.constant 1 : i32
      %add3A_180 = arith.addi %mul3A_143, %add3A_179 : i32
      %add3A_181 = arith.constant 3 : i32
      %add3A_182 = arith.addi %add3A_180, %add3A_181 : i32
      %dma_wait3A_183 = arith.constant 1 : i32
      %dma_wait3A_184 = arith.constant 0 : i32
      %dma_wait3A_185 = arith.constant 0 : i32
      %dma_wait3A_186 = tpu.memref_slice %arg2[%dma_wait3A_184, %dma_wait3A_185] : memref<10000x128xf32, #tpu.memory_space<hbm>> -> memref<10000x128xf32, #tpu.memory_space<hbm>>
      %dma_wait3A_187 = tpu.memref_slice %arg19[%dma_wait3A_183] : memref<3x!tpu.dma_semaphore, #tpu.memory_space<semaphore_mem>> -> memref<1x!tpu.dma_semaphore, #tpu.memory_space<semaphore_mem>>
      %dma_wait3A_188 = tpu.memref_squeeze %dma_wait3A_187 : memref<1x!tpu.dma_semaphore, #tpu.memory_space<semaphore_mem>> -> memref<!tpu.dma_semaphore, #tpu.memory_space<semaphore_mem>>
      tpu.wait_indirect_dma semaphore(%dma_wait3A_188 : memref<!tpu.dma_semaphore, #tpu.memory_space<semaphore_mem>>) src(%dma_wait3A_186 : memref<10000x128xf32, #tpu.memory_space<hbm>>) dst(%arg14 : memref<120x128xf32, #tpu.memory_space<vmem>>)
      %lt3A_189 = arith.cmpi slt, %add3A_182, %select_n3A_8 : i32
      %convert_element_type3A_190 = arith.extui %lt3A_189 : i1 to i32
      %cond3A_191 = arith.constant 0 : i32
      %cond3A_192 = arith.cmpi ne, %convert_element_type3A_190, %cond3A_191 : i32
      scf.if %cond3A_192 {
        %add3A_255 = arith.addi %select_n3A, %add3A_182 : i32
        %mul3A_256 = arith.constant 120 : i32
        %mul3A_257 = arith.muli %add3A_255, %mul3A_256 : i32
        %dma_start3A_258 = arith.constant 1 : i32
        %dma_start3A_259 = tpu.memref_slice %arg3[%mul3A_257] : memref<322560xi32, #tpu.memory_space<hbm>> -> memref<120xi32, #tpu.memory_space<hbm>>
        %dma_start3A_260 = tpu.memref_slice %arg17[%dma_start3A_258] : memref<3x!tpu.dma_semaphore, #tpu.memory_space<semaphore_mem>> -> memref<1x!tpu.dma_semaphore, #tpu.memory_space<semaphore_mem>>
        %dma_start3A_261 = tpu.memref_squeeze %dma_start3A_260 : memref<1x!tpu.dma_semaphore, #tpu.memory_space<semaphore_mem>> -> memref<!tpu.dma_semaphore, #tpu.memory_space<semaphore_mem>>
        %dma_start3A_262 = tpu.memref_slice %arg3[%mul3A_257] : memref<322560xi32, #tpu.memory_space<hbm>> -> memref<120xi32, #tpu.memory_space<hbm>>
        tpu.enqueue_dma source(%dma_start3A_262 : memref<120xi32, #tpu.memory_space<hbm>>) target(%arg8 : memref<120xi32, #tpu.memory_space<vmem>>) target_semaphore(%dma_start3A_261 : memref<!tpu.dma_semaphore, #tpu.memory_space<semaphore_mem>>)
      } else {
      }
      %add3A_193 = arith.addi %select_n3A, %add3A_180 : i32
      %mul3A_194 = arith.constant 120 : i32
      %mul3A_195 = arith.muli %add3A_193, %mul3A_194 : i32
      %dma_wait3A_196 = arith.constant 1 : i32
      %dma_wait3A_197 = tpu.memref_slice %arg4[%mul3A_195] : memref<322560xi32, #tpu.memory_space<hbm>> -> memref<120xi32, #tpu.memory_space<hbm>>
      %dma_wait3A_198 = tpu.memref_slice %arg18[%dma_wait3A_196] : memref<3x!tpu.dma_semaphore, #tpu.memory_space<semaphore_mem>> -> memref<1x!tpu.dma_semaphore, #tpu.memory_space<semaphore_mem>>
      %dma_wait3A_199 = tpu.memref_squeeze %dma_wait3A_198 : memref<1x!tpu.dma_semaphore, #tpu.memory_space<semaphore_mem>> -> memref<!tpu.dma_semaphore, #tpu.memory_space<semaphore_mem>>
      %dma_wait3A_200 = tpu.memref_slice %arg4[%mul3A_195] : memref<322560xi32, #tpu.memory_space<hbm>> -> memref<120xi32, #tpu.memory_space<hbm>>
      tpu.wait_dma2 semaphore(%dma_wait3A_199 : memref<!tpu.dma_semaphore, #tpu.memory_space<semaphore_mem>>) src(%dma_wait3A_200 : memref<120xi32, #tpu.memory_space<hbm>>) dst(%arg11 : memref<120xi32, #tpu.memory_space<vmem>>)
      %dma_start3A_201 = arith.constant 1 : i32
      %dma_start3A_202 = arith.constant 0 : i32
      %dma_start3A_203 = arith.constant 0 : i32
      %dma_start3A_204 = tpu.memref_slice %arg16[%dma_start3A_202, %dma_start3A_203] : memref<10112x128xf32, #tpu.memory_space<vmem_shared>> -> memref<10112x128xf32, #tpu.memory_space<vmem_shared>>
      %dma_start3A_205 = tpu.memref_slice %arg20[%dma_start3A_201] : memref<3x!tpu.dma_semaphore, #tpu.memory_space<semaphore_mem>> -> memref<1x!tpu.dma_semaphore, #tpu.memory_space<semaphore_mem>>
      %dma_start3A_206 = tpu.memref_squeeze %dma_start3A_205 : memref<1x!tpu.dma_semaphore, #tpu.memory_space<semaphore_mem>> -> memref<!tpu.dma_semaphore, #tpu.memory_space<semaphore_mem>>
      tpu.enqueue_indirect_dma source(%arg14 : memref<120x128xf32, #tpu.memory_space<vmem>>) target(%dma_start3A_204 : memref<10112x128xf32, #tpu.memory_space<vmem_shared>>) offsets(%arg11 : memref<120xi32, #tpu.memory_space<vmem>>) semaphore(%dma_start3A_206 : memref<!tpu.dma_semaphore, #tpu.memory_space<semaphore_mem>>) {add = true}
      %dma_wait3A_207 = arith.constant 1 : i32
      %dma_wait3A_208 = arith.constant 0 : i32
      %dma_wait3A_209 = arith.constant 0 : i32
      %dma_wait3A_210 = tpu.memref_slice %arg16[%dma_wait3A_208, %dma_wait3A_209] : memref<10112x128xf32, #tpu.memory_space<vmem_shared>> -> memref<10112x128xf32, #tpu.memory_space<vmem_shared>>
      %dma_wait3A_211 = tpu.memref_slice %arg20[%dma_wait3A_207] : memref<3x!tpu.dma_semaphore, #tpu.memory_space<semaphore_mem>> -> memref<1x!tpu.dma_semaphore, #tpu.memory_space<semaphore_mem>>
      %dma_wait3A_212 = tpu.memref_squeeze %dma_wait3A_211 : memref<1x!tpu.dma_semaphore, #tpu.memory_space<semaphore_mem>> -> memref<!tpu.dma_semaphore, #tpu.memory_space<semaphore_mem>>
      tpu.wait_indirect_dma semaphore(%dma_wait3A_212 : memref<!tpu.dma_semaphore, #tpu.memory_space<semaphore_mem>>) src(%arg14 : memref<120x128xf32, #tpu.memory_space<vmem>>) dst(%dma_wait3A_210 : memref<10112x128xf32, #tpu.memory_space<vmem_shared>>)
      %lt3A_213 = arith.cmpi slt, %add3A_182, %select_n3A_8 : i32
      %convert_element_type3A_214 = arith.extui %lt3A_213 : i1 to i32
      %cond3A_215 = arith.constant 0 : i32
      %cond3A_216 = arith.cmpi ne, %convert_element_type3A_214, %cond3A_215 : i32
      scf.if %cond3A_216 {
        %add3A_255 = arith.addi %select_n3A, %add3A_182 : i32
        %mul3A_256 = arith.constant 120 : i32
        %mul3A_257 = arith.muli %add3A_255, %mul3A_256 : i32
        %dma_start3A_258 = arith.constant 1 : i32
        %dma_start3A_259 = tpu.memref_slice %arg4[%mul3A_257] : memref<322560xi32, #tpu.memory_space<hbm>> -> memref<120xi32, #tpu.memory_space<hbm>>
        %dma_start3A_260 = tpu.memref_slice %arg18[%dma_start3A_258] : memref<3x!tpu.dma_semaphore, #tpu.memory_space<semaphore_mem>> -> memref<1x!tpu.dma_semaphore, #tpu.memory_space<semaphore_mem>>
        %dma_start3A_261 = tpu.memref_squeeze %dma_start3A_260 : memref<1x!tpu.dma_semaphore, #tpu.memory_space<semaphore_mem>> -> memref<!tpu.dma_semaphore, #tpu.memory_space<semaphore_mem>>
        %dma_start3A_262 = tpu.memref_slice %arg4[%mul3A_257] : memref<322560xi32, #tpu.memory_space<hbm>> -> memref<120xi32, #tpu.memory_space<hbm>>
        tpu.enqueue_dma source(%dma_start3A_262 : memref<120xi32, #tpu.memory_space<hbm>>) target(%arg11 : memref<120xi32, #tpu.memory_space<vmem>>) target_semaphore(%dma_start3A_261 : memref<!tpu.dma_semaphore, #tpu.memory_space<semaphore_mem>>)
        %add3A_263 = arith.addi %select_n3A, %add3A_182 : i32
        %mul3A_264 = arith.constant 120 : i32
        %mul3A_265 = arith.muli %add3A_263, %mul3A_264 : i32
        %dma_wait3A_266 = arith.constant 1 : i32
        %dma_wait3A_267 = tpu.memref_slice %arg3[%mul3A_265] : memref<322560xi32, #tpu.memory_space<hbm>> -> memref<120xi32, #tpu.memory_space<hbm>>
        %dma_wait3A_268 = tpu.memref_slice %arg17[%dma_wait3A_266] : memref<3x!tpu.dma_semaphore, #tpu.memory_space<semaphore_mem>> -> memref<1x!tpu.dma_semaphore, #tpu.memory_space<semaphore_mem>>
        %dma_wait3A_269 = tpu.memref_squeeze %dma_wait3A_268 : memref<1x!tpu.dma_semaphore, #tpu.memory_space<semaphore_mem>> -> memref<!tpu.dma_semaphore, #tpu.memory_space<semaphore_mem>>
        %dma_wait3A_270 = tpu.memref_slice %arg3[%mul3A_265] : memref<322560xi32, #tpu.memory_space<hbm>> -> memref<120xi32, #tpu.memory_space<hbm>>
        tpu.wait_dma2 semaphore(%dma_wait3A_269 : memref<!tpu.dma_semaphore, #tpu.memory_space<semaphore_mem>>) src(%dma_wait3A_270 : memref<120xi32, #tpu.memory_space<hbm>>) dst(%arg8 : memref<120xi32, #tpu.memory_space<vmem>>)
        %dma_start3A_271 = arith.constant 1 : i32
        %dma_start3A_272 = arith.constant 0 : i32
        %dma_start3A_273 = arith.constant 0 : i32
        %dma_start3A_274 = tpu.memref_slice %arg2[%dma_start3A_272, %dma_start3A_273] : memref<10000x128xf32, #tpu.memory_space<hbm>> -> memref<10000x128xf32, #tpu.memory_space<hbm>>
        %dma_start3A_275 = tpu.memref_slice %arg19[%dma_start3A_271] : memref<3x!tpu.dma_semaphore, #tpu.memory_space<semaphore_mem>> -> memref<1x!tpu.dma_semaphore, #tpu.memory_space<semaphore_mem>>
        %dma_start3A_276 = tpu.memref_squeeze %dma_start3A_275 : memref<1x!tpu.dma_semaphore, #tpu.memory_space<semaphore_mem>> -> memref<!tpu.dma_semaphore, #tpu.memory_space<semaphore_mem>>
        tpu.enqueue_indirect_dma source(%dma_start3A_274 : memref<10000x128xf32, #tpu.memory_space<hbm>>) target(%arg14 : memref<120x128xf32, #tpu.memory_space<vmem>>) offsets(%arg8 : memref<120xi32, #tpu.memory_space<vmem>>) semaphore(%dma_start3A_276 : memref<!tpu.dma_semaphore, #tpu.memory_space<semaphore_mem>>)
      } else {
      }
      %add3A_217 = arith.constant 2 : i32
      %add3A_218 = arith.addi %mul3A_143, %add3A_217 : i32
      %add3A_219 = arith.constant 3 : i32
      %add3A_220 = arith.addi %add3A_218, %add3A_219 : i32
      %dma_wait3A_221 = arith.constant 2 : i32
      %dma_wait3A_222 = arith.constant 0 : i32
      %dma_wait3A_223 = arith.constant 0 : i32
      %dma_wait3A_224 = tpu.memref_slice %arg2[%dma_wait3A_222, %dma_wait3A_223] : memref<10000x128xf32, #tpu.memory_space<hbm>> -> memref<10000x128xf32, #tpu.memory_space<hbm>>
      %dma_wait3A_225 = tpu.memref_slice %arg19[%dma_wait3A_221] : memref<3x!tpu.dma_semaphore, #tpu.memory_space<semaphore_mem>> -> memref<1x!tpu.dma_semaphore, #tpu.memory_space<semaphore_mem>>
      %dma_wait3A_226 = tpu.memref_squeeze %dma_wait3A_225 : memref<1x!tpu.dma_semaphore, #tpu.memory_space<semaphore_mem>> -> memref<!tpu.dma_semaphore, #tpu.memory_space<semaphore_mem>>
      tpu.wait_indirect_dma semaphore(%dma_wait3A_226 : memref<!tpu.dma_semaphore, #tpu.memory_space<semaphore_mem>>) src(%dma_wait3A_224 : memref<10000x128xf32, #tpu.memory_space<hbm>>) dst(%arg15 : memref<120x128xf32, #tpu.memory_space<vmem>>)
      %lt3A_227 = arith.cmpi slt, %add3A_220, %select_n3A_8 : i32
      %convert_element_type3A_228 = arith.extui %lt3A_227 : i1 to i32
      %cond3A_229 = arith.constant 0 : i32
      %cond3A_230 = arith.cmpi ne, %convert_element_type3A_228, %cond3A_229 : i32
      scf.if %cond3A_230 {
        %add3A_255 = arith.addi %select_n3A, %add3A_220 : i32
        %mul3A_256 = arith.constant 120 : i32
        %mul3A_257 = arith.muli %add3A_255, %mul3A_256 : i32
        %dma_start3A_258 = arith.constant 2 : i32
        %dma_start3A_259 = tpu.memref_slice %arg3[%mul3A_257] : memref<322560xi32, #tpu.memory_space<hbm>> -> memref<120xi32, #tpu.memory_space<hbm>>
        %dma_start3A_260 = tpu.memref_slice %arg17[%dma_start3A_258] : memref<3x!tpu.dma_semaphore, #tpu.memory_space<semaphore_mem>> -> memref<1x!tpu.dma_semaphore, #tpu.memory_space<semaphore_mem>>
        %dma_start3A_261 = tpu.memref_squeeze %dma_start3A_260 : memref<1x!tpu.dma_semaphore, #tpu.memory_space<semaphore_mem>> -> memref<!tpu.dma_semaphore, #tpu.memory_space<semaphore_mem>>
        %dma_start3A_262 = tpu.memref_slice %arg3[%mul3A_257] : memref<322560xi32, #tpu.memory_space<hbm>> -> memref<120xi32, #tpu.memory_space<hbm>>
        tpu.enqueue_dma source(%dma_start3A_262 : memref<120xi32, #tpu.memory_space<hbm>>) target(%arg9 : memref<120xi32, #tpu.memory_space<vmem>>) target_semaphore(%dma_start3A_261 : memref<!tpu.dma_semaphore, #tpu.memory_space<semaphore_mem>>)
      } else {
      }
      %add3A_231 = arith.addi %select_n3A, %add3A_218 : i32
      %mul3A_232 = arith.constant 120 : i32
      %mul3A_233 = arith.muli %add3A_231, %mul3A_232 : i32
      %dma_wait3A_234 = arith.constant 2 : i32
      %dma_wait3A_235 = tpu.memref_slice %arg4[%mul3A_233] : memref<322560xi32, #tpu.memory_space<hbm>> -> memref<120xi32, #tpu.memory_space<hbm>>
      %dma_wait3A_236 = tpu.memref_slice %arg18[%dma_wait3A_234] : memref<3x!tpu.dma_semaphore, #tpu.memory_space<semaphore_mem>> -> memref<1x!tpu.dma_semaphore, #tpu.memory_space<semaphore_mem>>
      %dma_wait3A_237 = tpu.memref_squeeze %dma_wait3A_236 : memref<1x!tpu.dma_semaphore, #tpu.memory_space<semaphore_mem>> -> memref<!tpu.dma_semaphore, #tpu.memory_space<semaphore_mem>>
      %dma_wait3A_238 = tpu.memref_slice %arg4[%mul3A_233] : memref<322560xi32, #tpu.memory_space<hbm>> -> memref<120xi32, #tpu.memory_space<hbm>>
      tpu.wait_dma2 semaphore(%dma_wait3A_237 : memref<!tpu.dma_semaphore, #tpu.memory_space<semaphore_mem>>) src(%dma_wait3A_238 : memref<120xi32, #tpu.memory_space<hbm>>) dst(%arg12 : memref<120xi32, #tpu.memory_space<vmem>>)
      %dma_start3A_239 = arith.constant 2 : i32
      %dma_start3A_240 = arith.constant 0 : i32
      %dma_start3A_241 = arith.constant 0 : i32
      %dma_start3A_242 = tpu.memref_slice %arg16[%dma_start3A_240, %dma_start3A_241] : memref<10112x128xf32, #tpu.memory_space<vmem_shared>> -> memref<10112x128xf32, #tpu.memory_space<vmem_shared>>
      %dma_start3A_243 = tpu.memref_slice %arg20[%dma_start3A_239] : memref<3x!tpu.dma_semaphore, #tpu.memory_space<semaphore_mem>> -> memref<1x!tpu.dma_semaphore, #tpu.memory_space<semaphore_mem>>
      %dma_start3A_244 = tpu.memref_squeeze %dma_start3A_243 : memref<1x!tpu.dma_semaphore, #tpu.memory_space<semaphore_mem>> -> memref<!tpu.dma_semaphore, #tpu.memory_space<semaphore_mem>>
      tpu.enqueue_indirect_dma source(%arg15 : memref<120x128xf32, #tpu.memory_space<vmem>>) target(%dma_start3A_242 : memref<10112x128xf32, #tpu.memory_space<vmem_shared>>) offsets(%arg12 : memref<120xi32, #tpu.memory_space<vmem>>) semaphore(%dma_start3A_244 : memref<!tpu.dma_semaphore, #tpu.memory_space<semaphore_mem>>) {add = true}
      %dma_wait3A_245 = arith.constant 2 : i32
      %dma_wait3A_246 = arith.constant 0 : i32
      %dma_wait3A_247 = arith.constant 0 : i32
      %dma_wait3A_248 = tpu.memref_slice %arg16[%dma_wait3A_246, %dma_wait3A_247] : memref<10112x128xf32, #tpu.memory_space<vmem_shared>> -> memref<10112x128xf32, #tpu.memory_space<vmem_shared>>
      %dma_wait3A_249 = tpu.memref_slice %arg20[%dma_wait3A_245] : memref<3x!tpu.dma_semaphore, #tpu.memory_space<semaphore_mem>> -> memref<1x!tpu.dma_semaphore, #tpu.memory_space<semaphore_mem>>
      %dma_wait3A_250 = tpu.memref_squeeze %dma_wait3A_249 : memref<1x!tpu.dma_semaphore, #tpu.memory_space<semaphore_mem>> -> memref<!tpu.dma_semaphore, #tpu.memory_space<semaphore_mem>>
      tpu.wait_indirect_dma semaphore(%dma_wait3A_250 : memref<!tpu.dma_semaphore, #tpu.memory_space<semaphore_mem>>) src(%arg15 : memref<120x128xf32, #tpu.memory_space<vmem>>) dst(%dma_wait3A_248 : memref<10112x128xf32, #tpu.memory_space<vmem_shared>>)
      %lt3A_251 = arith.cmpi slt, %add3A_220, %select_n3A_8 : i32
      %convert_element_type3A_252 = arith.extui %lt3A_251 : i1 to i32
      %cond3A_253 = arith.constant 0 : i32
      %cond3A_254 = arith.cmpi ne, %convert_element_type3A_252, %cond3A_253 : i32
      scf.if %cond3A_254 {
        %add3A_255 = arith.addi %select_n3A, %add3A_220 : i32
        %mul3A_256 = arith.constant 120 : i32
        %mul3A_257 = arith.muli %add3A_255, %mul3A_256 : i32
        %dma_start3A_258 = arith.constant 2 : i32
        %dma_start3A_259 = tpu.memref_slice %arg4[%mul3A_257] : memref<322560xi32, #tpu.memory_space<hbm>> -> memref<120xi32, #tpu.memory_space<hbm>>
        %dma_start3A_260 = tpu.memref_slice %arg18[%dma_start3A_258] : memref<3x!tpu.dma_semaphore, #tpu.memory_space<semaphore_mem>> -> memref<1x!tpu.dma_semaphore, #tpu.memory_space<semaphore_mem>>
        %dma_start3A_261 = tpu.memref_squeeze %dma_start3A_260 : memref<1x!tpu.dma_semaphore, #tpu.memory_space<semaphore_mem>> -> memref<!tpu.dma_semaphore, #tpu.memory_space<semaphore_mem>>
        %dma_start3A_262 = tpu.memref_slice %arg4[%mul3A_257] : memref<322560xi32, #tpu.memory_space<hbm>> -> memref<120xi32, #tpu.memory_space<hbm>>
        tpu.enqueue_dma source(%dma_start3A_262 : memref<120xi32, #tpu.memory_space<hbm>>) target(%arg12 : memref<120xi32, #tpu.memory_space<vmem>>) target_semaphore(%dma_start3A_261 : memref<!tpu.dma_semaphore, #tpu.memory_space<semaphore_mem>>)
        %add3A_263 = arith.addi %select_n3A, %add3A_220 : i32
        %mul3A_264 = arith.constant 120 : i32
        %mul3A_265 = arith.muli %add3A_263, %mul3A_264 : i32
        %dma_wait3A_266 = arith.constant 2 : i32
        %dma_wait3A_267 = tpu.memref_slice %arg3[%mul3A_265] : memref<322560xi32, #tpu.memory_space<hbm>> -> memref<120xi32, #tpu.memory_space<hbm>>
        %dma_wait3A_268 = tpu.memref_slice %arg17[%dma_wait3A_266] : memref<3x!tpu.dma_semaphore, #tpu.memory_space<semaphore_mem>> -> memref<1x!tpu.dma_semaphore, #tpu.memory_space<semaphore_mem>>
        %dma_wait3A_269 = tpu.memref_squeeze %dma_wait3A_268 : memref<1x!tpu.dma_semaphore, #tpu.memory_space<semaphore_mem>> -> memref<!tpu.dma_semaphore, #tpu.memory_space<semaphore_mem>>
        %dma_wait3A_270 = tpu.memref_slice %arg3[%mul3A_265] : memref<322560xi32, #tpu.memory_space<hbm>> -> memref<120xi32, #tpu.memory_space<hbm>>
        tpu.wait_dma2 semaphore(%dma_wait3A_269 : memref<!tpu.dma_semaphore, #tpu.memory_space<semaphore_mem>>) src(%dma_wait3A_270 : memref<120xi32, #tpu.memory_space<hbm>>) dst(%arg9 : memref<120xi32, #tpu.memory_space<vmem>>)
        %dma_start3A_271 = arith.constant 2 : i32
        %dma_start3A_272 = arith.constant 0 : i32
        %dma_start3A_273 = arith.constant 0 : i32
        %dma_start3A_274 = tpu.memref_slice %arg2[%dma_start3A_272, %dma_start3A_273] : memref<10000x128xf32, #tpu.memory_space<hbm>> -> memref<10000x128xf32, #tpu.memory_space<hbm>>
        %dma_start3A_275 = tpu.memref_slice %arg19[%dma_start3A_271] : memref<3x!tpu.dma_semaphore, #tpu.memory_space<semaphore_mem>> -> memref<1x!tpu.dma_semaphore, #tpu.memory_space<semaphore_mem>>
        %dma_start3A_276 = tpu.memref_squeeze %dma_start3A_275 : memref<1x!tpu.dma_semaphore, #tpu.memory_space<semaphore_mem>> -> memref<!tpu.dma_semaphore, #tpu.memory_space<semaphore_mem>>
        tpu.enqueue_indirect_dma source(%dma_start3A_274 : memref<10000x128xf32, #tpu.memory_space<hbm>>) target(%arg15 : memref<120x128xf32, #tpu.memory_space<vmem>>) offsets(%arg9 : memref<120xi32, #tpu.memory_space<vmem>>) semaphore(%dma_start3A_276 : memref<!tpu.dma_semaphore, #tpu.memory_space<semaphore_mem>>)
      } else {
      }
    }
    %while3A_135 = arith.constant 1 : i32
    scf.for %while3A_141 = %while3A_133 to %while3A_129 step %while3A_135  : i32 {
      %mul3A_142 = arith.constant 3 : i32
      %mul3A_143 = arith.muli %while3A_141, %mul3A_142 : i32
      %add3A_144 = arith.constant 0 : i32
      %add3A_145 = arith.addi %mul3A_143, %add3A_144 : i32
      %add3A_146 = arith.constant 3 : i32
      %add3A_147 = arith.addi %add3A_145, %add3A_146 : i32
      %dma_wait3A_148 = arith.constant 0 : i32
      %dma_wait3A_149 = arith.constant 0 : i32
      %dma_wait3A_150 = arith.constant 0 : i32
      %dma_wait3A_151 = tpu.memref_slice %arg2[%dma_wait3A_149, %dma_wait3A_150] : memref<10000x128xf32, #tpu.memory_space<hbm>> -> memref<10000x128xf32, #tpu.memory_space<hbm>>
      %dma_wait3A_152 = tpu.memref_slice %arg19[%dma_wait3A_148] : memref<3x!tpu.dma_semaphore, #tpu.memory_space<semaphore_mem>> -> memref<1x!tpu.dma_semaphore, #tpu.memory_space<semaphore_mem>>
      %dma_wait3A_153 = tpu.memref_squeeze %dma_wait3A_152 : memref<1x!tpu.dma_semaphore, #tpu.memory_space<semaphore_mem>> -> memref<!tpu.dma_semaphore, #tpu.memory_space<semaphore_mem>>
      tpu.wait_indirect_dma semaphore(%dma_wait3A_153 : memref<!tpu.dma_semaphore, #tpu.memory_space<semaphore_mem>>) src(%dma_wait3A_151 : memref<10000x128xf32, #tpu.memory_space<hbm>>) dst(%arg13 : memref<120x128xf32, #tpu.memory_space<vmem>>)
      %lt3A = arith.cmpi slt, %add3A_147, %select_n3A_8 : i32
      %convert_element_type3A = arith.extui %lt3A : i1 to i32
      %cond3A = arith.constant 0 : i32
      %cond3A_154 = arith.cmpi ne, %convert_element_type3A, %cond3A : i32
      scf.if %cond3A_154 {
        %add3A_255 = arith.addi %select_n3A, %add3A_147 : i32
        %mul3A_256 = arith.constant 120 : i32
        %mul3A_257 = arith.muli %add3A_255, %mul3A_256 : i32
        %dma_start3A_258 = arith.constant 0 : i32
        %dma_start3A_259 = tpu.memref_slice %arg3[%mul3A_257] : memref<322560xi32, #tpu.memory_space<hbm>> -> memref<120xi32, #tpu.memory_space<hbm>>
        %dma_start3A_260 = tpu.memref_slice %arg17[%dma_start3A_258] : memref<3x!tpu.dma_semaphore, #tpu.memory_space<semaphore_mem>> -> memref<1x!tpu.dma_semaphore, #tpu.memory_space<semaphore_mem>>
        %dma_start3A_261 = tpu.memref_squeeze %dma_start3A_260 : memref<1x!tpu.dma_semaphore, #tpu.memory_space<semaphore_mem>> -> memref<!tpu.dma_semaphore, #tpu.memory_space<semaphore_mem>>
        %dma_start3A_262 = tpu.memref_slice %arg3[%mul3A_257] : memref<322560xi32, #tpu.memory_space<hbm>> -> memref<120xi32, #tpu.memory_space<hbm>>
        tpu.enqueue_dma source(%dma_start3A_262 : memref<120xi32, #tpu.memory_space<hbm>>) target(%arg7 : memref<120xi32, #tpu.memory_space<vmem>>) target_semaphore(%dma_start3A_261 : memref<!tpu.dma_semaphore, #tpu.memory_space<semaphore_mem>>)
      } else {
      }
      %add3A_155 = arith.addi %select_n3A, %add3A_145 : i32
      %mul3A_156 = arith.constant 120 : i32
      %mul3A_157 = arith.muli %add3A_155, %mul3A_156 : i32
      %dma_wait3A_158 = arith.constant 0 : i32
      %dma_wait3A_159 = tpu.memref_slice %arg4[%mul3A_157] : memref<322560xi32, #tpu.memory_space<hbm>> -> memref<120xi32, #tpu.memory_space<hbm>>
      %dma_wait3A_160 = tpu.memref_slice %arg18[%dma_wait3A_158] : memref<3x!tpu.dma_semaphore, #tpu.memory_space<semaphore_mem>> -> memref<1x!tpu.dma_semaphore, #tpu.memory_space<semaphore_mem>>
      %dma_wait3A_161 = tpu.memref_squeeze %dma_wait3A_160 : memref<1x!tpu.dma_semaphore, #tpu.memory_space<semaphore_mem>> -> memref<!tpu.dma_semaphore, #tpu.memory_space<semaphore_mem>>
      %dma_wait3A_162 = tpu.memref_slice %arg4[%mul3A_157] : memref<322560xi32, #tpu.memory_space<hbm>> -> memref<120xi32, #tpu.memory_space<hbm>>
      tpu.wait_dma2 semaphore(%dma_wait3A_161 : memref<!tpu.dma_semaphore, #tpu.memory_space<semaphore_mem>>) src(%dma_wait3A_162 : memref<120xi32, #tpu.memory_space<hbm>>) dst(%arg10 : memref<120xi32, #tpu.memory_space<vmem>>)
      %dma_start3A_163 = arith.constant 0 : i32
      %dma_start3A_164 = arith.constant 0 : i32
      %dma_start3A_165 = arith.constant 0 : i32
      %dma_start3A_166 = tpu.memref_slice %arg16[%dma_start3A_164, %dma_start3A_165] : memref<10112x128xf32, #tpu.memory_space<vmem_shared>> -> memref<10112x128xf32, #tpu.memory_space<vmem_shared>>
      %dma_start3A_167 = tpu.memref_slice %arg20[%dma_start3A_163] : memref<3x!tpu.dma_semaphore, #tpu.memory_space<semaphore_mem>> -> memref<1x!tpu.dma_semaphore, #tpu.memory_space<semaphore_mem>>
      %dma_start3A_168 = tpu.memref_squeeze %dma_start3A_167 : memref<1x!tpu.dma_semaphore, #tpu.memory_space<semaphore_mem>> -> memref<!tpu.dma_semaphore, #tpu.memory_space<semaphore_mem>>
      tpu.enqueue_indirect_dma source(%arg13 : memref<120x128xf32, #tpu.memory_space<vmem>>) target(%dma_start3A_166 : memref<10112x128xf32, #tpu.memory_space<vmem_shared>>) offsets(%arg10 : memref<120xi32, #tpu.memory_space<vmem>>) semaphore(%dma_start3A_168 : memref<!tpu.dma_semaphore, #tpu.memory_space<semaphore_mem>>) {add = true}
      %dma_wait3A_169 = arith.constant 0 : i32
      %dma_wait3A_170 = arith.constant 0 : i32
      %dma_wait3A_171 = arith.constant 0 : i32
      %dma_wait3A_172 = tpu.memref_slice %arg16[%dma_wait3A_170, %dma_wait3A_171] : memref<10112x128xf32, #tpu.memory_space<vmem_shared>> -> memref<10112x128xf32, #tpu.memory_space<vmem_shared>>
      %dma_wait3A_173 = tpu.memref_slice %arg20[%dma_wait3A_169] : memref<3x!tpu.dma_semaphore, #tpu.memory_space<semaphore_mem>> -> memref<1x!tpu.dma_semaphore, #tpu.memory_space<semaphore_mem>>
      %dma_wait3A_174 = tpu.memref_squeeze %dma_wait3A_173 : memref<1x!tpu.dma_semaphore, #tpu.memory_space<semaphore_mem>> -> memref<!tpu.dma_semaphore, #tpu.memory_space<semaphore_mem>>
      tpu.wait_indirect_dma semaphore(%dma_wait3A_174 : memref<!tpu.dma_semaphore, #tpu.memory_space<semaphore_mem>>) src(%arg13 : memref<120x128xf32, #tpu.memory_space<vmem>>) dst(%dma_wait3A_172 : memref<10112x128xf32, #tpu.memory_space<vmem_shared>>)
      %lt3A_175 = arith.cmpi slt, %add3A_147, %select_n3A_8 : i32
      %convert_element_type3A_176 = arith.extui %lt3A_175 : i1 to i32
      %cond3A_177 = arith.constant 0 : i32
      %cond3A_178 = arith.cmpi ne, %convert_element_type3A_176, %cond3A_177 : i32
      scf.if %cond3A_178 {
        %add3A_255 = arith.addi %select_n3A, %add3A_147 : i32
        %mul3A_256 = arith.constant 120 : i32
        %mul3A_257 = arith.muli %add3A_255, %mul3A_256 : i32
        %dma_start3A_258 = arith.constant 0 : i32
        %dma_start3A_259 = tpu.memref_slice %arg4[%mul3A_257] : memref<322560xi32, #tpu.memory_space<hbm>> -> memref<120xi32, #tpu.memory_space<hbm>>
        %dma_start3A_260 = tpu.memref_slice %arg18[%dma_start3A_258] : memref<3x!tpu.dma_semaphore, #tpu.memory_space<semaphore_mem>> -> memref<1x!tpu.dma_semaphore, #tpu.memory_space<semaphore_mem>>
        %dma_start3A_261 = tpu.memref_squeeze %dma_start3A_260 : memref<1x!tpu.dma_semaphore, #tpu.memory_space<semaphore_mem>> -> memref<!tpu.dma_semaphore, #tpu.memory_space<semaphore_mem>>
        %dma_start3A_262 = tpu.memref_slice %arg4[%mul3A_257] : memref<322560xi32, #tpu.memory_space<hbm>> -> memref<120xi32, #tpu.memory_space<hbm>>
        tpu.enqueue_dma source(%dma_start3A_262 : memref<120xi32, #tpu.memory_space<hbm>>) target(%arg10 : memref<120xi32, #tpu.memory_space<vmem>>) target_semaphore(%dma_start3A_261 : memref<!tpu.dma_semaphore, #tpu.memory_space<semaphore_mem>>)
        %add3A_263 = arith.addi %select_n3A, %add3A_147 : i32
        %mul3A_264 = arith.constant 120 : i32
        %mul3A_265 = arith.muli %add3A_263, %mul3A_264 : i32
        %dma_wait3A_266 = arith.constant 0 : i32
        %dma_wait3A_267 = tpu.memref_slice %arg3[%mul3A_265] : memref<322560xi32, #tpu.memory_space<hbm>> -> memref<120xi32, #tpu.memory_space<hbm>>
        %dma_wait3A_268 = tpu.memref_slice %arg17[%dma_wait3A_266] : memref<3x!tpu.dma_semaphore, #tpu.memory_space<semaphore_mem>> -> memref<1x!tpu.dma_semaphore, #tpu.memory_space<semaphore_mem>>
        %dma_wait3A_269 = tpu.memref_squeeze %dma_wait3A_268 : memref<1x!tpu.dma_semaphore, #tpu.memory_space<semaphore_mem>> -> memref<!tpu.dma_semaphore, #tpu.memory_space<semaphore_mem>>
        %dma_wait3A_270 = tpu.memref_slice %arg3[%mul3A_265] : memref<322560xi32, #tpu.memory_space<hbm>> -> memref<120xi32, #tpu.memory_space<hbm>>
        tpu.wait_dma2 semaphore(%dma_wait3A_269 : memref<!tpu.dma_semaphore, #tpu.memory_space<semaphore_mem>>) src(%dma_wait3A_270 : memref<120xi32, #tpu.memory_space<hbm>>) dst(%arg7 : memref<120xi32, #tpu.memory_space<vmem>>)
        %dma_start3A_271 = arith.constant 0 : i32
        %dma_start3A_272 = arith.constant 0 : i32
        %dma_start3A_273 = arith.constant 0 : i32
        %dma_start3A_274 = tpu.memref_slice %arg2[%dma_start3A_272, %dma_start3A_273] : memref<10000x128xf32, #tpu.memory_space<hbm>> -> memref<10000x128xf32, #tpu.memory_space<hbm>>
        %dma_start3A_275 = tpu.memref_slice %arg19[%dma_start3A_271] : memref<3x!tpu.dma_semaphore, #tpu.memory_space<semaphore_mem>> -> memref<1x!tpu.dma_semaphore, #tpu.memory_space<semaphore_mem>>
        %dma_start3A_276 = tpu.memref_squeeze %dma_start3A_275 : memref<1x!tpu.dma_semaphore, #tpu.memory_space<semaphore_mem>> -> memref<!tpu.dma_semaphore, #tpu.memory_space<semaphore_mem>>
        tpu.enqueue_indirect_dma source(%dma_start3A_274 : memref<10000x128xf32, #tpu.memory_space<hbm>>) target(%arg13 : memref<120x128xf32, #tpu.memory_space<vmem>>) offsets(%arg7 : memref<120xi32, #tpu.memory_space<vmem>>) semaphore(%dma_start3A_276 : memref<!tpu.dma_semaphore, #tpu.memory_space<semaphore_mem>>)
      } else {
      }
      %add3A_179 = arith.constant 1 : i32
      %add3A_180 = arith.addi %mul3A_143, %add3A_179 : i32
      %add3A_181 = arith.constant 3 : i32
      %add3A_182 = arith.addi %add3A_180, %add3A_181 : i32
      %dma_wait3A_183 = arith.constant 1 : i32
      %dma_wait3A_184 = arith.constant 0 : i32
      %dma_wait3A_185 = arith.constant 0 : i32
      %dma_wait3A_186 = tpu.memref_slice %arg2[%dma_wait3A_184, %dma_wait3A_185] : memref<10000x128xf32, #tpu.memory_space<hbm>> -> memref<10000x128xf32, #tpu.memory_space<hbm>>
      %dma_wait3A_187 = tpu.memref_slice %arg19[%dma_wait3A_183] : memref<3x!tpu.dma_semaphore, #tpu.memory_space<semaphore_mem>> -> memref<1x!tpu.dma_semaphore, #tpu.memory_space<semaphore_mem>>
      %dma_wait3A_188 = tpu.memref_squeeze %dma_wait3A_187 : memref<1x!tpu.dma_semaphore, #tpu.memory_space<semaphore_mem>> -> memref<!tpu.dma_semaphore, #tpu.memory_space<semaphore_mem>>
      tpu.wait_indirect_dma semaphore(%dma_wait3A_188 : memref<!tpu.dma_semaphore, #tpu.memory_space<semaphore_mem>>) src(%dma_wait3A_186 : memref<10000x128xf32, #tpu.memory_space<hbm>>) dst(%arg14 : memref<120x128xf32, #tpu.memory_space<vmem>>)
      %lt3A_189 = arith.cmpi slt, %add3A_182, %select_n3A_8 : i32
      %convert_element_type3A_190 = arith.extui %lt3A_189 : i1 to i32
      %cond3A_191 = arith.constant 0 : i32
      %cond3A_192 = arith.cmpi ne, %convert_element_type3A_190, %cond3A_191 : i32
      scf.if %cond3A_192 {
        %add3A_255 = arith.addi %select_n3A, %add3A_182 : i32
        %mul3A_256 = arith.constant 120 : i32
        %mul3A_257 = arith.muli %add3A_255, %mul3A_256 : i32
        %dma_start3A_258 = arith.constant 1 : i32
        %dma_start3A_259 = tpu.memref_slice %arg3[%mul3A_257] : memref<322560xi32, #tpu.memory_space<hbm>> -> memref<120xi32, #tpu.memory_space<hbm>>
        %dma_start3A_260 = tpu.memref_slice %arg17[%dma_start3A_258] : memref<3x!tpu.dma_semaphore, #tpu.memory_space<semaphore_mem>> -> memref<1x!tpu.dma_semaphore, #tpu.memory_space<semaphore_mem>>
        %dma_start3A_261 = tpu.memref_squeeze %dma_start3A_260 : memref<1x!tpu.dma_semaphore, #tpu.memory_space<semaphore_mem>> -> memref<!tpu.dma_semaphore, #tpu.memory_space<semaphore_mem>>
        %dma_start3A_262 = tpu.memref_slice %arg3[%mul3A_257] : memref<322560xi32, #tpu.memory_space<hbm>> -> memref<120xi32, #tpu.memory_space<hbm>>
        tpu.enqueue_dma source(%dma_start3A_262 : memref<120xi32, #tpu.memory_space<hbm>>) target(%arg8 : memref<120xi32, #tpu.memory_space<vmem>>) target_semaphore(%dma_start3A_261 : memref<!tpu.dma_semaphore, #tpu.memory_space<semaphore_mem>>)
      } else {
      }
      %add3A_193 = arith.addi %select_n3A, %add3A_180 : i32
      %mul3A_194 = arith.constant 120 : i32
      %mul3A_195 = arith.muli %add3A_193, %mul3A_194 : i32
      %dma_wait3A_196 = arith.constant 1 : i32
      %dma_wait3A_197 = tpu.memref_slice %arg4[%mul3A_195] : memref<322560xi32, #tpu.memory_space<hbm>> -> memref<120xi32, #tpu.memory_space<hbm>>
      %dma_wait3A_198 = tpu.memref_slice %arg18[%dma_wait3A_196] : memref<3x!tpu.dma_semaphore, #tpu.memory_space<semaphore_mem>> -> memref<1x!tpu.dma_semaphore, #tpu.memory_space<semaphore_mem>>
      %dma_wait3A_199 = tpu.memref_squeeze %dma_wait3A_198 : memref<1x!tpu.dma_semaphore, #tpu.memory_space<semaphore_mem>> -> memref<!tpu.dma_semaphore, #tpu.memory_space<semaphore_mem>>
      %dma_wait3A_200 = tpu.memref_slice %arg4[%mul3A_195] : memref<322560xi32, #tpu.memory_space<hbm>> -> memref<120xi32, #tpu.memory_space<hbm>>
      tpu.wait_dma2 semaphore(%dma_wait3A_199 : memref<!tpu.dma_semaphore, #tpu.memory_space<semaphore_mem>>) src(%dma_wait3A_200 : memref<120xi32, #tpu.memory_space<hbm>>) dst(%arg11 : memref<120xi32, #tpu.memory_space<vmem>>)
      %dma_start3A_201 = arith.constant 1 : i32
      %dma_start3A_202 = arith.constant 0 : i32
      %dma_start3A_203 = arith.constant 0 : i32
      %dma_start3A_204 = tpu.memref_slice %arg16[%dma_start3A_202, %dma_start3A_203] : memref<10112x128xf32, #tpu.memory_space<vmem_shared>> -> memref<10112x128xf32, #tpu.memory_space<vmem_shared>>
      %dma_start3A_205 = tpu.memref_slice %arg20[%dma_start3A_201] : memref<3x!tpu.dma_semaphore, #tpu.memory_space<semaphore_mem>> -> memref<1x!tpu.dma_semaphore, #tpu.memory_space<semaphore_mem>>
      %dma_start3A_206 = tpu.memref_squeeze %dma_start3A_205 : memref<1x!tpu.dma_semaphore, #tpu.memory_space<semaphore_mem>> -> memref<!tpu.dma_semaphore, #tpu.memory_space<semaphore_mem>>
      tpu.enqueue_indirect_dma source(%arg14 : memref<120x128xf32, #tpu.memory_space<vmem>>) target(%dma_start3A_204 : memref<10112x128xf32, #tpu.memory_space<vmem_shared>>) offsets(%arg11 : memref<120xi32, #tpu.memory_space<vmem>>) semaphore(%dma_start3A_206 : memref<!tpu.dma_semaphore, #tpu.memory_space<semaphore_mem>>) {add = true}
      %dma_wait3A_207 = arith.constant 1 : i32
      %dma_wait3A_208 = arith.constant 0 : i32
      %dma_wait3A_209 = arith.constant 0 : i32
      %dma_wait3A_210 = tpu.memref_slice %arg16[%dma_wait3A_208, %dma_wait3A_209] : memref<10112x128xf32, #tpu.memory_space<vmem_shared>> -> memref<10112x128xf32, #tpu.memory_space<vmem_shared>>
      %dma_wait3A_211 = tpu.memref_slice %arg20[%dma_wait3A_207] : memref<3x!tpu.dma_semaphore, #tpu.memory_space<semaphore_mem>> -> memref<1x!tpu.dma_semaphore, #tpu.memory_space<semaphore_mem>>
      %dma_wait3A_212 = tpu.memref_squeeze %dma_wait3A_211 : memref<1x!tpu.dma_semaphore, #tpu.memory_space<semaphore_mem>> -> memref<!tpu.dma_semaphore, #tpu.memory_space<semaphore_mem>>
      tpu.wait_indirect_dma semaphore(%dma_wait3A_212 : memref<!tpu.dma_semaphore, #tpu.memory_space<semaphore_mem>>) src(%arg14 : memref<120x128xf32, #tpu.memory_space<vmem>>) dst(%dma_wait3A_210 : memref<10112x128xf32, #tpu.memory_space<vmem_shared>>)
      %lt3A_213 = arith.cmpi slt, %add3A_182, %select_n3A_8 : i32
      %convert_element_type3A_214 = arith.extui %lt3A_213 : i1 to i32
      %cond3A_215 = arith.constant 0 : i32
      %cond3A_216 = arith.cmpi ne, %convert_element_type3A_214, %cond3A_215 : i32
      scf.if %cond3A_216 {
        %add3A_255 = arith.addi %select_n3A, %add3A_182 : i32
        %mul3A_256 = arith.constant 120 : i32
        %mul3A_257 = arith.muli %add3A_255, %mul3A_256 : i32
        %dma_start3A_258 = arith.constant 1 : i32
        %dma_start3A_259 = tpu.memref_slice %arg4[%mul3A_257] : memref<322560xi32, #tpu.memory_space<hbm>> -> memref<120xi32, #tpu.memory_space<hbm>>
        %dma_start3A_260 = tpu.memref_slice %arg18[%dma_start3A_258] : memref<3x!tpu.dma_semaphore, #tpu.memory_space<semaphore_mem>> -> memref<1x!tpu.dma_semaphore, #tpu.memory_space<semaphore_mem>>
        %dma_start3A_261 = tpu.memref_squeeze %dma_start3A_260 : memref<1x!tpu.dma_semaphore, #tpu.memory_space<semaphore_mem>> -> memref<!tpu.dma_semaphore, #tpu.memory_space<semaphore_mem>>
        %dma_start3A_262 = tpu.memref_slice %arg4[%mul3A_257] : memref<322560xi32, #tpu.memory_space<hbm>> -> memref<120xi32, #tpu.memory_space<hbm>>
        tpu.enqueue_dma source(%dma_start3A_262 : memref<120xi32, #tpu.memory_space<hbm>>) target(%arg11 : memref<120xi32, #tpu.memory_space<vmem>>) target_semaphore(%dma_start3A_261 : memref<!tpu.dma_semaphore, #tpu.memory_space<semaphore_mem>>)
        %add3A_263 = arith.addi %select_n3A, %add3A_182 : i32
        %mul3A_264 = arith.constant 120 : i32
        %mul3A_265 = arith.muli %add3A_263, %mul3A_264 : i32
        %dma_wait3A_266 = arith.constant 1 : i32
        %dma_wait3A_267 = tpu.memref_slice %arg3[%mul3A_265] : memref<322560xi32, #tpu.memory_space<hbm>> -> memref<120xi32, #tpu.memory_space<hbm>>
        %dma_wait3A_268 = tpu.memref_slice %arg17[%dma_wait3A_266] : memref<3x!tpu.dma_semaphore, #tpu.memory_space<semaphore_mem>> -> memref<1x!tpu.dma_semaphore, #tpu.memory_space<semaphore_mem>>
        %dma_wait3A_269 = tpu.memref_squeeze %dma_wait3A_268 : memref<1x!tpu.dma_semaphore, #tpu.memory_space<semaphore_mem>> -> memref<!tpu.dma_semaphore, #tpu.memory_space<semaphore_mem>>
        %dma_wait3A_270 = tpu.memref_slice %arg3[%mul3A_265] : memref<322560xi32, #tpu.memory_space<hbm>> -> memref<120xi32, #tpu.memory_space<hbm>>
        tpu.wait_dma2 semaphore(%dma_wait3A_269 : memref<!tpu.dma_semaphore, #tpu.memory_space<semaphore_mem>>) src(%dma_wait3A_270 : memref<120xi32, #tpu.memory_space<hbm>>) dst(%arg8 : memref<120xi32, #tpu.memory_space<vmem>>)
        %dma_start3A_271 = arith.constant 1 : i32
        %dma_start3A_272 = arith.constant 0 : i32
        %dma_start3A_273 = arith.constant 0 : i32
        %dma_start3A_274 = tpu.memref_slice %arg2[%dma_start3A_272, %dma_start3A_273] : memref<10000x128xf32, #tpu.memory_space<hbm>> -> memref<10000x128xf32, #tpu.memory_space<hbm>>
        %dma_start3A_275 = tpu.memref_slice %arg19[%dma_start3A_271] : memref<3x!tpu.dma_semaphore, #tpu.memory_space<semaphore_mem>> -> memref<1x!tpu.dma_semaphore, #tpu.memory_space<semaphore_mem>>
        %dma_start3A_276 = tpu.memref_squeeze %dma_start3A_275 : memref<1x!tpu.dma_semaphore, #tpu.memory_space<semaphore_mem>> -> memref<!tpu.dma_semaphore, #tpu.memory_space<semaphore_mem>>
        tpu.enqueue_indirect_dma source(%dma_start3A_274 : memref<10000x128xf32, #tpu.memory_space<hbm>>) target(%arg14 : memref<120x128xf32, #tpu.memory_space<vmem>>) offsets(%arg8 : memref<120xi32, #tpu.memory_space<vmem>>) semaphore(%dma_start3A_276 : memref<!tpu.dma_semaphore, #tpu.memory_space<semaphore_mem>>)
      } else {
      }
      %add3A_217 = arith.constant 2 : i32
      %add3A_218 = arith.addi %mul3A_143, %add3A_217 : i32
      %add3A_219 = arith.constant 3 : i32
      %add3A_220 = arith.addi %add3A_218, %add3A_219 : i32
      %dma_wait3A_221 = arith.constant 2 : i32
      %dma_wait3A_222 = arith.constant 0 : i32
      %dma_wait3A_223 = arith.constant 0 : i32
      %dma_wait3A_224 = tpu.memref_slice %arg2[%dma_wait3A_222, %dma_wait3A_223] : memref<10000x128xf32, #tpu.memory_space<hbm>> -> memref<10000x128xf32, #tpu.memory_space<hbm>>
      %dma_wait3A_225 = tpu.memref_slice %arg19[%dma_wait3A_221] : memref<3x!tpu.dma_semaphore, #tpu.memory_space<semaphore_mem>> -> memref<1x!tpu.dma_semaphore, #tpu.memory_space<semaphore_mem>>
      %dma_wait3A_226 = tpu.memref_squeeze %dma_wait3A_225 : memref<1x!tpu.dma_semaphore, #tpu.memory_space<semaphore_mem>> -> memref<!tpu.dma_semaphore, #tpu.memory_space<semaphore_mem>>
      tpu.wait_indirect_dma semaphore(%dma_wait3A_226 : memref<!tpu.dma_semaphore, #tpu.memory_space<semaphore_mem>>) src(%dma_wait3A_224 : memref<10000x128xf32, #tpu.memory_space<hbm>>) dst(%arg15 : memref<120x128xf32, #tpu.memory_space<vmem>>)
      %lt3A_227 = arith.cmpi slt, %add3A_220, %select_n3A_8 : i32
      %convert_element_type3A_228 = arith.extui %lt3A_227 : i1 to i32
      %cond3A_229 = arith.constant 0 : i32
      %cond3A_230 = arith.cmpi ne, %convert_element_type3A_228, %cond3A_229 : i32
      scf.if %cond3A_230 {
        %add3A_255 = arith.addi %select_n3A, %add3A_220 : i32
        %mul3A_256 = arith.constant 120 : i32
        %mul3A_257 = arith.muli %add3A_255, %mul3A_256 : i32
        %dma_start3A_258 = arith.constant 2 : i32
        %dma_start3A_259 = tpu.memref_slice %arg3[%mul3A_257] : memref<322560xi32, #tpu.memory_space<hbm>> -> memref<120xi32, #tpu.memory_space<hbm>>
        %dma_start3A_260 = tpu.memref_slice %arg17[%dma_start3A_258] : memref<3x!tpu.dma_semaphore, #tpu.memory_space<semaphore_mem>> -> memref<1x!tpu.dma_semaphore, #tpu.memory_space<semaphore_mem>>
        %dma_start3A_261 = tpu.memref_squeeze %dma_start3A_260 : memref<1x!tpu.dma_semaphore, #tpu.memory_space<semaphore_mem>> -> memref<!tpu.dma_semaphore, #tpu.memory_space<semaphore_mem>>
        %dma_start3A_262 = tpu.memref_slice %arg3[%mul3A_257] : memref<322560xi32, #tpu.memory_space<hbm>> -> memref<120xi32, #tpu.memory_space<hbm>>
        tpu.enqueue_dma source(%dma_start3A_262 : memref<120xi32, #tpu.memory_space<hbm>>) target(%arg9 : memref<120xi32, #tpu.memory_space<vmem>>) target_semaphore(%dma_start3A_261 : memref<!tpu.dma_semaphore, #tpu.memory_space<semaphore_mem>>)
      } else {
      }
      %add3A_231 = arith.addi %select_n3A, %add3A_218 : i32
      %mul3A_232 = arith.constant 120 : i32
      %mul3A_233 = arith.muli %add3A_231, %mul3A_232 : i32
      %dma_wait3A_234 = arith.constant 2 : i32
      %dma_wait3A_235 = tpu.memref_slice %arg4[%mul3A_233] : memref<322560xi32, #tpu.memory_space<hbm>> -> memref<120xi32, #tpu.memory_space<hbm>>
      %dma_wait3A_236 = tpu.memref_slice %arg18[%dma_wait3A_234] : memref<3x!tpu.dma_semaphore, #tpu.memory_space<semaphore_mem>> -> memref<1x!tpu.dma_semaphore, #tpu.memory_space<semaphore_mem>>
      %dma_wait3A_237 = tpu.memref_squeeze %dma_wait3A_236 : memref<1x!tpu.dma_semaphore, #tpu.memory_space<semaphore_mem>> -> memref<!tpu.dma_semaphore, #tpu.memory_space<semaphore_mem>>
      %dma_wait3A_238 = tpu.memref_slice %arg4[%mul3A_233] : memref<322560xi32, #tpu.memory_space<hbm>> -> memref<120xi32, #tpu.memory_space<hbm>>
      tpu.wait_dma2 semaphore(%dma_wait3A_237 : memref<!tpu.dma_semaphore, #tpu.memory_space<semaphore_mem>>) src(%dma_wait3A_238 : memref<120xi32, #tpu.memory_space<hbm>>) dst(%arg12 : memref<120xi32, #tpu.memory_space<vmem>>)
      %dma_start3A_239 = arith.constant 2 : i32
      %dma_start3A_240 = arith.constant 0 : i32
      %dma_start3A_241 = arith.constant 0 : i32
      %dma_start3A_242 = tpu.memref_slice %arg16[%dma_start3A_240, %dma_start3A_241] : memref<10112x128xf32, #tpu.memory_space<vmem_shared>> -> memref<10112x128xf32, #tpu.memory_space<vmem_shared>>
      %dma_start3A_243 = tpu.memref_slice %arg20[%dma_start3A_239] : memref<3x!tpu.dma_semaphore, #tpu.memory_space<semaphore_mem>> -> memref<1x!tpu.dma_semaphore, #tpu.memory_space<semaphore_mem>>
      %dma_start3A_244 = tpu.memref_squeeze %dma_start3A_243 : memref<1x!tpu.dma_semaphore, #tpu.memory_space<semaphore_mem>> -> memref<!tpu.dma_semaphore, #tpu.memory_space<semaphore_mem>>
      tpu.enqueue_indirect_dma source(%arg15 : memref<120x128xf32, #tpu.memory_space<vmem>>) target(%dma_start3A_242 : memref<10112x128xf32, #tpu.memory_space<vmem_shared>>) offsets(%arg12 : memref<120xi32, #tpu.memory_space<vmem>>) semaphore(%dma_start3A_244 : memref<!tpu.dma_semaphore, #tpu.memory_space<semaphore_mem>>) {add = true}
      %dma_wait3A_245 = arith.constant 2 : i32
      %dma_wait3A_246 = arith.constant 0 : i32
      %dma_wait3A_247 = arith.constant 0 : i32
      %dma_wait3A_248 = tpu.memref_slice %arg16[%dma_wait3A_246, %dma_wait3A_247] : memref<10112x128xf32, #tpu.memory_space<vmem_shared>> -> memref<10112x128xf32, #tpu.memory_space<vmem_shared>>
      %dma_wait3A_249 = tpu.memref_slice %arg20[%dma_wait3A_245] : memref<3x!tpu.dma_semaphore, #tpu.memory_space<semaphore_mem>> -> memref<1x!tpu.dma_semaphore, #tpu.memory_space<semaphore_mem>>
      %dma_wait3A_250 = tpu.memref_squeeze %dma_wait3A_249 : memref<1x!tpu.dma_semaphore, #tpu.memory_space<semaphore_mem>> -> memref<!tpu.dma_semaphore, #tpu.memory_space<semaphore_mem>>
      tpu.wait_indirect_dma semaphore(%dma_wait3A_250 : memref<!tpu.dma_semaphore, #tpu.memory_space<semaphore_mem>>) src(%arg15 : memref<120x128xf32, #tpu.memory_space<vmem>>) dst(%dma_wait3A_248 : memref<10112x128xf32, #tpu.memory_space<vmem_shared>>)
      %lt3A_251 = arith.cmpi slt, %add3A_220, %select_n3A_8 : i32
      %convert_element_type3A_252 = arith.extui %lt3A_251 : i1 to i32
      %cond3A_253 = arith.constant 0 : i32
      %cond3A_254 = arith.cmpi ne, %convert_element_type3A_252, %cond3A_253 : i32
      scf.if %cond3A_254 {
        %add3A_255 = arith.addi %select_n3A, %add3A_220 : i32
        %mul3A_256 = arith.constant 120 : i32
        %mul3A_257 = arith.muli %add3A_255, %mul3A_256 : i32
        %dma_start3A_258 = arith.constant 2 : i32
        %dma_start3A_259 = tpu.memref_slice %arg4[%mul3A_257] : memref<322560xi32, #tpu.memory_space<hbm>> -> memref<120xi32, #tpu.memory_space<hbm>>
        %dma_start3A_260 = tpu.memref_slice %arg18[%dma_start3A_258] : memref<3x!tpu.dma_semaphore, #tpu.memory_space<semaphore_mem>> -> memref<1x!tpu.dma_semaphore, #tpu.memory_space<semaphore_mem>>
        %dma_start3A_261 = tpu.memref_squeeze %dma_start3A_260 : memref<1x!tpu.dma_semaphore, #tpu.memory_space<semaphore_mem>> -> memref<!tpu.dma_semaphore, #tpu.memory_space<semaphore_mem>>
        %dma_start3A_262 = tpu.memref_slice %arg4[%mul3A_257] : memref<322560xi32, #tpu.memory_space<hbm>> -> memref<120xi32, #tpu.memory_space<hbm>>
        tpu.enqueue_dma source(%dma_start3A_262 : memref<120xi32, #tpu.memory_space<hbm>>) target(%arg12 : memref<120xi32, #tpu.memory_space<vmem>>) target_semaphore(%dma_start3A_261 : memref<!tpu.dma_semaphore, #tpu.memory_space<semaphore_mem>>)
        %add3A_263 = arith.addi %select_n3A, %add3A_220 : i32
        %mul3A_264 = arith.constant 120 : i32
        %mul3A_265 = arith.muli %add3A_263, %mul3A_264 : i32
        %dma_wait3A_266 = arith.constant 2 : i32
        %dma_wait3A_267 = tpu.memref_slice %arg3[%mul3A_265] : memref<322560xi32, #tpu.memory_space<hbm>> -> memref<120xi32, #tpu.memory_space<hbm>>
        %dma_wait3A_268 = tpu.memref_slice %arg17[%dma_wait3A_266] : memref<3x!tpu.dma_semaphore, #tpu.memory_space<semaphore_mem>> -> memref<1x!tpu.dma_semaphore, #tpu.memory_space<semaphore_mem>>
        %dma_wait3A_269 = tpu.memref_squeeze %dma_wait3A_268 : memref<1x!tpu.dma_semaphore, #tpu.memory_space<semaphore_mem>> -> memref<!tpu.dma_semaphore, #tpu.memory_space<semaphore_mem>>
        %dma_wait3A_270 = tpu.memref_slice %arg3[%mul3A_265] : memref<322560xi32, #tpu.memory_space<hbm>> -> memref<120xi32, #tpu.memory_space<hbm>>
        tpu.wait_dma2 semaphore(%dma_wait3A_269 : memref<!tpu.dma_semaphore, #tpu.memory_space<semaphore_mem>>) src(%dma_wait3A_270 : memref<120xi32, #tpu.memory_space<hbm>>) dst(%arg9 : memref<120xi32, #tpu.memory_space<vmem>>)
        %dma_start3A_271 = arith.constant 2 : i32
        %dma_start3A_272 = arith.constant 0 : i32
        %dma_start3A_273 = arith.constant 0 : i32
        %dma_start3A_274 = tpu.memref_slice %arg2[%dma_start3A_272, %dma_start3A_273] : memref<10000x128xf32, #tpu.memory_space<hbm>> -> memref<10000x128xf32, #tpu.memory_space<hbm>>
        %dma_start3A_275 = tpu.memref_slice %arg19[%dma_start3A_271] : memref<3x!tpu.dma_semaphore, #tpu.memory_space<semaphore_mem>> -> memref<1x!tpu.dma_semaphore, #tpu.memory_space<semaphore_mem>>
        %dma_start3A_276 = tpu.memref_squeeze %dma_start3A_275 : memref<1x!tpu.dma_semaphore, #tpu.memory_space<semaphore_mem>> -> memref<!tpu.dma_semaphore, #tpu.memory_space<semaphore_mem>>
        tpu.enqueue_indirect_dma source(%dma_start3A_274 : memref<10000x128xf32, #tpu.memory_space<hbm>>) target(%arg15 : memref<120x128xf32, #tpu.memory_space<vmem>>) offsets(%arg9 : memref<120xi32, #tpu.memory_space<vmem>>) semaphore(%dma_start3A_276 : memref<!tpu.dma_semaphore, #tpu.memory_space<semaphore_mem>>)
      } else {
      }
    }
    %barrier3A_136 = arith.constant 0 : index
    tpu.barrier barrier_id(%barrier3A_136)
    %mul3A_137 = arith.constant 632 : i32
    %mul3A_138 = arith.muli %arg1, %mul3A_137 : i32
    %mul3A_139 = arith.constant 632 : i32
    %mul3A_140 = arith.muli %arg1, %mul3A_139 : i32
    "tpu.region"() ({
      %run_scoped3A = tpu.sem_alloc : memref<!tpu.dma_semaphore, #tpu.memory_space<semaphore_mem>>
      %dma_start3A_141 = arith.constant 0 : i32
      %dma_start3A_142 = tpu.memref_slice %arg6[%arg0, %mul3A_140, %dma_start3A_141] : memref<2x10112x128xf32, #tpu.memory_space<hbm>> -> memref<1x632x128xf32, #tpu.memory_space<hbm>>
      %dma_start3A_143 = tpu.memref_squeeze %dma_start3A_142 : memref<1x632x128xf32, #tpu.memory_space<hbm>> -> memref<632x128xf32, #tpu.memory_space<hbm>>
      %dma_start3A_144 = arith.constant 0 : i32
      %dma_start3A_145 = tpu.memref_slice %arg16[%mul3A_138, %dma_start3A_144] : memref<10112x128xf32, #tpu.memory_space<vmem_shared>> -> memref<632x128xf32, #tpu.memory_space<vmem_shared>>
      tpu.enqueue_dma source(%dma_start3A_145 : memref<632x128xf32, #tpu.memory_space<vmem_shared>>) target(%dma_start3A_143 : memref<632x128xf32, #tpu.memory_space<hbm>>) target_semaphore(%run_scoped3A : memref<!tpu.dma_semaphore, #tpu.memory_space<semaphore_mem>>)
      %dma_wait3A_146 = arith.constant 0 : i32
      %dma_wait3A_147 = tpu.memref_slice %arg6[%arg0, %mul3A_140, %dma_wait3A_146] : memref<2x10112x128xf32, #tpu.memory_space<hbm>> -> memref<1x632x128xf32, #tpu.memory_space<hbm>>
      %dma_wait3A_148 = tpu.memref_squeeze %dma_wait3A_147 : memref<1x632x128xf32, #tpu.memory_space<hbm>> -> memref<632x128xf32, #tpu.memory_space<hbm>>
      %dma_wait3A_149 = arith.constant 0 : i32
      %dma_wait3A_150 = tpu.memref_slice %arg16[%mul3A_138, %dma_wait3A_149] : memref<10112x128xf32, #tpu.memory_space<vmem_shared>> -> memref<632x128xf32, #tpu.memory_space<vmem_shared>>
      tpu.wait_dma2 semaphore(%run_scoped3A : memref<!tpu.dma_semaphore, #tpu.memory_space<semaphore_mem>>) src(%dma_wait3A_150 : memref<632x128xf32, #tpu.memory_space<vmem_shared>>) dst(%dma_wait3A_148 : memref<632x128xf32, #tpu.memory_space<hbm>>)
      tpu.yield
    }) : () -> ()
    return
  }
}

module attributes {stable_mosaic.version = 14 : i64} {
  func.func @_dinv_kernel(%arg0: memref<32x79x128xf32, #tpu.memory_space<vmem>>, %arg1: memref<79x128xf32, #tpu.memory_space<vmem>>) attributes {dimension_semantics = [], scalar_prefetch = 0 : i64, scratch_operands = 0 : i64, tpu.core_type = #tpu.core_type<tc>} {
    %get3A = arith.constant 0 : index
    %get3A_0 = arith.constant 0 : index
    %get3A_1 = arith.constant 0 : index
    %get3A_2 = vector.load %arg0[%get3A, %get3A_0, %get3A_1] : memref<32x79x128xf32, #tpu.memory_space<vmem>>, vector<32x79x128xf32>
    %reduce_sum3A = arith.constant dense<0.000000e+00> : vector<79x128xf32>
    %reduce_sum3A_3 = vector.multi_reduction <add>, %get3A_2, %reduce_sum3A [0] : vector<32x79x128xf32> to vector<79x128xf32>
    %add3A = arith.constant 1.000000e+00 : f32
    %add3A_4 = vector.broadcast %add3A : f32 to vector<79x128xf32>
    %add3A_5 = arith.addf %reduce_sum3A_3, %add3A_4 : vector<79x128xf32>
    %rsqrt3A = math.rsqrt %add3A_5 : vector<79x128xf32>
    %swap3A = arith.constant 0 : index
    %swap3A_6 = arith.constant 0 : index
    %swap3A_7 = vector.load %arg1[%swap3A, %swap3A_6] : memref<79x128xf32, #tpu.memory_space<vmem>>, vector<79x128xf32>
    tpu.vector_store %arg1[%swap3A, %swap3A_6], %rsqrt3A {strides = array<i32>} : memref<79x128xf32, #tpu.memory_space<vmem>>, vector<79x128xf32>,
    return
  }
}

module attributes {stable_mosaic.version = 14 : i64} {
  func.func @_mm1_kernel(%arg0: i32, %arg1: memref<1000x128xf32, #tpu.memory_space<vmem>>, %arg2: memref<128x128xf32, #tpu.memory_space<vmem>>, %arg3: memref<1000x1xf32, #tpu.memory_space<vmem>>, %arg4: memref<1000x128xf32, #tpu.memory_space<vmem>>) attributes {dimension_semantics = [#tpu.dimension_semantics<arbitrary>], iteration_bounds = array<i64: 10>, scalar_prefetch = 0 : i64, scratch_operands = 0 : i64, tpu.core_type = #tpu.core_type<tc>, window_params = [{transform_indices = @transform_0, window_bounds = array<i64: 1000, 128>}, {pipeline_mode = #tpu.pipeline_mode<synchronous>, transform_indices = @transform_1, window_bounds = array<i64: 128, 128>}, {transform_indices = @transform_2, window_bounds = array<i64: 1000, 1>}, {transform_indices = @transform_3, window_bounds = array<i64: 1000, 128>}]} {
    %get3A = arith.constant 0 : index
    %get3A_0 = arith.constant 0 : index
    %get3A_1 = vector.load %arg1[%get3A, %get3A_0] : memref<1000x128xf32, #tpu.memory_space<vmem>>, vector<1000x128xf32>
    %get3A_2 = arith.constant 0 : index
    %get3A_3 = arith.constant 0 : index
    %get3A_4 = vector.load %arg2[%get3A_2, %get3A_3] : memref<128x128xf32, #tpu.memory_space<vmem>>, vector<128x128xf32>
    %dot_general3A = arith.constant dense<0.000000e+00> : vector<1000x128xf32>
    %dot_general3A_5 = tpu.matmul %get3A_1, %get3A_4, %dot_general3A {dimension_numbers = #tpu.dot_dimension_numbers<[1], [0], [0], [1], [0, 0, 1, 1], [], []>, transpose_lhs_hint = false} : vector<1000x128xf32>, vector<128x128xf32>, vector<1000x128xf32> -> vector<1000x128xf32>
    %get3A_6 = arith.constant 0 : index
    %get3A_7 = arith.constant 0 : index
    %get3A_8 = vector.load %arg3[%get3A_6, %get3A_7] : memref<1000x1xf32, #tpu.memory_space<vmem>>, vector<1000x1xf32>
    %mul3A = vector.broadcast %get3A_8 : vector<1000x1xf32> to vector<1000x128xf32>
    %mul3A_9 = arith.mulf %dot_general3A_5, %mul3A : vector<1000x128xf32>
    %swap3A = arith.constant 0 : index
    %swap3A_10 = arith.constant 0 : index
    %swap3A_11 = vector.load %arg4[%swap3A, %swap3A_10] : memref<1000x128xf32, #tpu.memory_space<vmem>>, vector<1000x128xf32>
    tpu.vector_store %arg4[%swap3A, %swap3A_10], %mul3A_9 {strides = array<i32>} : memref<1000x128xf32, #tpu.memory_space<vmem>>, vector<1000x128xf32>,
    return
  }
  func.func @transform_0(%arg0: i32) -> (i32, i32) {
    %c0_i32 = arith.constant 0 : i32
    %c0_i32_0 = arith.constant 0 : i32
    return %arg0, %c0_i32 : i32, i32
  }
  func.func @transform_1(%arg0: i32) -> (i32, i32) {
    %c0_i32 = arith.constant 0 : i32
    %c0_i32_0 = arith.constant 0 : i32
    %c0_i32_1 = arith.constant 0 : i32
    return %c0_i32, %c0_i32_0 : i32, i32
  }
  func.func @transform_2(%arg0: i32) -> (i32, i32) {
    %c0_i32 = arith.constant 0 : i32
    %c0_i32_0 = arith.constant 0 : i32
    return %arg0, %c0_i32 : i32, i32
  }
  func.func @transform_3(%arg0: i32) -> (i32, i32) {
    %c0_i32 = arith.constant 0 : i32
    %c0_i32_0 = arith.constant 0 : i32
    return %arg0, %c0_i32 : i32, i32
  }
}

module attributes {stable_mosaic.version = 14 : i64} {
  func.func @_fused_kernel(%arg0: i32, %arg1: memref<1000x128xf32, #tpu.memory_space<vmem>>, %arg2: memref<1000x128xf32, #tpu.memory_space<vmem>>, %arg3: memref<1000x128xf32, #tpu.memory_space<vmem>>, %arg4: memref<1000x1xf32, #tpu.memory_space<vmem>>, %arg5: memref<1x128xf32, #tpu.memory_space<vmem>>, %arg6: memref<128x128xf32, #tpu.memory_space<vmem>>, %arg7: memref<1000x128xf32, #tpu.memory_space<vmem>>) attributes {dimension_semantics = [#tpu.dimension_semantics<arbitrary>], iteration_bounds = array<i64: 10>, scalar_prefetch = 0 : i64, scratch_operands = 0 : i64, tpu.core_type = #tpu.core_type<tc>, window_params = [{transform_indices = @transform_0, window_bounds = array<i64: 1000, 128>}, {transform_indices = @transform_1, window_bounds = array<i64: 1000, 128>}, {transform_indices = @transform_2, window_bounds = array<i64: 1000, 128>}, {transform_indices = @transform_3, window_bounds = array<i64: 1000, 1>}, {pipeline_mode = #tpu.pipeline_mode<synchronous>, transform_indices = @transform_4, window_bounds = array<i64: 1, 128>}, {pipeline_mode = #tpu.pipeline_mode<synchronous>, transform_indices = @transform_5, window_bounds = array<i64: 128, 128>}, {transform_indices = @transform_6, window_bounds = array<i64: 1000, 128>}]} {
    %get3A = arith.constant 0 : index
    %get3A_0 = arith.constant 0 : index
    %get3A_1 = vector.load %arg1[%get3A, %get3A_0] : memref<1000x128xf32, #tpu.memory_space<vmem>>, vector<1000x128xf32>
    %get3A_2 = arith.constant 0 : index
    %get3A_3 = arith.constant 0 : index
    %get3A_4 = vector.load %arg2[%get3A_2, %get3A_3] : memref<1000x128xf32, #tpu.memory_space<vmem>>, vector<1000x128xf32>
    %add3A = arith.addf %get3A_1, %get3A_4 : vector<1000x128xf32>
    %get3A_5 = arith.constant 0 : index
    %get3A_6 = arith.constant 0 : index
    %get3A_7 = vector.load %arg3[%get3A_5, %get3A_6] : memref<1000x128xf32, #tpu.memory_space<vmem>>, vector<1000x128xf32>
    %add3A_8 = arith.addf %add3A, %get3A_7 : vector<1000x128xf32>
    %get3A_9 = arith.constant 0 : index
    %get3A_10 = arith.constant 0 : index
    %get3A_11 = vector.load %arg4[%get3A_9, %get3A_10] : memref<1000x1xf32, #tpu.memory_space<vmem>>, vector<1000x1xf32>
    %mul3A = vector.broadcast %get3A_11 : vector<1000x1xf32> to vector<1000x128xf32>
    %mul3A_12 = arith.mulf %add3A_8, %mul3A : vector<1000x128xf32>
    %get3A_13 = arith.constant 0 : index
    %get3A_14 = arith.constant 0 : index
    %get3A_15 = vector.load %arg5[%get3A_13, %get3A_14] : memref<1x128xf32, #tpu.memory_space<vmem>>, vector<1x128xf32>
    %add3A_16 = vector.broadcast %get3A_15 : vector<1x128xf32> to vector<1000x128xf32>
    %add3A_17 = arith.addf %mul3A_12, %add3A_16 : vector<1000x128xf32>
    %max3A = arith.constant 0.000000e+00 : f32
    %max3A_18 = vector.broadcast %max3A : f32 to vector<1000x128xf32>
    %max3A_19 = arith.maximumf %add3A_17, %max3A_18 : vector<1000x128xf32>
    %get3A_20 = arith.constant 0 : index
    %get3A_21 = arith.constant 0 : index
    %get3A_22 = vector.load %arg6[%get3A_20, %get3A_21] : memref<128x128xf32, #tpu.memory_space<vmem>>, vector<128x128xf32>
    %dot_general3A = arith.constant dense<0.000000e+00> : vector<1000x128xf32>
    %dot_general3A_23 = tpu.matmul %max3A_19, %get3A_22, %dot_general3A {dimension_numbers = #tpu.dot_dimension_numbers<[1], [0], [0], [1], [0, 0, 1, 1], [], []>, transpose_lhs_hint = false} : vector<1000x128xf32>, vector<128x128xf32>, vector<1000x128xf32> -> vector<1000x128xf32>
    %get3A_24 = arith.constant 0 : index
    %get3A_25 = arith.constant 0 : index
    %get3A_26 = vector.load %arg4[%get3A_24, %get3A_25] : memref<1000x1xf32, #tpu.memory_space<vmem>>, vector<1000x1xf32>
    %mul3A_27 = vector.broadcast %get3A_26 : vector<1000x1xf32> to vector<1000x128xf32>
    %mul3A_28 = arith.mulf %dot_general3A_23, %mul3A_27 : vector<1000x128xf32>
    %swap3A = arith.constant 0 : index
    %swap3A_29 = arith.constant 0 : index
    %swap3A_30 = vector.load %arg7[%swap3A, %swap3A_29] : memref<1000x128xf32, #tpu.memory_space<vmem>>, vector<1000x128xf32>
    tpu.vector_store %arg7[%swap3A, %swap3A_29], %mul3A_28 {strides = array<i32>} : memref<1000x128xf32, #tpu.memory_space<vmem>>, vector<1000x128xf32>,
    return
  }
  func.func @transform_0(%arg0: i32) -> (i32, i32) {
    %c0_i32 = arith.constant 0 : i32
    %c0_i32_0 = arith.constant 0 : i32
    return %arg0, %c0_i32 : i32, i32
  }
  func.func @transform_1(%arg0: i32) -> (i32, i32) {
    %c0_i32 = arith.constant 0 : i32
    %c0_i32_0 = arith.constant 0 : i32
    return %arg0, %c0_i32 : i32, i32
  }
  func.func @transform_2(%arg0: i32) -> (i32, i32) {
    %c0_i32 = arith.constant 0 : i32
    %c0_i32_0 = arith.constant 0 : i32
    return %arg0, %c0_i32 : i32, i32
  }
  func.func @transform_3(%arg0: i32) -> (i32, i32) {
    %c0_i32 = arith.constant 0 : i32
    %c0_i32_0 = arith.constant 0 : i32
    return %arg0, %c0_i32 : i32, i32
  }
  func.func @transform_4(%arg0: i32) -> (i32, i32) {
    %c0_i32 = arith.constant 0 : i32
    %c0_i32_0 = arith.constant 0 : i32
    %c0_i32_1 = arith.constant 0 : i32
    return %c0_i32, %c0_i32_0 : i32, i32
  }
  func.func @transform_5(%arg0: i32) -> (i32, i32) {
    %c0_i32 = arith.constant 0 : i32
    %c0_i32_0 = arith.constant 0 : i32
    %c0_i32_1 = arith.constant 0 : i32
    return %c0_i32, %c0_i32_0 : i32, i32
  }
  func.func @transform_6(%arg0: i32) -> (i32, i32) {
    %c0_i32 = arith.constant 0 : i32
    %c0_i32_0 = arith.constant 0 : i32
    return %arg0, %c0_i32 : i32, i32
  }
}

module attributes {stable_mosaic.version = 14 : i64} {
  func.func @_final_kernel(%arg0: i32, %arg1: memref<1000x128xf32, #tpu.memory_space<vmem>>, %arg2: memref<1000x128xf32, #tpu.memory_space<vmem>>, %arg3: memref<1000x128xf32, #tpu.memory_space<vmem>>, %arg4: memref<1000x1xf32, #tpu.memory_space<vmem>>, %arg5: memref<1x64xf32, #tpu.memory_space<vmem>>, %arg6: memref<1000x64xf32, #tpu.memory_space<vmem>>) attributes {dimension_semantics = [#tpu.dimension_semantics<arbitrary>], iteration_bounds = array<i64: 10>, scalar_prefetch = 0 : i64, scratch_operands = 0 : i64, tpu.core_type = #tpu.core_type<tc>, window_params = [{transform_indices = @transform_0, window_bounds = array<i64: 1000, 128>}, {transform_indices = @transform_1, window_bounds = array<i64: 1000, 128>}, {transform_indices = @transform_2, window_bounds = array<i64: 1000, 128>}, {transform_indices = @transform_3, window_bounds = array<i64: 1000, 1>}, {pipeline_mode = #tpu.pipeline_mode<synchronous>, transform_indices = @transform_4, window_bounds = array<i64: 1, 64>}, {transform_indices = @transform_5, window_bounds = array<i64: 1000, 64>}]} {
    %get3A = arith.constant 0 : index
    %get3A_0 = arith.constant 0 : index
    %get3A_1 = vector.load %arg1[%get3A, %get3A_0] : memref<1000x128xf32, #tpu.memory_space<vmem>>, vector<1000x128xf32>
    %get3A_2 = arith.constant 0 : index
    %get3A_3 = arith.constant 0 : index
    %get3A_4 = vector.load %arg2[%get3A_2, %get3A_3] : memref<1000x128xf32, #tpu.memory_space<vmem>>, vector<1000x128xf32>
    %add3A = arith.addf %get3A_1, %get3A_4 : vector<1000x128xf32>
    %get3A_5 = arith.constant 0 : index
    %get3A_6 = arith.constant 0 : index
    %get3A_7 = vector.load %arg3[%get3A_5, %get3A_6] : memref<1000x128xf32, #tpu.memory_space<vmem>>, vector<1000x128xf32>
    %add3A_8 = arith.addf %add3A, %get3A_7 : vector<1000x128xf32>
    %slice3A = vector.extract_strided_slice %add3A_8 {offsets = [0, 0], sizes = [1000, 64], strides = [1, 1]} : vector<1000x128xf32> to vector<1000x64xf32>
    %get3A_9 = arith.constant 0 : index
    %get3A_10 = arith.constant 0 : index
    %get3A_11 = vector.load %arg4[%get3A_9, %get3A_10] : memref<1000x1xf32, #tpu.memory_space<vmem>>, vector<1000x1xf32>
    %mul3A = vector.broadcast %get3A_11 : vector<1000x1xf32> to vector<1000x64xf32>
    %mul3A_12 = arith.mulf %slice3A, %mul3A : vector<1000x64xf32>
    %get3A_13 = arith.constant 0 : index
    %get3A_14 = arith.constant 0 : index
    %get3A_15 = vector.load %arg5[%get3A_13, %get3A_14] : memref<1x64xf32, #tpu.memory_space<vmem>>, vector<1x64xf32>
    %add3A_16 = vector.broadcast %get3A_15 : vector<1x64xf32> to vector<1000x64xf32>
    %add3A_17 = arith.addf %mul3A_12, %add3A_16 : vector<1000x64xf32>
    %swap3A = arith.constant 0 : index
    %swap3A_18 = arith.constant 0 : index
    %swap3A_19 = vector.load %arg6[%swap3A, %swap3A_18] : memref<1000x64xf32, #tpu.memory_space<vmem>>, vector<1000x64xf32>
    tpu.vector_store %arg6[%swap3A, %swap3A_18], %add3A_17 {strides = array<i32>} : memref<1000x64xf32, #tpu.memory_space<vmem>>, vector<1000x64xf32>,
    return
  }
  func.func @transform_0(%arg0: i32) -> (i32, i32) {
    %c0_i32 = arith.constant 0 : i32
    %c0_i32_0 = arith.constant 0 : i32
    return %arg0, %c0_i32 : i32, i32
  }
  func.func @transform_1(%arg0: i32) -> (i32, i32) {
    %c0_i32 = arith.constant 0 : i32
    %c0_i32_0 = arith.constant 0 : i32
    return %arg0, %c0_i32 : i32, i32
  }
  func.func @transform_2(%arg0: i32) -> (i32, i32) {
    %c0_i32 = arith.constant 0 : i32
    %c0_i32_0 = arith.constant 0 : i32
    return %arg0, %c0_i32 : i32, i32
  }
  func.func @transform_3(%arg0: i32) -> (i32, i32) {
    %c0_i32 = arith.constant 0 : i32
    %c0_i32_0 = arith.constant 0 : i32
    return %arg0, %c0_i32 : i32, i32
  }
  func.func @transform_4(%arg0: i32) -> (i32, i32) {
    %c0_i32 = arith.constant 0 : i32
    %c0_i32_0 = arith.constant 0 : i32
    %c0_i32_1 = arith.constant 0 : i32
    return %c0_i32, %c0_i32_0 : i32, i32
  }
  func.func @transform_5(%arg0: i32) -> (i32, i32) {
    %c0_i32 = arith.constant 0 : i32
    %c0_i32_0 = arith.constant 0 : i32
    return %arg0, %c0_i32 : i32, i32
  }
}

</mosaic_0001>

<sc_bundles>
// kernel: kernel.11.cloned.1.call-start
scs
__scs_entry_jumppad:
0x0: {  	(pc) =	sbr.rel $0x88, $3  }
0x1: {  	(tag) =	ssettag $0x0;
	lr =	simm.s32 $0x1  }
0x2: {  	[smem:$0x3F99] =	sst lr;
	_ =	strace $0xD0000000  }
0x3: {  	_ = 	snop  }
0x4: {  	_ = 	snop  }
0x5: {  	_ = 	snop  }
0x6: {  	_ = 	snop  }
0x7: {  	_ = 	snop  }
__scs_overlays_trampoline_lowered:
0x8: {  	[smem:$0x3FA8] =	sst s0  }
0x9: {  	[smem:$0x3FA9] =	sst s1  }
0xa: {  	[smem:$0x3FAA] =	sst s2  }
0xb: {  	[smem:$0x3FAB] =	sst s3  }
0xc: {  	[smem:$0x3FAC] =	sst s4  }
0xd: {  	[smem:$0x3FAD] =	sst s5  }
0xe: {  	[smem:$0x3FAE] =	sst s6  }
0xf: {  	[smem:$0x3FAF] =	sst s7  }
0x10: {  	[smem:$0x3FB0] =	sst s8  }
0x11: {  	[smem:$0x3FB1] =	sst s9;
	s0 =	simm.s32 @!p0 $0x0  }
0x12: {  	s1 =	sld [smem:$0x3F97];
	s0 =	simm.s32 @p0 $0x1  }
0x13: {  	[smem:$0x3FB2] =	sst s0;
	s0 =	simm.s32 @!p1 $0x0  }
0x14: {  	s2 =	sld [smem:$0x3F96];
	s0 =	simm.s32 @p1 $0x1  }
0x15: {  	[smem:$0x3FB3] =	sst s0;
	s0 =	simm.s32 @!p2 $0x0  }
0x16: {  	s3 =	sld [smem:$0x3FDB];
	s0 =	simm.s32 @p2 $0x1  }
0x17: {  	s4 =	simm.s32 $0x1BF5;
	[smem:$0x3FB5] =	sst s0  }
0x18: {  	s0 =	sld [smem:$0x3F98];
	_ =	swait.ge [sflag:s4], $0x0  }
0x19: {  	s7 =	sld [smem:$0x3F99]  }
0x1a: {  	s8 =	sadd.s32 $0xFFFFE003, lr  }
0x1b: {  	s9 =	sadd.s32 $0xFFFFFEF7, lr;
	s5 =	simm.s32 $0xFFFFFFFF;
	p2 =	slt.u32 s8, $0xFFFFF086  }
0x1c: {  	p1 =	slt.u32 s9, $0xF7A;
	s5 =	simm.s32 @!p2 $0x0  }
0x1d: {  	s5 =	simm.s32 @p1 $0x1;
	p0 =	seq.s32 s7, s2  }
0x1e: {  	s7 =	smul.u32 @!p0 $0xF7A, s2;
	p2 =	seq.s32 @!p0 s5, $0x0  }
0x1f: {  	s9 =	smul.u32 $0xF7A, s1;
	s8 =	simm.s32 @!p0 $0x1BF5;
	p2 =	por !p2, p0  }
0x20: {  	[sflag:s8] =	ssyncset.s32 @!p0 $0xFFFFF086;
	s6 =	sadd.s32 @!p0 s3, s7;
	s7 =	simm.s32 @!p0 $0x108  }
0x21: {  	s3 =	sadd.s32 s3, s9;
	s6 =	sadd.s32 @!p0 $0x88, s6;
	s7 =	simm.s32 @p2 $0x1082  }
0x22: {  	[simem:s7], [sflag:s8] =	dma.local @!p0 [hbm:s6], $0xF7A  }
0x23: {  	s9 =	sor.u32 $0xD0000000, s2;
	s6 =	simm.s32 $0x108;
	_ =	swait.ge @!p0 [sflag:s8], $0x0  }
0x24: {  	s3 =	sadd.s32 $0x88, s3;
	s6 =	simm.s32 @!p1 $0x1082;
	[sflag:s4] =	ssyncset.s32 $0xFFFFF086  }
0x25: {  	[simem:s6], [sflag:s4] =	dma.local [hbm:s3], $0xF7A  }
0x26: {  	[smem:$0x3F99] =	sst s1;
	(tag) =	ssettag s2;
	_ =	strace s9  }
0x27: {  	s1 =	sld [smem:$0x3FA9]  }
0x28: {  	s2 =	sld [smem:$0x3FAA]  }
0x29: {  	s4 =	sld [smem:$0x3FAC]  }
0x2a: {  	p0 =	seq.s32 s5, $0x0;
	s5 =	sld [smem:$0x3FAD]  }
0x2b: {  	s6 =	sld [smem:$0x3FAE]  }
0x2c: {  	s7 =	sld [smem:$0x3FAF]  }
0x2d: {  	s3 =	simm.s32 $0x108;
	s8 =	sld [smem:$0x3FB0]  }
0x2e: {  	s3 =	simm.s32 @!p0 $0x1082;
	s9 =	sld [smem:$0x3FB1]  }
0x2f: {  	lr =	sadd.s32 s0, s3;
	s0 =	sld [smem:$0x3FA8]  }
0x30: {  	s3 =	sld [smem:$0x3FAB]  }
0x31: {  	[smem:$0x3FB4] =	sst s10  }
0x32: {  	s10 =	sld [smem:$0x3FB2];
	_ =	sdelay $0x3  }
0x33: {  	p0 =	seq.s32 s10, $0x1;
	s10 =	sld [smem:$0x3FB4];
	_ =	sdelay $0x3  }
0x34: {  	[smem:$0x3FB4] =	sst s10  }
0x35: {  	s10 =	sld [smem:$0x3FB3];
	_ =	sdelay $0x3  }
0x36: {  	p1 =	seq.s32 s10, $0x1;
	s10 =	sld [smem:$0x3FB4];
	_ =	sdelay $0x3  }
0x37: {  	[smem:$0x3FB4] =	sst s10  }
0x38: {  	s10 =	sld [smem:$0x3FB5]  }
0x39: {  	_ = 	snop;
	(pc) =	sbr.ind lr, $3  }
0x3a: {  	_ = 	snop  }
0x3b: {  	_ = 	snop  }
0x3c: {  	p2 =	seq.s32 s10, $0x1;
	s10 =	sld [smem:$0x3FB4]  }
0x3d: {  	_ =	shalt  }
0x3e: {  	_ =	shalt  }
0x3f: {  	_ =	shalt  }
0x40: {  	_ =	shalt  }
0x41: {  	_ =	shalt  }
0x42: {  	_ =	shalt  }
0x43: {  	_ =	shalt  }
0x44: {  	_ =	shalt  }
0x45: {  	_ =	shalt  }
0x46: {  	_ =	shalt  }
0x47: {  	_ =	shalt  }
0x48: {  	_ =	shalt  }
0x49: {  	_ =	shalt  }
0x4a: {  	_ =	shalt  }
0x4b: {  	_ =	shalt  }
0x4c: {  	_ =	shalt  }
0x4d: {  	_ =	shalt  }
0x4e: {  	_ =	shalt  }
0x4f: {  	_ =	shalt  }
0x50: {  	_ =	shalt  }
0x51: {  	_ =	shalt  }
0x52: {  	_ =	shalt  }
0x53: {  	_ =	shalt  }
0x54: {  	_ =	shalt  }
0x55: {  	_ =	shalt  }
0x56: {  	_ =	shalt  }
0x57: {  	_ =	shalt  }
0x58: {  	_ =	shalt  }
0x59: {  	_ =	shalt  }
0x5a: {  	_ =	shalt  }
0x5b: {  	_ =	shalt  }
0x5c: {  	_ =	shalt  }
0x5d: {  	_ =	shalt  }
0x5e: {  	_ =	shalt  }
0x5f: {  	_ =	shalt  }
0x60: {  	_ =	shalt  }
0x61: {  	_ =	shalt  }
0x62: {  	_ =	shalt  }
0x63: {  	_ =	shalt  }
0x64: {  	_ =	shalt  }
0x65: {  	_ =	shalt  }
0x66: {  	_ =	shalt  }
0x67: {  	_ =	shalt  }
0x68: {  	_ =	shalt  }
0x69: {  	_ =	shalt  }
0x6a: {  	_ =	shalt  }
0x6b: {  	_ =	shalt  }
0x6c: {  	_ =	shalt  }
0x6d: {  	_ =	shalt  }
0x6e: {  	_ =	shalt  }
0x6f: {  	_ =	shalt  }
0x70: {  	_ =	shalt  }
0x71: {  	_ =	shalt  }
0x72: {  	_ =	shalt  }
0x73: {  	_ =	shalt  }
0x74: {  	_ =	shalt  }
0x75: {  	_ =	shalt  }
0x76: {  	_ =	shalt  }
0x77: {  	_ =	shalt  }
0x78: {  	_ =	shalt  }
0x79: {  	_ =	shalt  }
0x7a: {  	_ =	shalt  }
0x7b: {  	_ =	shalt  }
0x7c: {  	_ =	shalt  }
0x7d: {  	_ =	shalt  }
0x7e: {  	_ =	shalt  }
0x7f: {  	_ =	shalt  }
0x80: {  	_ =	shalt  }
0x81: {  	_ =	shalt  }
0x82: {  	_ =	shalt  }
0x83: {  	_ =	shalt  }
0x84: {  	_ =	shalt  }
0x85: {  	_ =	shalt  }
0x86: {  	_ =	shalt  }
0x87: {  	_ =	shalt  }
.Lfunc_end0:
.L_simem_size_0:
called_computation_lowered:
.L_overlay_start_0:
0x88: {  	s2 =	sld [smem:$0x3FD9]  }
0x89: {  	s3 =	sld [smem:$0x3FFE];
	_ =	sdelay $0x1  }
0x8a: {  	s1 =	srdreg.scid  }
0x8b: {  	s0 =	sand.u32 $0x1, s1  }
0x8c: {  	s14 =	sshll.u32 s0, $0xA;
	s2 =	sadd.s32 s3, s2  }
0x8d: {  	s2 =	sadd.s32 s2, s14  }
0x8e: {  	[smem:$0x3FC0] =	sst s2  }
0x8f: {  	_ = 	snop  }
0x90: {  	s2 =	sld [smem:$0x3FD0];
	_ =	sdelay $0x2  }
0x91: {  	s15 =	simm.s32 $0xA;
	s4 =	simm.s32 $0x10  }
0x92: {  	[smem:s4], [sflag:s15] =	dma.local [hbm:s2], $0x1  }
0x93: {  	_ =	swait.eq [sflag:s15], $0x1  }
0x94: {  	[sflag:s15] =	ssyncset.done $0x0  }
0x95: {  	[sflag:s15] =	ssyncadd.s32 $0xFFFFFFFF  }
0x96: {  	s16 =	sld [smem:$0x11];
	(tm) =	ssettm $0x1  }
0x97: {  	s17 =	sld [smem:$0x3FFB];
	_ =	sdelay $0x3  }
0x98: {  	_ =	strace s17  }
0x99: {  	s3 =	sld [smem:$0x3FFC];
	_ =	sdelay $0x3  }
0x9a: {  	_ =	strace s3  }
0x9b: {  	s3 =	sld [smem:$0x3FFD];
	_ =	sdelay $0x3  }
0x9c: {  	_ =	strace s3  }
0x9d: {  	_ =	strace $0x8FFFFFFF  }
0x9e: {  	s18 =	sld [smem:$0x3FDB];
	_ =	sdelay $0x1  }
0x9f: {  	s19 =	simm.s32 $_scs_section_size  }
0xa0: {  	s5 =	simm.s32 $_size__tile_overlayer_lowered;
	s6 =	simm.s32 $_tile_overlayer_lowered  }
0xa1: {  	s22 =	simm.s32 $0x1BFF;
	s21 =	sshll.u32 s6, $0x1;
	s3 =	sadd.s32 s19, s18  }
0xa2: {  	s7 =	simm.s32 $0x0;
	s20 =	sshll.u32 s5, $0x1;
	s5 =	sadd.s32 s21, s3  }
0xa3: {  	[timem:s7], [sflag:s22] =	dma.local [hbm:s5], s20  }
0xa4: {  	_ =	swait.ge [sflag:s22], s20  }
0xa5: {  	s4 =	ssub.s32 $0x0, s20;
	[sflag:s22] =	ssyncset.done $0x0  }
0xa6: {  	[sflag:s22] =	ssyncadd.s32 s4;
	_ =	sdelay $0x1  }
0xa7: {  	s23 =	simm.s32 $0x1B8B  }
0xa8: {  	_ =	swait.ge [sflag:s23], $0x1  }
0xa9: {  	[sflag:s23] =	ssyncset.done $0x0  }
0xaa: {  	s25 =	simm.s32 $0x1B8E;
	s24 =	sld [smem:$0x3FFE];
	[sflag:s23] =	ssyncadd.s32 $0xFFFFFFFF  }
0xab: {  	s26 =	simm.s32 $execute0_lowered;
	[smem:$0x3FD2] =	sst s25  }
0xac: {  	s5 =	sshll.u32 s26, $0x1;
	_ =	strace $0x80000046;
	[dreg:$0x1] =	wrdreg $0xFFFFFFFF  }
0xad: {  	s28 =	simm.s32 $_size_execute0_lowered;
	s3 =	sadd.s32 s3, s5;
	[dreg:$0x0] =	wrdreg $0x0  }
0xae: {  	s5 =	sshll.u32 s28, $0x1;
	[dreg:$0x2] =	wrdreg s3  }
0xaf: {  	[dreg:$0x3] =	wrdreg s5  }
0xb0: {  	[dreg:$0x4] =	wrdreg $0xC0  }
0xb1: {  	_ =	task [dreg:s7], $0x5FFFF  }
0xb2: {  	[dreg:$0x1] =	wrdreg $0xFFFFFFFF  }
0xb3: {  	[dreg:$0x0] =	wrdreg $0x60  }
0xb4: {  	[dreg:$0x2] =	wrdreg s24  }
0xb5: {  	[dreg:$0x3] =	wrdreg s16  }
0xb6: {  	[dreg:$0x4] =	wrdreg $0x9  }
0xb7: {  	_ =	task.clear_ibuf [dreg:s7], $0x5FFFF;
	_ =	strace $0x90000046  }
0xb8: {  	s29 =	simm.s32 $0x9;
	_ =	strace $0x80000048  }
0xb9: {  	_ =	swait.ge [sflag:s29], $0x1  }
0xba: {  	[sflag:s29] =	ssyncadd.s32 $0xFFFFFFFF  }
0xbb: {  	_ =	strace $0x90000048  }
0xbc: {  	_ =	sfence  }
0xbd: {  	s30 =	sld [smem:$0x0];
	_ =	sdelay $0x2  }
0xbe: {  	s31 =	sshll.u32 s1, $0xD;
	s1 =	sshrl.u32 s1, $0x2  }
0xbf: {  	s3 =	sand.u32 $0x4000, s31;
	s1 =	sadd.s32 s1, s30  }
0xc0: {  	s0 =	sor.u32 s3, s0;
	s1 =	sshll.u32 s1, $0x11  }
0xc1: {  	s0 =	sor.u32 s1, s0  }
0xc2: {  	s0 =	sadd.s32 $0x8F2B, s0  }
0xc3: {  	[sflag:s0] =	ssyncadd.remote.s32 $0x1  }
0xc4: {  	_ =	sfence.sel $0xFFFF  }
0xc5: {  	[dreg:$0x0] =	wrdreg $0xFFFFFFFF;
	(pc) =	sbr.abs _section_cstart, $3  }
0xc6: {  	[dreg:$0x1] =	wrdreg $0xFFFFFFFF  }
0xc7: {  	_ =	task.clear_ibuf [dreg:s7], $0x2FFFF;
	_ =	strace $0x9FFFFFFF  }
0xc8: {  	(tm) =	ssettm $0x7FFFFFFF  }
0xc9: {  	_ =	shalt  }
tec
execute0_lowered:
.L_overlay_start_1:
0x0: {  	(tag) =	ssettag $0x1  }
0x1: {  	s3 =	rddreg [dreg:$0x0];
	s0 =	srdreg.scid  }
0x2: {  	s4 =	rddreg [dreg:$0x1];
	s1 =	stileid.u32  }
0x3: {  	s2 =	simm.s32 $0x0;
	s5 =	sand.u32 $0x1, s0;
	s7 =	smul.u32 $0x13C00, s1  }
0x4: {  	s10 =	simm.s32 $0x2;
	s11 =	simm.s32 $0x0;
	s6 =	smul.u32 $0x13C000, s5  }
0x5: {  	s0 =	rddreg [dreg:$0x2];
	s9 =	sshrl.u32 s1, $0x3;
	s8 =	smul.u32 $0x27800, s5  }
0x6: {  	[smem:$0x7FF] =	sst s2;
	s9 =	smul.u32 $0x13C00, s9;
	s5 =	ssub.s32 $0x2, s5  }
0x7: {  	s29 =	sshll.u32 s1, $0x7;
	_ =	strace $0x80000047;
	s30 =	sshrl.u32 s5, $0x1  }
0x8: {  	s6 =	sadd.s32 s7, s6;
	s8 =	sadd.s32 s8, s9;
	s7 =	sand.u32 $0x380, s29  }
0x9: {  	s5 =	ssub.s32 s5, s30;
	s9 =	simm.s32 $0x400;
	s6 =	sshrl.u32 s6, $0x3  }
0xa: {  	s7 =	sor.u32 s7, s8;
	s5 =	smax.u32 s5, $0x1;
	s8 =	simm.s32 $0x80  }
0xb: {  	s3 =	sadd.s32 s6, s3;
	s31 =	sshrl.u32 s7, $0x3;
	s6 =	simm.s32 $0x1  }
0xc: {  	v0 =	vimm.f32 $0.0e+00;
	v1 =	vimm.f32 $1.000000000e+00;
	s7 =	simm.s32 $0x13C00;
	s3 =	sadd.s32 $0x3C00, s3;
	s4 =	sadd.s32 s4, s31  }
.LBB2_1:
0xd: {  	[tilespmem:s2], [sflag:$0x1] =	stream.linear.gather [hbm4b:s3+s2], $0x13880, $0x38;
	[tilespmem:$0x16380] =	vst v63  }
0xe: {  	_ =	swait.ge [sflag:s6], $0x13880  }
0xf: {  	[sflag:s6] =	ssyncset.done $0x0  }
0x10: {  	s12 =	simm.s32 $0x0;
	[sflag:s6] =	ssyncadd.s32 $0xFFFEC780  }
.LBB2_2:
0x11: {  	p0 =	sne.s32 s12, $0x9DC0  }
.Ltmp0:
0x12: {  	_ = 	snop;
	(pc) =	sbr.rel @p0 .LBB2_2-.Ltmp0, $3  }
0x13: {  	_ =	sdelay $0x1  }
0x14: {  	s13 =	sshra.s32 s12, $0x2  }
0x15: {  	s12 =	sadd.s32 $0x40, s12;
	[tilespmem:s13+$0x13C00] =	vst v0  }
0x16: {  	s13 =	simm.s32 $0x0;
	s12 =	simm.s32 $0x200  }
.LBB2_4:
0x17: {  	p0 =	sne.s32 s12, $0x4E000;
	v2 =	vld [tilespmem:s13+$0x0];
	_ =	sdelay $0x3  }
.Ltmp1:
0x18: {  	(pc) =	sbr.rel @p0 .LBB2_4-.Ltmp1, $2  }
0x19: {  	_ =	sdelay $0x2  }
0x1a: {  	s13 =	sshra.s32 s12, $0x2;
	s12 =	sadd.s32 $0x200, s12;
	[tilespmem:v2+s7+$0x0] =	vst.idx.add.f32.msk $0xffff, v1  }
0x1b: {  	v2 =	vld [tilespmem:s13+$0x0];
	_ =	sdelay $0x5  }
0x1c: {  	s11 =	sadd.s32 $0x1, s11  }
0x1d: {  	p0 =	sne.s32 s11, s5  }
.Ltmp2:
0x1e: {  	[tilespmem:v2+s7+$0x0] =	vst.idx.add.f32.msk $0xffff, v1;
	(pc) =	sbr.rel @p0 .LBB2_1-.Ltmp2, $4  }
0x1f: {  	[hbm4b:s4+s8] =	stream.strided.scatter [tilespmem:s7], [sflag:$0x2], $0x2780, s9, s8, $0x38;
	[tilespmem:$0x16380] =	vst v63  }
0x20: {  	_ =	swait.ge [sflag:s10], $0x2780  }
0x21: {  	[sflag:s10] =	ssyncset.done $0x0  }
0x22: {  	[sflag:s10] =	ssyncadd.s32 $0xFFFFD880  }
0x23: {  	_ =	sfence.sel $0x180000  }
0x24: {  	[bflag:$0x0] =	sbarrier.arrive $0xFFFF  }
0x25: {  	p0 =	sne.s32 s1, $0x0;
	_ =	strace $0x90000047  }
0x26: {  	s0 =	sadd.s32 @!p0 $0x100000, s0;
	[bflag:$0x2] =	sbarrier.arrive $0xFFFF  }
0x27: {  	[sflag:s0] =	ssyncadd.tile.s32 @!p0 $0x1;
	_ =	shalt  }
.Lfunc_end2:
_tile_overlayer_lowered:
.L_overlay_start_2:
0x28: {  	(tag) =	ssettag $0x2  }
0x29: {  	s0 =	rddreg [dreg:$0x0];
	s2 =	stileid.u32  }
0x2a: {  	s1 =	rddreg [dreg:$0x1];
	p0 =	sne.s32 s2, $0x0  }
0x2b: {  	s3 =	rddreg [dreg:$0x2];
	[bflag:$0x3] =	sbarrier.arrive $0xFFFF;
	s2 =	simm.s32 @!p0 $0x1C02  }
0x2c: {  	[timem:s3], [sflag:s2] =	dma.local @!p0 [hbm:s0], s1  }
0x2d: {  	s0 =	simm.s32 @!p0 $0x2  }
0x2e: {  	_ =	swait.ge @!p0 [sflag:s0], s1  }
0x2f: {  	s1 =	ssub.s32 @!p0 $0x0, s1;
	[sflag:s0] =	ssyncset.done @!p0 $0x0  }
0x30: {  	[sflag:s0] =	ssyncadd.s32 @!p0 s1  }
0x31: {  	[bflag:$0x3] =	sbarrier.arrive $0xFFFF  }
0x32: {  	_ =	shalt  }

// kernel: kernel.14.cloned.1.call-start
scs
__scs_entry_jumppad:
0x0: {  	(pc) =	sbr.rel $0x88, $3  }
0x1: {  	(tag) =	ssettag $0x0;
	lr =	simm.s32 $0x1  }
0x2: {  	[smem:$0x3F99] =	sst lr;
	_ =	strace $0xD0000000  }
0x3: {  	_ = 	snop  }
0x4: {  	_ = 	snop  }
0x5: {  	_ = 	snop  }
0x6: {  	_ = 	snop  }
0x7: {  	_ = 	snop  }
__scs_overlays_trampoline_lowered:
0x8: {  	[smem:$0x3FA8] =	sst s0  }
0x9: {  	[smem:$0x3FA9] =	sst s1  }
0xa: {  	[smem:$0x3FAA] =	sst s2  }
0xb: {  	[smem:$0x3FAB] =	sst s3  }
0xc: {  	[smem:$0x3FAC] =	sst s4  }
0xd: {  	[smem:$0x3FAD] =	sst s5  }
0xe: {  	[smem:$0x3FAE] =	sst s6  }
0xf: {  	[smem:$0x3FAF] =	sst s7  }
0x10: {  	[smem:$0x3FB0] =	sst s8  }
0x11: {  	[smem:$0x3FB1] =	sst s9;
	s0 =	simm.s32 @!p0 $0x0  }
0x12: {  	s1 =	sld [smem:$0x3F97];
	s0 =	simm.s32 @p0 $0x1  }
0x13: {  	[smem:$0x3FB2] =	sst s0;
	s0 =	simm.s32 @!p1 $0x0  }
0x14: {  	s2 =	sld [smem:$0x3F96];
	s0 =	simm.s32 @p1 $0x1  }
0x15: {  	[smem:$0x3FB3] =	sst s0;
	s0 =	simm.s32 @!p2 $0x0  }
0x16: {  	s3 =	sld [smem:$0x3FDB];
	s0 =	simm.s32 @p2 $0x1  }
0x17: {  	s4 =	simm.s32 $0x1BF5;
	[smem:$0x3FB5] =	sst s0  }
0x18: {  	s0 =	sld [smem:$0x3F98];
	_ =	swait.ge [sflag:s4], $0x0  }
0x19: {  	s7 =	sld [smem:$0x3F99]  }
0x1a: {  	s8 =	sadd.s32 $0xFFFFE003, lr  }
0x1b: {  	s9 =	sadd.s32 $0xFFFFFEF7, lr;
	s5 =	simm.s32 $0xFFFFFFFF;
	p2 =	slt.u32 s8, $0xFFFFF086  }
0x1c: {  	p1 =	slt.u32 s9, $0xF7A;
	s5 =	simm.s32 @!p2 $0x0  }
0x1d: {  	s5 =	simm.s32 @p1 $0x1;
	p0 =	seq.s32 s7, s2  }
0x1e: {  	s7 =	smul.u32 @!p0 $0xF7A, s2;
	p2 =	seq.s32 @!p0 s5, $0x0  }
0x1f: {  	s9 =	smul.u32 $0xF7A, s1;
	s8 =	simm.s32 @!p0 $0x1BF5;
	p2 =	por !p2, p0  }
0x20: {  	[sflag:s8] =	ssyncset.s32 @!p0 $0xFFFFF086;
	s6 =	sadd.s32 @!p0 s3, s7;
	s7 =	simm.s32 @!p0 $0x108  }
0x21: {  	s3 =	sadd.s32 s3, s9;
	s6 =	sadd.s32 @!p0 $0x88, s6;
	s7 =	simm.s32 @p2 $0x1082  }
0x22: {  	[simem:s7], [sflag:s8] =	dma.local @!p0 [hbm:s6], $0xF7A  }
0x23: {  	s9 =	sor.u32 $0xD0000000, s2;
	s6 =	simm.s32 $0x108;
	_ =	swait.ge @!p0 [sflag:s8], $0x0  }
0x24: {  	s3 =	sadd.s32 $0x88, s3;
	s6 =	simm.s32 @!p1 $0x1082;
	[sflag:s4] =	ssyncset.s32 $0xFFFFF086  }
0x25: {  	[simem:s6], [sflag:s4] =	dma.local [hbm:s3], $0xF7A  }
0x26: {  	[smem:$0x3F99] =	sst s1;
	(tag) =	ssettag s2;
	_ =	strace s9  }
0x27: {  	s1 =	sld [smem:$0x3FA9]  }
0x28: {  	s2 =	sld [smem:$0x3FAA]  }
0x29: {  	s4 =	sld [smem:$0x3FAC]  }
0x2a: {  	p0 =	seq.s32 s5, $0x0;
	s5 =	sld [smem:$0x3FAD]  }
0x2b: {  	s6 =	sld [smem:$0x3FAE]  }
0x2c: {  	s7 =	sld [smem:$0x3FAF]  }
0x2d: {  	s3 =	simm.s32 $0x108;
	s8 =	sld [smem:$0x3FB0]  }
0x2e: {  	s3 =	simm.s32 @!p0 $0x1082;
	s9 =	sld [smem:$0x3FB1]  }
0x2f: {  	lr =	sadd.s32 s0, s3;
	s0 =	sld [smem:$0x3FA8]  }
0x30: {  	s3 =	sld [smem:$0x3FAB]  }
0x31: {  	[smem:$0x3FB4] =	sst s10  }
0x32: {  	s10 =	sld [smem:$0x3FB2];
	_ =	sdelay $0x3  }
0x33: {  	p0 =	seq.s32 s10, $0x1;
	s10 =	sld [smem:$0x3FB4];
	_ =	sdelay $0x3  }
0x34: {  	[smem:$0x3FB4] =	sst s10  }
0x35: {  	s10 =	sld [smem:$0x3FB3];
	_ =	sdelay $0x3  }
0x36: {  	p1 =	seq.s32 s10, $0x1;
	s10 =	sld [smem:$0x3FB4];
	_ =	sdelay $0x3  }
0x37: {  	[smem:$0x3FB4] =	sst s10  }
0x38: {  	s10 =	sld [smem:$0x3FB5]  }
0x39: {  	_ = 	snop;
	(pc) =	sbr.ind lr, $3  }
0x3a: {  	_ = 	snop  }
0x3b: {  	_ = 	snop  }
0x3c: {  	p2 =	seq.s32 s10, $0x1;
	s10 =	sld [smem:$0x3FB4]  }
0x3d: {  	_ =	shalt  }
0x3e: {  	_ =	shalt  }
0x3f: {  	_ =	shalt  }
0x40: {  	_ =	shalt  }
0x41: {  	_ =	shalt  }
0x42: {  	_ =	shalt  }
0x43: {  	_ =	shalt  }
0x44: {  	_ =	shalt  }
0x45: {  	_ =	shalt  }
0x46: {  	_ =	shalt  }
0x47: {  	_ =	shalt  }
0x48: {  	_ =	shalt  }
0x49: {  	_ =	shalt  }
0x4a: {  	_ =	shalt  }
0x4b: {  	_ =	shalt  }
0x4c: {  	_ =	shalt  }
0x4d: {  	_ =	shalt  }
0x4e: {  	_ =	shalt  }
0x4f: {  	_ =	shalt  }
0x50: {  	_ =	shalt  }
0x51: {  	_ =	shalt  }
0x52: {  	_ =	shalt  }
0x53: {  	_ =	shalt  }
0x54: {  	_ =	shalt  }
0x55: {  	_ =	shalt  }
0x56: {  	_ =	shalt  }
0x57: {  	_ =	shalt  }
0x58: {  	_ =	shalt  }
0x59: {  	_ =	shalt  }
0x5a: {  	_ =	shalt  }
0x5b: {  	_ =	shalt  }
0x5c: {  	_ =	shalt  }
0x5d: {  	_ =	shalt  }
0x5e: {  	_ =	shalt  }
0x5f: {  	_ =	shalt  }
0x60: {  	_ =	shalt  }
0x61: {  	_ =	shalt  }
0x62: {  	_ =	shalt  }
0x63: {  	_ =	shalt  }
0x64: {  	_ =	shalt  }
0x65: {  	_ =	shalt  }
0x66: {  	_ =	shalt  }
0x67: {  	_ =	shalt  }
0x68: {  	_ =	shalt  }
0x69: {  	_ =	shalt  }
0x6a: {  	_ =	shalt  }
0x6b: {  	_ =	shalt  }
0x6c: {  	_ =	shalt  }
0x6d: {  	_ =	shalt  }
0x6e: {  	_ =	shalt  }
0x6f: {  	_ =	shalt  }
0x70: {  	_ =	shalt  }
0x71: {  	_ =	shalt  }
0x72: {  	_ =	shalt  }
0x73: {  	_ =	shalt  }
0x74: {  	_ =	shalt  }
0x75: {  	_ =	shalt  }
0x76: {  	_ =	shalt  }
0x77: {  	_ =	shalt  }
0x78: {  	_ =	shalt  }
0x79: {  	_ =	shalt  }
0x7a: {  	_ =	shalt  }
0x7b: {  	_ =	shalt  }
0x7c: {  	_ =	shalt  }
0x7d: {  	_ =	shalt  }
0x7e: {  	_ =	shalt  }
0x7f: {  	_ =	shalt  }
0x80: {  	_ =	shalt  }
0x81: {  	_ =	shalt  }
0x82: {  	_ =	shalt  }
0x83: {  	_ =	shalt  }
0x84: {  	_ =	shalt  }
0x85: {  	_ =	shalt  }
0x86: {  	_ =	shalt  }
0x87: {  	_ =	shalt  }
.Lfunc_end0:
.L_simem_size_0:
called_computation.1_lowered:
.L_overlay_start_0:
0x88: {  	s2 =	sld [smem:$0x3FD9]  }
0x89: {  	s3 =	sld [smem:$0x3FFE];
	_ =	sdelay $0x1  }
0x8a: {  	s1 =	srdreg.scid  }
0x8b: {  	s0 =	sand.u32 $0x1, s1  }
0x8c: {  	s14 =	sshll.u32 s0, $0xA;
	s2 =	sadd.s32 s3, s2  }
0x8d: {  	s2 =	sadd.s32 s2, s14  }
0x8e: {  	[smem:$0x3FC0] =	sst s2  }
0x8f: {  	_ = 	snop  }
0x90: {  	s2 =	sld [smem:$0x3FD0];
	_ =	sdelay $0x2  }
0x91: {  	s15 =	simm.s32 $0xA;
	s4 =	simm.s32 $0x10  }
0x92: {  	[smem:s4], [sflag:s15] =	dma.local [hbm:s2], $0x1  }
0x93: {  	_ =	swait.eq [sflag:s15], $0x1  }
0x94: {  	[sflag:s15] =	ssyncset.done $0x0  }
0x95: {  	[sflag:s15] =	ssyncadd.s32 $0xFFFFFFFF  }
0x96: {  	s16 =	sld [smem:$0x10];
	(tm) =	ssettm $0x1  }
0x97: {  	s17 =	sld [smem:$0x3FFB];
	_ =	sdelay $0x3  }
0x98: {  	_ =	strace s17  }
0x99: {  	s3 =	sld [smem:$0x3FFC];
	_ =	sdelay $0x3  }
0x9a: {  	_ =	strace s3  }
0x9b: {  	s3 =	sld [smem:$0x3FFD];
	_ =	sdelay $0x3  }
0x9c: {  	_ =	strace s3  }
0x9d: {  	_ =	strace $0x8FFFFFFF  }
0x9e: {  	s18 =	sld [smem:$0x3FDB];
	_ =	sdelay $0x1  }
0x9f: {  	s19 =	simm.s32 $_scs_section_size  }
0xa0: {  	s5 =	simm.s32 $_size__tile_overlayer_lowered;
	s6 =	simm.s32 $_tile_overlayer_lowered  }
0xa1: {  	s22 =	simm.s32 $0x1BFF;
	s21 =	sshll.u32 s6, $0x1;
	s3 =	sadd.s32 s19, s18  }
0xa2: {  	s7 =	simm.s32 $0x0;
	s20 =	sshll.u32 s5, $0x1;
	s5 =	sadd.s32 s21, s3  }
0xa3: {  	[timem:s7], [sflag:s22] =	dma.local [hbm:s5], s20  }
0xa4: {  	_ =	swait.ge [sflag:s22], s20  }
0xa5: {  	s4 =	ssub.s32 $0x0, s20;
	[sflag:s22] =	ssyncset.done $0x0  }
0xa6: {  	[sflag:s22] =	ssyncadd.s32 s4;
	_ =	sdelay $0x1  }
0xa7: {  	s23 =	simm.s32 $0x1B8B  }
0xa8: {  	_ =	swait.ge [sflag:s23], $0x1  }
0xa9: {  	[sflag:s23] =	ssyncset.done $0x0  }
0xaa: {  	s25 =	simm.s32 $0x1B8E;
	s24 =	sld [smem:$0x3FFE];
	[sflag:s23] =	ssyncadd.s32 $0xFFFFFFFF  }
0xab: {  	s26 =	simm.s32 $execute0_lowered;
	[smem:$0x3FD2] =	sst s25  }
0xac: {  	s5 =	sshll.u32 s26, $0x1;
	_ =	strace $0x80000049;
	[dreg:$0x1] =	wrdreg $0xFFFFFFFF  }
0xad: {  	s28 =	simm.s32 $_size_execute0_lowered;
	s3 =	sadd.s32 s3, s5;
	[dreg:$0x0] =	wrdreg $0x0  }
0xae: {  	s5 =	sshll.u32 s28, $0x1;
	[dreg:$0x2] =	wrdreg s3  }
0xaf: {  	[dreg:$0x3] =	wrdreg s5  }
0xb0: {  	[dreg:$0x4] =	wrdreg $0xC0  }
0xb1: {  	_ =	task [dreg:s7], $0x5FFFF  }
0xb2: {  	[dreg:$0x1] =	wrdreg $0xFFFFFFFF  }
0xb3: {  	[dreg:$0x0] =	wrdreg $0x60  }
0xb4: {  	[dreg:$0x2] =	wrdreg s24  }
0xb5: {  	[dreg:$0x3] =	wrdreg s16  }
0xb6: {  	[dreg:$0x4] =	wrdreg $0xB7000  }
0xb7: {  	[dreg:$0x5] =	wrdreg $0x9  }
0xb8: {  	_ =	task.clear_ibuf [dreg:s7], $0x6FFFF;
	_ =	strace $0x90000049  }
0xb9: {  	s29 =	simm.s32 $0x9;
	_ =	strace $0x8000004B  }
0xba: {  	_ =	swait.ge [sflag:s29], $0x1  }
0xbb: {  	[sflag:s29] =	ssyncadd.s32 $0xFFFFFFFF  }
0xbc: {  	_ =	strace $0x9000004B  }
0xbd: {  	_ =	sfence  }
0xbe: {  	s30 =	sld [smem:$0x0];
	_ =	sdelay $0x2  }
0xbf: {  	s31 =	sshll.u32 s1, $0xD;
	s1 =	sshrl.u32 s1, $0x2  }
0xc0: {  	s3 =	sand.u32 $0x4000, s31;
	s1 =	sadd.s32 s1, s30  }
0xc1: {  	s0 =	sor.u32 s3, s0;
	s1 =	sshll.u32 s1, $0x11  }
0xc2: {  	s0 =	sor.u32 s1, s0  }
0xc3: {  	s0 =	sadd.s32 $0x8F2B, s0  }
0xc4: {  	[sflag:s0] =	ssyncadd.remote.s32 $0x1  }
0xc5: {  	_ =	sfence.sel $0xFFFF  }
0xc6: {  	[dreg:$0x0] =	wrdreg $0xFFFFFFFF;
	(pc) =	sbr.abs _section_cstart, $3  }
0xc7: {  	[dreg:$0x1] =	wrdreg $0xFFFFFFFF  }
0xc8: {  	_ =	task.clear_ibuf [dreg:s7], $0x2FFFF;
	_ =	strace $0x9FFFFFFF  }
0xc9: {  	(tm) =	ssettm $0x7FFFFFFF  }
tec
execute0_lowered:
.L_overlay_start_1:
0x0: {  	(tag) =	ssettag $0x1  }
0x1: {  	s0 =	rddreg [dreg:$0x0]  }
0x2: {  	s1 =	rddreg [dreg:$0x1]  }
0x3: {  	s2 =	rddreg [dreg:$0x2]  }
0x4: {  	s11 =	stileid.u32;
	s4 =	srdreg.scid  }
0x5: {  	s3 =	simm.s32 $0x0;
	s29 =	simm.s32 $0x3;
	s5 =	smul.u32 $0x13C00, s11  }
0x6: {  	s31 =	simm.s32 $0x7;
	s18 =	simm.s32 $0x0;
	s9 =	smul.u32 $0xF, s11  }
0x7: {  	s6 =	sand.u32 $0x1, s4;
	[smem:$0x7FF] =	sst s3;
	s10 =	smul.u32 $0x99, s11  }
0x8: {  	s4 =	sadd.s32 $0x3C00, s0;
	s13 =	sadd.s32 $0x52C00, s0;
	s21 =	smul.u32 $0x4F000, s11  }
0x9: {  	s24 =	sshll.u32 s11, $0x6;
	s7 =	smul.u32 $0x13C000, s6;
	_ =	strace $0x8000004A  }
0xa: {  	s19 =	ssub.s32 $0x2, s6;
	p0 =	seq.s32 s6, $0x0;
	s8 =	sshrl.u32 s5, $0x3  }
0xb: {  	s20 =	sshrl.u32 s19, $0x1;
	s6 =	sadd.s32 $0x990, s9;
	s22 =	sshrl.u32 s21, $0x2  }
0xc: {  	s21 =	simm.s32 $0x100;
	s8 =	sadd.s32 s8, s0;
	s5 =	sadd.s32 s5, s7  }
0xd: {  	s15 =	ssub.s32 s19, s20;
	s6 =	smov.u32 @p0 s10;
	s16 =	sadd.s32 s22, s2  }
0xe: {  	s7 =	sor.u32 $0x1C0D, s24;
	s19 =	simm.s32 $0x80;
	s23 =	smul.u32 $0xF, s6  }
0xf: {  	s24 =	simm.s32 $0x78;
	s5 =	sshrl.u32 s5, $0x3;
	s10 =	smul.u32 $0x78, s6  }
0x10: {  	s25 =	sadd.s32 $0x2AE00, s8;
	s15 =	smax.u32 s15, $0x1;
	s16 =	sshrl.u32 s16, $0x3  }
0x11: {  	s0 =	sadd.s32 s5, s0;
	s5 =	simm.s32 $0x99;
	[dreg:$0x5] =	wrdreg s25  }
0x12: {  	s5 =	simm.s32 @!p0 $0xF;
	s8 =	sadd.s32 s1, s23;
	s9 =	sadd.s32 s13, s23  }
0x13: {  	s12 =	sadd.s32 $0x78, s10;
	s14 =	sshrl.u32 s10, $0x3;
	s23 =	simm.s32 $0x1  }
0x14: {  	s26 =	smul.u32 $0xAB, s5;
	s12 =	sshrl.u32 s12, $0x3;
	s14 =	sadd.s32 $0x1E, s14  }
0x15: {  	s28 =	sadd.s32 s1, s12;
	s30 =	sadd.s32 s13, s12;
	s1 =	sadd.s32 s1, s14  }
0x16: {  	s13 =	sadd.s32 s13, s14;
	s11 =	sshrl.u32 s26, $0x9;
	[dreg:$0x6] =	wrdreg s28  }
0x17: {  	s14 =	sadd.s32 $0x5CA00, s0;
	[dreg:$0x7] =	wrdreg s30;
	s17 =	smul.u32 $0x2D, s11  }
0x18: {  	s0 =	simm.s32 $0x8;
	[dreg:$0x8] =	wrdreg s1;
	s26 =	simm.s32 $0x2  }
0x19: {  	s1 =	simm.s32 $0x9;
	[dreg:$0x4] =	wrdreg s17;
	s17 =	simm.s32 $0xD  }
.LBB2_1:
0x1a: {  	s6 =	rddreg [dreg:$0x5]  }
0x1b: {  	[spmem:s16], [sflag:s7] =	dma.local [hbm:s6], $0x2780  }
0x1c: {  	_ =	swait.ge [sflag:s17], $0x2780  }
0x1d: {  	[sflag:s17] =	ssyncset.done $0x0  }
0x1e: {  	[sflag:s17] =	ssyncadd.s32 $0xFFFFD880  }
0x1f: {  	[bflag:$0x0] =	sbarrier.arrive $0xFFFF  }
0x20: {  	[tilespmem:s3], [sflag:$0x1] =	stream.linear.gather [hbm4b:s8+s3], $0x78, $0x38;
	[tilespmem:$0x1F300] =	vst v63  }
0x21: {  	s10 =	simm.s32 $0x180  }
0x22: {  	[tilespmem:s10], [sflag:$0x4] =	stream.linear.gather [hbm4b:s9+s3], $0x78, $0x38;
	[tilespmem:$0x1F300] =	vst v63  }
0x23: {  	s11 =	rddreg [dreg:$0x6]  }
0x24: {  	[tilespmem:s19], [sflag:$0x2] =	stream.linear.gather [hbm4b:s11+s3], $0x78, $0x38;
	[tilespmem:$0x1F300] =	vst v63  }
0x25: {  	s12 =	rddreg [dreg:$0x7];
	s10 =	simm.s32 $0x200  }
0x26: {  	[tilespmem:s10], [sflag:$0x5] =	stream.linear.gather [hbm4b:s12+s3], $0x78, $0x38;
	[tilespmem:$0x1F300] =	vst v63  }
0x27: {  	s20 =	rddreg [dreg:$0x8]  }
0x28: {  	[tilespmem:s21], [sflag:$0x3] =	stream.linear.gather [hbm4b:s20+s3], $0x78, $0x38;
	[tilespmem:$0x1F300] =	vst v63  }
0x29: {  	s22 =	simm.s32 $0x280  }
0x2a: {  	[tilespmem:s22], [sflag:$0x6] =	stream.linear.gather [hbm4b:s13+s3], $0x78, $0x38;
	[tilespmem:$0x1F300] =	vst v63  }
0x2b: {  	_ =	swait.ge [sflag:s23], $0x78  }
0x2c: {  	[sflag:s23] =	ssyncset.done $0x0  }
0x2d: {  	s25 =	simm.s32 $0x300;
	[sflag:s23] =	ssyncadd.s32 $0xFFFFFF88  }
0x2e: {  	[tilespmem:s25], [sflag:$0x7] =	stream.indirect.gather [hbm4b:s4+s24], $0x80, s3, s24, $0xb8;
	[tilespmem:$0x1F300] =	vst v63  }
0x2f: {  	_ =	swait.ge [sflag:s26], $0x78  }
0x30: {  	[sflag:s26] =	ssyncset.done $0x0  }
0x31: {  	s28 =	simm.s32 $0x3F00;
	[sflag:s26] =	ssyncadd.s32 $0xFFFFFF88  }
0x32: {  	[tilespmem:s28], [sflag:$0x8] =	stream.indirect.gather [hbm4b:s4+s24], $0x80, s19, s24, $0xb8;
	[tilespmem:$0x1F300] =	vst v63  }
0x33: {  	_ =	swait.ge [sflag:s29], $0x78  }
0x34: {  	s30 =	simm.s32 $0x7B00;
	[sflag:s29] =	ssyncset.done $0x0  }
0x35: {  	s20 =	simm.s32 $0x5;
	s22 =	simm.s32 $0x0;
	[sflag:s29] =	ssyncadd.s32 $0xFFFFFF88  }
0x36: {  	[tilespmem:s30], [sflag:$0x9] =	stream.indirect.gather [hbm4b:s4+s24], $0x80, s21, s24, $0xb8;
	[tilespmem:$0x1F300] =	vst v63  }
.LBB2_2:
0x37: {  	s25 =	sadd.s32 $0xFFFFFFFE, s20;
	_ =	swait.ge [sflag:s31], $0x3C00  }
0x38: {  	[sflag:s31] =	ssyncset.done $0x0;
	p0 =	sge.u32 s25, s5  }
0x39: {  	[sflag:s31] =	ssyncadd.s32 $0xFFFFC400;
	s25 =	simm.s32 @p0 $0x4  }
0x3a: {  	_ =	swait.ge @p0 [sflag:s25], $0x78  }
0x3b: {  	s28 =	simm.s32 @p0 $0x180;
	[sflag:s25] =	ssyncset.done @p0 $0x0  }
0x3c: {  	s30 =	simm.s32 @p0 $0x300;
	[sflag:s25] =	ssyncadd.s32 @p0 $0xFFFFFF88;
	s25 =	simm.s32 @p0 $0x78  }
0x3d: {  	[spmem:s2] =	stream.indirect.scatter.add.f32 @p0 [tilespmem:s30], [sflag:$0xA], $0x80, s28, s25, $0xb8;
	[tilespmem:$0x1F300] =	vst v63  }
0x3e: {  	s25 =	simm.s32 @p0 $0xA  }
0x3f: {  	_ =	swait.ge @p0 [sflag:s25], $0x3C00  }
0x40: {  	s28 =	sadd.s32 @!p0 s22, s8;
	[sflag:s25] =	ssyncset.done @p0 $0x0  }
0x41: {  	[sflag:s25] =	ssyncadd.s32 @p0 $0xFFFFC400;
	s25 =	sadd.s32 @!p0 $0x2D, s28;
	s28 =	simm.s32 @!p0 $0x0  }
0x42: {  	[tilespmem:s28], [sflag:$0x1] =	stream.linear.gather @!p0 [hbm4b:s25+s28], $0x78, $0x38;
	[tilespmem:$0x1F300] =	vst v63  }
0x43: {  	s25 =	simm.s32 @!p0 $0x4  }
0x44: {  	_ =	swait.ge @!p0 [sflag:s25], $0x78  }
0x45: {  	s6 =	simm.s32 @!p0 $0x300;
	s10 =	simm.s32 @!p0 $0xA;
	[sflag:s25] =	ssyncset.done @!p0 $0x0  }
0x46: {  	s30 =	simm.s32 @!p0 $0x180;
	[sflag:s25] =	ssyncadd.s32 @!p0 $0xFFFFFF88;
	s25 =	simm.s32 @!p0 $0x78  }
0x47: {  	[spmem:s2] =	stream.indirect.scatter.add.f32 @!p0 [tilespmem:s6], [sflag:$0xA], $0x80, s30, s25, $0xb8;
	[tilespmem:$0x1F300] =	vst v63  }
0x48: {  	_ =	swait.ge @!p0 [sflag:s10], $0x3C00  }
0x49: {  	s11 =	sadd.s32 @!p0 s22, s9;
	[sflag:s10] =	ssyncset.done @!p0 $0x0  }
0x4a: {  	[sflag:s10] =	ssyncadd.s32 @!p0 $0xFFFFC400;
	s10 =	sadd.s32 @!p0 $0x2D, s11  }
0x4b: {  	[tilespmem:s30], [sflag:$0x4] =	stream.linear.gather @!p0 [hbm4b:s10+s28], $0x78, $0x38;
	[tilespmem:$0x1F300] =	vst v63  }
0x4c: {  	s10 =	simm.s32 @!p0 $0x1  }
0x4d: {  	_ =	swait.ge @!p0 [sflag:s10], $0x78  }
0x4e: {  	[sflag:s10] =	ssyncset.done @!p0 $0x0  }
0x4f: {  	[sflag:s10] =	ssyncadd.s32 @!p0 $0xFFFFFF88  }
0x50: {  	[tilespmem:s6], [sflag:$0x7] =	stream.indirect.gather @!p0 [hbm4b:s4+s25], $0x80, s28, s25, $0xb8;
	[tilespmem:$0x1F300] =	vst v63  }
0x51: {  	s28 =	sadd.s32 $0xFFFFFFFF, s20;
	_ =	swait.ge [sflag:s0], $0x3C00  }
0x52: {  	p0 =	sge.u32 s28, s5;
	[sflag:s0] =	ssyncset.done $0x0  }
0x53: {  	s6 =	simm.s32 @p0 $0x5;
	[sflag:s0] =	ssyncadd.s32 $0xFFFFC400  }
0x54: {  	_ =	swait.ge @p0 [sflag:s6], $0x78  }
0x55: {  	s10 =	simm.s32 @p0 $0x200;
	[sflag:s6] =	ssyncset.done @p0 $0x0  }
0x56: {  	s11 =	simm.s32 @p0 $0x3F00;
	[sflag:s6] =	ssyncadd.s32 @p0 $0xFFFFFF88;
	s6 =	simm.s32 @p0 $0x78  }
0x57: {  	[spmem:s2] =	stream.indirect.scatter.add.f32 @p0 [tilespmem:s11], [sflag:$0xB], $0x80, s10, s6, $0xb8;
	[tilespmem:$0x1F300] =	vst v63  }
0x58: {  	s6 =	simm.s32 @p0 $0xB  }
0x59: {  	_ =	swait.ge @p0 [sflag:s6], $0x3C00  }
0x5a: {  	[sflag:s6] =	ssyncset.done @p0 $0x0  }
0x5b: {  	[sflag:s6] =	ssyncadd.s32 @p0 $0xFFFFC400;
	s6 =	sadd.s32 @!p0 s22, s8  }
0x5c: {  	s10 =	simm.s32 @!p0 $0x0;
	s11 =	simm.s32 @!p0 $0x80;
	s6 =	sadd.s32 @!p0 $0x3C, s6  }
0x5d: {  	[tilespmem:s11], [sflag:$0x2] =	stream.linear.gather @!p0 [hbm4b:s6+s10], $0x78, $0x38;
	[tilespmem:$0x1F300] =	vst v63  }
0x5e: {  	s6 =	simm.s32 @!p0 $0x5  }
0x5f: {  	_ =	swait.ge @!p0 [sflag:s6], $0x78  }
0x60: {  	s25 =	simm.s32 @!p0 $0x200;
	s28 =	simm.s32 @!p0 $0x3F00;
	[sflag:s6] =	ssyncset.done @!p0 $0x0  }
0x61: {  	s30 =	simm.s32 @!p0 $0xB;
	[sflag:s6] =	ssyncadd.s32 @!p0 $0xFFFFFF88;
	s6 =	simm.s32 @!p0 $0x78  }
0x62: {  	[spmem:s2] =	stream.indirect.scatter.add.f32 @!p0 [tilespmem:s28], [sflag:$0xB], $0x80, s25, s6, $0xb8;
	[tilespmem:$0x1F300] =	vst v63  }
0x63: {  	_ =	swait.ge @!p0 [sflag:s30], $0x3C00  }
0x64: {  	s12 =	sadd.s32 @!p0 s22, s9;
	[sflag:s30] =	ssyncset.done @!p0 $0x0  }
0x65: {  	s12 =	sadd.s32 @!p0 $0x3C, s12;
	[sflag:s30] =	ssyncadd.s32 @!p0 $0xFFFFC400  }
0x66: {  	[tilespmem:s25], [sflag:$0x5] =	stream.linear.gather @!p0 [hbm4b:s12+s10], $0x78, $0x38;
	[tilespmem:$0x1F300] =	vst v63  }
0x67: {  	s10 =	simm.s32 @!p0 $0x2  }
0x68: {  	_ =	swait.ge @!p0 [sflag:s10], $0x78  }
0x69: {  	[sflag:s10] =	ssyncset.done @!p0 $0x0  }
0x6a: {  	[sflag:s10] =	ssyncadd.s32 @!p0 $0xFFFFFF88  }
0x6b: {  	[tilespmem:s28], [sflag:$0x8] =	stream.indirect.gather @!p0 [hbm4b:s4+s6], $0x80, s11, s6, $0xb8;
	[tilespmem:$0x1F300] =	vst v63  }
0x6c: {  	_ =	swait.ge [sflag:s1], $0x3C00  }
0x6d: {  	p0 =	sge.u32 s20, s5;
	[sflag:s1] =	ssyncset.done $0x0  }
0x6e: {  	s6 =	simm.s32 @p0 $0x6;
	[sflag:s1] =	ssyncadd.s32 $0xFFFFC400  }
0x6f: {  	_ =	swait.ge @p0 [sflag:s6], $0x78  }
0x70: {  	s10 =	simm.s32 @p0 $0x280;
	[sflag:s6] =	ssyncset.done @p0 $0x0  }
0x71: {  	s11 =	simm.s32 @p0 $0x7B00;
	[sflag:s6] =	ssyncadd.s32 @p0 $0xFFFFFF88;
	s6 =	simm.s32 @p0 $0x78  }
0x72: {  	[spmem:s2] =	stream.indirect.scatter.add.f32 @p0 [tilespmem:s11], [sflag:$0xC], $0x80, s10, s6, $0xb8;
	[tilespmem:$0x1F300] =	vst v63  }
0x73: {  	s6 =	simm.s32 @p0 $0xC  }
0x74: {  	_ =	swait.ge @p0 [sflag:s6], $0x3C00  }
0x75: {  	[sflag:s6] =	ssyncset.done @p0 $0x0  }
0x76: {  	[sflag:s6] =	ssyncadd.s32 @p0 $0xFFFFC400;
	s6 =	sadd.s32 @!p0 s22, s8  }
0x77: {  	s10 =	simm.s32 @!p0 $0x0;
	s11 =	simm.s32 @!p0 $0x100;
	s6 =	sadd.s32 @!p0 $0x4B, s6  }
0x78: {  	[tilespmem:s11], [sflag:$0x3] =	stream.linear.gather @!p0 [hbm4b:s6+s10], $0x78, $0x38;
	[tilespmem:$0x1F300] =	vst v63  }
0x79: {  	s6 =	simm.s32 @!p0 $0x6  }
0x7a: {  	_ =	swait.ge @!p0 [sflag:s6], $0x78  }
0x7b: {  	s12 =	simm.s32 @!p0 $0x280;
	s25 =	simm.s32 @!p0 $0x7B00;
	[sflag:s6] =	ssyncset.done @!p0 $0x0  }
0x7c: {  	s28 =	simm.s32 @!p0 $0xC;
	[sflag:s6] =	ssyncadd.s32 @!p0 $0xFFFFFF88;
	s6 =	simm.s32 @!p0 $0x78  }
0x7d: {  	[spmem:s2] =	stream.indirect.scatter.add.f32 @!p0 [tilespmem:s25], [sflag:$0xC], $0x80, s12, s6, $0xb8;
	[tilespmem:$0x1F300] =	vst v63  }
0x7e: {  	_ =	swait.ge @!p0 [sflag:s28], $0x3C00  }
0x7f: {  	s30 =	sadd.s32 @!p0 s22, s9;
	[sflag:s28] =	ssyncset.done @!p0 $0x0  }
0x80: {  	[sflag:s28] =	ssyncadd.s32 @!p0 $0xFFFFC400;
	s28 =	sadd.s32 @!p0 $0x4B, s30  }
0x81: {  	[tilespmem:s12], [sflag:$0x6] =	stream.linear.gather @!p0 [hbm4b:s28+s10], $0x78, $0x38;
	[tilespmem:$0x1F300] =	vst v63  }
0x82: {  	s10 =	simm.s32 @!p0 $0x3  }
0x83: {  	_ =	swait.ge @!p0 [sflag:s10], $0x78  }
0x84: {  	[sflag:s10] =	ssyncset.done @!p0 $0x0  }
0x85: {  	s22 =	sadd.s32 $0x2D, s22;
	s30 =	rddreg [dreg:$0x4];
	[sflag:s10] =	ssyncadd.s32 @!p0 $0xFFFFFF88  }
0x86: {  	[tilespmem:s25], [sflag:$0x9] =	stream.indirect.gather @!p0 [hbm4b:s4+s6], $0x80, s11, s6, $0xb8;
	[tilespmem:$0x1F300] =	vst v63  }
0x87: {  	p0 =	sne.s32 s30, s22  }
.Ltmp0:
0x88: {  	_ = 	snop;
	(pc) =	sbr.rel @p0 .LBB2_2-.Ltmp0, $2  }
0x89: {  	_ =	sdelay $0x2  }
0x8a: {  	s20 =	sadd.s32 $0x3, s20  }
0x8b: {  	s18 =	sadd.s32 $0x1, s18  }
0x8c: {  	p0 =	sne.s32 s18, s15  }
.Ltmp1:
0x8d: {  	[bflag:$0x0] =	sbarrier.arrive $0xFFFF;
	(pc) =	sbr.rel @p0 .LBB2_1-.Ltmp1, $4  }
0x8e: {  	[hbm:s14], [sflag:s7] =	dma.local [spmem:s16], $0x2780  }
0x8f: {  	_ =	swait.ge [sflag:s17], $0x2780  }
0x90: {  	[sflag:s17] =	ssyncset.done $0x0  }
0x91: {  	[sflag:s17] =	ssyncadd.s32 $0xFFFFD880  }
0x92: {  	_ =	sfence.sel $0x180000  }
0x93: {  	[bflag:$0x0] =	sbarrier.arrive $0xFFFF  }
0x94: {  	_ =	strace $0x9000004A  }
0x95: {  	s0 =	stileid.u32;
	[bflag:$0x2] =	sbarrier.arrive $0xFFFF  }
0x96: {  	p0 =	sne.s32 s0, $0x0;
	s0 =	rddreg [dreg:$0x3]  }
0x97: {  	s0 =	sadd.s32 @!p0 $0x100000, s0  }
0x98: {  	[sflag:s0] =	ssyncadd.tile.s32 @!p0 $0x1;
	_ =	shalt  }
.Lfunc_end2:
_tile_overlayer_lowered:
.L_overlay_start_2:
0x99: {  	(tag) =	ssettag $0x2  }
0x9a: {  	s0 =	rddreg [dreg:$0x0];
	s2 =	stileid.u32  }
0x9b: {  	s1 =	rddreg [dreg:$0x1];
	p0 =	sne.s32 s2, $0x0  }
0x9c: {  	s3 =	rddreg [dreg:$0x2];
	[bflag:$0x3] =	sbarrier.arrive $0xFFFF;
	s2 =	simm.s32 @!p0 $0x1C0D  }
0x9d: {  	[timem:s3], [sflag:s2] =	dma.local @!p0 [hbm:s0], s1  }
0x9e: {  	s0 =	simm.s32 @!p0 $0xD  }
0x9f: {  	_ =	swait.ge @!p0 [sflag:s0], s1  }
0xa0: {  	s1 =	ssub.s32 @!p0 $0x0, s1;
	[sflag:s0] =	ssyncset.done @!p0 $0x0  }
0xa1: {  	[sflag:s0] =	ssyncadd.s32 @!p0 s1  }
0xa2: {  	[bflag:$0x3] =	sbarrier.arrive $0xFFFF  }
0xa3: {  	_ =	shalt  }

// kernel: kernel.17.cloned.1.call-start
scs
__scs_entry_jumppad:
0x0: {  	(pc) =	sbr.rel $0x88, $3  }
0x1: {  	(tag) =	ssettag $0x0;
	lr =	simm.s32 $0x1  }
0x2: {  	[smem:$0x3F99] =	sst lr;
	_ =	strace $0xD0000000  }
0x3: {  	_ = 	snop  }
0x4: {  	_ = 	snop  }
0x5: {  	_ = 	snop  }
0x6: {  	_ = 	snop  }
0x7: {  	_ = 	snop  }
__scs_overlays_trampoline_lowered:
0x8: {  	[smem:$0x3FA8] =	sst s0  }
0x9: {  	[smem:$0x3FA9] =	sst s1  }
0xa: {  	[smem:$0x3FAA] =	sst s2  }
0xb: {  	[smem:$0x3FAB] =	sst s3  }
0xc: {  	[smem:$0x3FAC] =	sst s4  }
0xd: {  	[smem:$0x3FAD] =	sst s5  }
0xe: {  	[smem:$0x3FAE] =	sst s6  }
0xf: {  	[smem:$0x3FAF] =	sst s7  }
0x10: {  	[smem:$0x3FB0] =	sst s8  }
0x11: {  	[smem:$0x3FB1] =	sst s9;
	s0 =	simm.s32 @!p0 $0x0  }
0x12: {  	s1 =	sld [smem:$0x3F97];
	s0 =	simm.s32 @p0 $0x1  }
0x13: {  	[smem:$0x3FB2] =	sst s0;
	s0 =	simm.s32 @!p1 $0x0  }
0x14: {  	s2 =	sld [smem:$0x3F96];
	s0 =	simm.s32 @p1 $0x1  }
0x15: {  	[smem:$0x3FB3] =	sst s0;
	s0 =	simm.s32 @!p2 $0x0  }
0x16: {  	s3 =	sld [smem:$0x3FDB];
	s0 =	simm.s32 @p2 $0x1  }
0x17: {  	s4 =	simm.s32 $0x1BF5;
	[smem:$0x3FB5] =	sst s0  }
0x18: {  	s0 =	sld [smem:$0x3F98];
	_ =	swait.ge [sflag:s4], $0x0  }
0x19: {  	s7 =	sld [smem:$0x3F99]  }
0x1a: {  	s8 =	sadd.s32 $0xFFFFE003, lr  }
0x1b: {  	s9 =	sadd.s32 $0xFFFFFEF7, lr;
	s5 =	simm.s32 $0xFFFFFFFF;
	p2 =	slt.u32 s8, $0xFFFFF086  }
0x1c: {  	p1 =	slt.u32 s9, $0xF7A;
	s5 =	simm.s32 @!p2 $0x0  }
0x1d: {  	s5 =	simm.s32 @p1 $0x1;
	p0 =	seq.s32 s7, s2  }
0x1e: {  	s7 =	smul.u32 @!p0 $0xF7A, s2;
	p2 =	seq.s32 @!p0 s5, $0x0  }
0x1f: {  	s9 =	smul.u32 $0xF7A, s1;
	s8 =	simm.s32 @!p0 $0x1BF5;
	p2 =	por !p2, p0  }
0x20: {  	[sflag:s8] =	ssyncset.s32 @!p0 $0xFFFFF086;
	s6 =	sadd.s32 @!p0 s3, s7;
	s7 =	simm.s32 @!p0 $0x108  }
0x21: {  	s3 =	sadd.s32 s3, s9;
	s6 =	sadd.s32 @!p0 $0x88, s6;
	s7 =	simm.s32 @p2 $0x1082  }
0x22: {  	[simem:s7], [sflag:s8] =	dma.local @!p0 [hbm:s6], $0xF7A  }
0x23: {  	s9 =	sor.u32 $0xD0000000, s2;
	s6 =	simm.s32 $0x108;
	_ =	swait.ge @!p0 [sflag:s8], $0x0  }
0x24: {  	s3 =	sadd.s32 $0x88, s3;
	s6 =	simm.s32 @!p1 $0x1082;
	[sflag:s4] =	ssyncset.s32 $0xFFFFF086  }
0x25: {  	[simem:s6], [sflag:s4] =	dma.local [hbm:s3], $0xF7A  }
0x26: {  	[smem:$0x3F99] =	sst s1;
	(tag) =	ssettag s2;
	_ =	strace s9  }
0x27: {  	s1 =	sld [smem:$0x3FA9]  }
0x28: {  	s2 =	sld [smem:$0x3FAA]  }
0x29: {  	s4 =	sld [smem:$0x3FAC]  }
0x2a: {  	p0 =	seq.s32 s5, $0x0;
	s5 =	sld [smem:$0x3FAD]  }
0x2b: {  	s6 =	sld [smem:$0x3FAE]  }
0x2c: {  	s7 =	sld [smem:$0x3FAF]  }
0x2d: {  	s3 =	simm.s32 $0x108;
	s8 =	sld [smem:$0x3FB0]  }
0x2e: {  	s3 =	simm.s32 @!p0 $0x1082;
	s9 =	sld [smem:$0x3FB1]  }
0x2f: {  	lr =	sadd.s32 s0, s3;
	s0 =	sld [smem:$0x3FA8]  }
0x30: {  	s3 =	sld [smem:$0x3FAB]  }
0x31: {  	[smem:$0x3FB4] =	sst s10  }
0x32: {  	s10 =	sld [smem:$0x3FB2];
	_ =	sdelay $0x3  }
0x33: {  	p0 =	seq.s32 s10, $0x1;
	s10 =	sld [smem:$0x3FB4];
	_ =	sdelay $0x3  }
0x34: {  	[smem:$0x3FB4] =	sst s10  }
0x35: {  	s10 =	sld [smem:$0x3FB3];
	_ =	sdelay $0x3  }
0x36: {  	p1 =	seq.s32 s10, $0x1;
	s10 =	sld [smem:$0x3FB4];
	_ =	sdelay $0x3  }
0x37: {  	[smem:$0x3FB4] =	sst s10  }
0x38: {  	s10 =	sld [smem:$0x3FB5]  }
0x39: {  	_ = 	snop;
	(pc) =	sbr.ind lr, $3  }
0x3a: {  	_ = 	snop  }
0x3b: {  	_ = 	snop  }
0x3c: {  	p2 =	seq.s32 s10, $0x1;
	s10 =	sld [smem:$0x3FB4]  }
0x3d: {  	_ =	shalt  }
0x3e: {  	_ =	shalt  }
0x3f: {  	_ =	shalt  }
0x40: {  	_ =	shalt  }
0x41: {  	_ =	shalt  }
0x42: {  	_ =	shalt  }
0x43: {  	_ =	shalt  }
0x44: {  	_ =	shalt  }
0x45: {  	_ =	shalt  }
0x46: {  	_ =	shalt  }
0x47: {  	_ =	shalt  }
0x48: {  	_ =	shalt  }
0x49: {  	_ =	shalt  }
0x4a: {  	_ =	shalt  }
0x4b: {  	_ =	shalt  }
0x4c: {  	_ =	shalt  }
0x4d: {  	_ =	shalt  }
0x4e: {  	_ =	shalt  }
0x4f: {  	_ =	shalt  }
0x50: {  	_ =	shalt  }
0x51: {  	_ =	shalt  }
0x52: {  	_ =	shalt  }
0x53: {  	_ =	shalt  }
0x54: {  	_ =	shalt  }
0x55: {  	_ =	shalt  }
0x56: {  	_ =	shalt  }
0x57: {  	_ =	shalt  }
0x58: {  	_ =	shalt  }
0x59: {  	_ =	shalt  }
0x5a: {  	_ =	shalt  }
0x5b: {  	_ =	shalt  }
0x5c: {  	_ =	shalt  }
0x5d: {  	_ =	shalt  }
0x5e: {  	_ =	shalt  }
0x5f: {  	_ =	shalt  }
0x60: {  	_ =	shalt  }
0x61: {  	_ =	shalt  }
0x62: {  	_ =	shalt  }
0x63: {  	_ =	shalt  }
0x64: {  	_ =	shalt  }
0x65: {  	_ =	shalt  }
0x66: {  	_ =	shalt  }
0x67: {  	_ =	shalt  }
0x68: {  	_ =	shalt  }
0x69: {  	_ =	shalt  }
0x6a: {  	_ =	shalt  }
0x6b: {  	_ =	shalt  }
0x6c: {  	_ =	shalt  }
0x6d: {  	_ =	shalt  }
0x6e: {  	_ =	shalt  }
0x6f: {  	_ =	shalt  }
0x70: {  	_ =	shalt  }
0x71: {  	_ =	shalt  }
0x72: {  	_ =	shalt  }
0x73: {  	_ =	shalt  }
0x74: {  	_ =	shalt  }
0x75: {  	_ =	shalt  }
0x76: {  	_ =	shalt  }
0x77: {  	_ =	shalt  }
0x78: {  	_ =	shalt  }
0x79: {  	_ =	shalt  }
0x7a: {  	_ =	shalt  }
0x7b: {  	_ =	shalt  }
0x7c: {  	_ =	shalt  }
0x7d: {  	_ =	shalt  }
0x7e: {  	_ =	shalt  }
0x7f: {  	_ =	shalt  }
0x80: {  	_ =	shalt  }
0x81: {  	_ =	shalt  }
0x82: {  	_ =	shalt  }
0x83: {  	_ =	shalt  }
0x84: {  	_ =	shalt  }
0x85: {  	_ =	shalt  }
0x86: {  	_ =	shalt  }
0x87: {  	_ =	shalt  }
.Lfunc_end0:
.L_simem_size_0:
called_computation.2_lowered:
.L_overlay_start_0:
0x88: {  	s2 =	sld [smem:$0x3FD9]  }
0x89: {  	s3 =	sld [smem:$0x3FFE];
	_ =	sdelay $0x1  }
0x8a: {  	s1 =	srdreg.scid  }
0x8b: {  	s0 =	sand.u32 $0x1, s1  }
0x8c: {  	s14 =	sshll.u32 s0, $0xA;
	s2 =	sadd.s32 s3, s2  }
0x8d: {  	s2 =	sadd.s32 s2, s14  }
0x8e: {  	[smem:$0x3FC0] =	sst s2  }
0x8f: {  	_ = 	snop  }
0x90: {  	s2 =	sld [smem:$0x3FD0];
	_ =	sdelay $0x2  }
0x91: {  	s15 =	simm.s32 $0xA;
	s4 =	simm.s32 $0x10  }
0x92: {  	[smem:s4], [sflag:s15] =	dma.local [hbm:s2], $0x1  }
0x93: {  	_ =	swait.eq [sflag:s15], $0x1  }
0x94: {  	[sflag:s15] =	ssyncset.done $0x0  }
0x95: {  	[sflag:s15] =	ssyncadd.s32 $0xFFFFFFFF  }
0x96: {  	s16 =	sld [smem:$0x10];
	(tm) =	ssettm $0x1  }
0x97: {  	s17 =	sld [smem:$0x3FFB];
	_ =	sdelay $0x3  }
0x98: {  	_ =	strace s17  }
0x99: {  	s3 =	sld [smem:$0x3FFC];
	_ =	sdelay $0x3  }
0x9a: {  	_ =	strace s3  }
0x9b: {  	s3 =	sld [smem:$0x3FFD];
	_ =	sdelay $0x3  }
0x9c: {  	_ =	strace s3  }
0x9d: {  	_ =	strace $0x8FFFFFFF  }
0x9e: {  	s18 =	sld [smem:$0x3FDB];
	_ =	sdelay $0x1  }
0x9f: {  	s19 =	simm.s32 $_scs_section_size  }
0xa0: {  	s5 =	simm.s32 $_size__tile_overlayer_lowered;
	s6 =	simm.s32 $_tile_overlayer_lowered  }
0xa1: {  	s22 =	simm.s32 $0x1BFF;
	s21 =	sshll.u32 s6, $0x1;
	s3 =	sadd.s32 s19, s18  }
0xa2: {  	s7 =	simm.s32 $0x0;
	s20 =	sshll.u32 s5, $0x1;
	s5 =	sadd.s32 s21, s3  }
0xa3: {  	[timem:s7], [sflag:s22] =	dma.local [hbm:s5], s20  }
0xa4: {  	_ =	swait.ge [sflag:s22], s20  }
0xa5: {  	s4 =	ssub.s32 $0x0, s20;
	[sflag:s22] =	ssyncset.done $0x0  }
0xa6: {  	[sflag:s22] =	ssyncadd.s32 s4;
	_ =	sdelay $0x1  }
0xa7: {  	s23 =	simm.s32 $0x1B8B  }
0xa8: {  	_ =	swait.ge [sflag:s23], $0x1  }
0xa9: {  	[sflag:s23] =	ssyncset.done $0x0  }
0xaa: {  	s25 =	simm.s32 $0x1B8E;
	s24 =	sld [smem:$0x3FFE];
	[sflag:s23] =	ssyncadd.s32 $0xFFFFFFFF  }
0xab: {  	s26 =	simm.s32 $execute0_lowered;
	[smem:$0x3FD2] =	sst s25  }
0xac: {  	s5 =	sshll.u32 s26, $0x1;
	_ =	strace $0x8000004C;
	[dreg:$0x1] =	wrdreg $0xFFFFFFFF  }
0xad: {  	s28 =	simm.s32 $_size_execute0_lowered;
	s3 =	sadd.s32 s3, s5;
	[dreg:$0x0] =	wrdreg $0x0  }
0xae: {  	s5 =	sshll.u32 s28, $0x1;
	[dreg:$0x2] =	wrdreg s3  }
0xaf: {  	[dreg:$0x3] =	wrdreg s5  }
0xb0: {  	[dreg:$0x4] =	wrdreg $0xC0  }
0xb1: {  	_ =	task [dreg:s7], $0x5FFFF  }
0xb2: {  	[dreg:$0x1] =	wrdreg $0xFFFFFFFF  }
0xb3: {  	[dreg:$0x0] =	wrdreg $0x60  }
0xb4: {  	[dreg:$0x2] =	wrdreg s24  }
0xb5: {  	[dreg:$0x3] =	wrdreg s16  }
0xb6: {  	[dreg:$0x4] =	wrdreg $0xB7000  }
0xb7: {  	[dreg:$0x5] =	wrdreg $0x9  }
0xb8: {  	_ =	task.clear_ibuf [dreg:s7], $0x6FFFF;
	_ =	strace $0x9000004C  }
0xb9: {  	s29 =	simm.s32 $0x9;
	_ =	strace $0x8000004E  }
0xba: {  	_ =	swait.ge [sflag:s29], $0x1  }
0xbb: {  	[sflag:s29] =	ssyncadd.s32 $0xFFFFFFFF  }
0xbc: {  	_ =	strace $0x9000004E  }
0xbd: {  	_ =	sfence  }
0xbe: {  	s30 =	sld [smem:$0x0];
	_ =	sdelay $0x2  }
0xbf: {  	s31 =	sshll.u32 s1, $0xD;
	s1 =	sshrl.u32 s1, $0x2  }
0xc0: {  	s3 =	sand.u32 $0x4000, s31;
	s1 =	sadd.s32 s1, s30  }
0xc1: {  	s0 =	sor.u32 s3, s0;
	s1 =	sshll.u32 s1, $0x11  }
0xc2: {  	s0 =	sor.u32 s1, s0  }
0xc3: {  	s0 =	sadd.s32 $0x8F2B, s0  }
0xc4: {  	[sflag:s0] =	ssyncadd.remote.s32 $0x1  }
0xc5: {  	_ =	sfence.sel $0xFFFF  }
0xc6: {  	[dreg:$0x0] =	wrdreg $0xFFFFFFFF;
	(pc) =	sbr.abs _section_cstart, $3  }
0xc7: {  	[dreg:$0x1] =	wrdreg $0xFFFFFFFF  }
0xc8: {  	_ =	task.clear_ibuf [dreg:s7], $0x2FFFF;
	_ =	strace $0x9FFFFFFF  }
0xc9: {  	(tm) =	ssettm $0x7FFFFFFF  }
tec
execute0_lowered:
.L_overlay_start_1:
0x0: {  	(tag) =	ssettag $0x1  }
0x1: {  	s0 =	rddreg [dreg:$0x0]  }
0x2: {  	s1 =	rddreg [dreg:$0x1]  }
0x3: {  	s2 =	rddreg [dreg:$0x2]  }
0x4: {  	s11 =	stileid.u32;
	s4 =	srdreg.scid  }
0x5: {  	s3 =	simm.s32 $0x0;
	s29 =	simm.s32 $0x3;
	s5 =	smul.u32 $0x13C00, s11  }
0x6: {  	s31 =	simm.s32 $0x7;
	s18 =	simm.s32 $0x0;
	s9 =	smul.u32 $0xF, s11  }
0x7: {  	s6 =	sand.u32 $0x1, s4;
	[smem:$0x7FF] =	sst s3;
	s10 =	smul.u32 $0x99, s11  }
0x8: {  	s4 =	sadd.s32 $0x3C00, s0;
	s13 =	sadd.s32 $0x52C00, s0;
	s21 =	smul.u32 $0x4F000, s11  }
0x9: {  	s24 =	sshll.u32 s11, $0x6;
	s7 =	smul.u32 $0x13C000, s6;
	_ =	strace $0x8000004D  }
0xa: {  	s19 =	ssub.s32 $0x2, s6;
	p0 =	seq.s32 s6, $0x0;
	s8 =	sshrl.u32 s5, $0x3  }
0xb: {  	s20 =	sshrl.u32 s19, $0x1;
	s6 =	sadd.s32 $0x990, s9;
	s22 =	sshrl.u32 s21, $0x2  }
0xc: {  	s21 =	simm.s32 $0x100;
	s8 =	sadd.s32 s8, s0;
	s5 =	sadd.s32 s5, s7  }
0xd: {  	s15 =	ssub.s32 s19, s20;
	s6 =	smov.u32 @p0 s10;
	s16 =	sadd.s32 s22, s2  }
0xe: {  	s7 =	sor.u32 $0x1C0D, s24;
	s19 =	simm.s32 $0x80;
	s23 =	smul.u32 $0xF, s6  }
0xf: {  	s24 =	simm.s32 $0x78;
	s5 =	sshrl.u32 s5, $0x3;
	s10 =	smul.u32 $0x78, s6  }
0x10: {  	s25 =	sadd.s32 $0x2AE00, s8;
	s15 =	smax.u32 s15, $0x1;
	s16 =	sshrl.u32 s16, $0x3  }
0x11: {  	s0 =	sadd.s32 s5, s0;
	s5 =	simm.s32 $0x99;
	[dreg:$0x5] =	wrdreg s25  }
0x12: {  	s5 =	simm.s32 @!p0 $0xF;
	s8 =	sadd.s32 s1, s23;
	s9 =	sadd.s32 s13, s23  }
0x13: {  	s12 =	sadd.s32 $0x78, s10;
	s14 =	sshrl.u32 s10, $0x3;
	s23 =	simm.s32 $0x1  }
0x14: {  	s26 =	smul.u32 $0xAB, s5;
	s12 =	sshrl.u32 s12, $0x3;
	s14 =	sadd.s32 $0x1E, s14  }
0x15: {  	s28 =	sadd.s32 s1, s12;
	s30 =	sadd.s32 s13, s12;
	s1 =	sadd.s32 s1, s14  }
0x16: {  	s13 =	sadd.s32 s13, s14;
	s11 =	sshrl.u32 s26, $0x9;
	[dreg:$0x6] =	wrdreg s28  }
0x17: {  	s14 =	sadd.s32 $0x5CA00, s0;
	[dreg:$0x7] =	wrdreg s30;
	s17 =	smul.u32 $0x2D, s11  }
0x18: {  	s0 =	simm.s32 $0x8;
	[dreg:$0x8] =	wrdreg s1;
	s26 =	simm.s32 $0x2  }
0x19: {  	s1 =	simm.s32 $0x9;
	[dreg:$0x4] =	wrdreg s17;
	s17 =	simm.s32 $0xD  }
.LBB2_1:
0x1a: {  	s6 =	rddreg [dreg:$0x5]  }
0x1b: {  	[spmem:s16], [sflag:s7] =	dma.local [hbm:s6], $0x2780  }
0x1c: {  	_ =	swait.ge [sflag:s17], $0x2780  }
0x1d: {  	[sflag:s17] =	ssyncset.done $0x0  }
0x1e: {  	[sflag:s17] =	ssyncadd.s32 $0xFFFFD880  }
0x1f: {  	[bflag:$0x0] =	sbarrier.arrive $0xFFFF  }
0x20: {  	[tilespmem:s3], [sflag:$0x1] =	stream.linear.gather [hbm4b:s8+s3], $0x78, $0x38;
	[tilespmem:$0x1F300] =	vst v63  }
0x21: {  	s10 =	simm.s32 $0x180  }
0x22: {  	[tilespmem:s10], [sflag:$0x4] =	stream.linear.gather [hbm4b:s9+s3], $0x78, $0x38;
	[tilespmem:$0x1F300] =	vst v63  }
0x23: {  	s11 =	rddreg [dreg:$0x6]  }
0x24: {  	[tilespmem:s19], [sflag:$0x2] =	stream.linear.gather [hbm4b:s11+s3], $0x78, $0x38;
	[tilespmem:$0x1F300] =	vst v63  }
0x25: {  	s12 =	rddreg [dreg:$0x7];
	s10 =	simm.s32 $0x200  }
0x26: {  	[tilespmem:s10], [sflag:$0x5] =	stream.linear.gather [hbm4b:s12+s3], $0x78, $0x38;
	[tilespmem:$0x1F300] =	vst v63  }
0x27: {  	s20 =	rddreg [dreg:$0x8]  }
0x28: {  	[tilespmem:s21], [sflag:$0x3] =	stream.linear.gather [hbm4b:s20+s3], $0x78, $0x38;
	[tilespmem:$0x1F300] =	vst v63  }
0x29: {  	s22 =	simm.s32 $0x280  }
0x2a: {  	[tilespmem:s22], [sflag:$0x6] =	stream.linear.gather [hbm4b:s13+s3], $0x78, $0x38;
	[tilespmem:$0x1F300] =	vst v63  }
0x2b: {  	_ =	swait.ge [sflag:s23], $0x78  }
0x2c: {  	[sflag:s23] =	ssyncset.done $0x0  }
0x2d: {  	s25 =	simm.s32 $0x300;
	[sflag:s23] =	ssyncadd.s32 $0xFFFFFF88  }
0x2e: {  	[tilespmem:s25], [sflag:$0x7] =	stream.indirect.gather [hbm4b:s4+s24], $0x80, s3, s24, $0xb8;
	[tilespmem:$0x1F300] =	vst v63  }
0x2f: {  	_ =	swait.ge [sflag:s26], $0x78  }
0x30: {  	[sflag:s26] =	ssyncset.done $0x0  }
0x31: {  	s28 =	simm.s32 $0x3F00;
	[sflag:s26] =	ssyncadd.s32 $0xFFFFFF88  }
0x32: {  	[tilespmem:s28], [sflag:$0x8] =	stream.indirect.gather [hbm4b:s4+s24], $0x80, s19, s24, $0xb8;
	[tilespmem:$0x1F300] =	vst v63  }
0x33: {  	_ =	swait.ge [sflag:s29], $0x78  }
0x34: {  	s30 =	simm.s32 $0x7B00;
	[sflag:s29] =	ssyncset.done $0x0  }
0x35: {  	s20 =	simm.s32 $0x5;
	s22 =	simm.s32 $0x0;
	[sflag:s29] =	ssyncadd.s32 $0xFFFFFF88  }
0x36: {  	[tilespmem:s30], [sflag:$0x9] =	stream.indirect.gather [hbm4b:s4+s24], $0x80, s21, s24, $0xb8;
	[tilespmem:$0x1F300] =	vst v63  }
.LBB2_2:
0x37: {  	s25 =	sadd.s32 $0xFFFFFFFE, s20;
	_ =	swait.ge [sflag:s31], $0x3C00  }
0x38: {  	[sflag:s31] =	ssyncset.done $0x0;
	p0 =	sge.u32 s25, s5  }
0x39: {  	[sflag:s31] =	ssyncadd.s32 $0xFFFFC400;
	s25 =	simm.s32 @p0 $0x4  }
0x3a: {  	_ =	swait.ge @p0 [sflag:s25], $0x78  }
0x3b: {  	s28 =	simm.s32 @p0 $0x180;
	[sflag:s25] =	ssyncset.done @p0 $0x0  }
0x3c: {  	s30 =	simm.s32 @p0 $0x300;
	[sflag:s25] =	ssyncadd.s32 @p0 $0xFFFFFF88;
	s25 =	simm.s32 @p0 $0x78  }
0x3d: {  	[spmem:s2] =	stream.indirect.scatter.add.f32 @p0 [tilespmem:s30], [sflag:$0xA], $0x80, s28, s25, $0xb8;
	[tilespmem:$0x1F300] =	vst v63  }
0x3e: {  	s25 =	simm.s32 @p0 $0xA  }
0x3f: {  	_ =	swait.ge @p0 [sflag:s25], $0x3C00  }
0x40: {  	s28 =	sadd.s32 @!p0 s22, s8;
	[sflag:s25] =	ssyncset.done @p0 $0x0  }
0x41: {  	[sflag:s25] =	ssyncadd.s32 @p0 $0xFFFFC400;
	s25 =	sadd.s32 @!p0 $0x2D, s28;
	s28 =	simm.s32 @!p0 $0x0  }
0x42: {  	[tilespmem:s28], [sflag:$0x1] =	stream.linear.gather @!p0 [hbm4b:s25+s28], $0x78, $0x38;
	[tilespmem:$0x1F300] =	vst v63  }
0x43: {  	s25 =	simm.s32 @!p0 $0x4  }
0x44: {  	_ =	swait.ge @!p0 [sflag:s25], $0x78  }
0x45: {  	s6 =	simm.s32 @!p0 $0x300;
	s10 =	simm.s32 @!p0 $0xA;
	[sflag:s25] =	ssyncset.done @!p0 $0x0  }
0x46: {  	s30 =	simm.s32 @!p0 $0x180;
	[sflag:s25] =	ssyncadd.s32 @!p0 $0xFFFFFF88;
	s25 =	simm.s32 @!p0 $0x78  }
0x47: {  	[spmem:s2] =	stream.indirect.scatter.add.f32 @!p0 [tilespmem:s6], [sflag:$0xA], $0x80, s30, s25, $0xb8;
	[tilespmem:$0x1F300] =	vst v63  }
0x48: {  	_ =	swait.ge @!p0 [sflag:s10], $0x3C00  }
0x49: {  	s11 =	sadd.s32 @!p0 s22, s9;
	[sflag:s10] =	ssyncset.done @!p0 $0x0  }
0x4a: {  	[sflag:s10] =	ssyncadd.s32 @!p0 $0xFFFFC400;
	s10 =	sadd.s32 @!p0 $0x2D, s11  }
0x4b: {  	[tilespmem:s30], [sflag:$0x4] =	stream.linear.gather @!p0 [hbm4b:s10+s28], $0x78, $0x38;
	[tilespmem:$0x1F300] =	vst v63  }
0x4c: {  	s10 =	simm.s32 @!p0 $0x1  }
0x4d: {  	_ =	swait.ge @!p0 [sflag:s10], $0x78  }
0x4e: {  	[sflag:s10] =	ssyncset.done @!p0 $0x0  }
0x4f: {  	[sflag:s10] =	ssyncadd.s32 @!p0 $0xFFFFFF88  }
0x50: {  	[tilespmem:s6], [sflag:$0x7] =	stream.indirect.gather @!p0 [hbm4b:s4+s25], $0x80, s28, s25, $0xb8;
	[tilespmem:$0x1F300] =	vst v63  }
0x51: {  	s28 =	sadd.s32 $0xFFFFFFFF, s20;
	_ =	swait.ge [sflag:s0], $0x3C00  }
0x52: {  	p0 =	sge.u32 s28, s5;
	[sflag:s0] =	ssyncset.done $0x0  }
0x53: {  	s6 =	simm.s32 @p0 $0x5;
	[sflag:s0] =	ssyncadd.s32 $0xFFFFC400  }
0x54: {  	_ =	swait.ge @p0 [sflag:s6], $0x78  }
0x55: {  	s10 =	simm.s32 @p0 $0x200;
	[sflag:s6] =	ssyncset.done @p0 $0x0  }
0x56: {  	s11 =	simm.s32 @p0 $0x3F00;
	[sflag:s6] =	ssyncadd.s32 @p0 $0xFFFFFF88;
	s6 =	simm.s32 @p0 $0x78  }
0x57: {  	[spmem:s2] =	stream.indirect.scatter.add.f32 @p0 [tilespmem:s11], [sflag:$0xB], $0x80, s10, s6, $0xb8;
	[tilespmem:$0x1F300] =	vst v63  }
0x58: {  	s6 =	simm.s32 @p0 $0xB  }
0x59: {  	_ =	swait.ge @p0 [sflag:s6], $0x3C00  }
0x5a: {  	[sflag:s6] =	ssyncset.done @p0 $0x0  }
0x5b: {  	[sflag:s6] =	ssyncadd.s32 @p0 $0xFFFFC400;
	s6 =	sadd.s32 @!p0 s22, s8  }
0x5c: {  	s10 =	simm.s32 @!p0 $0x0;
	s11 =	simm.s32 @!p0 $0x80;
	s6 =	sadd.s32 @!p0 $0x3C, s6  }
0x5d: {  	[tilespmem:s11], [sflag:$0x2] =	stream.linear.gather @!p0 [hbm4b:s6+s10], $0x78, $0x38;
	[tilespmem:$0x1F300] =	vst v63  }
0x5e: {  	s6 =	simm.s32 @!p0 $0x5  }
0x5f: {  	_ =	swait.ge @!p0 [sflag:s6], $0x78  }
0x60: {  	s25 =	simm.s32 @!p0 $0x200;
	s28 =	simm.s32 @!p0 $0x3F00;
	[sflag:s6] =	ssyncset.done @!p0 $0x0  }
0x61: {  	s30 =	simm.s32 @!p0 $0xB;
	[sflag:s6] =	ssyncadd.s32 @!p0 $0xFFFFFF88;
	s6 =	simm.s32 @!p0 $0x78  }
0x62: {  	[spmem:s2] =	stream.indirect.scatter.add.f32 @!p0 [tilespmem:s28], [sflag:$0xB], $0x80, s25, s6, $0xb8;
	[tilespmem:$0x1F300] =	vst v63  }
0x63: {  	_ =	swait.ge @!p0 [sflag:s30], $0x3C00  }
0x64: {  	s12 =	sadd.s32 @!p0 s22, s9;
	[sflag:s30] =	ssyncset.done @!p0 $0x0  }
0x65: {  	s12 =	sadd.s32 @!p0 $0x3C, s12;
	[sflag:s30] =	ssyncadd.s32 @!p0 $0xFFFFC400  }
0x66: {  	[tilespmem:s25], [sflag:$0x5] =	stream.linear.gather @!p0 [hbm4b:s12+s10], $0x78, $0x38;
	[tilespmem:$0x1F300] =	vst v63  }
0x67: {  	s10 =	simm.s32 @!p0 $0x2  }
0x68: {  	_ =	swait.ge @!p0 [sflag:s10], $0x78  }
0x69: {  	[sflag:s10] =	ssyncset.done @!p0 $0x0  }
0x6a: {  	[sflag:s10] =	ssyncadd.s32 @!p0 $0xFFFFFF88  }
0x6b: {  	[tilespmem:s28], [sflag:$0x8] =	stream.indirect.gather @!p0 [hbm4b:s4+s6], $0x80, s11, s6, $0xb8;
	[tilespmem:$0x1F300] =	vst v63  }
0x6c: {  	_ =	swait.ge [sflag:s1], $0x3C00  }
0x6d: {  	p0 =	sge.u32 s20, s5;
	[sflag:s1] =	ssyncset.done $0x0  }
0x6e: {  	s6 =	simm.s32 @p0 $0x6;
	[sflag:s1] =	ssyncadd.s32 $0xFFFFC400  }
0x6f: {  	_ =	swait.ge @p0 [sflag:s6], $0x78  }
0x70: {  	s10 =	simm.s32 @p0 $0x280;
	[sflag:s6] =	ssyncset.done @p0 $0x0  }
0x71: {  	s11 =	simm.s32 @p0 $0x7B00;
	[sflag:s6] =	ssyncadd.s32 @p0 $0xFFFFFF88;
	s6 =	simm.s32 @p0 $0x78  }
0x72: {  	[spmem:s2] =	stream.indirect.scatter.add.f32 @p0 [tilespmem:s11], [sflag:$0xC], $0x80, s10, s6, $0xb8;
	[tilespmem:$0x1F300] =	vst v63  }
0x73: {  	s6 =	simm.s32 @p0 $0xC  }
0x74: {  	_ =	swait.ge @p0 [sflag:s6], $0x3C00  }
0x75: {  	[sflag:s6] =	ssyncset.done @p0 $0x0  }
0x76: {  	[sflag:s6] =	ssyncadd.s32 @p0 $0xFFFFC400;
	s6 =	sadd.s32 @!p0 s22, s8  }
0x77: {  	s10 =	simm.s32 @!p0 $0x0;
	s11 =	simm.s32 @!p0 $0x100;
	s6 =	sadd.s32 @!p0 $0x4B, s6  }
0x78: {  	[tilespmem:s11], [sflag:$0x3] =	stream.linear.gather @!p0 [hbm4b:s6+s10], $0x78, $0x38;
	[tilespmem:$0x1F300] =	vst v63  }
0x79: {  	s6 =	simm.s32 @!p0 $0x6  }
0x7a: {  	_ =	swait.ge @!p0 [sflag:s6], $0x78  }
0x7b: {  	s12 =	simm.s32 @!p0 $0x280;
	s25 =	simm.s32 @!p0 $0x7B00;
	[sflag:s6] =	ssyncset.done @!p0 $0x0  }
0x7c: {  	s28 =	simm.s32 @!p0 $0xC;
	[sflag:s6] =	ssyncadd.s32 @!p0 $0xFFFFFF88;
	s6 =	simm.s32 @!p0 $0x78  }
0x7d: {  	[spmem:s2] =	stream.indirect.scatter.add.f32 @!p0 [tilespmem:s25], [sflag:$0xC], $0x80, s12, s6, $0xb8;
	[tilespmem:$0x1F300] =	vst v63  }
0x7e: {  	_ =	swait.ge @!p0 [sflag:s28], $0x3C00  }
0x7f: {  	s30 =	sadd.s32 @!p0 s22, s9;
	[sflag:s28] =	ssyncset.done @!p0 $0x0  }
0x80: {  	[sflag:s28] =	ssyncadd.s32 @!p0 $0xFFFFC400;
	s28 =	sadd.s32 @!p0 $0x4B, s30  }
0x81: {  	[tilespmem:s12], [sflag:$0x6] =	stream.linear.gather @!p0 [hbm4b:s28+s10], $0x78, $0x38;
	[tilespmem:$0x1F300] =	vst v63  }
0x82: {  	s10 =	simm.s32 @!p0 $0x3  }
0x83: {  	_ =	swait.ge @!p0 [sflag:s10], $0x78  }
0x84: {  	[sflag:s10] =	ssyncset.done @!p0 $0x0  }
0x85: {  	s22 =	sadd.s32 $0x2D, s22;
	s30 =	rddreg [dreg:$0x4];
	[sflag:s10] =	ssyncadd.s32 @!p0 $0xFFFFFF88  }
0x86: {  	[tilespmem:s25], [sflag:$0x9] =	stream.indirect.gather @!p0 [hbm4b:s4+s6], $0x80, s11, s6, $0xb8;
	[tilespmem:$0x1F300] =	vst v63  }
0x87: {  	p0 =	sne.s32 s30, s22  }
.Ltmp0:
0x88: {  	_ = 	snop;
	(pc) =	sbr.rel @p0 .LBB2_2-.Ltmp0, $2  }
0x89: {  	_ =	sdelay $0x2  }
0x8a: {  	s20 =	sadd.s32 $0x3, s20  }
0x8b: {  	s18 =	sadd.s32 $0x1, s18  }
0x8c: {  	p0 =	sne.s32 s18, s15  }
.Ltmp1:
0x8d: {  	[bflag:$0x0] =	sbarrier.arrive $0xFFFF;
	(pc) =	sbr.rel @p0 .LBB2_1-.Ltmp1, $4  }
0x8e: {  	[hbm:s14], [sflag:s7] =	dma.local [spmem:s16], $0x2780  }
0x8f: {  	_ =	swait.ge [sflag:s17], $0x2780  }
0x90: {  	[sflag:s17] =	ssyncset.done $0x0  }
0x91: {  	[sflag:s17] =	ssyncadd.s32 $0xFFFFD880  }
0x92: {  	_ =	sfence.sel $0x180000  }
0x93: {  	[bflag:$0x0] =	sbarrier.arrive $0xFFFF  }
0x94: {  	_ =	strace $0x9000004D  }
0x95: {  	s0 =	stileid.u32;
	[bflag:$0x2] =	sbarrier.arrive $0xFFFF  }
0x96: {  	p0 =	sne.s32 s0, $0x0;
	s0 =	rddreg [dreg:$0x3]  }
0x97: {  	s0 =	sadd.s32 @!p0 $0x100000, s0  }
0x98: {  	[sflag:s0] =	ssyncadd.tile.s32 @!p0 $0x1;
	_ =	shalt  }
.Lfunc_end2:
_tile_overlayer_lowered:
.L_overlay_start_2:
0x99: {  	(tag) =	ssettag $0x2  }
0x9a: {  	s0 =	rddreg [dreg:$0x0];
	s2 =	stileid.u32  }
0x9b: {  	s1 =	rddreg [dreg:$0x1];
	p0 =	sne.s32 s2, $0x0  }
0x9c: {  	s3 =	rddreg [dreg:$0x2];
	[bflag:$0x3] =	sbarrier.arrive $0xFFFF;
	s2 =	simm.s32 @!p0 $0x1C0D  }
0x9d: {  	[timem:s3], [sflag:s2] =	dma.local @!p0 [hbm:s0], s1  }
0x9e: {  	s0 =	simm.s32 @!p0 $0xD  }
0x9f: {  	_ =	swait.ge @!p0 [sflag:s0], s1  }
0xa0: {  	s1 =	ssub.s32 @!p0 $0x0, s1;
	[sflag:s0] =	ssyncset.done @!p0 $0x0  }
0xa1: {  	[sflag:s0] =	ssyncadd.s32 @!p0 s1  }
0xa2: {  	[bflag:$0x3] =	sbarrier.arrive $0xFFFF  }
0xa3: {  	_ =	shalt  }

// kernel: kernel.20.cloned.1.call-start
scs
__scs_entry_jumppad:
0x0: {  	(pc) =	sbr.rel $0x88, $3  }
0x1: {  	(tag) =	ssettag $0x0;
	lr =	simm.s32 $0x1  }
0x2: {  	[smem:$0x3F99] =	sst lr;
	_ =	strace $0xD0000000  }
0x3: {  	_ = 	snop  }
0x4: {  	_ = 	snop  }
0x5: {  	_ = 	snop  }
0x6: {  	_ = 	snop  }
0x7: {  	_ = 	snop  }
__scs_overlays_trampoline_lowered:
0x8: {  	[smem:$0x3FA8] =	sst s0  }
0x9: {  	[smem:$0x3FA9] =	sst s1  }
0xa: {  	[smem:$0x3FAA] =	sst s2  }
0xb: {  	[smem:$0x3FAB] =	sst s3  }
0xc: {  	[smem:$0x3FAC] =	sst s4  }
0xd: {  	[smem:$0x3FAD] =	sst s5  }
0xe: {  	[smem:$0x3FAE] =	sst s6  }
0xf: {  	[smem:$0x3FAF] =	sst s7  }
0x10: {  	[smem:$0x3FB0] =	sst s8  }
0x11: {  	[smem:$0x3FB1] =	sst s9;
	s0 =	simm.s32 @!p0 $0x0  }
0x12: {  	s1 =	sld [smem:$0x3F97];
	s0 =	simm.s32 @p0 $0x1  }
0x13: {  	[smem:$0x3FB2] =	sst s0;
	s0 =	simm.s32 @!p1 $0x0  }
0x14: {  	s2 =	sld [smem:$0x3F96];
	s0 =	simm.s32 @p1 $0x1  }
0x15: {  	[smem:$0x3FB3] =	sst s0;
	s0 =	simm.s32 @!p2 $0x0  }
0x16: {  	s3 =	sld [smem:$0x3FDB];
	s0 =	simm.s32 @p2 $0x1  }
0x17: {  	s4 =	simm.s32 $0x1BF5;
	[smem:$0x3FB5] =	sst s0  }
0x18: {  	s0 =	sld [smem:$0x3F98];
	_ =	swait.ge [sflag:s4], $0x0  }
0x19: {  	s7 =	sld [smem:$0x3F99]  }
0x1a: {  	s8 =	sadd.s32 $0xFFFFE003, lr  }
0x1b: {  	s9 =	sadd.s32 $0xFFFFFEF7, lr;
	s5 =	simm.s32 $0xFFFFFFFF;
	p2 =	slt.u32 s8, $0xFFFFF086  }
0x1c: {  	p1 =	slt.u32 s9, $0xF7A;
	s5 =	simm.s32 @!p2 $0x0  }
0x1d: {  	s5 =	simm.s32 @p1 $0x1;
	p0 =	seq.s32 s7, s2  }
0x1e: {  	s7 =	smul.u32 @!p0 $0xF7A, s2;
	p2 =	seq.s32 @!p0 s5, $0x0  }
0x1f: {  	s9 =	smul.u32 $0xF7A, s1;
	s8 =	simm.s32 @!p0 $0x1BF5;
	p2 =	por !p2, p0  }
0x20: {  	[sflag:s8] =	ssyncset.s32 @!p0 $0xFFFFF086;
	s6 =	sadd.s32 @!p0 s3, s7;
	s7 =	simm.s32 @!p0 $0x108  }
0x21: {  	s3 =	sadd.s32 s3, s9;
	s6 =	sadd.s32 @!p0 $0x88, s6;
	s7 =	simm.s32 @p2 $0x1082  }
0x22: {  	[simem:s7], [sflag:s8] =	dma.local @!p0 [hbm:s6], $0xF7A  }
0x23: {  	s9 =	sor.u32 $0xD0000000, s2;
	s6 =	simm.s32 $0x108;
	_ =	swait.ge @!p0 [sflag:s8], $0x0  }
0x24: {  	s3 =	sadd.s32 $0x88, s3;
	s6 =	simm.s32 @!p1 $0x1082;
	[sflag:s4] =	ssyncset.s32 $0xFFFFF086  }
0x25: {  	[simem:s6], [sflag:s4] =	dma.local [hbm:s3], $0xF7A  }
0x26: {  	[smem:$0x3F99] =	sst s1;
	(tag) =	ssettag s2;
	_ =	strace s9  }
0x27: {  	s1 =	sld [smem:$0x3FA9]  }
0x28: {  	s2 =	sld [smem:$0x3FAA]  }
0x29: {  	s4 =	sld [smem:$0x3FAC]  }
0x2a: {  	p0 =	seq.s32 s5, $0x0;
	s5 =	sld [smem:$0x3FAD]  }
0x2b: {  	s6 =	sld [smem:$0x3FAE]  }
0x2c: {  	s7 =	sld [smem:$0x3FAF]  }
0x2d: {  	s3 =	simm.s32 $0x108;
	s8 =	sld [smem:$0x3FB0]  }
0x2e: {  	s3 =	simm.s32 @!p0 $0x1082;
	s9 =	sld [smem:$0x3FB1]  }
0x2f: {  	lr =	sadd.s32 s0, s3;
	s0 =	sld [smem:$0x3FA8]  }
0x30: {  	s3 =	sld [smem:$0x3FAB]  }
0x31: {  	[smem:$0x3FB4] =	sst s10  }
0x32: {  	s10 =	sld [smem:$0x3FB2];
	_ =	sdelay $0x3  }
0x33: {  	p0 =	seq.s32 s10, $0x1;
	s10 =	sld [smem:$0x3FB4];
	_ =	sdelay $0x3  }
0x34: {  	[smem:$0x3FB4] =	sst s10  }
0x35: {  	s10 =	sld [smem:$0x3FB3];
	_ =	sdelay $0x3  }
0x36: {  	p1 =	seq.s32 s10, $0x1;
	s10 =	sld [smem:$0x3FB4];
	_ =	sdelay $0x3  }
0x37: {  	[smem:$0x3FB4] =	sst s10  }
0x38: {  	s10 =	sld [smem:$0x3FB5]  }
0x39: {  	_ = 	snop;
	(pc) =	sbr.ind lr, $3  }
0x3a: {  	_ = 	snop  }
0x3b: {  	_ = 	snop  }
0x3c: {  	p2 =	seq.s32 s10, $0x1;
	s10 =	sld [smem:$0x3FB4]  }
0x3d: {  	_ =	shalt  }
0x3e: {  	_ =	shalt  }
0x3f: {  	_ =	shalt  }
0x40: {  	_ =	shalt  }
0x41: {  	_ =	shalt  }
0x42: {  	_ =	shalt  }
0x43: {  	_ =	shalt  }
0x44: {  	_ =	shalt  }
0x45: {  	_ =	shalt  }
0x46: {  	_ =	shalt  }
0x47: {  	_ =	shalt  }
0x48: {  	_ =	shalt  }
0x49: {  	_ =	shalt  }
0x4a: {  	_ =	shalt  }
0x4b: {  	_ =	shalt  }
0x4c: {  	_ =	shalt  }
0x4d: {  	_ =	shalt  }
0x4e: {  	_ =	shalt  }
0x4f: {  	_ =	shalt  }
0x50: {  	_ =	shalt  }
0x51: {  	_ =	shalt  }
0x52: {  	_ =	shalt  }
0x53: {  	_ =	shalt  }
0x54: {  	_ =	shalt  }
0x55: {  	_ =	shalt  }
0x56: {  	_ =	shalt  }
0x57: {  	_ =	shalt  }
0x58: {  	_ =	shalt  }
0x59: {  	_ =	shalt  }
0x5a: {  	_ =	shalt  }
0x5b: {  	_ =	shalt  }
0x5c: {  	_ =	shalt  }
0x5d: {  	_ =	shalt  }
0x5e: {  	_ =	shalt  }
0x5f: {  	_ =	shalt  }
0x60: {  	_ =	shalt  }
0x61: {  	_ =	shalt  }
0x62: {  	_ =	shalt  }
0x63: {  	_ =	shalt  }
0x64: {  	_ =	shalt  }
0x65: {  	_ =	shalt  }
0x66: {  	_ =	shalt  }
0x67: {  	_ =	shalt  }
0x68: {  	_ =	shalt  }
0x69: {  	_ =	shalt  }
0x6a: {  	_ =	shalt  }
0x6b: {  	_ =	shalt  }
0x6c: {  	_ =	shalt  }
0x6d: {  	_ =	shalt  }
0x6e: {  	_ =	shalt  }
0x6f: {  	_ =	shalt  }
0x70: {  	_ =	shalt  }
0x71: {  	_ =	shalt  }
0x72: {  	_ =	shalt  }
0x73: {  	_ =	shalt  }
0x74: {  	_ =	shalt  }
0x75: {  	_ =	shalt  }
0x76: {  	_ =	shalt  }
0x77: {  	_ =	shalt  }
0x78: {  	_ =	shalt  }
0x79: {  	_ =	shalt  }
0x7a: {  	_ =	shalt  }
0x7b: {  	_ =	shalt  }
0x7c: {  	_ =	shalt  }
0x7d: {  	_ =	shalt  }
0x7e: {  	_ =	shalt  }
0x7f: {  	_ =	shalt  }
0x80: {  	_ =	shalt  }
0x81: {  	_ =	shalt  }
0x82: {  	_ =	shalt  }
0x83: {  	_ =	shalt  }
0x84: {  	_ =	shalt  }
0x85: {  	_ =	shalt  }
0x86: {  	_ =	shalt  }
0x87: {  	_ =	shalt  }
.Lfunc_end0:
.L_simem_size_0:
called_computation.3_lowered:
.L_overlay_start_0:
0x88: {  	s2 =	sld [smem:$0x3FD9]  }
0x89: {  	s3 =	sld [smem:$0x3FFE];
	_ =	sdelay $0x1  }
0x8a: {  	s1 =	srdreg.scid  }
0x8b: {  	s0 =	sand.u32 $0x1, s1  }
0x8c: {  	s14 =	sshll.u32 s0, $0xA;
	s2 =	sadd.s32 s3, s2  }
0x8d: {  	s2 =	sadd.s32 s2, s14  }
0x8e: {  	[smem:$0x3FC0] =	sst s2  }
0x8f: {  	_ = 	snop  }
0x90: {  	s2 =	sld [smem:$0x3FD0];
	_ =	sdelay $0x2  }
0x91: {  	s15 =	simm.s32 $0xA;
	s4 =	simm.s32 $0x10  }
0x92: {  	[smem:s4], [sflag:s15] =	dma.local [hbm:s2], $0x1  }
0x93: {  	_ =	swait.eq [sflag:s15], $0x1  }
0x94: {  	[sflag:s15] =	ssyncset.done $0x0  }
0x95: {  	[sflag:s15] =	ssyncadd.s32 $0xFFFFFFFF  }
0x96: {  	s16 =	sld [smem:$0x10];
	(tm) =	ssettm $0x1  }
0x97: {  	s17 =	sld [smem:$0x3FFB];
	_ =	sdelay $0x3  }
0x98: {  	_ =	strace s17  }
0x99: {  	s3 =	sld [smem:$0x3FFC];
	_ =	sdelay $0x3  }
0x9a: {  	_ =	strace s3  }
0x9b: {  	s3 =	sld [smem:$0x3FFD];
	_ =	sdelay $0x3  }
0x9c: {  	_ =	strace s3  }
0x9d: {  	_ =	strace $0x8FFFFFFF  }
0x9e: {  	s18 =	sld [smem:$0x3FDB];
	_ =	sdelay $0x1  }
0x9f: {  	s19 =	simm.s32 $_scs_section_size  }
0xa0: {  	s5 =	simm.s32 $_size__tile_overlayer_lowered;
	s6 =	simm.s32 $_tile_overlayer_lowered  }
0xa1: {  	s22 =	simm.s32 $0x1BFF;
	s21 =	sshll.u32 s6, $0x1;
	s3 =	sadd.s32 s19, s18  }
0xa2: {  	s7 =	simm.s32 $0x0;
	s20 =	sshll.u32 s5, $0x1;
	s5 =	sadd.s32 s21, s3  }
0xa3: {  	[timem:s7], [sflag:s22] =	dma.local [hbm:s5], s20  }
0xa4: {  	_ =	swait.ge [sflag:s22], s20  }
0xa5: {  	s4 =	ssub.s32 $0x0, s20;
	[sflag:s22] =	ssyncset.done $0x0  }
0xa6: {  	[sflag:s22] =	ssyncadd.s32 s4;
	_ =	sdelay $0x1  }
0xa7: {  	s23 =	simm.s32 $0x1B8B  }
0xa8: {  	_ =	swait.ge [sflag:s23], $0x1  }
0xa9: {  	[sflag:s23] =	ssyncset.done $0x0  }
0xaa: {  	s25 =	simm.s32 $0x1B8E;
	s24 =	sld [smem:$0x3FFE];
	[sflag:s23] =	ssyncadd.s32 $0xFFFFFFFF  }
0xab: {  	s26 =	simm.s32 $execute0_lowered;
	[smem:$0x3FD2] =	sst s25  }
0xac: {  	s5 =	sshll.u32 s26, $0x1;
	_ =	strace $0x8000004F;
	[dreg:$0x1] =	wrdreg $0xFFFFFFFF  }
0xad: {  	s28 =	simm.s32 $_size_execute0_lowered;
	s3 =	sadd.s32 s3, s5;
	[dreg:$0x0] =	wrdreg $0x0  }
0xae: {  	s5 =	sshll.u32 s28, $0x1;
	[dreg:$0x2] =	wrdreg s3  }
0xaf: {  	[dreg:$0x3] =	wrdreg s5  }
0xb0: {  	[dreg:$0x4] =	wrdreg $0xC0  }
0xb1: {  	_ =	task [dreg:s7], $0x5FFFF  }
0xb2: {  	[dreg:$0x1] =	wrdreg $0xFFFFFFFF  }
0xb3: {  	[dreg:$0x0] =	wrdreg $0x60  }
0xb4: {  	[dreg:$0x2] =	wrdreg s24  }
0xb5: {  	[dreg:$0x3] =	wrdreg s16  }
0xb6: {  	[dreg:$0x4] =	wrdreg $0xB7000  }
0xb7: {  	[dreg:$0x5] =	wrdreg $0x9  }
0xb8: {  	_ =	task.clear_ibuf [dreg:s7], $0x6FFFF;
	_ =	strace $0x9000004F  }
0xb9: {  	s29 =	simm.s32 $0x9;
	_ =	strace $0x80000051  }
0xba: {  	_ =	swait.ge [sflag:s29], $0x1  }
0xbb: {  	[sflag:s29] =	ssyncadd.s32 $0xFFFFFFFF  }
0xbc: {  	_ =	strace $0x90000051  }
0xbd: {  	_ =	sfence  }
0xbe: {  	s30 =	sld [smem:$0x0];
	_ =	sdelay $0x2  }
0xbf: {  	s31 =	sshll.u32 s1, $0xD;
	s1 =	sshrl.u32 s1, $0x2  }
0xc0: {  	s3 =	sand.u32 $0x4000, s31;
	s1 =	sadd.s32 s1, s30  }
0xc1: {  	s0 =	sor.u32 s3, s0;
	s1 =	sshll.u32 s1, $0x11  }
0xc2: {  	s0 =	sor.u32 s1, s0  }
0xc3: {  	s0 =	sadd.s32 $0x8F2B, s0  }
0xc4: {  	[sflag:s0] =	ssyncadd.remote.s32 $0x1  }
0xc5: {  	_ =	sfence.sel $0xFFFF  }
0xc6: {  	[dreg:$0x0] =	wrdreg $0xFFFFFFFF;
	(pc) =	sbr.abs _section_cstart, $3  }
0xc7: {  	[dreg:$0x1] =	wrdreg $0xFFFFFFFF  }
0xc8: {  	_ =	task.clear_ibuf [dreg:s7], $0x2FFFF;
	_ =	strace $0x9FFFFFFF  }
0xc9: {  	(tm) =	ssettm $0x7FFFFFFF  }
tec
execute0_lowered:
.L_overlay_start_1:
0x0: {  	(tag) =	ssettag $0x1  }
0x1: {  	s0 =	rddreg [dreg:$0x0]  }
0x2: {  	s1 =	rddreg [dreg:$0x1]  }
0x3: {  	s2 =	rddreg [dreg:$0x2]  }
0x4: {  	s11 =	stileid.u32;
	s4 =	srdreg.scid  }
0x5: {  	s3 =	simm.s32 $0x0;
	s29 =	simm.s32 $0x3;
	s5 =	smul.u32 $0x13C00, s11  }
0x6: {  	s31 =	simm.s32 $0x7;
	s18 =	simm.s32 $0x0;
	s9 =	smul.u32 $0xF, s11  }
0x7: {  	s6 =	sand.u32 $0x1, s4;
	[smem:$0x7FF] =	sst s3;
	s10 =	smul.u32 $0x99, s11  }
0x8: {  	s4 =	sadd.s32 $0x3C00, s0;
	s13 =	sadd.s32 $0x52C00, s0;
	s21 =	smul.u32 $0x4F000, s11  }
0x9: {  	s24 =	sshll.u32 s11, $0x6;
	s7 =	smul.u32 $0x13C000, s6;
	_ =	strace $0x80000050  }
0xa: {  	s19 =	ssub.s32 $0x2, s6;
	p0 =	seq.s32 s6, $0x0;
	s8 =	sshrl.u32 s5, $0x3  }
0xb: {  	s20 =	sshrl.u32 s19, $0x1;
	s6 =	sadd.s32 $0x990, s9;
	s22 =	sshrl.u32 s21, $0x2  }
0xc: {  	s21 =	simm.s32 $0x100;
	s8 =	sadd.s32 s8, s0;
	s5 =	sadd.s32 s5, s7  }
0xd: {  	s15 =	ssub.s32 s19, s20;
	s6 =	smov.u32 @p0 s10;
	s16 =	sadd.s32 s22, s2  }
0xe: {  	s7 =	sor.u32 $0x1C0D, s24;
	s19 =	simm.s32 $0x80;
	s23 =	smul.u32 $0xF, s6  }
0xf: {  	s24 =	simm.s32 $0x78;
	s5 =	sshrl.u32 s5, $0x3;
	s10 =	smul.u32 $0x78, s6  }
0x10: {  	s25 =	sadd.s32 $0x2AE00, s8;
	s15 =	smax.u32 s15, $0x1;
	s16 =	sshrl.u32 s16, $0x3  }
0x11: {  	s0 =	sadd.s32 s5, s0;
	s5 =	simm.s32 $0x99;
	[dreg:$0x5] =	wrdreg s25  }
0x12: {  	s5 =	simm.s32 @!p0 $0xF;
	s8 =	sadd.s32 s1, s23;
	s9 =	sadd.s32 s13, s23  }
0x13: {  	s12 =	sadd.s32 $0x78, s10;
	s14 =	sshrl.u32 s10, $0x3;
	s23 =	simm.s32 $0x1  }
0x14: {  	s26 =	smul.u32 $0xAB, s5;
	s12 =	sshrl.u32 s12, $0x3;
	s14 =	sadd.s32 $0x1E, s14  }
0x15: {  	s28 =	sadd.s32 s1, s12;
	s30 =	sadd.s32 s13, s12;
	s1 =	sadd.s32 s1, s14  }
0x16: {  	s13 =	sadd.s32 s13, s14;
	s11 =	sshrl.u32 s26, $0x9;
	[dreg:$0x6] =	wrdreg s28  }
0x17: {  	s14 =	sadd.s32 $0x5CA00, s0;
	[dreg:$0x7] =	wrdreg s30;
	s17 =	smul.u32 $0x2D, s11  }
0x18: {  	s0 =	simm.s32 $0x8;
	[dreg:$0x8] =	wrdreg s1;
	s26 =	simm.s32 $0x2  }
0x19: {  	s1 =	simm.s32 $0x9;
	[dreg:$0x4] =	wrdreg s17;
	s17 =	simm.s32 $0xD  }
.LBB2_1:
0x1a: {  	s6 =	rddreg [dreg:$0x5]  }
0x1b: {  	[spmem:s16], [sflag:s7] =	dma.local [hbm:s6], $0x2780  }
0x1c: {  	_ =	swait.ge [sflag:s17], $0x2780  }
0x1d: {  	[sflag:s17] =	ssyncset.done $0x0  }
0x1e: {  	[sflag:s17] =	ssyncadd.s32 $0xFFFFD880  }
0x1f: {  	[bflag:$0x0] =	sbarrier.arrive $0xFFFF  }
0x20: {  	[tilespmem:s3], [sflag:$0x1] =	stream.linear.gather [hbm4b:s8+s3], $0x78, $0x38;
	[tilespmem:$0x1F300] =	vst v63  }
0x21: {  	s10 =	simm.s32 $0x180  }
0x22: {  	[tilespmem:s10], [sflag:$0x4] =	stream.linear.gather [hbm4b:s9+s3], $0x78, $0x38;
	[tilespmem:$0x1F300] =	vst v63  }
0x23: {  	s11 =	rddreg [dreg:$0x6]  }
0x24: {  	[tilespmem:s19], [sflag:$0x2] =	stream.linear.gather [hbm4b:s11+s3], $0x78, $0x38;
	[tilespmem:$0x1F300] =	vst v63  }
0x25: {  	s12 =	rddreg [dreg:$0x7];
	s10 =	simm.s32 $0x200  }
0x26: {  	[tilespmem:s10], [sflag:$0x5] =	stream.linear.gather [hbm4b:s12+s3], $0x78, $0x38;
	[tilespmem:$0x1F300] =	vst v63  }
0x27: {  	s20 =	rddreg [dreg:$0x8]  }
0x28: {  	[tilespmem:s21], [sflag:$0x3] =	stream.linear.gather [hbm4b:s20+s3], $0x78, $0x38;
	[tilespmem:$0x1F300] =	vst v63  }
0x29: {  	s22 =	simm.s32 $0x280  }
0x2a: {  	[tilespmem:s22], [sflag:$0x6] =	stream.linear.gather [hbm4b:s13+s3], $0x78, $0x38;
	[tilespmem:$0x1F300] =	vst v63  }
0x2b: {  	_ =	swait.ge [sflag:s23], $0x78  }
0x2c: {  	[sflag:s23] =	ssyncset.done $0x0  }
0x2d: {  	s25 =	simm.s32 $0x300;
	[sflag:s23] =	ssyncadd.s32 $0xFFFFFF88  }
0x2e: {  	[tilespmem:s25], [sflag:$0x7] =	stream.indirect.gather [hbm4b:s4+s24], $0x80, s3, s24, $0xb8;
	[tilespmem:$0x1F300] =	vst v63  }
0x2f: {  	_ =	swait.ge [sflag:s26], $0x78  }
0x30: {  	[sflag:s26] =	ssyncset.done $0x0  }
0x31: {  	s28 =	simm.s32 $0x3F00;
	[sflag:s26] =	ssyncadd.s32 $0xFFFFFF88  }
0x32: {  	[tilespmem:s28], [sflag:$0x8] =	stream.indirect.gather [hbm4b:s4+s24], $0x80, s19, s24, $0xb8;
	[tilespmem:$0x1F300] =	vst v63  }
0x33: {  	_ =	swait.ge [sflag:s29], $0x78  }
0x34: {  	s30 =	simm.s32 $0x7B00;
	[sflag:s29] =	ssyncset.done $0x0  }
0x35: {  	s20 =	simm.s32 $0x5;
	s22 =	simm.s32 $0x0;
	[sflag:s29] =	ssyncadd.s32 $0xFFFFFF88  }
0x36: {  	[tilespmem:s30], [sflag:$0x9] =	stream.indirect.gather [hbm4b:s4+s24], $0x80, s21, s24, $0xb8;
	[tilespmem:$0x1F300] =	vst v63  }
.LBB2_2:
0x37: {  	s25 =	sadd.s32 $0xFFFFFFFE, s20;
	_ =	swait.ge [sflag:s31], $0x3C00  }
0x38: {  	[sflag:s31] =	ssyncset.done $0x0;
	p0 =	sge.u32 s25, s5  }
0x39: {  	[sflag:s31] =	ssyncadd.s32 $0xFFFFC400;
	s25 =	simm.s32 @p0 $0x4  }
0x3a: {  	_ =	swait.ge @p0 [sflag:s25], $0x78  }
0x3b: {  	s28 =	simm.s32 @p0 $0x180;
	[sflag:s25] =	ssyncset.done @p0 $0x0  }
0x3c: {  	s30 =	simm.s32 @p0 $0x300;
	[sflag:s25] =	ssyncadd.s32 @p0 $0xFFFFFF88;
	s25 =	simm.s32 @p0 $0x78  }
0x3d: {  	[spmem:s2] =	stream.indirect.scatter.add.f32 @p0 [tilespmem:s30], [sflag:$0xA], $0x80, s28, s25, $0xb8;
	[tilespmem:$0x1F300] =	vst v63  }
0x3e: {  	s25 =	simm.s32 @p0 $0xA  }
0x3f: {  	_ =	swait.ge @p0 [sflag:s25], $0x3C00  }
0x40: {  	s28 =	sadd.s32 @!p0 s22, s8;
	[sflag:s25] =	ssyncset.done @p0 $0x0  }
0x41: {  	[sflag:s25] =	ssyncadd.s32 @p0 $0xFFFFC400;
	s25 =	sadd.s32 @!p0 $0x2D, s28;
	s28 =	simm.s32 @!p0 $0x0  }
0x42: {  	[tilespmem:s28], [sflag:$0x1] =	stream.linear.gather @!p0 [hbm4b:s25+s28], $0x78, $0x38;
	[tilespmem:$0x1F300] =	vst v63  }
0x43: {  	s25 =	simm.s32 @!p0 $0x4  }
0x44: {  	_ =	swait.ge @!p0 [sflag:s25], $0x78  }
0x45: {  	s6 =	simm.s32 @!p0 $0x300;
	s10 =	simm.s32 @!p0 $0xA;
	[sflag:s25] =	ssyncset.done @!p0 $0x0  }
0x46: {  	s30 =	simm.s32 @!p0 $0x180;
	[sflag:s25] =	ssyncadd.s32 @!p0 $0xFFFFFF88;
	s25 =	simm.s32 @!p0 $0x78  }
0x47: {  	[spmem:s2] =	stream.indirect.scatter.add.f32 @!p0 [tilespmem:s6], [sflag:$0xA], $0x80, s30, s25, $0xb8;
	[tilespmem:$0x1F300] =	vst v63  }
0x48: {  	_ =	swait.ge @!p0 [sflag:s10], $0x3C00  }
0x49: {  	s11 =	sadd.s32 @!p0 s22, s9;
	[sflag:s10] =	ssyncset.done @!p0 $0x0  }
0x4a: {  	[sflag:s10] =	ssyncadd.s32 @!p0 $0xFFFFC400;
	s10 =	sadd.s32 @!p0 $0x2D, s11  }
0x4b: {  	[tilespmem:s30], [sflag:$0x4] =	stream.linear.gather @!p0 [hbm4b:s10+s28], $0x78, $0x38;
	[tilespmem:$0x1F300] =	vst v63  }
0x4c: {  	s10 =	simm.s32 @!p0 $0x1  }
0x4d: {  	_ =	swait.ge @!p0 [sflag:s10], $0x78  }
0x4e: {  	[sflag:s10] =	ssyncset.done @!p0 $0x0  }
0x4f: {  	[sflag:s10] =	ssyncadd.s32 @!p0 $0xFFFFFF88  }
0x50: {  	[tilespmem:s6], [sflag:$0x7] =	stream.indirect.gather @!p0 [hbm4b:s4+s25], $0x80, s28, s25, $0xb8;
	[tilespmem:$0x1F300] =	vst v63  }
0x51: {  	s28 =	sadd.s32 $0xFFFFFFFF, s20;
	_ =	swait.ge [sflag:s0], $0x3C00  }
0x52: {  	p0 =	sge.u32 s28, s5;
	[sflag:s0] =	ssyncset.done $0x0  }
0x53: {  	s6 =	simm.s32 @p0 $0x5;
	[sflag:s0] =	ssyncadd.s32 $0xFFFFC400  }
0x54: {  	_ =	swait.ge @p0 [sflag:s6], $0x78  }
0x55: {  	s10 =	simm.s32 @p0 $0x200;
	[sflag:s6] =	ssyncset.done @p0 $0x0  }
0x56: {  	s11 =	simm.s32 @p0 $0x3F00;
	[sflag:s6] =	ssyncadd.s32 @p0 $0xFFFFFF88;
	s6 =	simm.s32 @p0 $0x78  }
0x57: {  	[spmem:s2] =	stream.indirect.scatter.add.f32 @p0 [tilespmem:s11], [sflag:$0xB], $0x80, s10, s6, $0xb8;
	[tilespmem:$0x1F300] =	vst v63  }
0x58: {  	s6 =	simm.s32 @p0 $0xB  }
0x59: {  	_ =	swait.ge @p0 [sflag:s6], $0x3C00  }
0x5a: {  	[sflag:s6] =	ssyncset.done @p0 $0x0  }
0x5b: {  	[sflag:s6] =	ssyncadd.s32 @p0 $0xFFFFC400;
	s6 =	sadd.s32 @!p0 s22, s8  }
0x5c: {  	s10 =	simm.s32 @!p0 $0x0;
	s11 =	simm.s32 @!p0 $0x80;
	s6 =	sadd.s32 @!p0 $0x3C, s6  }
0x5d: {  	[tilespmem:s11], [sflag:$0x2] =	stream.linear.gather @!p0 [hbm4b:s6+s10], $0x78, $0x38;
	[tilespmem:$0x1F300] =	vst v63  }
0x5e: {  	s6 =	simm.s32 @!p0 $0x5  }
0x5f: {  	_ =	swait.ge @!p0 [sflag:s6], $0x78  }
0x60: {  	s25 =	simm.s32 @!p0 $0x200;
	s28 =	simm.s32 @!p0 $0x3F00;
	[sflag:s6] =	ssyncset.done @!p0 $0x0  }
0x61: {  	s30 =	simm.s32 @!p0 $0xB;
	[sflag:s6] =	ssyncadd.s32 @!p0 $0xFFFFFF88;
	s6 =	simm.s32 @!p0 $0x78  }
0x62: {  	[spmem:s2] =	stream.indirect.scatter.add.f32 @!p0 [tilespmem:s28], [sflag:$0xB], $0x80, s25, s6, $0xb8;
	[tilespmem:$0x1F300] =	vst v63  }
0x63: {  	_ =	swait.ge @!p0 [sflag:s30], $0x3C00  }
0x64: {  	s12 =	sadd.s32 @!p0 s22, s9;
	[sflag:s30] =	ssyncset.done @!p0 $0x0  }
0x65: {  	s12 =	sadd.s32 @!p0 $0x3C, s12;
	[sflag:s30] =	ssyncadd.s32 @!p0 $0xFFFFC400  }
0x66: {  	[tilespmem:s25], [sflag:$0x5] =	stream.linear.gather @!p0 [hbm4b:s12+s10], $0x78, $0x38;
	[tilespmem:$0x1F300] =	vst v63  }
0x67: {  	s10 =	simm.s32 @!p0 $0x2  }
0x68: {  	_ =	swait.ge @!p0 [sflag:s10], $0x78  }
0x69: {  	[sflag:s10] =	ssyncset.done @!p0 $0x0  }
0x6a: {  	[sflag:s10] =	ssyncadd.s32 @!p0 $0xFFFFFF88  }
0x6b: {  	[tilespmem:s28], [sflag:$0x8] =	stream.indirect.gather @!p0 [hbm4b:s4+s6], $0x80, s11, s6, $0xb8;
	[tilespmem:$0x1F300] =	vst v63  }
0x6c: {  	_ =	swait.ge [sflag:s1], $0x3C00  }
0x6d: {  	p0 =	sge.u32 s20, s5;
	[sflag:s1] =	ssyncset.done $0x0  }
0x6e: {  	s6 =	simm.s32 @p0 $0x6;
	[sflag:s1] =	ssyncadd.s32 $0xFFFFC400  }
0x6f: {  	_ =	swait.ge @p0 [sflag:s6], $0x78  }
0x70: {  	s10 =	simm.s32 @p0 $0x280;
	[sflag:s6] =	ssyncset.done @p0 $0x0  }
0x71: {  	s11 =	simm.s32 @p0 $0x7B00;
	[sflag:s6] =	ssyncadd.s32 @p0 $0xFFFFFF88;
	s6 =	simm.s32 @p0 $0x78  }
0x72: {  	[spmem:s2] =	stream.indirect.scatter.add.f32 @p0 [tilespmem:s11], [sflag:$0xC], $0x80, s10, s6, $0xb8;
	[tilespmem:$0x1F300] =	vst v63  }
0x73: {  	s6 =	simm.s32 @p0 $0xC  }
0x74: {  	_ =	swait.ge @p0 [sflag:s6], $0x3C00  }
0x75: {  	[sflag:s6] =	ssyncset.done @p0 $0x0  }
0x76: {  	[sflag:s6] =	ssyncadd.s32 @p0 $0xFFFFC400;
	s6 =	sadd.s32 @!p0 s22, s8  }
0x77: {  	s10 =	simm.s32 @!p0 $0x0;
	s11 =	simm.s32 @!p0 $0x100;
	s6 =	sadd.s32 @!p0 $0x4B, s6  }
0x78: {  	[tilespmem:s11], [sflag:$0x3] =	stream.linear.gather @!p0 [hbm4b:s6+s10], $0x78, $0x38;
	[tilespmem:$0x1F300] =	vst v63  }
0x79: {  	s6 =	simm.s32 @!p0 $0x6  }
0x7a: {  	_ =	swait.ge @!p0 [sflag:s6], $0x78  }
0x7b: {  	s12 =	simm.s32 @!p0 $0x280;
	s25 =	simm.s32 @!p0 $0x7B00;
	[sflag:s6] =	ssyncset.done @!p0 $0x0  }
0x7c: {  	s28 =	simm.s32 @!p0 $0xC;
	[sflag:s6] =	ssyncadd.s32 @!p0 $0xFFFFFF88;
	s6 =	simm.s32 @!p0 $0x78  }
0x7d: {  	[spmem:s2] =	stream.indirect.scatter.add.f32 @!p0 [tilespmem:s25], [sflag:$0xC], $0x80, s12, s6, $0xb8;
	[tilespmem:$0x1F300] =	vst v63  }
0x7e: {  	_ =	swait.ge @!p0 [sflag:s28], $0x3C00  }
0x7f: {  	s30 =	sadd.s32 @!p0 s22, s9;
	[sflag:s28] =	ssyncset.done @!p0 $0x0  }
0x80: {  	[sflag:s28] =	ssyncadd.s32 @!p0 $0xFFFFC400;
	s28 =	sadd.s32 @!p0 $0x4B, s30  }
0x81: {  	[tilespmem:s12], [sflag:$0x6] =	stream.linear.gather @!p0 [hbm4b:s28+s10], $0x78, $0x38;
	[tilespmem:$0x1F300] =	vst v63  }
0x82: {  	s10 =	simm.s32 @!p0 $0x3  }
0x83: {  	_ =	swait.ge @!p0 [sflag:s10], $0x78  }
0x84: {  	[sflag:s10] =	ssyncset.done @!p0 $0x0  }
0x85: {  	s22 =	sadd.s32 $0x2D, s22;
	s30 =	rddreg [dreg:$0x4];
	[sflag:s10] =	ssyncadd.s32 @!p0 $0xFFFFFF88  }
0x86: {  	[tilespmem:s25], [sflag:$0x9] =	stream.indirect.gather @!p0 [hbm4b:s4+s6], $0x80, s11, s6, $0xb8;
	[tilespmem:$0x1F300] =	vst v63  }
0x87: {  	p0 =	sne.s32 s30, s22  }
.Ltmp0:
0x88: {  	_ = 	snop;
	(pc) =	sbr.rel @p0 .LBB2_2-.Ltmp0, $2  }
0x89: {  	_ =	sdelay $0x2  }
0x8a: {  	s20 =	sadd.s32 $0x3, s20  }
0x8b: {  	s18 =	sadd.s32 $0x1, s18  }
0x8c: {  	p0 =	sne.s32 s18, s15  }
.Ltmp1:
0x8d: {  	[bflag:$0x0] =	sbarrier.arrive $0xFFFF;
	(pc) =	sbr.rel @p0 .LBB2_1-.Ltmp1, $4  }
0x8e: {  	[hbm:s14], [sflag:s7] =	dma.local [spmem:s16], $0x2780  }
0x8f: {  	_ =	swait.ge [sflag:s17], $0x2780  }
0x90: {  	[sflag:s17] =	ssyncset.done $0x0  }
0x91: {  	[sflag:s17] =	ssyncadd.s32 $0xFFFFD880  }
0x92: {  	_ =	sfence.sel $0x180000  }
0x93: {  	[bflag:$0x0] =	sbarrier.arrive $0xFFFF  }
0x94: {  	_ =	strace $0x90000050  }
0x95: {  	s0 =	stileid.u32;
	[bflag:$0x2] =	sbarrier.arrive $0xFFFF  }
0x96: {  	p0 =	sne.s32 s0, $0x0;
	s0 =	rddreg [dreg:$0x3]  }
0x97: {  	s0 =	sadd.s32 @!p0 $0x100000, s0  }
0x98: {  	[sflag:s0] =	ssyncadd.tile.s32 @!p0 $0x1;
	_ =	shalt  }
.Lfunc_end2:
_tile_overlayer_lowered:
.L_overlay_start_2:
0x99: {  	(tag) =	ssettag $0x2  }
0x9a: {  	s0 =	rddreg [dreg:$0x0];
	s2 =	stileid.u32  }
0x9b: {  	s1 =	rddreg [dreg:$0x1];
	p0 =	sne.s32 s2, $0x0  }
0x9c: {  	s3 =	rddreg [dreg:$0x2];
	[bflag:$0x3] =	sbarrier.arrive $0xFFFF;
	s2 =	simm.s32 @!p0 $0x1C0D  }
0x9d: {  	[timem:s3], [sflag:s2] =	dma.local @!p0 [hbm:s0], s1  }
0x9e: {  	s0 =	simm.s32 @!p0 $0xD  }
0x9f: {  	_ =	swait.ge @!p0 [sflag:s0], s1  }
0xa0: {  	s1 =	ssub.s32 @!p0 $0x0, s1;
	[sflag:s0] =	ssyncset.done @!p0 $0x0  }
0xa1: {  	[sflag:s0] =	ssyncadd.s32 @!p0 s1  }
0xa2: {  	[bflag:$0x3] =	sbarrier.arrive $0xFFFF  }
0xa3: {  	_ =	shalt  }

</sc_bundles>
